<compile_context>
chip_gen: v7x
topology: tpu7x:2x2x1
jax: 0.10.2.dev20260603
libtpu: 0.0.44.dev20260713+nightly
codegen_flags: <defaults>
</compile_context>

<pallas_src>
import functools

import jax
import jax.numpy as jnp
from jax import lax
from jax.experimental import pallas as pl
from jax.experimental.pallas import tpu as pltpu
from jax.experimental.pallas import tpu_sc as plsc

N = 10000
E = 320000
D = 128
H = 128

NC = 2
NS = 16
NW = NC * NS
CS = 128
SS = CS // 2
CHB = 8
NB = 10
EW = NB * CHB * CS
EP = NW * EW
RPT = 632
NP = RPT * NS

_mesh = plsc.VectorSubcoreMesh(
    core_axis_name="c", subcore_axis_name="s", num_cores=NC, num_subcores=NS
)


@functools.partial(
    pl.kernel,
    out_type=jax.ShapeDtypeStruct((NC, NP, D), jnp.float32),
    mesh=_mesh,
    scratch_types=[
        pltpu.VMEM((2, CHB, CS), jnp.int32),
        pltpu.VMEM((2, 2 * CHB, SS), jnp.int32),
        [pltpu.VMEM((CS, D), jnp.float32) for _ in range(2)],
        [pltpu.SemaphoreType.DMA for _ in range(2)],
        [pltpu.SemaphoreType.DMA for _ in range(4)],
        pltpu.VMEM_SHARED((NP, D), jnp.float32),
    ],
)
def _sc_agg(x_hbm, src_hbm, dst_hbm, zeros_hbm, out_hbm,
            src_v, dst_v, rows, gsem, ssem, acc):
    c = lax.axis_index("c")
    s = lax.axis_index("s")
    wid = s * NC + c
    r0 = s * RPT

    pltpu.sync_copy(zeros_hbm.at[pl.ds(r0, RPT)], acc.at[pl.ds(r0, RPT)])
    plsc.subcore_barrier()

    def pair(par, jo, first):
        handles = []
        for k in range(2):
            j = jo + k
            if not first:
                for h in range(2):
                    pltpu.make_async_copy(
                        rows[k].at[pl.ds(SS * h, SS)],
                        acc.at[dst_v.at[par, 2 * j + h]],
                        ssem[2 * k + h]).wait()
            handles.append(
                pltpu.async_copy(x_hbm.at[src_v.at[par, j]], rows[k], gsem[k]))
        for k in range(2):
            j = jo + k
            handles[k].wait()
            for h in range(2):
                pltpu.make_async_copy(
                    rows[k].at[pl.ds(SS * h, SS)],
                    acc.at[dst_v.at[par, 2 * j + h]],
                    ssem[2 * k + h]).start(add=True)

    def stage(b, par):
        pltpu.sync_copy(src_hbm.at[wid, b], src_v.at[par])
        pltpu.sync_copy(dst_hbm.at[wid, b], dst_v.at[par])

    stage(0, 0)
    pair(0, 0, True)
    for jo in range(2, CHB, 2):
        pair(0, jo, False)

    def body(b, carry):
        par = b % 2
        stage(b, par)
        for jo in range(0, CHB, 2):
            pair(par, jo, False)
        return carry

    lax.fori_loop(1, NB, body, 0)

    for k in range(2):
        for h in range(2):
            pltpu.make_async_copy(
                rows[k].at[pl.ds(SS * h, SS)],
                acc.at[dst_v.at[1, 2 * (CHB - 2 + k) + h]],
                ssem[2 * k + h]).wait()

    plsc.subcore_barrier()
    pltpu.sync_copy(acc.at[pl.ds(r0, RPT)], out_hbm.at[c, pl.ds(r0, RPT)])


BLK = 1000


def _mlp_body(eps_ref, x_ref, agg_ref, wa_ref, ba_ref, wb_ref, bb_ref, o_ref):
    upd = (1.0 + eps_ref[0, 0]) * x_ref[...] + agg_ref[0] + agg_ref[1]
    h = jnp.maximum(
        jnp.dot(upd, wa_ref[...], preferred_element_type=jnp.float32)
        + ba_ref[...], 0.0)
    o_ref[...] = (
        jnp.dot(h, wb_ref[...], preferred_element_type=jnp.float32)
        + bb_ref[...])


def _mlp2_body(eps_ref, x_ref, agg_ref, wa_ref, ba_ref, wb_ref, bb_ref,
               wo_ref, bo_ref, o_ref):
    upd = (1.0 + eps_ref[0, 0]) * x_ref[...] + agg_ref[0] + agg_ref[1]
    h = jnp.maximum(
        jnp.dot(upd, wa_ref[...], preferred_element_type=jnp.float32)
        + ba_ref[...], 0.0)
    y = (jnp.dot(h, wb_ref[...], preferred_element_type=jnp.float32)
         + bb_ref[...])
    o_ref[...] = (
        jnp.dot(y, wo_ref[...], preferred_element_type=jnp.float32)
        + bo_ref[...])


def _w_spec(r, c_):
    return pl.BlockSpec((r, c_), lambda i: (0, 0))


def _mlp(eps, x, agg, wa, ba, wb, bb):
    return pl.pallas_call(
        _mlp_body,
        grid=(N // BLK,),
        in_specs=[
            pl.BlockSpec(memory_space=pltpu.SMEM),
            pl.BlockSpec((BLK, D), lambda i: (i, 0)),
            pl.BlockSpec((NC, BLK, D), lambda i: (0, i, 0)),
            _w_spec(D, H), _w_spec(1, H), _w_spec(H, H), _w_spec(1, H),
        ],
        out_specs=pl.BlockSpec((BLK, H), lambda i: (i, 0)),
        out_shape=jax.ShapeDtypeStruct((N, H), jnp.float32),
    )(eps, x, agg, wa, ba, wb, bb)


def _mlp2(eps, x, agg, wa, ba, wb, bb, wo, bo):
    return pl.pallas_call(
        _mlp2_body,
        grid=(N // BLK,),
        in_specs=[
            pl.BlockSpec(memory_space=pltpu.SMEM),
            pl.BlockSpec((BLK, H), lambda i: (i, 0)),
            pl.BlockSpec((NC, BLK, H), lambda i: (0, i, 0)),
            _w_spec(H, H), _w_spec(1, H), _w_spec(H, H), _w_spec(1, H),
            _w_spec(H, D), _w_spec(1, D),
        ],
        out_specs=pl.BlockSpec((BLK, D), lambda i: (i, 0)),
        out_shape=jax.ShapeDtypeStruct((N, D), jnp.float32),
    )(eps, x, agg, wa, ba, wb, bb, wo, bo)


def kernel(node_features, edge_index, eps1, W1a, b1a, W1b, b1b,
           eps2, W2a, b2a, W2b, b2b, Wout, bout):
    pad = EP - E
    pad_iota = jax.lax.iota(jnp.int32, pad)
    src = jnp.concatenate(
        [edge_index[0], pad_iota % N]).reshape(NW, NB, CHB, CS)
    dst = jnp.concatenate(
        [edge_index[1], N + pad_iota % (NP - N)]).reshape(NW, NB, 2 * CHB, SS)
    zeros = jnp.zeros((NP, D), jnp.float32)
    eps1r = jnp.reshape(eps1, (1, 1))
    eps2r = jnp.reshape(eps2, (1, 1))

    agg1 = _sc_agg(node_features, src, dst, zeros)
    x1 = _mlp(eps1r, node_features, agg1, W1a, b1a.reshape(1, H),
              W1b, b1b.reshape(1, H))
    agg2 = _sc_agg(x1, src, dst, zeros)
    return _mlp2(eps2r, x1, agg2, W2a, b2a.reshape(1, H),
                 W2b, b2b.reshape(1, H), Wout, bout.reshape(1, D))

# --- scband reference (transcript-rebuilt; emitter-appended) ---
"""Pipeline reference for scband-ginnode-feature-update-44255343018792 (READ-ONLY COPY).

The authoritative reference and input builder live on the scoring server;
editing this copy changes nothing except your own understanding.
"""

import jax, jax.numpy as jnp
import numpy as np

N = 10000
E = 320000
D = 128
H = 128


def setup_inputs(seed: int = 0) -> dict:
    key = jax.random.key(seed)
    ks = jax.random.split(key, 16)
    inp = {}
    inp["node_features"] = jax.random.normal(ks[0], (N, D), dtype=jnp.float32)
    inp["edge_index"] = jax.random.randint(ks[1], (2, E), 0, N, dtype=jnp.int32)
    s_d = 1.0 / np.sqrt(D)
    s_h = 1.0 / np.sqrt(H)
    # layer 1 (input_dim=D -> hidden H)
    inp["eps1"] = jnp.zeros((), dtype=jnp.float32)
    inp["W1a"] = jax.random.uniform(ks[2], (D, H), jnp.float32, -s_d, s_d)
    inp["b1a"] = jax.random.uniform(ks[3], (H,), jnp.float32, -s_d, s_d)
    inp["W1b"] = jax.random.uniform(ks[4], (H, H), jnp.float32, -s_h, s_h)
    inp["b1b"] = jax.random.uniform(ks[5], (H,), jnp.float32, -s_h, s_h)
    # layer 2 (hidden H -> hidden H)
    inp["eps2"] = jnp.zeros((), dtype=jnp.float32)
    inp["W2a"] = jax.random.uniform(ks[6], (H, H), jnp.float32, -s_h, s_h)
    inp["b2a"] = jax.random.uniform(ks[7], (H,), jnp.float32, -s_h, s_h)
    inp["W2b"] = jax.random.uniform(ks[8], (H, H), jnp.float32, -s_h, s_h)
    inp["b2b"] = jax.random.uniform(ks[9], (H,), jnp.float32, -s_h, s_h)
    # fc_out (H -> D)
    inp["Wout"] = jax.random.uniform(ks[10], (H, D), jnp.float32, -s_h, s_h)
    inp["bout"] = jax.random.uniform(ks[11], (D,), jnp.float32, -s_h, s_h)
    return inp


def _gin_layer(x, edge_index, eps, Wa, ba, Wb, bb):
    src = edge_index[0]
    dst = edge_index[1]
    agg = jnp.zeros_like(x).at[dst].add(x[src])
    upd = (1.0 + eps) * x + agg
    h = jnp.maximum(upd @ Wa + ba, 0.0)
    return h @ Wb + bb


def reference(node_features, edge_index, eps1, W1a, b1a, W1b, b1b, eps2, W2a, b2a, W2b, b2b, Wout, bout):
    x = _gin_layer(node_features, edge_index, eps1, W1a, b1a, W1b, b1b)
    x = _gin_layer(x, edge_index, eps2, W2a, b2a, W2b, b2b)
    return x @ Wout + bout

if __name__ == "__main__":
    import jax
    _d = setup_inputs()
    print(jax.jit(kernel)(*tuple(_d.values())))

</pallas_src>

<mosaic_0001>
#map = affine_map<(d0, d1) -> (0, 0)>
#map1 = affine_map<(d0, d1) -> (0, 0, 0, 0)>
#map2 = affine_map<(d0, d1) -> (0, 0, 0)>
module attributes {stable_mosaic.version = 14 : i64} {
  func.func @_sc_agg(%arg0: i32, %arg1: i32, %arg2: memref<10000x128xf32, #tpu.memory_space<hbm>>, %arg3: memref<32x10x8x128xi32, #tpu.memory_space<hbm>>, %arg4: memref<32x10x16x64xi32, #tpu.memory_space<hbm>>, %arg5: memref<10112x128xf32, #tpu.memory_space<hbm>>, %arg6: memref<2x10112x128xf32, #tpu.memory_space<hbm>>, %arg7: memref<2x8x128xi32, #tpu.memory_space<vmem>>, %arg8: memref<2x16x64xi32, #tpu.memory_space<vmem>>, %arg9: memref<128x128xf32, #tpu.memory_space<vmem>>, %arg10: memref<128x128xf32, #tpu.memory_space<vmem>>, %arg11: memref<!tpu.dma_semaphore, #tpu.memory_space<semaphore_mem>>, %arg12: memref<!tpu.dma_semaphore, #tpu.memory_space<semaphore_mem>>, %arg13: memref<!tpu.dma_semaphore, #tpu.memory_space<semaphore_mem>>, %arg14: memref<!tpu.dma_semaphore, #tpu.memory_space<semaphore_mem>>, %arg15: memref<!tpu.dma_semaphore, #tpu.memory_space<semaphore_mem>>, %arg16: memref<!tpu.dma_semaphore, #tpu.memory_space<semaphore_mem>>, %arg17: memref<10112x128xf32, #tpu.memory_space<vmem_shared>>) attributes {dimension_semantics = [#tpu.dimension_semantics<core_parallel>, #tpu.dimension_semantics<subcore_parallel>], iteration_bounds = array<i64: 2, 16>, scalar_prefetch = 0 : i64, scratch_operands = 11 : i64, tpu.core_type = #tpu.core_type<sc_vector_subcore>, window_params = [{transform_indices = #map}, {transform_indices = #map1}, {transform_indices = #map1}, {transform_indices = #map}, {transform_indices = #map2}]} {
    %mul3A = arith.constant 2 : i32
    %mul3A_0 = arith.muli %arg1, %mul3A : i32
    %add3A = arith.addi %mul3A_0, %arg0 : i32
    %mul3A_1 = arith.constant 632 : i32
    %mul3A_2 = arith.muli %arg1, %mul3A_1 : i32
    "tpu.region"() ({
      %run_scoped3A_490 = tpu.sem_alloc : memref<!tpu.dma_semaphore, #tpu.memory_space<semaphore_mem>>
      %dma_start3A_491 = arith.constant 0 : i32
      %dma_start3A_492 = tpu.memref_slice %arg17[%mul3A_2, %dma_start3A_491] : memref<10112x128xf32, #tpu.memory_space<vmem_shared>> -> memref<632x128xf32, #tpu.memory_space<vmem_shared>>
      %dma_start3A_493 = arith.constant 0 : i32
      %dma_start3A_494 = tpu.memref_slice %arg5[%mul3A_2, %dma_start3A_493] : memref<10112x128xf32, #tpu.memory_space<hbm>> -> memref<632x128xf32, #tpu.memory_space<hbm>>
      tpu.enqueue_dma source(%dma_start3A_494 : memref<632x128xf32, #tpu.memory_space<hbm>>) target(%dma_start3A_492 : memref<632x128xf32, #tpu.memory_space<vmem_shared>>) target_semaphore(%run_scoped3A_490 : memref<!tpu.dma_semaphore, #tpu.memory_space<semaphore_mem>>)
      %dma_wait3A_495 = arith.constant 0 : i32
      %dma_wait3A_496 = tpu.memref_slice %arg17[%mul3A_2, %dma_wait3A_495] : memref<10112x128xf32, #tpu.memory_space<vmem_shared>> -> memref<632x128xf32, #tpu.memory_space<vmem_shared>>
      %dma_wait3A_497 = arith.constant 0 : i32
      %dma_wait3A_498 = tpu.memref_slice %arg5[%mul3A_2, %dma_wait3A_497] : memref<10112x128xf32, #tpu.memory_space<hbm>> -> memref<632x128xf32, #tpu.memory_space<hbm>>
      tpu.wait_dma2 semaphore(%run_scoped3A_490 : memref<!tpu.dma_semaphore, #tpu.memory_space<semaphore_mem>>) src(%dma_wait3A_498 : memref<632x128xf32, #tpu.memory_space<hbm>>) dst(%dma_wait3A_496 : memref<632x128xf32, #tpu.memory_space<vmem_shared>>)
      tpu.yield
    }) : () -> ()
    %barrier3A = arith.constant 0 : index
    tpu.barrier barrier_id(%barrier3A)
    %run_scoped3A = arith.constant 0 : i32
    %run_scoped3A_3 = arith.constant 0 : i32
    "tpu.region"() ({
      %run_scoped3A_490 = tpu.sem_alloc : memref<!tpu.dma_semaphore, #tpu.memory_space<semaphore_mem>>
      %dma_start3A_491 = arith.constant 0 : i32
      %dma_start3A_492 = arith.constant 0 : i32
      %dma_start3A_493 = tpu.memref_slice %arg7[%run_scoped3A_3, %dma_start3A_491, %dma_start3A_492] : memref<2x8x128xi32, #tpu.memory_space<vmem>> -> memref<1x8x128xi32, #tpu.memory_space<vmem>>
      %dma_start3A_494 = tpu.memref_squeeze %dma_start3A_493 : memref<1x8x128xi32, #tpu.memory_space<vmem>> -> memref<8x128xi32, #tpu.memory_space<vmem>>
      %dma_start3A_495 = arith.constant 0 : i32
      %dma_start3A_496 = arith.constant 0 : i32
      %dma_start3A_497 = tpu.memref_slice %arg3[%add3A, %run_scoped3A, %dma_start3A_495, %dma_start3A_496] : memref<32x10x8x128xi32, #tpu.memory_space<hbm>> -> memref<1x1x8x128xi32, #tpu.memory_space<hbm>>
      %dma_start3A_498 = tpu.memref_squeeze %dma_start3A_497 : memref<1x1x8x128xi32, #tpu.memory_space<hbm>> -> memref<8x128xi32, #tpu.memory_space<hbm>>
      %dma_start3A_499 = arith.constant 0 : i32
      %dma_start3A_500 = arith.constant 0 : i32
      %dma_start3A_501 = tpu.memref_slice %arg7[%run_scoped3A_3, %dma_start3A_499, %dma_start3A_500] : memref<2x8x128xi32, #tpu.memory_space<vmem>> -> memref<1x8x128xi32, #tpu.memory_space<vmem>>
      %dma_start3A_502 = tpu.memref_squeeze %dma_start3A_501 : memref<1x8x128xi32, #tpu.memory_space<vmem>> -> memref<8x128xi32, #tpu.memory_space<vmem>>
      %dma_start3A_503 = arith.constant 0 : i32
      %dma_start3A_504 = arith.constant 0 : i32
      %dma_start3A_505 = tpu.memref_slice %arg3[%add3A, %run_scoped3A, %dma_start3A_503, %dma_start3A_504] : memref<32x10x8x128xi32, #tpu.memory_space<hbm>> -> memref<1x1x8x128xi32, #tpu.memory_space<hbm>>
      %dma_start3A_506 = tpu.memref_squeeze %dma_start3A_505 : memref<1x1x8x128xi32, #tpu.memory_space<hbm>> -> memref<8x128xi32, #tpu.memory_space<hbm>>
      tpu.enqueue_dma source(%dma_start3A_506 : memref<8x128xi32, #tpu.memory_space<hbm>>) target(%dma_start3A_502 : memref<8x128xi32, #tpu.memory_space<vmem>>) target_semaphore(%run_scoped3A_490 : memref<!tpu.dma_semaphore, #tpu.memory_space<semaphore_mem>>)
      %dma_wait3A_507 = arith.constant 0 : i32
      %dma_wait3A_508 = arith.constant 0 : i32
      %dma_wait3A_509 = tpu.memref_slice %arg7[%run_scoped3A_3, %dma_wait3A_507, %dma_wait3A_508] : memref<2x8x128xi32, #tpu.memory_space<vmem>> -> memref<1x8x128xi32, #tpu.memory_space<vmem>>
      %dma_wait3A_510 = tpu.memref_squeeze %dma_wait3A_509 : memref<1x8x128xi32, #tpu.memory_space<vmem>> -> memref<8x128xi32, #tpu.memory_space<vmem>>
      %dma_wait3A_511 = arith.constant 0 : i32
      %dma_wait3A_512 = arith.constant 0 : i32
      %dma_wait3A_513 = tpu.memref_slice %arg3[%add3A, %run_scoped3A, %dma_wait3A_511, %dma_wait3A_512] : memref<32x10x8x128xi32, #tpu.memory_space<hbm>> -> memref<1x1x8x128xi32, #tpu.memory_space<hbm>>
      %dma_wait3A_514 = tpu.memref_squeeze %dma_wait3A_513 : memref<1x1x8x128xi32, #tpu.memory_space<hbm>> -> memref<8x128xi32, #tpu.memory_space<hbm>>
      %dma_wait3A_515 = arith.constant 0 : i32
      %dma_wait3A_516 = arith.constant 0 : i32
      %dma_wait3A_517 = tpu.memref_slice %arg7[%run_scoped3A_3, %dma_wait3A_515, %dma_wait3A_516] : memref<2x8x128xi32, #tpu.memory_space<vmem>> -> memref<1x8x128xi32, #tpu.memory_space<vmem>>
      %dma_wait3A_518 = tpu.memref_squeeze %dma_wait3A_517 : memref<1x8x128xi32, #tpu.memory_space<vmem>> -> memref<8x128xi32, #tpu.memory_space<vmem>>
      %dma_wait3A_519 = arith.constant 0 : i32
      %dma_wait3A_520 = arith.constant 0 : i32
      %dma_wait3A_521 = tpu.memref_slice %arg3[%add3A, %run_scoped3A, %dma_wait3A_519, %dma_wait3A_520] : memref<32x10x8x128xi32, #tpu.memory_space<hbm>> -> memref<1x1x8x128xi32, #tpu.memory_space<hbm>>
      %dma_wait3A_522 = tpu.memref_squeeze %dma_wait3A_521 : memref<1x1x8x128xi32, #tpu.memory_space<hbm>> -> memref<8x128xi32, #tpu.memory_space<hbm>>
      tpu.wait_dma2 semaphore(%run_scoped3A_490 : memref<!tpu.dma_semaphore, #tpu.memory_space<semaphore_mem>>) src(%dma_wait3A_522 : memref<8x128xi32, #tpu.memory_space<hbm>>) dst(%dma_wait3A_518 : memref<8x128xi32, #tpu.memory_space<vmem>>)
      tpu.yield
    }) : () -> ()
    %run_scoped3A_4 = arith.constant 0 : i32
    %run_scoped3A_5 = arith.constant 0 : i32
    "tpu.region"() ({
      %run_scoped3A_490 = tpu.sem_alloc : memref<!tpu.dma_semaphore, #tpu.memory_space<semaphore_mem>>
      %dma_start3A_491 = arith.constant 0 : i32
      %dma_start3A_492 = arith.constant 0 : i32
      %dma_start3A_493 = tpu.memref_slice %arg8[%run_scoped3A_5, %dma_start3A_491, %dma_start3A_492] : memref<2x16x64xi32, #tpu.memory_space<vmem>> -> memref<1x16x64xi32, #tpu.memory_space<vmem>>
      %dma_start3A_494 = tpu.memref_squeeze %dma_start3A_493 : memref<1x16x64xi32, #tpu.memory_space<vmem>> -> memref<16x64xi32, #tpu.memory_space<vmem>>
      %dma_start3A_495 = arith.constant 0 : i32
      %dma_start3A_496 = arith.constant 0 : i32
      %dma_start3A_497 = tpu.memref_slice %arg4[%add3A, %run_scoped3A_4, %dma_start3A_495, %dma_start3A_496] : memref<32x10x16x64xi32, #tpu.memory_space<hbm>> -> memref<1x1x16x64xi32, #tpu.memory_space<hbm>>
      %dma_start3A_498 = tpu.memref_squeeze %dma_start3A_497 : memref<1x1x16x64xi32, #tpu.memory_space<hbm>> -> memref<16x64xi32, #tpu.memory_space<hbm>>
      %dma_start3A_499 = arith.constant 0 : i32
      %dma_start3A_500 = arith.constant 0 : i32
      %dma_start3A_501 = tpu.memref_slice %arg8[%run_scoped3A_5, %dma_start3A_499, %dma_start3A_500] : memref<2x16x64xi32, #tpu.memory_space<vmem>> -> memref<1x16x64xi32, #tpu.memory_space<vmem>>
      %dma_start3A_502 = tpu.memref_squeeze %dma_start3A_501 : memref<1x16x64xi32, #tpu.memory_space<vmem>> -> memref<16x64xi32, #tpu.memory_space<vmem>>
      %dma_start3A_503 = arith.constant 0 : i32
      %dma_start3A_504 = arith.constant 0 : i32
      %dma_start3A_505 = tpu.memref_slice %arg4[%add3A, %run_scoped3A_4, %dma_start3A_503, %dma_start3A_504] : memref<32x10x16x64xi32, #tpu.memory_space<hbm>> -> memref<1x1x16x64xi32, #tpu.memory_space<hbm>>
      %dma_start3A_506 = tpu.memref_squeeze %dma_start3A_505 : memref<1x1x16x64xi32, #tpu.memory_space<hbm>> -> memref<16x64xi32, #tpu.memory_space<hbm>>
      tpu.enqueue_dma source(%dma_start3A_506 : memref<16x64xi32, #tpu.memory_space<hbm>>) target(%dma_start3A_502 : memref<16x64xi32, #tpu.memory_space<vmem>>) target_semaphore(%run_scoped3A_490 : memref<!tpu.dma_semaphore, #tpu.memory_space<semaphore_mem>>)
      %dma_wait3A_507 = arith.constant 0 : i32
      %dma_wait3A_508 = arith.constant 0 : i32
      %dma_wait3A_509 = tpu.memref_slice %arg8[%run_scoped3A_5, %dma_wait3A_507, %dma_wait3A_508] : memref<2x16x64xi32, #tpu.memory_space<vmem>> -> memref<1x16x64xi32, #tpu.memory_space<vmem>>
      %dma_wait3A_510 = tpu.memref_squeeze %dma_wait3A_509 : memref<1x16x64xi32, #tpu.memory_space<vmem>> -> memref<16x64xi32, #tpu.memory_space<vmem>>
      %dma_wait3A_511 = arith.constant 0 : i32
      %dma_wait3A_512 = arith.constant 0 : i32
      %dma_wait3A_513 = tpu.memref_slice %arg4[%add3A, %run_scoped3A_4, %dma_wait3A_511, %dma_wait3A_512] : memref<32x10x16x64xi32, #tpu.memory_space<hbm>> -> memref<1x1x16x64xi32, #tpu.memory_space<hbm>>
      %dma_wait3A_514 = tpu.memref_squeeze %dma_wait3A_513 : memref<1x1x16x64xi32, #tpu.memory_space<hbm>> -> memref<16x64xi32, #tpu.memory_space<hbm>>
      %dma_wait3A_515 = arith.constant 0 : i32
      %dma_wait3A_516 = arith.constant 0 : i32
      %dma_wait3A_517 = tpu.memref_slice %arg8[%run_scoped3A_5, %dma_wait3A_515, %dma_wait3A_516] : memref<2x16x64xi32, #tpu.memory_space<vmem>> -> memref<1x16x64xi32, #tpu.memory_space<vmem>>
      %dma_wait3A_518 = tpu.memref_squeeze %dma_wait3A_517 : memref<1x16x64xi32, #tpu.memory_space<vmem>> -> memref<16x64xi32, #tpu.memory_space<vmem>>
      %dma_wait3A_519 = arith.constant 0 : i32
      %dma_wait3A_520 = arith.constant 0 : i32
      %dma_wait3A_521 = tpu.memref_slice %arg4[%add3A, %run_scoped3A_4, %dma_wait3A_519, %dma_wait3A_520] : memref<32x10x16x64xi32, #tpu.memory_space<hbm>> -> memref<1x1x16x64xi32, #tpu.memory_space<hbm>>
      %dma_wait3A_522 = tpu.memref_squeeze %dma_wait3A_521 : memref<1x1x16x64xi32, #tpu.memory_space<hbm>> -> memref<16x64xi32, #tpu.memory_space<hbm>>
      tpu.wait_dma2 semaphore(%run_scoped3A_490 : memref<!tpu.dma_semaphore, #tpu.memory_space<semaphore_mem>>) src(%dma_wait3A_522 : memref<16x64xi32, #tpu.memory_space<hbm>>) dst(%dma_wait3A_518 : memref<16x64xi32, #tpu.memory_space<vmem>>)
      tpu.yield
    }) : () -> ()
    %dma_start3A = arith.constant 0 : i32
    %dma_start3A_6 = arith.constant 0 : i32
    %dma_start3A_7 = arith.constant 0 : i32
    %dma_start3A_8 = tpu.memref_slice %arg7[%dma_start3A, %dma_start3A_6, %dma_start3A_7] : memref<2x8x128xi32, #tpu.memory_space<vmem>> -> memref<1x1x128xi32, #tpu.memory_space<vmem>>
    %dma_start3A_9 = tpu.memref_squeeze %dma_start3A_8 : memref<1x1x128xi32, #tpu.memory_space<vmem>> -> memref<128xi32, #tpu.memory_space<vmem>>
    %dma_start3A_10 = arith.constant 0 : i32
    %dma_start3A_11 = arith.constant 0 : i32
    %dma_start3A_12 = tpu.memref_slice %arg2[%dma_start3A_10, %dma_start3A_11] : memref<10000x128xf32, #tpu.memory_space<hbm>> -> memref<10000x128xf32, #tpu.memory_space<hbm>>
    tpu.enqueue_indirect_dma source(%dma_start3A_12 : memref<10000x128xf32, #tpu.memory_space<hbm>>) target(%arg9 : memref<128x128xf32, #tpu.memory_space<vmem>>) offsets(%dma_start3A_9 : memref<128xi32, #tpu.memory_space<vmem>>) semaphore(%arg11 : memref<!tpu.dma_semaphore, #tpu.memory_space<semaphore_mem>>)
    %dma_start3A_13 = arith.constant 0 : i32
    %dma_start3A_14 = arith.constant 1 : i32
    %dma_start3A_15 = arith.constant 0 : i32
    %dma_start3A_16 = tpu.memref_slice %arg7[%dma_start3A_13, %dma_start3A_14, %dma_start3A_15] : memref<2x8x128xi32, #tpu.memory_space<vmem>> -> memref<1x1x128xi32, #tpu.memory_space<vmem>>
    %dma_start3A_17 = tpu.memref_squeeze %dma_start3A_16 : memref<1x1x128xi32, #tpu.memory_space<vmem>> -> memref<128xi32, #tpu.memory_space<vmem>>
    %dma_start3A_18 = arith.constant 0 : i32
    %dma_start3A_19 = arith.constant 0 : i32
    %dma_start3A_20 = tpu.memref_slice %arg2[%dma_start3A_18, %dma_start3A_19] : memref<10000x128xf32, #tpu.memory_space<hbm>> -> memref<10000x128xf32, #tpu.memory_space<hbm>>
    tpu.enqueue_indirect_dma source(%dma_start3A_20 : memref<10000x128xf32, #tpu.memory_space<hbm>>) target(%arg10 : memref<128x128xf32, #tpu.memory_space<vmem>>) offsets(%dma_start3A_17 : memref<128xi32, #tpu.memory_space<vmem>>) semaphore(%arg12 : memref<!tpu.dma_semaphore, #tpu.memory_space<semaphore_mem>>)
    %dma_wait3A = arith.constant 0 : i32
    %dma_wait3A_21 = arith.constant 0 : i32
    %dma_wait3A_22 = arith.constant 0 : i32
    %dma_wait3A_23 = tpu.memref_slice %arg7[%dma_wait3A, %dma_wait3A_21, %dma_wait3A_22] : memref<2x8x128xi32, #tpu.memory_space<vmem>> -> memref<1x1x128xi32, #tpu.memory_space<vmem>>
    %dma_wait3A_24 = tpu.memref_squeeze %dma_wait3A_23 : memref<1x1x128xi32, #tpu.memory_space<vmem>> -> memref<128xi32, #tpu.memory_space<vmem>>
    %dma_wait3A_25 = arith.constant 0 : i32
    %dma_wait3A_26 = arith.constant 0 : i32
    %dma_wait3A_27 = tpu.memref_slice %arg2[%dma_wait3A_25, %dma_wait3A_26] : memref<10000x128xf32, #tpu.memory_space<hbm>> -> memref<10000x128xf32, #tpu.memory_space<hbm>>
    tpu.wait_indirect_dma semaphore(%arg11 : memref<!tpu.dma_semaphore, #tpu.memory_space<semaphore_mem>>) src(%dma_wait3A_27 : memref<10000x128xf32, #tpu.memory_space<hbm>>) dst(%arg9 : memref<128x128xf32, #tpu.memory_space<vmem>>)
    %dma_start3A_28 = arith.constant 0 : i32
    %dma_start3A_29 = arith.constant 0 : i32
    %dma_start3A_30 = arith.constant 0 : i32
    %dma_start3A_31 = arith.constant 0 : i32
    %dma_start3A_32 = tpu.memref_slice %arg9[%dma_start3A_30, %dma_start3A_31] : memref<128x128xf32, #tpu.memory_space<vmem>> -> memref<64x128xf32, #tpu.memory_space<vmem>>
    %dma_start3A_33 = arith.constant 0 : i32
    %dma_start3A_34 = tpu.memref_slice %arg8[%dma_start3A_28, %dma_start3A_29, %dma_start3A_33] : memref<2x16x64xi32, #tpu.memory_space<vmem>> -> memref<1x1x64xi32, #tpu.memory_space<vmem>>
    %dma_start3A_35 = tpu.memref_squeeze %dma_start3A_34 : memref<1x1x64xi32, #tpu.memory_space<vmem>> -> memref<64xi32, #tpu.memory_space<vmem>>
    %dma_start3A_36 = arith.constant 0 : i32
    %dma_start3A_37 = arith.constant 0 : i32
    %dma_start3A_38 = tpu.memref_slice %arg17[%dma_start3A_36, %dma_start3A_37] : memref<10112x128xf32, #tpu.memory_space<vmem_shared>> -> memref<10112x128xf32, #tpu.memory_space<vmem_shared>>
    tpu.enqueue_indirect_dma source(%dma_start3A_32 : memref<64x128xf32, #tpu.memory_space<vmem>>) target(%dma_start3A_38 : memref<10112x128xf32, #tpu.memory_space<vmem_shared>>) offsets(%dma_start3A_35 : memref<64xi32, #tpu.memory_space<vmem>>) semaphore(%arg13 : memref<!tpu.dma_semaphore, #tpu.memory_space<semaphore_mem>>) {add = true}
    %dma_start3A_39 = arith.constant 0 : i32
    %dma_start3A_40 = arith.constant 1 : i32
    %dma_start3A_41 = arith.constant 64 : i32
    %dma_start3A_42 = arith.constant 0 : i32
    %dma_start3A_43 = tpu.memref_slice %arg9[%dma_start3A_41, %dma_start3A_42] : memref<128x128xf32, #tpu.memory_space<vmem>> -> memref<64x128xf32, #tpu.memory_space<vmem>>
    %dma_start3A_44 = arith.constant 0 : i32
    %dma_start3A_45 = tpu.memref_slice %arg8[%dma_start3A_39, %dma_start3A_40, %dma_start3A_44] : memref<2x16x64xi32, #tpu.memory_space<vmem>> -> memref<1x1x64xi32, #tpu.memory_space<vmem>>
    %dma_start3A_46 = tpu.memref_squeeze %dma_start3A_45 : memref<1x1x64xi32, #tpu.memory_space<vmem>> -> memref<64xi32, #tpu.memory_space<vmem>>
    %dma_start3A_47 = arith.constant 0 : i32
    %dma_start3A_48 = arith.constant 0 : i32
    %dma_start3A_49 = tpu.memref_slice %arg17[%dma_start3A_47, %dma_start3A_48] : memref<10112x128xf32, #tpu.memory_space<vmem_shared>> -> memref<10112x128xf32, #tpu.memory_space<vmem_shared>>
    tpu.enqueue_indirect_dma source(%dma_start3A_43 : memref<64x128xf32, #tpu.memory_space<vmem>>) target(%dma_start3A_49 : memref<10112x128xf32, #tpu.memory_space<vmem_shared>>) offsets(%dma_start3A_46 : memref<64xi32, #tpu.memory_space<vmem>>) semaphore(%arg14 : memref<!tpu.dma_semaphore, #tpu.memory_space<semaphore_mem>>) {add = true}
    %dma_wait3A_50 = arith.constant 0 : i32
    %dma_wait3A_51 = arith.constant 1 : i32
    %dma_wait3A_52 = arith.constant 0 : i32
    %dma_wait3A_53 = tpu.memref_slice %arg7[%dma_wait3A_50, %dma_wait3A_51, %dma_wait3A_52] : memref<2x8x128xi32, #tpu.memory_space<vmem>> -> memref<1x1x128xi32, #tpu.memory_space<vmem>>
    %dma_wait3A_54 = tpu.memref_squeeze %dma_wait3A_53 : memref<1x1x128xi32, #tpu.memory_space<vmem>> -> memref<128xi32, #tpu.memory_space<vmem>>
    %dma_wait3A_55 = arith.constant 0 : i32
    %dma_wait3A_56 = arith.constant 0 : i32
    %dma_wait3A_57 = tpu.memref_slice %arg2[%dma_wait3A_55, %dma_wait3A_56] : memref<10000x128xf32, #tpu.memory_space<hbm>> -> memref<10000x128xf32, #tpu.memory_space<hbm>>
    tpu.wait_indirect_dma semaphore(%arg12 : memref<!tpu.dma_semaphore, #tpu.memory_space<semaphore_mem>>) src(%dma_wait3A_57 : memref<10000x128xf32, #tpu.memory_space<hbm>>) dst(%arg10 : memref<128x128xf32, #tpu.memory_space<vmem>>)
    %dma_start3A_58 = arith.constant 0 : i32
    %dma_start3A_59 = arith.constant 2 : i32
    %dma_start3A_60 = arith.constant 0 : i32
    %dma_start3A_61 = arith.constant 0 : i32
    %dma_start3A_62 = tpu.memref_slice %arg10[%dma_start3A_60, %dma_start3A_61] : memref<128x128xf32, #tpu.memory_space<vmem>> -> memref<64x128xf32, #tpu.memory_space<vmem>>
    %dma_start3A_63 = arith.constant 0 : i32
    %dma_start3A_64 = tpu.memref_slice %arg8[%dma_start3A_58, %dma_start3A_59, %dma_start3A_63] : memref<2x16x64xi32, #tpu.memory_space<vmem>> -> memref<1x1x64xi32, #tpu.memory_space<vmem>>
    %dma_start3A_65 = tpu.memref_squeeze %dma_start3A_64 : memref<1x1x64xi32, #tpu.memory_space<vmem>> -> memref<64xi32, #tpu.memory_space<vmem>>
    %dma_start3A_66 = arith.constant 0 : i32
    %dma_start3A_67 = arith.constant 0 : i32
    %dma_start3A_68 = tpu.memref_slice %arg17[%dma_start3A_66, %dma_start3A_67] : memref<10112x128xf32, #tpu.memory_space<vmem_shared>> -> memref<10112x128xf32, #tpu.memory_space<vmem_shared>>
    tpu.enqueue_indirect_dma source(%dma_start3A_62 : memref<64x128xf32, #tpu.memory_space<vmem>>) target(%dma_start3A_68 : memref<10112x128xf32, #tpu.memory_space<vmem_shared>>) offsets(%dma_start3A_65 : memref<64xi32, #tpu.memory_space<vmem>>) semaphore(%arg15 : memref<!tpu.dma_semaphore, #tpu.memory_space<semaphore_mem>>) {add = true}
    %dma_start3A_69 = arith.constant 0 : i32
    %dma_start3A_70 = arith.constant 3 : i32
    %dma_start3A_71 = arith.constant 64 : i32
    %dma_start3A_72 = arith.constant 0 : i32
    %dma_start3A_73 = tpu.memref_slice %arg10[%dma_start3A_71, %dma_start3A_72] : memref<128x128xf32, #tpu.memory_space<vmem>> -> memref<64x128xf32, #tpu.memory_space<vmem>>
    %dma_start3A_74 = arith.constant 0 : i32
    %dma_start3A_75 = tpu.memref_slice %arg8[%dma_start3A_69, %dma_start3A_70, %dma_start3A_74] : memref<2x16x64xi32, #tpu.memory_space<vmem>> -> memref<1x1x64xi32, #tpu.memory_space<vmem>>
    %dma_start3A_76 = tpu.memref_squeeze %dma_start3A_75 : memref<1x1x64xi32, #tpu.memory_space<vmem>> -> memref<64xi32, #tpu.memory_space<vmem>>
    %dma_start3A_77 = arith.constant 0 : i32
    %dma_start3A_78 = arith.constant 0 : i32
    %dma_start3A_79 = tpu.memref_slice %arg17[%dma_start3A_77, %dma_start3A_78] : memref<10112x128xf32, #tpu.memory_space<vmem_shared>> -> memref<10112x128xf32, #tpu.memory_space<vmem_shared>>
    tpu.enqueue_indirect_dma source(%dma_start3A_73 : memref<64x128xf32, #tpu.memory_space<vmem>>) target(%dma_start3A_79 : memref<10112x128xf32, #tpu.memory_space<vmem_shared>>) offsets(%dma_start3A_76 : memref<64xi32, #tpu.memory_space<vmem>>) semaphore(%arg16 : memref<!tpu.dma_semaphore, #tpu.memory_space<semaphore_mem>>) {add = true}
    %dma_wait3A_80 = arith.constant 0 : i32
    %dma_wait3A_81 = arith.constant 4 : i32
    %dma_wait3A_82 = arith.constant 0 : i32
    %dma_wait3A_83 = arith.constant 0 : i32
    %dma_wait3A_84 = tpu.memref_slice %arg9[%dma_wait3A_82, %dma_wait3A_83] : memref<128x128xf32, #tpu.memory_space<vmem>> -> memref<64x128xf32, #tpu.memory_space<vmem>>
    %dma_wait3A_85 = arith.constant 0 : i32
    %dma_wait3A_86 = tpu.memref_slice %arg8[%dma_wait3A_80, %dma_wait3A_81, %dma_wait3A_85] : memref<2x16x64xi32, #tpu.memory_space<vmem>> -> memref<1x1x64xi32, #tpu.memory_space<vmem>>
    %dma_wait3A_87 = tpu.memref_squeeze %dma_wait3A_86 : memref<1x1x64xi32, #tpu.memory_space<vmem>> -> memref<64xi32, #tpu.memory_space<vmem>>
    %dma_wait3A_88 = arith.constant 0 : i32
    %dma_wait3A_89 = arith.constant 0 : i32
    %dma_wait3A_90 = tpu.memref_slice %arg17[%dma_wait3A_88, %dma_wait3A_89] : memref<10112x128xf32, #tpu.memory_space<vmem_shared>> -> memref<10112x128xf32, #tpu.memory_space<vmem_shared>>
    tpu.wait_indirect_dma semaphore(%arg13 : memref<!tpu.dma_semaphore, #tpu.memory_space<semaphore_mem>>) src(%dma_wait3A_84 : memref<64x128xf32, #tpu.memory_space<vmem>>) dst(%dma_wait3A_90 : memref<10112x128xf32, #tpu.memory_space<vmem_shared>>)
    %dma_wait3A_91 = arith.constant 0 : i32
    %dma_wait3A_92 = arith.constant 5 : i32
    %dma_wait3A_93 = arith.constant 64 : i32
    %dma_wait3A_94 = arith.constant 0 : i32
    %dma_wait3A_95 = tpu.memref_slice %arg9[%dma_wait3A_93, %dma_wait3A_94] : memref<128x128xf32, #tpu.memory_space<vmem>> -> memref<64x128xf32, #tpu.memory_space<vmem>>
    %dma_wait3A_96 = arith.constant 0 : i32
    %dma_wait3A_97 = tpu.memref_slice %arg8[%dma_wait3A_91, %dma_wait3A_92, %dma_wait3A_96] : memref<2x16x64xi32, #tpu.memory_space<vmem>> -> memref<1x1x64xi32, #tpu.memory_space<vmem>>
    %dma_wait3A_98 = tpu.memref_squeeze %dma_wait3A_97 : memref<1x1x64xi32, #tpu.memory_space<vmem>> -> memref<64xi32, #tpu.memory_space<vmem>>
    %dma_wait3A_99 = arith.constant 0 : i32
    %dma_wait3A_100 = arith.constant 0 : i32
    %dma_wait3A_101 = tpu.memref_slice %arg17[%dma_wait3A_99, %dma_wait3A_100] : memref<10112x128xf32, #tpu.memory_space<vmem_shared>> -> memref<10112x128xf32, #tpu.memory_space<vmem_shared>>
    tpu.wait_indirect_dma semaphore(%arg14 : memref<!tpu.dma_semaphore, #tpu.memory_space<semaphore_mem>>) src(%dma_wait3A_95 : memref<64x128xf32, #tpu.memory_space<vmem>>) dst(%dma_wait3A_101 : memref<10112x128xf32, #tpu.memory_space<vmem_shared>>)
    %dma_start3A_102 = arith.constant 0 : i32
    %dma_start3A_103 = arith.constant 2 : i32
    %dma_start3A_104 = arith.constant 0 : i32
    %dma_start3A_105 = tpu.memref_slice %arg7[%dma_start3A_102, %dma_start3A_103, %dma_start3A_104] : memref<2x8x128xi32, #tpu.memory_space<vmem>> -> memref<1x1x128xi32, #tpu.memory_space<vmem>>
    %dma_start3A_106 = tpu.memref_squeeze %dma_start3A_105 : memref<1x1x128xi32, #tpu.memory_space<vmem>> -> memref<128xi32, #tpu.memory_space<vmem>>
    %dma_start3A_107 = arith.constant 0 : i32
    %dma_start3A_108 = arith.constant 0 : i32
    %dma_start3A_109 = tpu.memref_slice %arg2[%dma_start3A_107, %dma_start3A_108] : memref<10000x128xf32, #tpu.memory_space<hbm>> -> memref<10000x128xf32, #tpu.memory_space<hbm>>
    tpu.enqueue_indirect_dma source(%dma_start3A_109 : memref<10000x128xf32, #tpu.memory_space<hbm>>) target(%arg9 : memref<128x128xf32, #tpu.memory_space<vmem>>) offsets(%dma_start3A_106 : memref<128xi32, #tpu.memory_space<vmem>>) semaphore(%arg11 : memref<!tpu.dma_semaphore, #tpu.memory_space<semaphore_mem>>)
    %dma_wait3A_110 = arith.constant 0 : i32
    %dma_wait3A_111 = arith.constant 6 : i32
    %dma_wait3A_112 = arith.constant 0 : i32
    %dma_wait3A_113 = arith.constant 0 : i32
    %dma_wait3A_114 = tpu.memref_slice %arg10[%dma_wait3A_112, %dma_wait3A_113] : memref<128x128xf32, #tpu.memory_space<vmem>> -> memref<64x128xf32, #tpu.memory_space<vmem>>
    %dma_wait3A_115 = arith.constant 0 : i32
    %dma_wait3A_116 = tpu.memref_slice %arg8[%dma_wait3A_110, %dma_wait3A_111, %dma_wait3A_115] : memref<2x16x64xi32, #tpu.memory_space<vmem>> -> memref<1x1x64xi32, #tpu.memory_space<vmem>>
    %dma_wait3A_117 = tpu.memref_squeeze %dma_wait3A_116 : memref<1x1x64xi32, #tpu.memory_space<vmem>> -> memref<64xi32, #tpu.memory_space<vmem>>
    %dma_wait3A_118 = arith.constant 0 : i32
    %dma_wait3A_119 = arith.constant 0 : i32
    %dma_wait3A_120 = tpu.memref_slice %arg17[%dma_wait3A_118, %dma_wait3A_119] : memref<10112x128xf32, #tpu.memory_space<vmem_shared>> -> memref<10112x128xf32, #tpu.memory_space<vmem_shared>>
    tpu.wait_indirect_dma semaphore(%arg15 : memref<!tpu.dma_semaphore, #tpu.memory_space<semaphore_mem>>) src(%dma_wait3A_114 : memref<64x128xf32, #tpu.memory_space<vmem>>) dst(%dma_wait3A_120 : memref<10112x128xf32, #tpu.memory_space<vmem_shared>>)
    %dma_wait3A_121 = arith.constant 0 : i32
    %dma_wait3A_122 = arith.constant 7 : i32
    %dma_wait3A_123 = arith.constant 64 : i32
    %dma_wait3A_124 = arith.constant 0 : i32
    %dma_wait3A_125 = tpu.memref_slice %arg10[%dma_wait3A_123, %dma_wait3A_124] : memref<128x128xf32, #tpu.memory_space<vmem>> -> memref<64x128xf32, #tpu.memory_space<vmem>>
    %dma_wait3A_126 = arith.constant 0 : i32
    %dma_wait3A_127 = tpu.memref_slice %arg8[%dma_wait3A_121, %dma_wait3A_122, %dma_wait3A_126] : memref<2x16x64xi32, #tpu.memory_space<vmem>> -> memref<1x1x64xi32, #tpu.memory_space<vmem>>
    %dma_wait3A_128 = tpu.memref_squeeze %dma_wait3A_127 : memref<1x1x64xi32, #tpu.memory_space<vmem>> -> memref<64xi32, #tpu.memory_space<vmem>>
    %dma_wait3A_129 = arith.constant 0 : i32
    %dma_wait3A_130 = arith.constant 0 : i32
    %dma_wait3A_131 = tpu.memref_slice %arg17[%dma_wait3A_129, %dma_wait3A_130] : memref<10112x128xf32, #tpu.memory_space<vmem_shared>> -> memref<10112x128xf32, #tpu.memory_space<vmem_shared>>
    tpu.wait_indirect_dma semaphore(%arg16 : memref<!tpu.dma_semaphore, #tpu.memory_space<semaphore_mem>>) src(%dma_wait3A_125 : memref<64x128xf32, #tpu.memory_space<vmem>>) dst(%dma_wait3A_131 : memref<10112x128xf32, #tpu.memory_space<vmem_shared>>)
    %dma_start3A_132 = arith.constant 0 : i32
    %dma_start3A_133 = arith.constant 3 : i32
    %dma_start3A_134 = arith.constant 0 : i32
    %dma_start3A_135 = tpu.memref_slice %arg7[%dma_start3A_132, %dma_start3A_133, %dma_start3A_134] : memref<2x8x128xi32, #tpu.memory_space<vmem>> -> memref<1x1x128xi32, #tpu.memory_space<vmem>>
    %dma_start3A_136 = tpu.memref_squeeze %dma_start3A_135 : memref<1x1x128xi32, #tpu.memory_space<vmem>> -> memref<128xi32, #tpu.memory_space<vmem>>
    %dma_start3A_137 = arith.constant 0 : i32
    %dma_start3A_138 = arith.constant 0 : i32
    %dma_start3A_139 = tpu.memref_slice %arg2[%dma_start3A_137, %dma_start3A_138] : memref<10000x128xf32, #tpu.memory_space<hbm>> -> memref<10000x128xf32, #tpu.memory_space<hbm>>
    tpu.enqueue_indirect_dma source(%dma_start3A_139 : memref<10000x128xf32, #tpu.memory_space<hbm>>) target(%arg10 : memref<128x128xf32, #tpu.memory_space<vmem>>) offsets(%dma_start3A_136 : memref<128xi32, #tpu.memory_space<vmem>>) semaphore(%arg12 : memref<!tpu.dma_semaphore, #tpu.memory_space<semaphore_mem>>)
    %dma_wait3A_140 = arith.constant 0 : i32
    %dma_wait3A_141 = arith.constant 2 : i32
    %dma_wait3A_142 = arith.constant 0 : i32
    %dma_wait3A_143 = tpu.memref_slice %arg7[%dma_wait3A_140, %dma_wait3A_141, %dma_wait3A_142] : memref<2x8x128xi32, #tpu.memory_space<vmem>> -> memref<1x1x128xi32, #tpu.memory_space<vmem>>
    %dma_wait3A_144 = tpu.memref_squeeze %dma_wait3A_143 : memref<1x1x128xi32, #tpu.memory_space<vmem>> -> memref<128xi32, #tpu.memory_space<vmem>>
    %dma_wait3A_145 = arith.constant 0 : i32
    %dma_wait3A_146 = arith.constant 0 : i32
    %dma_wait3A_147 = tpu.memref_slice %arg2[%dma_wait3A_145, %dma_wait3A_146] : memref<10000x128xf32, #tpu.memory_space<hbm>> -> memref<10000x128xf32, #tpu.memory_space<hbm>>
    tpu.wait_indirect_dma semaphore(%arg11 : memref<!tpu.dma_semaphore, #tpu.memory_space<semaphore_mem>>) src(%dma_wait3A_147 : memref<10000x128xf32, #tpu.memory_space<hbm>>) dst(%arg9 : memref<128x128xf32, #tpu.memory_space<vmem>>)
    %dma_start3A_148 = arith.constant 0 : i32
    %dma_start3A_149 = arith.constant 4 : i32
    %dma_start3A_150 = arith.constant 0 : i32
    %dma_start3A_151 = arith.constant 0 : i32
    %dma_start3A_152 = tpu.memref_slice %arg9[%dma_start3A_150, %dma_start3A_151] : memref<128x128xf32, #tpu.memory_space<vmem>> -> memref<64x128xf32, #tpu.memory_space<vmem>>
    %dma_start3A_153 = arith.constant 0 : i32
    %dma_start3A_154 = tpu.memref_slice %arg8[%dma_start3A_148, %dma_start3A_149, %dma_start3A_153] : memref<2x16x64xi32, #tpu.memory_space<vmem>> -> memref<1x1x64xi32, #tpu.memory_space<vmem>>
    %dma_start3A_155 = tpu.memref_squeeze %dma_start3A_154 : memref<1x1x64xi32, #tpu.memory_space<vmem>> -> memref<64xi32, #tpu.memory_space<vmem>>
    %dma_start3A_156 = arith.constant 0 : i32
    %dma_start3A_157 = arith.constant 0 : i32
    %dma_start3A_158 = tpu.memref_slice %arg17[%dma_start3A_156, %dma_start3A_157] : memref<10112x128xf32, #tpu.memory_space<vmem_shared>> -> memref<10112x128xf32, #tpu.memory_space<vmem_shared>>
    tpu.enqueue_indirect_dma source(%dma_start3A_152 : memref<64x128xf32, #tpu.memory_space<vmem>>) target(%dma_start3A_158 : memref<10112x128xf32, #tpu.memory_space<vmem_shared>>) offsets(%dma_start3A_155 : memref<64xi32, #tpu.memory_space<vmem>>) semaphore(%arg13 : memref<!tpu.dma_semaphore, #tpu.memory_space<semaphore_mem>>) {add = true}
    %dma_start3A_159 = arith.constant 0 : i32
    %dma_start3A_160 = arith.constant 5 : i32
    %dma_start3A_161 = arith.constant 64 : i32
    %dma_start3A_162 = arith.constant 0 : i32
    %dma_start3A_163 = tpu.memref_slice %arg9[%dma_start3A_161, %dma_start3A_162] : memref<128x128xf32, #tpu.memory_space<vmem>> -> memref<64x128xf32, #tpu.memory_space<vmem>>
    %dma_start3A_164 = arith.constant 0 : i32
    %dma_start3A_165 = tpu.memref_slice %arg8[%dma_start3A_159, %dma_start3A_160, %dma_start3A_164] : memref<2x16x64xi32, #tpu.memory_space<vmem>> -> memref<1x1x64xi32, #tpu.memory_space<vmem>>
    %dma_start3A_166 = tpu.memref_squeeze %dma_start3A_165 : memref<1x1x64xi32, #tpu.memory_space<vmem>> -> memref<64xi32, #tpu.memory_space<vmem>>
    %dma_start3A_167 = arith.constant 0 : i32
    %dma_start3A_168 = arith.constant 0 : i32
    %dma_start3A_169 = tpu.memref_slice %arg17[%dma_start3A_167, %dma_start3A_168] : memref<10112x128xf32, #tpu.memory_space<vmem_shared>> -> memref<10112x128xf32, #tpu.memory_space<vmem_shared>>
    tpu.enqueue_indirect_dma source(%dma_start3A_163 : memref<64x128xf32, #tpu.memory_space<vmem>>) target(%dma_start3A_169 : memref<10112x128xf32, #tpu.memory_space<vmem_shared>>) offsets(%dma_start3A_166 : memref<64xi32, #tpu.memory_space<vmem>>) semaphore(%arg14 : memref<!tpu.dma_semaphore, #tpu.memory_space<semaphore_mem>>) {add = true}
    %dma_wait3A_170 = arith.constant 0 : i32
    %dma_wait3A_171 = arith.constant 3 : i32
    %dma_wait3A_172 = arith.constant 0 : i32
    %dma_wait3A_173 = tpu.memref_slice %arg7[%dma_wait3A_170, %dma_wait3A_171, %dma_wait3A_172] : memref<2x8x128xi32, #tpu.memory_space<vmem>> -> memref<1x1x128xi32, #tpu.memory_space<vmem>>
    %dma_wait3A_174 = tpu.memref_squeeze %dma_wait3A_173 : memref<1x1x128xi32, #tpu.memory_space<vmem>> -> memref<128xi32, #tpu.memory_space<vmem>>
    %dma_wait3A_175 = arith.constant 0 : i32
    %dma_wait3A_176 = arith.constant 0 : i32
    %dma_wait3A_177 = tpu.memref_slice %arg2[%dma_wait3A_175, %dma_wait3A_176] : memref<10000x128xf32, #tpu.memory_space<hbm>> -> memref<10000x128xf32, #tpu.memory_space<hbm>>
    tpu.wait_indirect_dma semaphore(%arg12 : memref<!tpu.dma_semaphore, #tpu.memory_space<semaphore_mem>>) src(%dma_wait3A_177 : memref<10000x128xf32, #tpu.memory_space<hbm>>) dst(%arg10 : memref<128x128xf32, #tpu.memory_space<vmem>>)
    %dma_start3A_178 = arith.constant 0 : i32
    %dma_start3A_179 = arith.constant 6 : i32
    %dma_start3A_180 = arith.constant 0 : i32
    %dma_start3A_181 = arith.constant 0 : i32
    %dma_start3A_182 = tpu.memref_slice %arg10[%dma_start3A_180, %dma_start3A_181] : memref<128x128xf32, #tpu.memory_space<vmem>> -> memref<64x128xf32, #tpu.memory_space<vmem>>
    %dma_start3A_183 = arith.constant 0 : i32
    %dma_start3A_184 = tpu.memref_slice %arg8[%dma_start3A_178, %dma_start3A_179, %dma_start3A_183] : memref<2x16x64xi32, #tpu.memory_space<vmem>> -> memref<1x1x64xi32, #tpu.memory_space<vmem>>
    %dma_start3A_185 = tpu.memref_squeeze %dma_start3A_184 : memref<1x1x64xi32, #tpu.memory_space<vmem>> -> memref<64xi32, #tpu.memory_space<vmem>>
    %dma_start3A_186 = arith.constant 0 : i32
    %dma_start3A_187 = arith.constant 0 : i32
    %dma_start3A_188 = tpu.memref_slice %arg17[%dma_start3A_186, %dma_start3A_187] : memref<10112x128xf32, #tpu.memory_space<vmem_shared>> -> memref<10112x128xf32, #tpu.memory_space<vmem_shared>>
    tpu.enqueue_indirect_dma source(%dma_start3A_182 : memref<64x128xf32, #tpu.memory_space<vmem>>) target(%dma_start3A_188 : memref<10112x128xf32, #tpu.memory_space<vmem_shared>>) offsets(%dma_start3A_185 : memref<64xi32, #tpu.memory_space<vmem>>) semaphore(%arg15 : memref<!tpu.dma_semaphore, #tpu.memory_space<semaphore_mem>>) {add = true}
    %dma_start3A_189 = arith.constant 0 : i32
    %dma_start3A_190 = arith.constant 7 : i32
    %dma_start3A_191 = arith.constant 64 : i32
    %dma_start3A_192 = arith.constant 0 : i32
    %dma_start3A_193 = tpu.memref_slice %arg10[%dma_start3A_191, %dma_start3A_192] : memref<128x128xf32, #tpu.memory_space<vmem>> -> memref<64x128xf32, #tpu.memory_space<vmem>>
    %dma_start3A_194 = arith.constant 0 : i32
    %dma_start3A_195 = tpu.memref_slice %arg8[%dma_start3A_189, %dma_start3A_190, %dma_start3A_194] : memref<2x16x64xi32, #tpu.memory_space<vmem>> -> memref<1x1x64xi32, #tpu.memory_space<vmem>>
    %dma_start3A_196 = tpu.memref_squeeze %dma_start3A_195 : memref<1x1x64xi32, #tpu.memory_space<vmem>> -> memref<64xi32, #tpu.memory_space<vmem>>
    %dma_start3A_197 = arith.constant 0 : i32
    %dma_start3A_198 = arith.constant 0 : i32
    %dma_start3A_199 = tpu.memref_slice %arg17[%dma_start3A_197, %dma_start3A_198] : memref<10112x128xf32, #tpu.memory_space<vmem_shared>> -> memref<10112x128xf32, #tpu.memory_space<vmem_shared>>
    tpu.enqueue_indirect_dma source(%dma_start3A_193 : memref<64x128xf32, #tpu.memory_space<vmem>>) target(%dma_start3A_199 : memref<10112x128xf32, #tpu.memory_space<vmem_shared>>) offsets(%dma_start3A_196 : memref<64xi32, #tpu.memory_space<vmem>>) semaphore(%arg16 : memref<!tpu.dma_semaphore, #tpu.memory_space<semaphore_mem>>) {add = true}
    %dma_wait3A_200 = arith.constant 0 : i32
    %dma_wait3A_201 = arith.constant 8 : i32
    %dma_wait3A_202 = arith.constant 0 : i32
    %dma_wait3A_203 = arith.constant 0 : i32
    %dma_wait3A_204 = tpu.memref_slice %arg9[%dma_wait3A_202, %dma_wait3A_203] : memref<128x128xf32, #tpu.memory_space<vmem>> -> memref<64x128xf32, #tpu.memory_space<vmem>>
    %dma_wait3A_205 = arith.constant 0 : i32
    %dma_wait3A_206 = tpu.memref_slice %arg8[%dma_wait3A_200, %dma_wait3A_201, %dma_wait3A_205] : memref<2x16x64xi32, #tpu.memory_space<vmem>> -> memref<1x1x64xi32, #tpu.memory_space<vmem>>
    %dma_wait3A_207 = tpu.memref_squeeze %dma_wait3A_206 : memref<1x1x64xi32, #tpu.memory_space<vmem>> -> memref<64xi32, #tpu.memory_space<vmem>>
    %dma_wait3A_208 = arith.constant 0 : i32
    %dma_wait3A_209 = arith.constant 0 : i32
    %dma_wait3A_210 = tpu.memref_slice %arg17[%dma_wait3A_208, %dma_wait3A_209] : memref<10112x128xf32, #tpu.memory_space<vmem_shared>> -> memref<10112x128xf32, #tpu.memory_space<vmem_shared>>
    tpu.wait_indirect_dma semaphore(%arg13 : memref<!tpu.dma_semaphore, #tpu.memory_space<semaphore_mem>>) src(%dma_wait3A_204 : memref<64x128xf32, #tpu.memory_space<vmem>>) dst(%dma_wait3A_210 : memref<10112x128xf32, #tpu.memory_space<vmem_shared>>)
    %dma_wait3A_211 = arith.constant 0 : i32
    %dma_wait3A_212 = arith.constant 9 : i32
    %dma_wait3A_213 = arith.constant 64 : i32
    %dma_wait3A_214 = arith.constant 0 : i32
    %dma_wait3A_215 = tpu.memref_slice %arg9[%dma_wait3A_213, %dma_wait3A_214] : memref<128x128xf32, #tpu.memory_space<vmem>> -> memref<64x128xf32, #tpu.memory_space<vmem>>
    %dma_wait3A_216 = arith.constant 0 : i32
    %dma_wait3A_217 = tpu.memref_slice %arg8[%dma_wait3A_211, %dma_wait3A_212, %dma_wait3A_216] : memref<2x16x64xi32, #tpu.memory_space<vmem>> -> memref<1x1x64xi32, #tpu.memory_space<vmem>>
    %dma_wait3A_218 = tpu.memref_squeeze %dma_wait3A_217 : memref<1x1x64xi32, #tpu.memory_space<vmem>> -> memref<64xi32, #tpu.memory_space<vmem>>
    %dma_wait3A_219 = arith.constant 0 : i32
    %dma_wait3A_220 = arith.constant 0 : i32
    %dma_wait3A_221 = tpu.memref_slice %arg17[%dma_wait3A_219, %dma_wait3A_220] : memref<10112x128xf32, #tpu.memory_space<vmem_shared>> -> memref<10112x128xf32, #tpu.memory_space<vmem_shared>>
    tpu.wait_indirect_dma semaphore(%arg14 : memref<!tpu.dma_semaphore, #tpu.memory_space<semaphore_mem>>) src(%dma_wait3A_215 : memref<64x128xf32, #tpu.memory_space<vmem>>) dst(%dma_wait3A_221 : memref<10112x128xf32, #tpu.memory_space<vmem_shared>>)
    %dma_start3A_222 = arith.constant 0 : i32
    %dma_start3A_223 = arith.constant 4 : i32
    %dma_start3A_224 = arith.constant 0 : i32
    %dma_start3A_225 = tpu.memref_slice %arg7[%dma_start3A_222, %dma_start3A_223, %dma_start3A_224] : memref<2x8x128xi32, #tpu.memory_space<vmem>> -> memref<1x1x128xi32, #tpu.memory_space<vmem>>
    %dma_start3A_226 = tpu.memref_squeeze %dma_start3A_225 : memref<1x1x128xi32, #tpu.memory_space<vmem>> -> memref<128xi32, #tpu.memory_space<vmem>>
    %dma_start3A_227 = arith.constant 0 : i32
    %dma_start3A_228 = arith.constant 0 : i32
    %dma_start3A_229 = tpu.memref_slice %arg2[%dma_start3A_227, %dma_start3A_228] : memref<10000x128xf32, #tpu.memory_space<hbm>> -> memref<10000x128xf32, #tpu.memory_space<hbm>>
    tpu.enqueue_indirect_dma source(%dma_start3A_229 : memref<10000x128xf32, #tpu.memory_space<hbm>>) target(%arg9 : memref<128x128xf32, #tpu.memory_space<vmem>>) offsets(%dma_start3A_226 : memref<128xi32, #tpu.memory_space<vmem>>) semaphore(%arg11 : memref<!tpu.dma_semaphore, #tpu.memory_space<semaphore_mem>>)
    %dma_wait3A_230 = arith.constant 0 : i32
    %dma_wait3A_231 = arith.constant 10 : i32
    %dma_wait3A_232 = arith.constant 0 : i32
    %dma_wait3A_233 = arith.constant 0 : i32
    %dma_wait3A_234 = tpu.memref_slice %arg10[%dma_wait3A_232, %dma_wait3A_233] : memref<128x128xf32, #tpu.memory_space<vmem>> -> memref<64x128xf32, #tpu.memory_space<vmem>>
    %dma_wait3A_235 = arith.constant 0 : i32
    %dma_wait3A_236 = tpu.memref_slice %arg8[%dma_wait3A_230, %dma_wait3A_231, %dma_wait3A_235] : memref<2x16x64xi32, #tpu.memory_space<vmem>> -> memref<1x1x64xi32, #tpu.memory_space<vmem>>
    %dma_wait3A_237 = tpu.memref_squeeze %dma_wait3A_236 : memref<1x1x64xi32, #tpu.memory_space<vmem>> -> memref<64xi32, #tpu.memory_space<vmem>>
    %dma_wait3A_238 = arith.constant 0 : i32
    %dma_wait3A_239 = arith.constant 0 : i32
    %dma_wait3A_240 = tpu.memref_slice %arg17[%dma_wait3A_238, %dma_wait3A_239] : memref<10112x128xf32, #tpu.memory_space<vmem_shared>> -> memref<10112x128xf32, #tpu.memory_space<vmem_shared>>
    tpu.wait_indirect_dma semaphore(%arg15 : memref<!tpu.dma_semaphore, #tpu.memory_space<semaphore_mem>>) src(%dma_wait3A_234 : memref<64x128xf32, #tpu.memory_space<vmem>>) dst(%dma_wait3A_240 : memref<10112x128xf32, #tpu.memory_space<vmem_shared>>)
    %dma_wait3A_241 = arith.constant 0 : i32
    %dma_wait3A_242 = arith.constant 11 : i32
    %dma_wait3A_243 = arith.constant 64 : i32
    %dma_wait3A_244 = arith.constant 0 : i32
    %dma_wait3A_245 = tpu.memref_slice %arg10[%dma_wait3A_243, %dma_wait3A_244] : memref<128x128xf32, #tpu.memory_space<vmem>> -> memref<64x128xf32, #tpu.memory_space<vmem>>
    %dma_wait3A_246 = arith.constant 0 : i32
    %dma_wait3A_247 = tpu.memref_slice %arg8[%dma_wait3A_241, %dma_wait3A_242, %dma_wait3A_246] : memref<2x16x64xi32, #tpu.memory_space<vmem>> -> memref<1x1x64xi32, #tpu.memory_space<vmem>>
    %dma_wait3A_248 = tpu.memref_squeeze %dma_wait3A_247 : memref<1x1x64xi32, #tpu.memory_space<vmem>> -> memref<64xi32, #tpu.memory_space<vmem>>
    %dma_wait3A_249 = arith.constant 0 : i32
    %dma_wait3A_250 = arith.constant 0 : i32
    %dma_wait3A_251 = tpu.memref_slice %arg17[%dma_wait3A_249, %dma_wait3A_250] : memref<10112x128xf32, #tpu.memory_space<vmem_shared>> -> memref<10112x128xf32, #tpu.memory_space<vmem_shared>>
    tpu.wait_indirect_dma semaphore(%arg16 : memref<!tpu.dma_semaphore, #tpu.memory_space<semaphore_mem>>) src(%dma_wait3A_245 : memref<64x128xf32, #tpu.memory_space<vmem>>) dst(%dma_wait3A_251 : memref<10112x128xf32, #tpu.memory_space<vmem_shared>>)
    %dma_start3A_252 = arith.constant 0 : i32
    %dma_start3A_253 = arith.constant 5 : i32
    %dma_start3A_254 = arith.constant 0 : i32
    %dma_start3A_255 = tpu.memref_slice %arg7[%dma_start3A_252, %dma_start3A_253, %dma_start3A_254] : memref<2x8x128xi32, #tpu.memory_space<vmem>> -> memref<1x1x128xi32, #tpu.memory_space<vmem>>
    %dma_start3A_256 = tpu.memref_squeeze %dma_start3A_255 : memref<1x1x128xi32, #tpu.memory_space<vmem>> -> memref<128xi32, #tpu.memory_space<vmem>>
    %dma_start3A_257 = arith.constant 0 : i32
    %dma_start3A_258 = arith.constant 0 : i32
    %dma_start3A_259 = tpu.memref_slice %arg2[%dma_start3A_257, %dma_start3A_258] : memref<10000x128xf32, #tpu.memory_space<hbm>> -> memref<10000x128xf32, #tpu.memory_space<hbm>>
    tpu.enqueue_indirect_dma source(%dma_start3A_259 : memref<10000x128xf32, #tpu.memory_space<hbm>>) target(%arg10 : memref<128x128xf32, #tpu.memory_space<vmem>>) offsets(%dma_start3A_256 : memref<128xi32, #tpu.memory_space<vmem>>) semaphore(%arg12 : memref<!tpu.dma_semaphore, #tpu.memory_space<semaphore_mem>>)
    %dma_wait3A_260 = arith.constant 0 : i32
    %dma_wait3A_261 = arith.constant 4 : i32
    %dma_wait3A_262 = arith.constant 0 : i32
    %dma_wait3A_263 = tpu.memref_slice %arg7[%dma_wait3A_260, %dma_wait3A_261, %dma_wait3A_262] : memref<2x8x128xi32, #tpu.memory_space<vmem>> -> memref<1x1x128xi32, #tpu.memory_space<vmem>>
    %dma_wait3A_264 = tpu.memref_squeeze %dma_wait3A_263 : memref<1x1x128xi32, #tpu.memory_space<vmem>> -> memref<128xi32, #tpu.memory_space<vmem>>
    %dma_wait3A_265 = arith.constant 0 : i32
    %dma_wait3A_266 = arith.constant 0 : i32
    %dma_wait3A_267 = tpu.memref_slice %arg2[%dma_wait3A_265, %dma_wait3A_266] : memref<10000x128xf32, #tpu.memory_space<hbm>> -> memref<10000x128xf32, #tpu.memory_space<hbm>>
    tpu.wait_indirect_dma semaphore(%arg11 : memref<!tpu.dma_semaphore, #tpu.memory_space<semaphore_mem>>) src(%dma_wait3A_267 : memref<10000x128xf32, #tpu.memory_space<hbm>>) dst(%arg9 : memref<128x128xf32, #tpu.memory_space<vmem>>)
    %dma_start3A_268 = arith.constant 0 : i32
    %dma_start3A_269 = arith.constant 8 : i32
    %dma_start3A_270 = arith.constant 0 : i32
    %dma_start3A_271 = arith.constant 0 : i32
    %dma_start3A_272 = tpu.memref_slice %arg9[%dma_start3A_270, %dma_start3A_271] : memref<128x128xf32, #tpu.memory_space<vmem>> -> memref<64x128xf32, #tpu.memory_space<vmem>>
    %dma_start3A_273 = arith.constant 0 : i32
    %dma_start3A_274 = tpu.memref_slice %arg8[%dma_start3A_268, %dma_start3A_269, %dma_start3A_273] : memref<2x16x64xi32, #tpu.memory_space<vmem>> -> memref<1x1x64xi32, #tpu.memory_space<vmem>>
    %dma_start3A_275 = tpu.memref_squeeze %dma_start3A_274 : memref<1x1x64xi32, #tpu.memory_space<vmem>> -> memref<64xi32, #tpu.memory_space<vmem>>
    %dma_start3A_276 = arith.constant 0 : i32
    %dma_start3A_277 = arith.constant 0 : i32
    %dma_start3A_278 = tpu.memref_slice %arg17[%dma_start3A_276, %dma_start3A_277] : memref<10112x128xf32, #tpu.memory_space<vmem_shared>> -> memref<10112x128xf32, #tpu.memory_space<vmem_shared>>
    tpu.enqueue_indirect_dma source(%dma_start3A_272 : memref<64x128xf32, #tpu.memory_space<vmem>>) target(%dma_start3A_278 : memref<10112x128xf32, #tpu.memory_space<vmem_shared>>) offsets(%dma_start3A_275 : memref<64xi32, #tpu.memory_space<vmem>>) semaphore(%arg13 : memref<!tpu.dma_semaphore, #tpu.memory_space<semaphore_mem>>) {add = true}
    %dma_start3A_279 = arith.constant 0 : i32
    %dma_start3A_280 = arith.constant 9 : i32
    %dma_start3A_281 = arith.constant 64 : i32
    %dma_start3A_282 = arith.constant 0 : i32
    %dma_start3A_283 = tpu.memref_slice %arg9[%dma_start3A_281, %dma_start3A_282] : memref<128x128xf32, #tpu.memory_space<vmem>> -> memref<64x128xf32, #tpu.memory_space<vmem>>
    %dma_start3A_284 = arith.constant 0 : i32
    %dma_start3A_285 = tpu.memref_slice %arg8[%dma_start3A_279, %dma_start3A_280, %dma_start3A_284] : memref<2x16x64xi32, #tpu.memory_space<vmem>> -> memref<1x1x64xi32, #tpu.memory_space<vmem>>
    %dma_start3A_286 = tpu.memref_squeeze %dma_start3A_285 : memref<1x1x64xi32, #tpu.memory_space<vmem>> -> memref<64xi32, #tpu.memory_space<vmem>>
    %dma_start3A_287 = arith.constant 0 : i32
    %dma_start3A_288 = arith.constant 0 : i32
    %dma_start3A_289 = tpu.memref_slice %arg17[%dma_start3A_287, %dma_start3A_288] : memref<10112x128xf32, #tpu.memory_space<vmem_shared>> -> memref<10112x128xf32, #tpu.memory_space<vmem_shared>>
    tpu.enqueue_indirect_dma source(%dma_start3A_283 : memref<64x128xf32, #tpu.memory_space<vmem>>) target(%dma_start3A_289 : memref<10112x128xf32, #tpu.memory_space<vmem_shared>>) offsets(%dma_start3A_286 : memref<64xi32, #tpu.memory_space<vmem>>) semaphore(%arg14 : memref<!tpu.dma_semaphore, #tpu.memory_space<semaphore_mem>>) {add = true}
    %dma_wait3A_290 = arith.constant 0 : i32
    %dma_wait3A_291 = arith.constant 5 : i32
    %dma_wait3A_292 = arith.constant 0 : i32
    %dma_wait3A_293 = tpu.memref_slice %arg7[%dma_wait3A_290, %dma_wait3A_291, %dma_wait3A_292] : memref<2x8x128xi32, #tpu.memory_space<vmem>> -> memref<1x1x128xi32, #tpu.memory_space<vmem>>
    %dma_wait3A_294 = tpu.memref_squeeze %dma_wait3A_293 : memref<1x1x128xi32, #tpu.memory_space<vmem>> -> memref<128xi32, #tpu.memory_space<vmem>>
    %dma_wait3A_295 = arith.constant 0 : i32
    %dma_wait3A_296 = arith.constant 0 : i32
    %dma_wait3A_297 = tpu.memref_slice %arg2[%dma_wait3A_295, %dma_wait3A_296] : memref<10000x128xf32, #tpu.memory_space<hbm>> -> memref<10000x128xf32, #tpu.memory_space<hbm>>
    tpu.wait_indirect_dma semaphore(%arg12 : memref<!tpu.dma_semaphore, #tpu.memory_space<semaphore_mem>>) src(%dma_wait3A_297 : memref<10000x128xf32, #tpu.memory_space<hbm>>) dst(%arg10 : memref<128x128xf32, #tpu.memory_space<vmem>>)
    %dma_start3A_298 = arith.constant 0 : i32
    %dma_start3A_299 = arith.constant 10 : i32
    %dma_start3A_300 = arith.constant 0 : i32
    %dma_start3A_301 = arith.constant 0 : i32
    %dma_start3A_302 = tpu.memref_slice %arg10[%dma_start3A_300, %dma_start3A_301] : memref<128x128xf32, #tpu.memory_space<vmem>> -> memref<64x128xf32, #tpu.memory_space<vmem>>
    %dma_start3A_303 = arith.constant 0 : i32
    %dma_start3A_304 = tpu.memref_slice %arg8[%dma_start3A_298, %dma_start3A_299, %dma_start3A_303] : memref<2x16x64xi32, #tpu.memory_space<vmem>> -> memref<1x1x64xi32, #tpu.memory_space<vmem>>
    %dma_start3A_305 = tpu.memref_squeeze %dma_start3A_304 : memref<1x1x64xi32, #tpu.memory_space<vmem>> -> memref<64xi32, #tpu.memory_space<vmem>>
    %dma_start3A_306 = arith.constant 0 : i32
    %dma_start3A_307 = arith.constant 0 : i32
    %dma_start3A_308 = tpu.memref_slice %arg17[%dma_start3A_306, %dma_start3A_307] : memref<10112x128xf32, #tpu.memory_space<vmem_shared>> -> memref<10112x128xf32, #tpu.memory_space<vmem_shared>>
    tpu.enqueue_indirect_dma source(%dma_start3A_302 : memref<64x128xf32, #tpu.memory_space<vmem>>) target(%dma_start3A_308 : memref<10112x128xf32, #tpu.memory_space<vmem_shared>>) offsets(%dma_start3A_305 : memref<64xi32, #tpu.memory_space<vmem>>) semaphore(%arg15 : memref<!tpu.dma_semaphore, #tpu.memory_space<semaphore_mem>>) {add = true}
    %dma_start3A_309 = arith.constant 0 : i32
    %dma_start3A_310 = arith.constant 11 : i32
    %dma_start3A_311 = arith.constant 64 : i32
    %dma_start3A_312 = arith.constant 0 : i32
    %dma_start3A_313 = tpu.memref_slice %arg10[%dma_start3A_311, %dma_start3A_312] : memref<128x128xf32, #tpu.memory_space<vmem>> -> memref<64x128xf32, #tpu.memory_space<vmem>>
    %dma_start3A_314 = arith.constant 0 : i32
    %dma_start3A_315 = tpu.memref_slice %arg8[%dma_start3A_309, %dma_start3A_310, %dma_start3A_314] : memref<2x16x64xi32, #tpu.memory_space<vmem>> -> memref<1x1x64xi32, #tpu.memory_space<vmem>>
    %dma_start3A_316 = tpu.memref_squeeze %dma_start3A_315 : memref<1x1x64xi32, #tpu.memory_space<vmem>> -> memref<64xi32, #tpu.memory_space<vmem>>
    %dma_start3A_317 = arith.constant 0 : i32
    %dma_start3A_318 = arith.constant 0 : i32
    %dma_start3A_319 = tpu.memref_slice %arg17[%dma_start3A_317, %dma_start3A_318] : memref<10112x128xf32, #tpu.memory_space<vmem_shared>> -> memref<10112x128xf32, #tpu.memory_space<vmem_shared>>
    tpu.enqueue_indirect_dma source(%dma_start3A_313 : memref<64x128xf32, #tpu.memory_space<vmem>>) target(%dma_start3A_319 : memref<10112x128xf32, #tpu.memory_space<vmem_shared>>) offsets(%dma_start3A_316 : memref<64xi32, #tpu.memory_space<vmem>>) semaphore(%arg16 : memref<!tpu.dma_semaphore, #tpu.memory_space<semaphore_mem>>) {add = true}
    %dma_wait3A_320 = arith.constant 0 : i32
    %dma_wait3A_321 = arith.constant 12 : i32
    %dma_wait3A_322 = arith.constant 0 : i32
    %dma_wait3A_323 = arith.constant 0 : i32
    %dma_wait3A_324 = tpu.memref_slice %arg9[%dma_wait3A_322, %dma_wait3A_323] : memref<128x128xf32, #tpu.memory_space<vmem>> -> memref<64x128xf32, #tpu.memory_space<vmem>>
    %dma_wait3A_325 = arith.constant 0 : i32
    %dma_wait3A_326 = tpu.memref_slice %arg8[%dma_wait3A_320, %dma_wait3A_321, %dma_wait3A_325] : memref<2x16x64xi32, #tpu.memory_space<vmem>> -> memref<1x1x64xi32, #tpu.memory_space<vmem>>
    %dma_wait3A_327 = tpu.memref_squeeze %dma_wait3A_326 : memref<1x1x64xi32, #tpu.memory_space<vmem>> -> memref<64xi32, #tpu.memory_space<vmem>>
    %dma_wait3A_328 = arith.constant 0 : i32
    %dma_wait3A_329 = arith.constant 0 : i32
    %dma_wait3A_330 = tpu.memref_slice %arg17[%dma_wait3A_328, %dma_wait3A_329] : memref<10112x128xf32, #tpu.memory_space<vmem_shared>> -> memref<10112x128xf32, #tpu.memory_space<vmem_shared>>
    tpu.wait_indirect_dma semaphore(%arg13 : memref<!tpu.dma_semaphore, #tpu.memory_space<semaphore_mem>>) src(%dma_wait3A_324 : memref<64x128xf32, #tpu.memory_space<vmem>>) dst(%dma_wait3A_330 : memref<10112x128xf32, #tpu.memory_space<vmem_shared>>)
    %dma_wait3A_331 = arith.constant 0 : i32
    %dma_wait3A_332 = arith.constant 13 : i32
    %dma_wait3A_333 = arith.constant 64 : i32
    %dma_wait3A_334 = arith.constant 0 : i32
    %dma_wait3A_335 = tpu.memref_slice %arg9[%dma_wait3A_333, %dma_wait3A_334] : memref<128x128xf32, #tpu.memory_space<vmem>> -> memref<64x128xf32, #tpu.memory_space<vmem>>
    %dma_wait3A_336 = arith.constant 0 : i32
    %dma_wait3A_337 = tpu.memref_slice %arg8[%dma_wait3A_331, %dma_wait3A_332, %dma_wait3A_336] : memref<2x16x64xi32, #tpu.memory_space<vmem>> -> memref<1x1x64xi32, #tpu.memory_space<vmem>>
    %dma_wait3A_338 = tpu.memref_squeeze %dma_wait3A_337 : memref<1x1x64xi32, #tpu.memory_space<vmem>> -> memref<64xi32, #tpu.memory_space<vmem>>
    %dma_wait3A_339 = arith.constant 0 : i32
    %dma_wait3A_340 = arith.constant 0 : i32
    %dma_wait3A_341 = tpu.memref_slice %arg17[%dma_wait3A_339, %dma_wait3A_340] : memref<10112x128xf32, #tpu.memory_space<vmem_shared>> -> memref<10112x128xf32, #tpu.memory_space<vmem_shared>>
    tpu.wait_indirect_dma semaphore(%arg14 : memref<!tpu.dma_semaphore, #tpu.memory_space<semaphore_mem>>) src(%dma_wait3A_335 : memref<64x128xf32, #tpu.memory_space<vmem>>) dst(%dma_wait3A_341 : memref<10112x128xf32, #tpu.memory_space<vmem_shared>>)
    %dma_start3A_342 = arith.constant 0 : i32
    %dma_start3A_343 = arith.constant 6 : i32
    %dma_start3A_344 = arith.constant 0 : i32
    %dma_start3A_345 = tpu.memref_slice %arg7[%dma_start3A_342, %dma_start3A_343, %dma_start3A_344] : memref<2x8x128xi32, #tpu.memory_space<vmem>> -> memref<1x1x128xi32, #tpu.memory_space<vmem>>
    %dma_start3A_346 = tpu.memref_squeeze %dma_start3A_345 : memref<1x1x128xi32, #tpu.memory_space<vmem>> -> memref<128xi32, #tpu.memory_space<vmem>>
    %dma_start3A_347 = arith.constant 0 : i32
    %dma_start3A_348 = arith.constant 0 : i32
    %dma_start3A_349 = tpu.memref_slice %arg2[%dma_start3A_347, %dma_start3A_348] : memref<10000x128xf32, #tpu.memory_space<hbm>> -> memref<10000x128xf32, #tpu.memory_space<hbm>>
    tpu.enqueue_indirect_dma source(%dma_start3A_349 : memref<10000x128xf32, #tpu.memory_space<hbm>>) target(%arg9 : memref<128x128xf32, #tpu.memory_space<vmem>>) offsets(%dma_start3A_346 : memref<128xi32, #tpu.memory_space<vmem>>) semaphore(%arg11 : memref<!tpu.dma_semaphore, #tpu.memory_space<semaphore_mem>>)
    %dma_wait3A_350 = arith.constant 0 : i32
    %dma_wait3A_351 = arith.constant 14 : i32
    %dma_wait3A_352 = arith.constant 0 : i32
    %dma_wait3A_353 = arith.constant 0 : i32
    %dma_wait3A_354 = tpu.memref_slice %arg10[%dma_wait3A_352, %dma_wait3A_353] : memref<128x128xf32, #tpu.memory_space<vmem>> -> memref<64x128xf32, #tpu.memory_space<vmem>>
    %dma_wait3A_355 = arith.constant 0 : i32
    %dma_wait3A_356 = tpu.memref_slice %arg8[%dma_wait3A_350, %dma_wait3A_351, %dma_wait3A_355] : memref<2x16x64xi32, #tpu.memory_space<vmem>> -> memref<1x1x64xi32, #tpu.memory_space<vmem>>
    %dma_wait3A_357 = tpu.memref_squeeze %dma_wait3A_356 : memref<1x1x64xi32, #tpu.memory_space<vmem>> -> memref<64xi32, #tpu.memory_space<vmem>>
    %dma_wait3A_358 = arith.constant 0 : i32
    %dma_wait3A_359 = arith.constant 0 : i32
    %dma_wait3A_360 = tpu.memref_slice %arg17[%dma_wait3A_358, %dma_wait3A_359] : memref<10112x128xf32, #tpu.memory_space<vmem_shared>> -> memref<10112x128xf32, #tpu.memory_space<vmem_shared>>
    tpu.wait_indirect_dma semaphore(%arg15 : memref<!tpu.dma_semaphore, #tpu.memory_space<semaphore_mem>>) src(%dma_wait3A_354 : memref<64x128xf32, #tpu.memory_space<vmem>>) dst(%dma_wait3A_360 : memref<10112x128xf32, #tpu.memory_space<vmem_shared>>)
    %dma_wait3A_361 = arith.constant 0 : i32
    %dma_wait3A_362 = arith.constant 15 : i32
    %dma_wait3A_363 = arith.constant 64 : i32
    %dma_wait3A_364 = arith.constant 0 : i32
    %dma_wait3A_365 = tpu.memref_slice %arg10[%dma_wait3A_363, %dma_wait3A_364] : memref<128x128xf32, #tpu.memory_space<vmem>> -> memref<64x128xf32, #tpu.memory_space<vmem>>
    %dma_wait3A_366 = arith.constant 0 : i32
    %dma_wait3A_367 = tpu.memref_slice %arg8[%dma_wait3A_361, %dma_wait3A_362, %dma_wait3A_366] : memref<2x16x64xi32, #tpu.memory_space<vmem>> -> memref<1x1x64xi32, #tpu.memory_space<vmem>>
    %dma_wait3A_368 = tpu.memref_squeeze %dma_wait3A_367 : memref<1x1x64xi32, #tpu.memory_space<vmem>> -> memref<64xi32, #tpu.memory_space<vmem>>
    %dma_wait3A_369 = arith.constant 0 : i32
    %dma_wait3A_370 = arith.constant 0 : i32
    %dma_wait3A_371 = tpu.memref_slice %arg17[%dma_wait3A_369, %dma_wait3A_370] : memref<10112x128xf32, #tpu.memory_space<vmem_shared>> -> memref<10112x128xf32, #tpu.memory_space<vmem_shared>>
    tpu.wait_indirect_dma semaphore(%arg16 : memref<!tpu.dma_semaphore, #tpu.memory_space<semaphore_mem>>) src(%dma_wait3A_365 : memref<64x128xf32, #tpu.memory_space<vmem>>) dst(%dma_wait3A_371 : memref<10112x128xf32, #tpu.memory_space<vmem_shared>>)
    %dma_start3A_372 = arith.constant 0 : i32
    %dma_start3A_373 = arith.constant 7 : i32
    %dma_start3A_374 = arith.constant 0 : i32
    %dma_start3A_375 = tpu.memref_slice %arg7[%dma_start3A_372, %dma_start3A_373, %dma_start3A_374] : memref<2x8x128xi32, #tpu.memory_space<vmem>> -> memref<1x1x128xi32, #tpu.memory_space<vmem>>
    %dma_start3A_376 = tpu.memref_squeeze %dma_start3A_375 : memref<1x1x128xi32, #tpu.memory_space<vmem>> -> memref<128xi32, #tpu.memory_space<vmem>>
    %dma_start3A_377 = arith.constant 0 : i32
    %dma_start3A_378 = arith.constant 0 : i32
    %dma_start3A_379 = tpu.memref_slice %arg2[%dma_start3A_377, %dma_start3A_378] : memref<10000x128xf32, #tpu.memory_space<hbm>> -> memref<10000x128xf32, #tpu.memory_space<hbm>>
    tpu.enqueue_indirect_dma source(%dma_start3A_379 : memref<10000x128xf32, #tpu.memory_space<hbm>>) target(%arg10 : memref<128x128xf32, #tpu.memory_space<vmem>>) offsets(%dma_start3A_376 : memref<128xi32, #tpu.memory_space<vmem>>) semaphore(%arg12 : memref<!tpu.dma_semaphore, #tpu.memory_space<semaphore_mem>>)
    %dma_wait3A_380 = arith.constant 0 : i32
    %dma_wait3A_381 = arith.constant 6 : i32
    %dma_wait3A_382 = arith.constant 0 : i32
    %dma_wait3A_383 = tpu.memref_slice %arg7[%dma_wait3A_380, %dma_wait3A_381, %dma_wait3A_382] : memref<2x8x128xi32, #tpu.memory_space<vmem>> -> memref<1x1x128xi32, #tpu.memory_space<vmem>>
    %dma_wait3A_384 = tpu.memref_squeeze %dma_wait3A_383 : memref<1x1x128xi32, #tpu.memory_space<vmem>> -> memref<128xi32, #tpu.memory_space<vmem>>
    %dma_wait3A_385 = arith.constant 0 : i32
    %dma_wait3A_386 = arith.constant 0 : i32
    %dma_wait3A_387 = tpu.memref_slice %arg2[%dma_wait3A_385, %dma_wait3A_386] : memref<10000x128xf32, #tpu.memory_space<hbm>> -> memref<10000x128xf32, #tpu.memory_space<hbm>>
    tpu.wait_indirect_dma semaphore(%arg11 : memref<!tpu.dma_semaphore, #tpu.memory_space<semaphore_mem>>) src(%dma_wait3A_387 : memref<10000x128xf32, #tpu.memory_space<hbm>>) dst(%arg9 : memref<128x128xf32, #tpu.memory_space<vmem>>)
    %dma_start3A_388 = arith.constant 0 : i32
    %dma_start3A_389 = arith.constant 12 : i32
    %dma_start3A_390 = arith.constant 0 : i32
    %dma_start3A_391 = arith.constant 0 : i32
    %dma_start3A_392 = tpu.memref_slice %arg9[%dma_start3A_390, %dma_start3A_391] : memref<128x128xf32, #tpu.memory_space<vmem>> -> memref<64x128xf32, #tpu.memory_space<vmem>>
    %dma_start3A_393 = arith.constant 0 : i32
    %dma_start3A_394 = tpu.memref_slice %arg8[%dma_start3A_388, %dma_start3A_389, %dma_start3A_393] : memref<2x16x64xi32, #tpu.memory_space<vmem>> -> memref<1x1x64xi32, #tpu.memory_space<vmem>>
    %dma_start3A_395 = tpu.memref_squeeze %dma_start3A_394 : memref<1x1x64xi32, #tpu.memory_space<vmem>> -> memref<64xi32, #tpu.memory_space<vmem>>
    %dma_start3A_396 = arith.constant 0 : i32
    %dma_start3A_397 = arith.constant 0 : i32
    %dma_start3A_398 = tpu.memref_slice %arg17[%dma_start3A_396, %dma_start3A_397] : memref<10112x128xf32, #tpu.memory_space<vmem_shared>> -> memref<10112x128xf32, #tpu.memory_space<vmem_shared>>
    tpu.enqueue_indirect_dma source(%dma_start3A_392 : memref<64x128xf32, #tpu.memory_space<vmem>>) target(%dma_start3A_398 : memref<10112x128xf32, #tpu.memory_space<vmem_shared>>) offsets(%dma_start3A_395 : memref<64xi32, #tpu.memory_space<vmem>>) semaphore(%arg13 : memref<!tpu.dma_semaphore, #tpu.memory_space<semaphore_mem>>) {add = true}
    %dma_start3A_399 = arith.constant 0 : i32
    %dma_start3A_400 = arith.constant 13 : i32
    %dma_start3A_401 = arith.constant 64 : i32
    %dma_start3A_402 = arith.constant 0 : i32
    %dma_start3A_403 = tpu.memref_slice %arg9[%dma_start3A_401, %dma_start3A_402] : memref<128x128xf32, #tpu.memory_space<vmem>> -> memref<64x128xf32, #tpu.memory_space<vmem>>
    %dma_start3A_404 = arith.constant 0 : i32
    %dma_start3A_405 = tpu.memref_slice %arg8[%dma_start3A_399, %dma_start3A_400, %dma_start3A_404] : memref<2x16x64xi32, #tpu.memory_space<vmem>> -> memref<1x1x64xi32, #tpu.memory_space<vmem>>
    %dma_start3A_406 = tpu.memref_squeeze %dma_start3A_405 : memref<1x1x64xi32, #tpu.memory_space<vmem>> -> memref<64xi32, #tpu.memory_space<vmem>>
    %dma_start3A_407 = arith.constant 0 : i32
    %dma_start3A_408 = arith.constant 0 : i32
    %dma_start3A_409 = tpu.memref_slice %arg17[%dma_start3A_407, %dma_start3A_408] : memref<10112x128xf32, #tpu.memory_space<vmem_shared>> -> memref<10112x128xf32, #tpu.memory_space<vmem_shared>>
    tpu.enqueue_indirect_dma source(%dma_start3A_403 : memref<64x128xf32, #tpu.memory_space<vmem>>) target(%dma_start3A_409 : memref<10112x128xf32, #tpu.memory_space<vmem_shared>>) offsets(%dma_start3A_406 : memref<64xi32, #tpu.memory_space<vmem>>) semaphore(%arg14 : memref<!tpu.dma_semaphore, #tpu.memory_space<semaphore_mem>>) {add = true}
    %dma_wait3A_410 = arith.constant 0 : i32
    %dma_wait3A_411 = arith.constant 7 : i32
    %dma_wait3A_412 = arith.constant 0 : i32
    %dma_wait3A_413 = tpu.memref_slice %arg7[%dma_wait3A_410, %dma_wait3A_411, %dma_wait3A_412] : memref<2x8x128xi32, #tpu.memory_space<vmem>> -> memref<1x1x128xi32, #tpu.memory_space<vmem>>
    %dma_wait3A_414 = tpu.memref_squeeze %dma_wait3A_413 : memref<1x1x128xi32, #tpu.memory_space<vmem>> -> memref<128xi32, #tpu.memory_space<vmem>>
    %dma_wait3A_415 = arith.constant 0 : i32
    %dma_wait3A_416 = arith.constant 0 : i32
    %dma_wait3A_417 = tpu.memref_slice %arg2[%dma_wait3A_415, %dma_wait3A_416] : memref<10000x128xf32, #tpu.memory_space<hbm>> -> memref<10000x128xf32, #tpu.memory_space<hbm>>
    tpu.wait_indirect_dma semaphore(%arg12 : memref<!tpu.dma_semaphore, #tpu.memory_space<semaphore_mem>>) src(%dma_wait3A_417 : memref<10000x128xf32, #tpu.memory_space<hbm>>) dst(%arg10 : memref<128x128xf32, #tpu.memory_space<vmem>>)
    %dma_start3A_418 = arith.constant 0 : i32
    %dma_start3A_419 = arith.constant 14 : i32
    %dma_start3A_420 = arith.constant 0 : i32
    %dma_start3A_421 = arith.constant 0 : i32
    %dma_start3A_422 = tpu.memref_slice %arg10[%dma_start3A_420, %dma_start3A_421] : memref<128x128xf32, #tpu.memory_space<vmem>> -> memref<64x128xf32, #tpu.memory_space<vmem>>
    %dma_start3A_423 = arith.constant 0 : i32
    %dma_start3A_424 = tpu.memref_slice %arg8[%dma_start3A_418, %dma_start3A_419, %dma_start3A_423] : memref<2x16x64xi32, #tpu.memory_space<vmem>> -> memref<1x1x64xi32, #tpu.memory_space<vmem>>
    %dma_start3A_425 = tpu.memref_squeeze %dma_start3A_424 : memref<1x1x64xi32, #tpu.memory_space<vmem>> -> memref<64xi32, #tpu.memory_space<vmem>>
    %dma_start3A_426 = arith.constant 0 : i32
    %dma_start3A_427 = arith.constant 0 : i32
    %dma_start3A_428 = tpu.memref_slice %arg17[%dma_start3A_426, %dma_start3A_427] : memref<10112x128xf32, #tpu.memory_space<vmem_shared>> -> memref<10112x128xf32, #tpu.memory_space<vmem_shared>>
    tpu.enqueue_indirect_dma source(%dma_start3A_422 : memref<64x128xf32, #tpu.memory_space<vmem>>) target(%dma_start3A_428 : memref<10112x128xf32, #tpu.memory_space<vmem_shared>>) offsets(%dma_start3A_425 : memref<64xi32, #tpu.memory_space<vmem>>) semaphore(%arg15 : memref<!tpu.dma_semaphore, #tpu.memory_space<semaphore_mem>>) {add = true}
    %dma_start3A_429 = arith.constant 0 : i32
    %dma_start3A_430 = arith.constant 15 : i32
    %dma_start3A_431 = arith.constant 64 : i32
    %dma_start3A_432 = arith.constant 0 : i32
    %dma_start3A_433 = tpu.memref_slice %arg10[%dma_start3A_431, %dma_start3A_432] : memref<128x128xf32, #tpu.memory_space<vmem>> -> memref<64x128xf32, #tpu.memory_space<vmem>>
    %dma_start3A_434 = arith.constant 0 : i32
    %dma_start3A_435 = tpu.memref_slice %arg8[%dma_start3A_429, %dma_start3A_430, %dma_start3A_434] : memref<2x16x64xi32, #tpu.memory_space<vmem>> -> memref<1x1x64xi32, #tpu.memory_space<vmem>>
    %dma_start3A_436 = tpu.memref_squeeze %dma_start3A_435 : memref<1x1x64xi32, #tpu.memory_space<vmem>> -> memref<64xi32, #tpu.memory_space<vmem>>
    %dma_start3A_437 = arith.constant 0 : i32
    %dma_start3A_438 = arith.constant 0 : i32
    %dma_start3A_439 = tpu.memref_slice %arg17[%dma_start3A_437, %dma_start3A_438] : memref<10112x128xf32, #tpu.memory_space<vmem_shared>> -> memref<10112x128xf32, #tpu.memory_space<vmem_shared>>
    tpu.enqueue_indirect_dma source(%dma_start3A_433 : memref<64x128xf32, #tpu.memory_space<vmem>>) target(%dma_start3A_439 : memref<10112x128xf32, #tpu.memory_space<vmem_shared>>) offsets(%dma_start3A_436 : memref<64xi32, #tpu.memory_space<vmem>>) semaphore(%arg16 : memref<!tpu.dma_semaphore, #tpu.memory_space<semaphore_mem>>) {add = true}
    %scan3A = arith.constant 0 : i32
    %scan3A_440 = arith.constant 1 : i32
    %scan3A_441 = arith.constant 9 : i32
    %scan3A_442 = arith.addi %scan3A_440, %scan3A_441 : i32
    %scan3A_443 = arith.constant 1 : i32
    scf.for %scan3A_490 = %scan3A_440 to %scan3A_442 step %scan3A_443  : i32 {
      %jit3A = arith.constant 2 : i32
      %eq3A = arith.constant 0 : i32
      %eq3A_491 = arith.cmpi eq, %jit3A, %eq3A : i32
      %jit3A_492 = arith.constant 1 : i32
      %select_n3A = arith.select %eq3A_491, %jit3A_492, %jit3A : i32
      %rem3A = arith.remsi %scan3A_490, %select_n3A : i32
      %ne3A = arith.constant 0 : i32
      %ne3A_493 = arith.cmpi ne, %rem3A, %ne3A : i32
      %lt3A = arith.constant 0 : i32
      %lt3A_494 = arith.cmpi slt, %rem3A, %lt3A : i32
      %lt3A_495 = arith.constant 0 : i32
      %lt3A_496 = arith.cmpi slt, %select_n3A, %lt3A_495 : i32
      %ne3A_497 = arith.xori %lt3A_494, %lt3A_496 : i1
      %and3A = arith.andi %ne3A_497, %ne3A_493 : i1
      %add3A_498 = arith.addi %rem3A, %select_n3A : i32
      %select_n3A_499 = arith.select %and3A, %add3A_498, %rem3A : i32
      "tpu.region"() ({
        %run_scoped3A_932 = tpu.sem_alloc : memref<!tpu.dma_semaphore, #tpu.memory_space<semaphore_mem>>
        %dma_start3A_933 = arith.constant 0 : i32
        %dma_start3A_934 = arith.constant 0 : i32
        %dma_start3A_935 = tpu.memref_slice %arg7[%select_n3A_499, %dma_start3A_933, %dma_start3A_934] : memref<2x8x128xi32, #tpu.memory_space<vmem>> -> memref<1x8x128xi32, #tpu.memory_space<vmem>>
        %dma_start3A_936 = tpu.memref_squeeze %dma_start3A_935 : memref<1x8x128xi32, #tpu.memory_space<vmem>> -> memref<8x128xi32, #tpu.memory_space<vmem>>
        %dma_start3A_937 = arith.constant 0 : i32
        %dma_start3A_938 = arith.constant 0 : i32
        %dma_start3A_939 = tpu.memref_slice %arg3[%add3A, %scan3A_490, %dma_start3A_937, %dma_start3A_938] : memref<32x10x8x128xi32, #tpu.memory_space<hbm>> -> memref<1x1x8x128xi32, #tpu.memory_space<hbm>>
        %dma_start3A_940 = tpu.memref_squeeze %dma_start3A_939 : memref<1x1x8x128xi32, #tpu.memory_space<hbm>> -> memref<8x128xi32, #tpu.memory_space<hbm>>
        %dma_start3A_941 = arith.constant 0 : i32
        %dma_start3A_942 = arith.constant 0 : i32
        %dma_start3A_943 = tpu.memref_slice %arg7[%select_n3A_499, %dma_start3A_941, %dma_start3A_942] : memref<2x8x128xi32, #tpu.memory_space<vmem>> -> memref<1x8x128xi32, #tpu.memory_space<vmem>>
        %dma_start3A_944 = tpu.memref_squeeze %dma_start3A_943 : memref<1x8x128xi32, #tpu.memory_space<vmem>> -> memref<8x128xi32, #tpu.memory_space<vmem>>
        %dma_start3A_945 = arith.constant 0 : i32
        %dma_start3A_946 = arith.constant 0 : i32
        %dma_start3A_947 = tpu.memref_slice %arg3[%add3A, %scan3A_490, %dma_start3A_945, %dma_start3A_946] : memref<32x10x8x128xi32, #tpu.memory_space<hbm>> -> memref<1x1x8x128xi32, #tpu.memory_space<hbm>>
        %dma_start3A_948 = tpu.memref_squeeze %dma_start3A_947 : memref<1x1x8x128xi32, #tpu.memory_space<hbm>> -> memref<8x128xi32, #tpu.memory_space<hbm>>
        tpu.enqueue_dma source(%dma_start3A_948 : memref<8x128xi32, #tpu.memory_space<hbm>>) target(%dma_start3A_944 : memref<8x128xi32, #tpu.memory_space<vmem>>) target_semaphore(%run_scoped3A_932 : memref<!tpu.dma_semaphore, #tpu.memory_space<semaphore_mem>>)
        %dma_wait3A_949 = arith.constant 0 : i32
        %dma_wait3A_950 = arith.constant 0 : i32
        %dma_wait3A_951 = tpu.memref_slice %arg7[%select_n3A_499, %dma_wait3A_949, %dma_wait3A_950] : memref<2x8x128xi32, #tpu.memory_space<vmem>> -> memref<1x8x128xi32, #tpu.memory_space<vmem>>
        %dma_wait3A_952 = tpu.memref_squeeze %dma_wait3A_951 : memref<1x8x128xi32, #tpu.memory_space<vmem>> -> memref<8x128xi32, #tpu.memory_space<vmem>>
        %dma_wait3A_953 = arith.constant 0 : i32
        %dma_wait3A_954 = arith.constant 0 : i32
        %dma_wait3A_955 = tpu.memref_slice %arg3[%add3A, %scan3A_490, %dma_wait3A_953, %dma_wait3A_954] : memref<32x10x8x128xi32, #tpu.memory_space<hbm>> -> memref<1x1x8x128xi32, #tpu.memory_space<hbm>>
        %dma_wait3A_956 = tpu.memref_squeeze %dma_wait3A_955 : memref<1x1x8x128xi32, #tpu.memory_space<hbm>> -> memref<8x128xi32, #tpu.memory_space<hbm>>
        %dma_wait3A_957 = arith.constant 0 : i32
        %dma_wait3A_958 = arith.constant 0 : i32
        %dma_wait3A_959 = tpu.memref_slice %arg7[%select_n3A_499, %dma_wait3A_957, %dma_wait3A_958] : memref<2x8x128xi32, #tpu.memory_space<vmem>> -> memref<1x8x128xi32, #tpu.memory_space<vmem>>
        %dma_wait3A_960 = tpu.memref_squeeze %dma_wait3A_959 : memref<1x8x128xi32, #tpu.memory_space<vmem>> -> memref<8x128xi32, #tpu.memory_space<vmem>>
        %dma_wait3A_961 = arith.constant 0 : i32
        %dma_wait3A_962 = arith.constant 0 : i32
        %dma_wait3A_963 = tpu.memref_slice %arg3[%add3A, %scan3A_490, %dma_wait3A_961, %dma_wait3A_962] : memref<32x10x8x128xi32, #tpu.memory_space<hbm>> -> memref<1x1x8x128xi32, #tpu.memory_space<hbm>>
        %dma_wait3A_964 = tpu.memref_squeeze %dma_wait3A_963 : memref<1x1x8x128xi32, #tpu.memory_space<hbm>> -> memref<8x128xi32, #tpu.memory_space<hbm>>
        tpu.wait_dma2 semaphore(%run_scoped3A_932 : memref<!tpu.dma_semaphore, #tpu.memory_space<semaphore_mem>>) src(%dma_wait3A_964 : memref<8x128xi32, #tpu.memory_space<hbm>>) dst(%dma_wait3A_960 : memref<8x128xi32, #tpu.memory_space<vmem>>)
        tpu.yield
      }) : () -> ()
      "tpu.region"() ({
        %run_scoped3A_932 = tpu.sem_alloc : memref<!tpu.dma_semaphore, #tpu.memory_space<semaphore_mem>>
        %dma_start3A_933 = arith.constant 0 : i32
        %dma_start3A_934 = arith.constant 0 : i32
        %dma_start3A_935 = tpu.memref_slice %arg8[%select_n3A_499, %dma_start3A_933, %dma_start3A_934] : memref<2x16x64xi32, #tpu.memory_space<vmem>> -> memref<1x16x64xi32, #tpu.memory_space<vmem>>
        %dma_start3A_936 = tpu.memref_squeeze %dma_start3A_935 : memref<1x16x64xi32, #tpu.memory_space<vmem>> -> memref<16x64xi32, #tpu.memory_space<vmem>>
        %dma_start3A_937 = arith.constant 0 : i32
        %dma_start3A_938 = arith.constant 0 : i32
        %dma_start3A_939 = tpu.memref_slice %arg4[%add3A, %scan3A_490, %dma_start3A_937, %dma_start3A_938] : memref<32x10x16x64xi32, #tpu.memory_space<hbm>> -> memref<1x1x16x64xi32, #tpu.memory_space<hbm>>
        %dma_start3A_940 = tpu.memref_squeeze %dma_start3A_939 : memref<1x1x16x64xi32, #tpu.memory_space<hbm>> -> memref<16x64xi32, #tpu.memory_space<hbm>>
        %dma_start3A_941 = arith.constant 0 : i32
        %dma_start3A_942 = arith.constant 0 : i32
        %dma_start3A_943 = tpu.memref_slice %arg8[%select_n3A_499, %dma_start3A_941, %dma_start3A_942] : memref<2x16x64xi32, #tpu.memory_space<vmem>> -> memref<1x16x64xi32, #tpu.memory_space<vmem>>
        %dma_start3A_944 = tpu.memref_squeeze %dma_start3A_943 : memref<1x16x64xi32, #tpu.memory_space<vmem>> -> memref<16x64xi32, #tpu.memory_space<vmem>>
        %dma_start3A_945 = arith.constant 0 : i32
        %dma_start3A_946 = arith.constant 0 : i32
        %dma_start3A_947 = tpu.memref_slice %arg4[%add3A, %scan3A_490, %dma_start3A_945, %dma_start3A_946] : memref<32x10x16x64xi32, #tpu.memory_space<hbm>> -> memref<1x1x16x64xi32, #tpu.memory_space<hbm>>
        %dma_start3A_948 = tpu.memref_squeeze %dma_start3A_947 : memref<1x1x16x64xi32, #tpu.memory_space<hbm>> -> memref<16x64xi32, #tpu.memory_space<hbm>>
        tpu.enqueue_dma source(%dma_start3A_948 : memref<16x64xi32, #tpu.memory_space<hbm>>) target(%dma_start3A_944 : memref<16x64xi32, #tpu.memory_space<vmem>>) target_semaphore(%run_scoped3A_932 : memref<!tpu.dma_semaphore, #tpu.memory_space<semaphore_mem>>)
        %dma_wait3A_949 = arith.constant 0 : i32
        %dma_wait3A_950 = arith.constant 0 : i32
        %dma_wait3A_951 = tpu.memref_slice %arg8[%select_n3A_499, %dma_wait3A_949, %dma_wait3A_950] : memref<2x16x64xi32, #tpu.memory_space<vmem>> -> memref<1x16x64xi32, #tpu.memory_space<vmem>>
        %dma_wait3A_952 = tpu.memref_squeeze %dma_wait3A_951 : memref<1x16x64xi32, #tpu.memory_space<vmem>> -> memref<16x64xi32, #tpu.memory_space<vmem>>
        %dma_wait3A_953 = arith.constant 0 : i32
        %dma_wait3A_954 = arith.constant 0 : i32
        %dma_wait3A_955 = tpu.memref_slice %arg4[%add3A, %scan3A_490, %dma_wait3A_953, %dma_wait3A_954] : memref<32x10x16x64xi32, #tpu.memory_space<hbm>> -> memref<1x1x16x64xi32, #tpu.memory_space<hbm>>
        %dma_wait3A_956 = tpu.memref_squeeze %dma_wait3A_955 : memref<1x1x16x64xi32, #tpu.memory_space<hbm>> -> memref<16x64xi32, #tpu.memory_space<hbm>>
        %dma_wait3A_957 = arith.constant 0 : i32
        %dma_wait3A_958 = arith.constant 0 : i32
        %dma_wait3A_959 = tpu.memref_slice %arg8[%select_n3A_499, %dma_wait3A_957, %dma_wait3A_958] : memref<2x16x64xi32, #tpu.memory_space<vmem>> -> memref<1x16x64xi32, #tpu.memory_space<vmem>>
        %dma_wait3A_960 = tpu.memref_squeeze %dma_wait3A_959 : memref<1x16x64xi32, #tpu.memory_space<vmem>> -> memref<16x64xi32, #tpu.memory_space<vmem>>
        %dma_wait3A_961 = arith.constant 0 : i32
        %dma_wait3A_962 = arith.constant 0 : i32
        %dma_wait3A_963 = tpu.memref_slice %arg4[%add3A, %scan3A_490, %dma_wait3A_961, %dma_wait3A_962] : memref<32x10x16x64xi32, #tpu.memory_space<hbm>> -> memref<1x1x16x64xi32, #tpu.memory_space<hbm>>
        %dma_wait3A_964 = tpu.memref_squeeze %dma_wait3A_963 : memref<1x1x16x64xi32, #tpu.memory_space<hbm>> -> memref<16x64xi32, #tpu.memory_space<hbm>>
        tpu.wait_dma2 semaphore(%run_scoped3A_932 : memref<!tpu.dma_semaphore, #tpu.memory_space<semaphore_mem>>) src(%dma_wait3A_964 : memref<16x64xi32, #tpu.memory_space<hbm>>) dst(%dma_wait3A_960 : memref<16x64xi32, #tpu.memory_space<vmem>>)
        tpu.yield
      }) : () -> ()
      %dma_wait3A_500 = arith.constant 0 : i32
      %dma_wait3A_501 = arith.constant 0 : i32
      %dma_wait3A_502 = arith.constant 0 : i32
      %dma_wait3A_503 = tpu.memref_slice %arg9[%dma_wait3A_501, %dma_wait3A_502] : memref<128x128xf32, #tpu.memory_space<vmem>> -> memref<64x128xf32, #tpu.memory_space<vmem>>
      %dma_wait3A_504 = arith.constant 0 : i32
      %dma_wait3A_505 = tpu.memref_slice %arg8[%select_n3A_499, %dma_wait3A_500, %dma_wait3A_504] : memref<2x16x64xi32, #tpu.memory_space<vmem>> -> memref<1x1x64xi32, #tpu.memory_space<vmem>>
      %dma_wait3A_506 = tpu.memref_squeeze %dma_wait3A_505 : memref<1x1x64xi32, #tpu.memory_space<vmem>> -> memref<64xi32, #tpu.memory_space<vmem>>
      %dma_wait3A_507 = arith.constant 0 : i32
      %dma_wait3A_508 = arith.constant 0 : i32
      %dma_wait3A_509 = tpu.memref_slice %arg17[%dma_wait3A_507, %dma_wait3A_508] : memref<10112x128xf32, #tpu.memory_space<vmem_shared>> -> memref<10112x128xf32, #tpu.memory_space<vmem_shared>>
      tpu.wait_indirect_dma semaphore(%arg13 : memref<!tpu.dma_semaphore, #tpu.memory_space<semaphore_mem>>) src(%dma_wait3A_503 : memref<64x128xf32, #tpu.memory_space<vmem>>) dst(%dma_wait3A_509 : memref<10112x128xf32, #tpu.memory_space<vmem_shared>>)
      %dma_wait3A_510 = arith.constant 1 : i32
      %dma_wait3A_511 = arith.constant 64 : i32
      %dma_wait3A_512 = arith.constant 0 : i32
      %dma_wait3A_513 = tpu.memref_slice %arg9[%dma_wait3A_511, %dma_wait3A_512] : memref<128x128xf32, #tpu.memory_space<vmem>> -> memref<64x128xf32, #tpu.memory_space<vmem>>
      %dma_wait3A_514 = arith.constant 0 : i32
      %dma_wait3A_515 = tpu.memref_slice %arg8[%select_n3A_499, %dma_wait3A_510, %dma_wait3A_514] : memref<2x16x64xi32, #tpu.memory_space<vmem>> -> memref<1x1x64xi32, #tpu.memory_space<vmem>>
      %dma_wait3A_516 = tpu.memref_squeeze %dma_wait3A_515 : memref<1x1x64xi32, #tpu.memory_space<vmem>> -> memref<64xi32, #tpu.memory_space<vmem>>
      %dma_wait3A_517 = arith.constant 0 : i32
      %dma_wait3A_518 = arith.constant 0 : i32
      %dma_wait3A_519 = tpu.memref_slice %arg17[%dma_wait3A_517, %dma_wait3A_518] : memref<10112x128xf32, #tpu.memory_space<vmem_shared>> -> memref<10112x128xf32, #tpu.memory_space<vmem_shared>>
      tpu.wait_indirect_dma semaphore(%arg14 : memref<!tpu.dma_semaphore, #tpu.memory_space<semaphore_mem>>) src(%dma_wait3A_513 : memref<64x128xf32, #tpu.memory_space<vmem>>) dst(%dma_wait3A_519 : memref<10112x128xf32, #tpu.memory_space<vmem_shared>>)
      %dma_start3A_520 = arith.constant 0 : i32
      %dma_start3A_521 = arith.constant 0 : i32
      %dma_start3A_522 = tpu.memref_slice %arg7[%select_n3A_499, %dma_start3A_520, %dma_start3A_521] : memref<2x8x128xi32, #tpu.memory_space<vmem>> -> memref<1x1x128xi32, #tpu.memory_space<vmem>>
      %dma_start3A_523 = tpu.memref_squeeze %dma_start3A_522 : memref<1x1x128xi32, #tpu.memory_space<vmem>> -> memref<128xi32, #tpu.memory_space<vmem>>
      %dma_start3A_524 = arith.constant 0 : i32
      %dma_start3A_525 = arith.constant 0 : i32
      %dma_start3A_526 = tpu.memref_slice %arg2[%dma_start3A_524, %dma_start3A_525] : memref<10000x128xf32, #tpu.memory_space<hbm>> -> memref<10000x128xf32, #tpu.memory_space<hbm>>
      tpu.enqueue_indirect_dma source(%dma_start3A_526 : memref<10000x128xf32, #tpu.memory_space<hbm>>) target(%arg9 : memref<128x128xf32, #tpu.memory_space<vmem>>) offsets(%dma_start3A_523 : memref<128xi32, #tpu.memory_space<vmem>>) semaphore(%arg11 : memref<!tpu.dma_semaphore, #tpu.memory_space<semaphore_mem>>)
      %dma_wait3A_527 = arith.constant 2 : i32
      %dma_wait3A_528 = arith.constant 0 : i32
      %dma_wait3A_529 = arith.constant 0 : i32
      %dma_wait3A_530 = tpu.memref_slice %arg10[%dma_wait3A_528, %dma_wait3A_529] : memref<128x128xf32, #tpu.memory_space<vmem>> -> memref<64x128xf32, #tpu.memory_space<vmem>>
      %dma_wait3A_531 = arith.constant 0 : i32
      %dma_wait3A_532 = tpu.memref_slice %arg8[%select_n3A_499, %dma_wait3A_527, %dma_wait3A_531] : memref<2x16x64xi32, #tpu.memory_space<vmem>> -> memref<1x1x64xi32, #tpu.memory_space<vmem>>
      %dma_wait3A_533 = tpu.memref_squeeze %dma_wait3A_532 : memref<1x1x64xi32, #tpu.memory_space<vmem>> -> memref<64xi32, #tpu.memory_space<vmem>>
      %dma_wait3A_534 = arith.constant 0 : i32
      %dma_wait3A_535 = arith.constant 0 : i32
      %dma_wait3A_536 = tpu.memref_slice %arg17[%dma_wait3A_534, %dma_wait3A_535] : memref<10112x128xf32, #tpu.memory_space<vmem_shared>> -> memref<10112x128xf32, #tpu.memory_space<vmem_shared>>
      tpu.wait_indirect_dma semaphore(%arg15 : memref<!tpu.dma_semaphore, #tpu.memory_space<semaphore_mem>>) src(%dma_wait3A_530 : memref<64x128xf32, #tpu.memory_space<vmem>>) dst(%dma_wait3A_536 : memref<10112x128xf32, #tpu.memory_space<vmem_shared>>)
      %dma_wait3A_537 = arith.constant 3 : i32
      %dma_wait3A_538 = arith.constant 64 : i32
      %dma_wait3A_539 = arith.constant 0 : i32
      %dma_wait3A_540 = tpu.memref_slice %arg10[%dma_wait3A_538, %dma_wait3A_539] : memref<128x128xf32, #tpu.memory_space<vmem>> -> memref<64x128xf32, #tpu.memory_space<vmem>>
      %dma_wait3A_541 = arith.constant 0 : i32
      %dma_wait3A_542 = tpu.memref_slice %arg8[%select_n3A_499, %dma_wait3A_537, %dma_wait3A_541] : memref<2x16x64xi32, #tpu.memory_space<vmem>> -> memref<1x1x64xi32, #tpu.memory_space<vmem>>
      %dma_wait3A_543 = tpu.memref_squeeze %dma_wait3A_542 : memref<1x1x64xi32, #tpu.memory_space<vmem>> -> memref<64xi32, #tpu.memory_space<vmem>>
      %dma_wait3A_544 = arith.constant 0 : i32
      %dma_wait3A_545 = arith.constant 0 : i32
      %dma_wait3A_546 = tpu.memref_slice %arg17[%dma_wait3A_544, %dma_wait3A_545] : memref<10112x128xf32, #tpu.memory_space<vmem_shared>> -> memref<10112x128xf32, #tpu.memory_space<vmem_shared>>
      tpu.wait_indirect_dma semaphore(%arg16 : memref<!tpu.dma_semaphore, #tpu.memory_space<semaphore_mem>>) src(%dma_wait3A_540 : memref<64x128xf32, #tpu.memory_space<vmem>>) dst(%dma_wait3A_546 : memref<10112x128xf32, #tpu.memory_space<vmem_shared>>)
      %dma_start3A_547 = arith.constant 1 : i32
      %dma_start3A_548 = arith.constant 0 : i32
      %dma_start3A_549 = tpu.memref_slice %arg7[%select_n3A_499, %dma_start3A_547, %dma_start3A_548] : memref<2x8x128xi32, #tpu.memory_space<vmem>> -> memref<1x1x128xi32, #tpu.memory_space<vmem>>
      %dma_start3A_550 = tpu.memref_squeeze %dma_start3A_549 : memref<1x1x128xi32, #tpu.memory_space<vmem>> -> memref<128xi32, #tpu.memory_space<vmem>>
      %dma_start3A_551 = arith.constant 0 : i32
      %dma_start3A_552 = arith.constant 0 : i32
      %dma_start3A_553 = tpu.memref_slice %arg2[%dma_start3A_551, %dma_start3A_552] : memref<10000x128xf32, #tpu.memory_space<hbm>> -> memref<10000x128xf32, #tpu.memory_space<hbm>>
      tpu.enqueue_indirect_dma source(%dma_start3A_553 : memref<10000x128xf32, #tpu.memory_space<hbm>>) target(%arg10 : memref<128x128xf32, #tpu.memory_space<vmem>>) offsets(%dma_start3A_550 : memref<128xi32, #tpu.memory_space<vmem>>) semaphore(%arg12 : memref<!tpu.dma_semaphore, #tpu.memory_space<semaphore_mem>>)
      %dma_wait3A_554 = arith.constant 0 : i32
      %dma_wait3A_555 = arith.constant 0 : i32
      %dma_wait3A_556 = tpu.memref_slice %arg7[%select_n3A_499, %dma_wait3A_554, %dma_wait3A_555] : memref<2x8x128xi32, #tpu.memory_space<vmem>> -> memref<1x1x128xi32, #tpu.memory_space<vmem>>
      %dma_wait3A_557 = tpu.memref_squeeze %dma_wait3A_556 : memref<1x1x128xi32, #tpu.memory_space<vmem>> -> memref<128xi32, #tpu.memory_space<vmem>>
      %dma_wait3A_558 = arith.constant 0 : i32
      %dma_wait3A_559 = arith.constant 0 : i32
      %dma_wait3A_560 = tpu.memref_slice %arg2[%dma_wait3A_558, %dma_wait3A_559] : memref<10000x128xf32, #tpu.memory_space<hbm>> -> memref<10000x128xf32, #tpu.memory_space<hbm>>
      tpu.wait_indirect_dma semaphore(%arg11 : memref<!tpu.dma_semaphore, #tpu.memory_space<semaphore_mem>>) src(%dma_wait3A_560 : memref<10000x128xf32, #tpu.memory_space<hbm>>) dst(%arg9 : memref<128x128xf32, #tpu.memory_space<vmem>>)
      %dma_start3A_561 = arith.constant 0 : i32
      %dma_start3A_562 = arith.constant 0 : i32
      %dma_start3A_563 = arith.constant 0 : i32
      %dma_start3A_564 = tpu.memref_slice %arg9[%dma_start3A_562, %dma_start3A_563] : memref<128x128xf32, #tpu.memory_space<vmem>> -> memref<64x128xf32, #tpu.memory_space<vmem>>
      %dma_start3A_565 = arith.constant 0 : i32
      %dma_start3A_566 = tpu.memref_slice %arg8[%select_n3A_499, %dma_start3A_561, %dma_start3A_565] : memref<2x16x64xi32, #tpu.memory_space<vmem>> -> memref<1x1x64xi32, #tpu.memory_space<vmem>>
      %dma_start3A_567 = tpu.memref_squeeze %dma_start3A_566 : memref<1x1x64xi32, #tpu.memory_space<vmem>> -> memref<64xi32, #tpu.memory_space<vmem>>
      %dma_start3A_568 = arith.constant 0 : i32
      %dma_start3A_569 = arith.constant 0 : i32
      %dma_start3A_570 = tpu.memref_slice %arg17[%dma_start3A_568, %dma_start3A_569] : memref<10112x128xf32, #tpu.memory_space<vmem_shared>> -> memref<10112x128xf32, #tpu.memory_space<vmem_shared>>
      tpu.enqueue_indirect_dma source(%dma_start3A_564 : memref<64x128xf32, #tpu.memory_space<vmem>>) target(%dma_start3A_570 : memref<10112x128xf32, #tpu.memory_space<vmem_shared>>) offsets(%dma_start3A_567 : memref<64xi32, #tpu.memory_space<vmem>>) semaphore(%arg13 : memref<!tpu.dma_semaphore, #tpu.memory_space<semaphore_mem>>) {add = true}
      %dma_start3A_571 = arith.constant 1 : i32
      %dma_start3A_572 = arith.constant 64 : i32
      %dma_start3A_573 = arith.constant 0 : i32
      %dma_start3A_574 = tpu.memref_slice %arg9[%dma_start3A_572, %dma_start3A_573] : memref<128x128xf32, #tpu.memory_space<vmem>> -> memref<64x128xf32, #tpu.memory_space<vmem>>
      %dma_start3A_575 = arith.constant 0 : i32
      %dma_start3A_576 = tpu.memref_slice %arg8[%select_n3A_499, %dma_start3A_571, %dma_start3A_575] : memref<2x16x64xi32, #tpu.memory_space<vmem>> -> memref<1x1x64xi32, #tpu.memory_space<vmem>>
      %dma_start3A_577 = tpu.memref_squeeze %dma_start3A_576 : memref<1x1x64xi32, #tpu.memory_space<vmem>> -> memref<64xi32, #tpu.memory_space<vmem>>
      %dma_start3A_578 = arith.constant 0 : i32
      %dma_start3A_579 = arith.constant 0 : i32
      %dma_start3A_580 = tpu.memref_slice %arg17[%dma_start3A_578, %dma_start3A_579] : memref<10112x128xf32, #tpu.memory_space<vmem_shared>> -> memref<10112x128xf32, #tpu.memory_space<vmem_shared>>
      tpu.enqueue_indirect_dma source(%dma_start3A_574 : memref<64x128xf32, #tpu.memory_space<vmem>>) target(%dma_start3A_580 : memref<10112x128xf32, #tpu.memory_space<vmem_shared>>) offsets(%dma_start3A_577 : memref<64xi32, #tpu.memory_space<vmem>>) semaphore(%arg14 : memref<!tpu.dma_semaphore, #tpu.memory_space<semaphore_mem>>) {add = true}
      %dma_wait3A_581 = arith.constant 1 : i32
      %dma_wait3A_582 = arith.constant 0 : i32
      %dma_wait3A_583 = tpu.memref_slice %arg7[%select_n3A_499, %dma_wait3A_581, %dma_wait3A_582] : memref<2x8x128xi32, #tpu.memory_space<vmem>> -> memref<1x1x128xi32, #tpu.memory_space<vmem>>
      %dma_wait3A_584 = tpu.memref_squeeze %dma_wait3A_583 : memref<1x1x128xi32, #tpu.memory_space<vmem>> -> memref<128xi32, #tpu.memory_space<vmem>>
      %dma_wait3A_585 = arith.constant 0 : i32
      %dma_wait3A_586 = arith.constant 0 : i32
      %dma_wait3A_587 = tpu.memref_slice %arg2[%dma_wait3A_585, %dma_wait3A_586] : memref<10000x128xf32, #tpu.memory_space<hbm>> -> memref<10000x128xf32, #tpu.memory_space<hbm>>
      tpu.wait_indirect_dma semaphore(%arg12 : memref<!tpu.dma_semaphore, #tpu.memory_space<semaphore_mem>>) src(%dma_wait3A_587 : memref<10000x128xf32, #tpu.memory_space<hbm>>) dst(%arg10 : memref<128x128xf32, #tpu.memory_space<vmem>>)
      %dma_start3A_588 = arith.constant 2 : i32
      %dma_start3A_589 = arith.constant 0 : i32
      %dma_start3A_590 = arith.constant 0 : i32
      %dma_start3A_591 = tpu.memref_slice %arg10[%dma_start3A_589, %dma_start3A_590] : memref<128x128xf32, #tpu.memory_space<vmem>> -> memref<64x128xf32, #tpu.memory_space<vmem>>
      %dma_start3A_592 = arith.constant 0 : i32
      %dma_start3A_593 = tpu.memref_slice %arg8[%select_n3A_499, %dma_start3A_588, %dma_start3A_592] : memref<2x16x64xi32, #tpu.memory_space<vmem>> -> memref<1x1x64xi32, #tpu.memory_space<vmem>>
      %dma_start3A_594 = tpu.memref_squeeze %dma_start3A_593 : memref<1x1x64xi32, #tpu.memory_space<vmem>> -> memref<64xi32, #tpu.memory_space<vmem>>
      %dma_start3A_595 = arith.constant 0 : i32
      %dma_start3A_596 = arith.constant 0 : i32
      %dma_start3A_597 = tpu.memref_slice %arg17[%dma_start3A_595, %dma_start3A_596] : memref<10112x128xf32, #tpu.memory_space<vmem_shared>> -> memref<10112x128xf32, #tpu.memory_space<vmem_shared>>
      tpu.enqueue_indirect_dma source(%dma_start3A_591 : memref<64x128xf32, #tpu.memory_space<vmem>>) target(%dma_start3A_597 : memref<10112x128xf32, #tpu.memory_space<vmem_shared>>) offsets(%dma_start3A_594 : memref<64xi32, #tpu.memory_space<vmem>>) semaphore(%arg15 : memref<!tpu.dma_semaphore, #tpu.memory_space<semaphore_mem>>) {add = true}
      %dma_start3A_598 = arith.constant 3 : i32
      %dma_start3A_599 = arith.constant 64 : i32
      %dma_start3A_600 = arith.constant 0 : i32
      %dma_start3A_601 = tpu.memref_slice %arg10[%dma_start3A_599, %dma_start3A_600] : memref<128x128xf32, #tpu.memory_space<vmem>> -> memref<64x128xf32, #tpu.memory_space<vmem>>
      %dma_start3A_602 = arith.constant 0 : i32
      %dma_start3A_603 = tpu.memref_slice %arg8[%select_n3A_499, %dma_start3A_598, %dma_start3A_602] : memref<2x16x64xi32, #tpu.memory_space<vmem>> -> memref<1x1x64xi32, #tpu.memory_space<vmem>>
      %dma_start3A_604 = tpu.memref_squeeze %dma_start3A_603 : memref<1x1x64xi32, #tpu.memory_space<vmem>> -> memref<64xi32, #tpu.memory_space<vmem>>
      %dma_start3A_605 = arith.constant 0 : i32
      %dma_start3A_606 = arith.constant 0 : i32
      %dma_start3A_607 = tpu.memref_slice %arg17[%dma_start3A_605, %dma_start3A_606] : memref<10112x128xf32, #tpu.memory_space<vmem_shared>> -> memref<10112x128xf32, #tpu.memory_space<vmem_shared>>
      tpu.enqueue_indirect_dma source(%dma_start3A_601 : memref<64x128xf32, #tpu.memory_space<vmem>>) target(%dma_start3A_607 : memref<10112x128xf32, #tpu.memory_space<vmem_shared>>) offsets(%dma_start3A_604 : memref<64xi32, #tpu.memory_space<vmem>>) semaphore(%arg16 : memref<!tpu.dma_semaphore, #tpu.memory_space<semaphore_mem>>) {add = true}
      %dma_wait3A_608 = arith.constant 4 : i32
      %dma_wait3A_609 = arith.constant 0 : i32
      %dma_wait3A_610 = arith.constant 0 : i32
      %dma_wait3A_611 = tpu.memref_slice %arg9[%dma_wait3A_609, %dma_wait3A_610] : memref<128x128xf32, #tpu.memory_space<vmem>> -> memref<64x128xf32, #tpu.memory_space<vmem>>
      %dma_wait3A_612 = arith.constant 0 : i32
      %dma_wait3A_613 = tpu.memref_slice %arg8[%select_n3A_499, %dma_wait3A_608, %dma_wait3A_612] : memref<2x16x64xi32, #tpu.memory_space<vmem>> -> memref<1x1x64xi32, #tpu.memory_space<vmem>>
      %dma_wait3A_614 = tpu.memref_squeeze %dma_wait3A_613 : memref<1x1x64xi32, #tpu.memory_space<vmem>> -> memref<64xi32, #tpu.memory_space<vmem>>
      %dma_wait3A_615 = arith.constant 0 : i32
      %dma_wait3A_616 = arith.constant 0 : i32
      %dma_wait3A_617 = tpu.memref_slice %arg17[%dma_wait3A_615, %dma_wait3A_616] : memref<10112x128xf32, #tpu.memory_space<vmem_shared>> -> memref<10112x128xf32, #tpu.memory_space<vmem_shared>>
      tpu.wait_indirect_dma semaphore(%arg13 : memref<!tpu.dma_semaphore, #tpu.memory_space<semaphore_mem>>) src(%dma_wait3A_611 : memref<64x128xf32, #tpu.memory_space<vmem>>) dst(%dma_wait3A_617 : memref<10112x128xf32, #tpu.memory_space<vmem_shared>>)
      %dma_wait3A_618 = arith.constant 5 : i32
      %dma_wait3A_619 = arith.constant 64 : i32
      %dma_wait3A_620 = arith.constant 0 : i32
      %dma_wait3A_621 = tpu.memref_slice %arg9[%dma_wait3A_619, %dma_wait3A_620] : memref<128x128xf32, #tpu.memory_space<vmem>> -> memref<64x128xf32, #tpu.memory_space<vmem>>
      %dma_wait3A_622 = arith.constant 0 : i32
      %dma_wait3A_623 = tpu.memref_slice %arg8[%select_n3A_499, %dma_wait3A_618, %dma_wait3A_622] : memref<2x16x64xi32, #tpu.memory_space<vmem>> -> memref<1x1x64xi32, #tpu.memory_space<vmem>>
      %dma_wait3A_624 = tpu.memref_squeeze %dma_wait3A_623 : memref<1x1x64xi32, #tpu.memory_space<vmem>> -> memref<64xi32, #tpu.memory_space<vmem>>
      %dma_wait3A_625 = arith.constant 0 : i32
      %dma_wait3A_626 = arith.constant 0 : i32
      %dma_wait3A_627 = tpu.memref_slice %arg17[%dma_wait3A_625, %dma_wait3A_626] : memref<10112x128xf32, #tpu.memory_space<vmem_shared>> -> memref<10112x128xf32, #tpu.memory_space<vmem_shared>>
      tpu.wait_indirect_dma semaphore(%arg14 : memref<!tpu.dma_semaphore, #tpu.memory_space<semaphore_mem>>) src(%dma_wait3A_621 : memref<64x128xf32, #tpu.memory_space<vmem>>) dst(%dma_wait3A_627 : memref<10112x128xf32, #tpu.memory_space<vmem_shared>>)
      %dma_start3A_628 = arith.constant 2 : i32
      %dma_start3A_629 = arith.constant 0 : i32
      %dma_start3A_630 = tpu.memref_slice %arg7[%select_n3A_499, %dma_start3A_628, %dma_start3A_629] : memref<2x8x128xi32, #tpu.memory_space<vmem>> -> memref<1x1x128xi32, #tpu.memory_space<vmem>>
      %dma_start3A_631 = tpu.memref_squeeze %dma_start3A_630 : memref<1x1x128xi32, #tpu.memory_space<vmem>> -> memref<128xi32, #tpu.memory_space<vmem>>
      %dma_start3A_632 = arith.constant 0 : i32
      %dma_start3A_633 = arith.constant 0 : i32
      %dma_start3A_634 = tpu.memref_slice %arg2[%dma_start3A_632, %dma_start3A_633] : memref<10000x128xf32, #tpu.memory_space<hbm>> -> memref<10000x128xf32, #tpu.memory_space<hbm>>
      tpu.enqueue_indirect_dma source(%dma_start3A_634 : memref<10000x128xf32, #tpu.memory_space<hbm>>) target(%arg9 : memref<128x128xf32, #tpu.memory_space<vmem>>) offsets(%dma_start3A_631 : memref<128xi32, #tpu.memory_space<vmem>>) semaphore(%arg11 : memref<!tpu.dma_semaphore, #tpu.memory_space<semaphore_mem>>)
      %dma_wait3A_635 = arith.constant 6 : i32
      %dma_wait3A_636 = arith.constant 0 : i32
      %dma_wait3A_637 = arith.constant 0 : i32
      %dma_wait3A_638 = tpu.memref_slice %arg10[%dma_wait3A_636, %dma_wait3A_637] : memref<128x128xf32, #tpu.memory_space<vmem>> -> memref<64x128xf32, #tpu.memory_space<vmem>>
      %dma_wait3A_639 = arith.constant 0 : i32
      %dma_wait3A_640 = tpu.memref_slice %arg8[%select_n3A_499, %dma_wait3A_635, %dma_wait3A_639] : memref<2x16x64xi32, #tpu.memory_space<vmem>> -> memref<1x1x64xi32, #tpu.memory_space<vmem>>
      %dma_wait3A_641 = tpu.memref_squeeze %dma_wait3A_640 : memref<1x1x64xi32, #tpu.memory_space<vmem>> -> memref<64xi32, #tpu.memory_space<vmem>>
      %dma_wait3A_642 = arith.constant 0 : i32
      %dma_wait3A_643 = arith.constant 0 : i32
      %dma_wait3A_644 = tpu.memref_slice %arg17[%dma_wait3A_642, %dma_wait3A_643] : memref<10112x128xf32, #tpu.memory_space<vmem_shared>> -> memref<10112x128xf32, #tpu.memory_space<vmem_shared>>
      tpu.wait_indirect_dma semaphore(%arg15 : memref<!tpu.dma_semaphore, #tpu.memory_space<semaphore_mem>>) src(%dma_wait3A_638 : memref<64x128xf32, #tpu.memory_space<vmem>>) dst(%dma_wait3A_644 : memref<10112x128xf32, #tpu.memory_space<vmem_shared>>)
      %dma_wait3A_645 = arith.constant 7 : i32
      %dma_wait3A_646 = arith.constant 64 : i32
      %dma_wait3A_647 = arith.constant 0 : i32
      %dma_wait3A_648 = tpu.memref_slice %arg10[%dma_wait3A_646, %dma_wait3A_647] : memref<128x128xf32, #tpu.memory_space<vmem>> -> memref<64x128xf32, #tpu.memory_space<vmem>>
      %dma_wait3A_649 = arith.constant 0 : i32
      %dma_wait3A_650 = tpu.memref_slice %arg8[%select_n3A_499, %dma_wait3A_645, %dma_wait3A_649] : memref<2x16x64xi32, #tpu.memory_space<vmem>> -> memref<1x1x64xi32, #tpu.memory_space<vmem>>
      %dma_wait3A_651 = tpu.memref_squeeze %dma_wait3A_650 : memref<1x1x64xi32, #tpu.memory_space<vmem>> -> memref<64xi32, #tpu.memory_space<vmem>>
      %dma_wait3A_652 = arith.constant 0 : i32
      %dma_wait3A_653 = arith.constant 0 : i32
      %dma_wait3A_654 = tpu.memref_slice %arg17[%dma_wait3A_652, %dma_wait3A_653] : memref<10112x128xf32, #tpu.memory_space<vmem_shared>> -> memref<10112x128xf32, #tpu.memory_space<vmem_shared>>
      tpu.wait_indirect_dma semaphore(%arg16 : memref<!tpu.dma_semaphore, #tpu.memory_space<semaphore_mem>>) src(%dma_wait3A_648 : memref<64x128xf32, #tpu.memory_space<vmem>>) dst(%dma_wait3A_654 : memref<10112x128xf32, #tpu.memory_space<vmem_shared>>)
      %dma_start3A_655 = arith.constant 3 : i32
      %dma_start3A_656 = arith.constant 0 : i32
      %dma_start3A_657 = tpu.memref_slice %arg7[%select_n3A_499, %dma_start3A_655, %dma_start3A_656] : memref<2x8x128xi32, #tpu.memory_space<vmem>> -> memref<1x1x128xi32, #tpu.memory_space<vmem>>
      %dma_start3A_658 = tpu.memref_squeeze %dma_start3A_657 : memref<1x1x128xi32, #tpu.memory_space<vmem>> -> memref<128xi32, #tpu.memory_space<vmem>>
      %dma_start3A_659 = arith.constant 0 : i32
      %dma_start3A_660 = arith.constant 0 : i32
      %dma_start3A_661 = tpu.memref_slice %arg2[%dma_start3A_659, %dma_start3A_660] : memref<10000x128xf32, #tpu.memory_space<hbm>> -> memref<10000x128xf32, #tpu.memory_space<hbm>>
      tpu.enqueue_indirect_dma source(%dma_start3A_661 : memref<10000x128xf32, #tpu.memory_space<hbm>>) target(%arg10 : memref<128x128xf32, #tpu.memory_space<vmem>>) offsets(%dma_start3A_658 : memref<128xi32, #tpu.memory_space<vmem>>) semaphore(%arg12 : memref<!tpu.dma_semaphore, #tpu.memory_space<semaphore_mem>>)
      %dma_wait3A_662 = arith.constant 2 : i32
      %dma_wait3A_663 = arith.constant 0 : i32
      %dma_wait3A_664 = tpu.memref_slice %arg7[%select_n3A_499, %dma_wait3A_662, %dma_wait3A_663] : memref<2x8x128xi32, #tpu.memory_space<vmem>> -> memref<1x1x128xi32, #tpu.memory_space<vmem>>
      %dma_wait3A_665 = tpu.memref_squeeze %dma_wait3A_664 : memref<1x1x128xi32, #tpu.memory_space<vmem>> -> memref<128xi32, #tpu.memory_space<vmem>>
      %dma_wait3A_666 = arith.constant 0 : i32
      %dma_wait3A_667 = arith.constant 0 : i32
      %dma_wait3A_668 = tpu.memref_slice %arg2[%dma_wait3A_666, %dma_wait3A_667] : memref<10000x128xf32, #tpu.memory_space<hbm>> -> memref<10000x128xf32, #tpu.memory_space<hbm>>
      tpu.wait_indirect_dma semaphore(%arg11 : memref<!tpu.dma_semaphore, #tpu.memory_space<semaphore_mem>>) src(%dma_wait3A_668 : memref<10000x128xf32, #tpu.memory_space<hbm>>) dst(%arg9 : memref<128x128xf32, #tpu.memory_space<vmem>>)
      %dma_start3A_669 = arith.constant 4 : i32
      %dma_start3A_670 = arith.constant 0 : i32
      %dma_start3A_671 = arith.constant 0 : i32
      %dma_start3A_672 = tpu.memref_slice %arg9[%dma_start3A_670, %dma_start3A_671] : memref<128x128xf32, #tpu.memory_space<vmem>> -> memref<64x128xf32, #tpu.memory_space<vmem>>
      %dma_start3A_673 = arith.constant 0 : i32
      %dma_start3A_674 = tpu.memref_slice %arg8[%select_n3A_499, %dma_start3A_669, %dma_start3A_673] : memref<2x16x64xi32, #tpu.memory_space<vmem>> -> memref<1x1x64xi32, #tpu.memory_space<vmem>>
      %dma_start3A_675 = tpu.memref_squeeze %dma_start3A_674 : memref<1x1x64xi32, #tpu.memory_space<vmem>> -> memref<64xi32, #tpu.memory_space<vmem>>
      %dma_start3A_676 = arith.constant 0 : i32
      %dma_start3A_677 = arith.constant 0 : i32
      %dma_start3A_678 = tpu.memref_slice %arg17[%dma_start3A_676, %dma_start3A_677] : memref<10112x128xf32, #tpu.memory_space<vmem_shared>> -> memref<10112x128xf32, #tpu.memory_space<vmem_shared>>
      tpu.enqueue_indirect_dma source(%dma_start3A_672 : memref<64x128xf32, #tpu.memory_space<vmem>>) target(%dma_start3A_678 : memref<10112x128xf32, #tpu.memory_space<vmem_shared>>) offsets(%dma_start3A_675 : memref<64xi32, #tpu.memory_space<vmem>>) semaphore(%arg13 : memref<!tpu.dma_semaphore, #tpu.memory_space<semaphore_mem>>) {add = true}
      %dma_start3A_679 = arith.constant 5 : i32
      %dma_start3A_680 = arith.constant 64 : i32
      %dma_start3A_681 = arith.constant 0 : i32
      %dma_start3A_682 = tpu.memref_slice %arg9[%dma_start3A_680, %dma_start3A_681] : memref<128x128xf32, #tpu.memory_space<vmem>> -> memref<64x128xf32, #tpu.memory_space<vmem>>
      %dma_start3A_683 = arith.constant 0 : i32
      %dma_start3A_684 = tpu.memref_slice %arg8[%select_n3A_499, %dma_start3A_679, %dma_start3A_683] : memref<2x16x64xi32, #tpu.memory_space<vmem>> -> memref<1x1x64xi32, #tpu.memory_space<vmem>>
      %dma_start3A_685 = tpu.memref_squeeze %dma_start3A_684 : memref<1x1x64xi32, #tpu.memory_space<vmem>> -> memref<64xi32, #tpu.memory_space<vmem>>
      %dma_start3A_686 = arith.constant 0 : i32
      %dma_start3A_687 = arith.constant 0 : i32
      %dma_start3A_688 = tpu.memref_slice %arg17[%dma_start3A_686, %dma_start3A_687] : memref<10112x128xf32, #tpu.memory_space<vmem_shared>> -> memref<10112x128xf32, #tpu.memory_space<vmem_shared>>
      tpu.enqueue_indirect_dma source(%dma_start3A_682 : memref<64x128xf32, #tpu.memory_space<vmem>>) target(%dma_start3A_688 : memref<10112x128xf32, #tpu.memory_space<vmem_shared>>) offsets(%dma_start3A_685 : memref<64xi32, #tpu.memory_space<vmem>>) semaphore(%arg14 : memref<!tpu.dma_semaphore, #tpu.memory_space<semaphore_mem>>) {add = true}
      %dma_wait3A_689 = arith.constant 3 : i32
      %dma_wait3A_690 = arith.constant 0 : i32
      %dma_wait3A_691 = tpu.memref_slice %arg7[%select_n3A_499, %dma_wait3A_689, %dma_wait3A_690] : memref<2x8x128xi32, #tpu.memory_space<vmem>> -> memref<1x1x128xi32, #tpu.memory_space<vmem>>
      %dma_wait3A_692 = tpu.memref_squeeze %dma_wait3A_691 : memref<1x1x128xi32, #tpu.memory_space<vmem>> -> memref<128xi32, #tpu.memory_space<vmem>>
      %dma_wait3A_693 = arith.constant 0 : i32
      %dma_wait3A_694 = arith.constant 0 : i32
      %dma_wait3A_695 = tpu.memref_slice %arg2[%dma_wait3A_693, %dma_wait3A_694] : memref<10000x128xf32, #tpu.memory_space<hbm>> -> memref<10000x128xf32, #tpu.memory_space<hbm>>
      tpu.wait_indirect_dma semaphore(%arg12 : memref<!tpu.dma_semaphore, #tpu.memory_space<semaphore_mem>>) src(%dma_wait3A_695 : memref<10000x128xf32, #tpu.memory_space<hbm>>) dst(%arg10 : memref<128x128xf32, #tpu.memory_space<vmem>>)
      %dma_start3A_696 = arith.constant 6 : i32
      %dma_start3A_697 = arith.constant 0 : i32
      %dma_start3A_698 = arith.constant 0 : i32
      %dma_start3A_699 = tpu.memref_slice %arg10[%dma_start3A_697, %dma_start3A_698] : memref<128x128xf32, #tpu.memory_space<vmem>> -> memref<64x128xf32, #tpu.memory_space<vmem>>
      %dma_start3A_700 = arith.constant 0 : i32
      %dma_start3A_701 = tpu.memref_slice %arg8[%select_n3A_499, %dma_start3A_696, %dma_start3A_700] : memref<2x16x64xi32, #tpu.memory_space<vmem>> -> memref<1x1x64xi32, #tpu.memory_space<vmem>>
      %dma_start3A_702 = tpu.memref_squeeze %dma_start3A_701 : memref<1x1x64xi32, #tpu.memory_space<vmem>> -> memref<64xi32, #tpu.memory_space<vmem>>
      %dma_start3A_703 = arith.constant 0 : i32
      %dma_start3A_704 = arith.constant 0 : i32
      %dma_start3A_705 = tpu.memref_slice %arg17[%dma_start3A_703, %dma_start3A_704] : memref<10112x128xf32, #tpu.memory_space<vmem_shared>> -> memref<10112x128xf32, #tpu.memory_space<vmem_shared>>
      tpu.enqueue_indirect_dma source(%dma_start3A_699 : memref<64x128xf32, #tpu.memory_space<vmem>>) target(%dma_start3A_705 : memref<10112x128xf32, #tpu.memory_space<vmem_shared>>) offsets(%dma_start3A_702 : memref<64xi32, #tpu.memory_space<vmem>>) semaphore(%arg15 : memref<!tpu.dma_semaphore, #tpu.memory_space<semaphore_mem>>) {add = true}
      %dma_start3A_706 = arith.constant 7 : i32
      %dma_start3A_707 = arith.constant 64 : i32
      %dma_start3A_708 = arith.constant 0 : i32
      %dma_start3A_709 = tpu.memref_slice %arg10[%dma_start3A_707, %dma_start3A_708] : memref<128x128xf32, #tpu.memory_space<vmem>> -> memref<64x128xf32, #tpu.memory_space<vmem>>
      %dma_start3A_710 = arith.constant 0 : i32
      %dma_start3A_711 = tpu.memref_slice %arg8[%select_n3A_499, %dma_start3A_706, %dma_start3A_710] : memref<2x16x64xi32, #tpu.memory_space<vmem>> -> memref<1x1x64xi32, #tpu.memory_space<vmem>>
      %dma_start3A_712 = tpu.memref_squeeze %dma_start3A_711 : memref<1x1x64xi32, #tpu.memory_space<vmem>> -> memref<64xi32, #tpu.memory_space<vmem>>
      %dma_start3A_713 = arith.constant 0 : i32
      %dma_start3A_714 = arith.constant 0 : i32
      %dma_start3A_715 = tpu.memref_slice %arg17[%dma_start3A_713, %dma_start3A_714] : memref<10112x128xf32, #tpu.memory_space<vmem_shared>> -> memref<10112x128xf32, #tpu.memory_space<vmem_shared>>
      tpu.enqueue_indirect_dma source(%dma_start3A_709 : memref<64x128xf32, #tpu.memory_space<vmem>>) target(%dma_start3A_715 : memref<10112x128xf32, #tpu.memory_space<vmem_shared>>) offsets(%dma_start3A_712 : memref<64xi32, #tpu.memory_space<vmem>>) semaphore(%arg16 : memref<!tpu.dma_semaphore, #tpu.memory_space<semaphore_mem>>) {add = true}
      %dma_wait3A_716 = arith.constant 8 : i32
      %dma_wait3A_717 = arith.constant 0 : i32
      %dma_wait3A_718 = arith.constant 0 : i32
      %dma_wait3A_719 = tpu.memref_slice %arg9[%dma_wait3A_717, %dma_wait3A_718] : memref<128x128xf32, #tpu.memory_space<vmem>> -> memref<64x128xf32, #tpu.memory_space<vmem>>
      %dma_wait3A_720 = arith.constant 0 : i32
      %dma_wait3A_721 = tpu.memref_slice %arg8[%select_n3A_499, %dma_wait3A_716, %dma_wait3A_720] : memref<2x16x64xi32, #tpu.memory_space<vmem>> -> memref<1x1x64xi32, #tpu.memory_space<vmem>>
      %dma_wait3A_722 = tpu.memref_squeeze %dma_wait3A_721 : memref<1x1x64xi32, #tpu.memory_space<vmem>> -> memref<64xi32, #tpu.memory_space<vmem>>
      %dma_wait3A_723 = arith.constant 0 : i32
      %dma_wait3A_724 = arith.constant 0 : i32
      %dma_wait3A_725 = tpu.memref_slice %arg17[%dma_wait3A_723, %dma_wait3A_724] : memref<10112x128xf32, #tpu.memory_space<vmem_shared>> -> memref<10112x128xf32, #tpu.memory_space<vmem_shared>>
      tpu.wait_indirect_dma semaphore(%arg13 : memref<!tpu.dma_semaphore, #tpu.memory_space<semaphore_mem>>) src(%dma_wait3A_719 : memref<64x128xf32, #tpu.memory_space<vmem>>) dst(%dma_wait3A_725 : memref<10112x128xf32, #tpu.memory_space<vmem_shared>>)
      %dma_wait3A_726 = arith.constant 9 : i32
      %dma_wait3A_727 = arith.constant 64 : i32
      %dma_wait3A_728 = arith.constant 0 : i32
      %dma_wait3A_729 = tpu.memref_slice %arg9[%dma_wait3A_727, %dma_wait3A_728] : memref<128x128xf32, #tpu.memory_space<vmem>> -> memref<64x128xf32, #tpu.memory_space<vmem>>
      %dma_wait3A_730 = arith.constant 0 : i32
      %dma_wait3A_731 = tpu.memref_slice %arg8[%select_n3A_499, %dma_wait3A_726, %dma_wait3A_730] : memref<2x16x64xi32, #tpu.memory_space<vmem>> -> memref<1x1x64xi32, #tpu.memory_space<vmem>>
      %dma_wait3A_732 = tpu.memref_squeeze %dma_wait3A_731 : memref<1x1x64xi32, #tpu.memory_space<vmem>> -> memref<64xi32, #tpu.memory_space<vmem>>
      %dma_wait3A_733 = arith.constant 0 : i32
      %dma_wait3A_734 = arith.constant 0 : i32
      %dma_wait3A_735 = tpu.memref_slice %arg17[%dma_wait3A_733, %dma_wait3A_734] : memref<10112x128xf32, #tpu.memory_space<vmem_shared>> -> memref<10112x128xf32, #tpu.memory_space<vmem_shared>>
      tpu.wait_indirect_dma semaphore(%arg14 : memref<!tpu.dma_semaphore, #tpu.memory_space<semaphore_mem>>) src(%dma_wait3A_729 : memref<64x128xf32, #tpu.memory_space<vmem>>) dst(%dma_wait3A_735 : memref<10112x128xf32, #tpu.memory_space<vmem_shared>>)
      %dma_start3A_736 = arith.constant 4 : i32
      %dma_start3A_737 = arith.constant 0 : i32
      %dma_start3A_738 = tpu.memref_slice %arg7[%select_n3A_499, %dma_start3A_736, %dma_start3A_737] : memref<2x8x128xi32, #tpu.memory_space<vmem>> -> memref<1x1x128xi32, #tpu.memory_space<vmem>>
      %dma_start3A_739 = tpu.memref_squeeze %dma_start3A_738 : memref<1x1x128xi32, #tpu.memory_space<vmem>> -> memref<128xi32, #tpu.memory_space<vmem>>
      %dma_start3A_740 = arith.constant 0 : i32
      %dma_start3A_741 = arith.constant 0 : i32
      %dma_start3A_742 = tpu.memref_slice %arg2[%dma_start3A_740, %dma_start3A_741] : memref<10000x128xf32, #tpu.memory_space<hbm>> -> memref<10000x128xf32, #tpu.memory_space<hbm>>
      tpu.enqueue_indirect_dma source(%dma_start3A_742 : memref<10000x128xf32, #tpu.memory_space<hbm>>) target(%arg9 : memref<128x128xf32, #tpu.memory_space<vmem>>) offsets(%dma_start3A_739 : memref<128xi32, #tpu.memory_space<vmem>>) semaphore(%arg11 : memref<!tpu.dma_semaphore, #tpu.memory_space<semaphore_mem>>)
      %dma_wait3A_743 = arith.constant 10 : i32
      %dma_wait3A_744 = arith.constant 0 : i32
      %dma_wait3A_745 = arith.constant 0 : i32
      %dma_wait3A_746 = tpu.memref_slice %arg10[%dma_wait3A_744, %dma_wait3A_745] : memref<128x128xf32, #tpu.memory_space<vmem>> -> memref<64x128xf32, #tpu.memory_space<vmem>>
      %dma_wait3A_747 = arith.constant 0 : i32
      %dma_wait3A_748 = tpu.memref_slice %arg8[%select_n3A_499, %dma_wait3A_743, %dma_wait3A_747] : memref<2x16x64xi32, #tpu.memory_space<vmem>> -> memref<1x1x64xi32, #tpu.memory_space<vmem>>
      %dma_wait3A_749 = tpu.memref_squeeze %dma_wait3A_748 : memref<1x1x64xi32, #tpu.memory_space<vmem>> -> memref<64xi32, #tpu.memory_space<vmem>>
      %dma_wait3A_750 = arith.constant 0 : i32
      %dma_wait3A_751 = arith.constant 0 : i32
      %dma_wait3A_752 = tpu.memref_slice %arg17[%dma_wait3A_750, %dma_wait3A_751] : memref<10112x128xf32, #tpu.memory_space<vmem_shared>> -> memref<10112x128xf32, #tpu.memory_space<vmem_shared>>
      tpu.wait_indirect_dma semaphore(%arg15 : memref<!tpu.dma_semaphore, #tpu.memory_space<semaphore_mem>>) src(%dma_wait3A_746 : memref<64x128xf32, #tpu.memory_space<vmem>>) dst(%dma_wait3A_752 : memref<10112x128xf32, #tpu.memory_space<vmem_shared>>)
      %dma_wait3A_753 = arith.constant 11 : i32
      %dma_wait3A_754 = arith.constant 64 : i32
      %dma_wait3A_755 = arith.constant 0 : i32
      %dma_wait3A_756 = tpu.memref_slice %arg10[%dma_wait3A_754, %dma_wait3A_755] : memref<128x128xf32, #tpu.memory_space<vmem>> -> memref<64x128xf32, #tpu.memory_space<vmem>>
      %dma_wait3A_757 = arith.constant 0 : i32
      %dma_wait3A_758 = tpu.memref_slice %arg8[%select_n3A_499, %dma_wait3A_753, %dma_wait3A_757] : memref<2x16x64xi32, #tpu.memory_space<vmem>> -> memref<1x1x64xi32, #tpu.memory_space<vmem>>
      %dma_wait3A_759 = tpu.memref_squeeze %dma_wait3A_758 : memref<1x1x64xi32, #tpu.memory_space<vmem>> -> memref<64xi32, #tpu.memory_space<vmem>>
      %dma_wait3A_760 = arith.constant 0 : i32
      %dma_wait3A_761 = arith.constant 0 : i32
      %dma_wait3A_762 = tpu.memref_slice %arg17[%dma_wait3A_760, %dma_wait3A_761] : memref<10112x128xf32, #tpu.memory_space<vmem_shared>> -> memref<10112x128xf32, #tpu.memory_space<vmem_shared>>
      tpu.wait_indirect_dma semaphore(%arg16 : memref<!tpu.dma_semaphore, #tpu.memory_space<semaphore_mem>>) src(%dma_wait3A_756 : memref<64x128xf32, #tpu.memory_space<vmem>>) dst(%dma_wait3A_762 : memref<10112x128xf32, #tpu.memory_space<vmem_shared>>)
      %dma_start3A_763 = arith.constant 5 : i32
      %dma_start3A_764 = arith.constant 0 : i32
      %dma_start3A_765 = tpu.memref_slice %arg7[%select_n3A_499, %dma_start3A_763, %dma_start3A_764] : memref<2x8x128xi32, #tpu.memory_space<vmem>> -> memref<1x1x128xi32, #tpu.memory_space<vmem>>
      %dma_start3A_766 = tpu.memref_squeeze %dma_start3A_765 : memref<1x1x128xi32, #tpu.memory_space<vmem>> -> memref<128xi32, #tpu.memory_space<vmem>>
      %dma_start3A_767 = arith.constant 0 : i32
      %dma_start3A_768 = arith.constant 0 : i32
      %dma_start3A_769 = tpu.memref_slice %arg2[%dma_start3A_767, %dma_start3A_768] : memref<10000x128xf32, #tpu.memory_space<hbm>> -> memref<10000x128xf32, #tpu.memory_space<hbm>>
      tpu.enqueue_indirect_dma source(%dma_start3A_769 : memref<10000x128xf32, #tpu.memory_space<hbm>>) target(%arg10 : memref<128x128xf32, #tpu.memory_space<vmem>>) offsets(%dma_start3A_766 : memref<128xi32, #tpu.memory_space<vmem>>) semaphore(%arg12 : memref<!tpu.dma_semaphore, #tpu.memory_space<semaphore_mem>>)
      %dma_wait3A_770 = arith.constant 4 : i32
      %dma_wait3A_771 = arith.constant 0 : i32
      %dma_wait3A_772 = tpu.memref_slice %arg7[%select_n3A_499, %dma_wait3A_770, %dma_wait3A_771] : memref<2x8x128xi32, #tpu.memory_space<vmem>> -> memref<1x1x128xi32, #tpu.memory_space<vmem>>
      %dma_wait3A_773 = tpu.memref_squeeze %dma_wait3A_772 : memref<1x1x128xi32, #tpu.memory_space<vmem>> -> memref<128xi32, #tpu.memory_space<vmem>>
      %dma_wait3A_774 = arith.constant 0 : i32
      %dma_wait3A_775 = arith.constant 0 : i32
      %dma_wait3A_776 = tpu.memref_slice %arg2[%dma_wait3A_774, %dma_wait3A_775] : memref<10000x128xf32, #tpu.memory_space<hbm>> -> memref<10000x128xf32, #tpu.memory_space<hbm>>
      tpu.wait_indirect_dma semaphore(%arg11 : memref<!tpu.dma_semaphore, #tpu.memory_space<semaphore_mem>>) src(%dma_wait3A_776 : memref<10000x128xf32, #tpu.memory_space<hbm>>) dst(%arg9 : memref<128x128xf32, #tpu.memory_space<vmem>>)
      %dma_start3A_777 = arith.constant 8 : i32
      %dma_start3A_778 = arith.constant 0 : i32
      %dma_start3A_779 = arith.constant 0 : i32
      %dma_start3A_780 = tpu.memref_slice %arg9[%dma_start3A_778, %dma_start3A_779] : memref<128x128xf32, #tpu.memory_space<vmem>> -> memref<64x128xf32, #tpu.memory_space<vmem>>
      %dma_start3A_781 = arith.constant 0 : i32
      %dma_start3A_782 = tpu.memref_slice %arg8[%select_n3A_499, %dma_start3A_777, %dma_start3A_781] : memref<2x16x64xi32, #tpu.memory_space<vmem>> -> memref<1x1x64xi32, #tpu.memory_space<vmem>>
      %dma_start3A_783 = tpu.memref_squeeze %dma_start3A_782 : memref<1x1x64xi32, #tpu.memory_space<vmem>> -> memref<64xi32, #tpu.memory_space<vmem>>
      %dma_start3A_784 = arith.constant 0 : i32
      %dma_start3A_785 = arith.constant 0 : i32
      %dma_start3A_786 = tpu.memref_slice %arg17[%dma_start3A_784, %dma_start3A_785] : memref<10112x128xf32, #tpu.memory_space<vmem_shared>> -> memref<10112x128xf32, #tpu.memory_space<vmem_shared>>
      tpu.enqueue_indirect_dma source(%dma_start3A_780 : memref<64x128xf32, #tpu.memory_space<vmem>>) target(%dma_start3A_786 : memref<10112x128xf32, #tpu.memory_space<vmem_shared>>) offsets(%dma_start3A_783 : memref<64xi32, #tpu.memory_space<vmem>>) semaphore(%arg13 : memref<!tpu.dma_semaphore, #tpu.memory_space<semaphore_mem>>) {add = true}
      %dma_start3A_787 = arith.constant 9 : i32
      %dma_start3A_788 = arith.constant 64 : i32
      %dma_start3A_789 = arith.constant 0 : i32
      %dma_start3A_790 = tpu.memref_slice %arg9[%dma_start3A_788, %dma_start3A_789] : memref<128x128xf32, #tpu.memory_space<vmem>> -> memref<64x128xf32, #tpu.memory_space<vmem>>
      %dma_start3A_791 = arith.constant 0 : i32
      %dma_start3A_792 = tpu.memref_slice %arg8[%select_n3A_499, %dma_start3A_787, %dma_start3A_791] : memref<2x16x64xi32, #tpu.memory_space<vmem>> -> memref<1x1x64xi32, #tpu.memory_space<vmem>>
      %dma_start3A_793 = tpu.memref_squeeze %dma_start3A_792 : memref<1x1x64xi32, #tpu.memory_space<vmem>> -> memref<64xi32, #tpu.memory_space<vmem>>
      %dma_start3A_794 = arith.constant 0 : i32
      %dma_start3A_795 = arith.constant 0 : i32
      %dma_start3A_796 = tpu.memref_slice %arg17[%dma_start3A_794, %dma_start3A_795] : memref<10112x128xf32, #tpu.memory_space<vmem_shared>> -> memref<10112x128xf32, #tpu.memory_space<vmem_shared>>
      tpu.enqueue_indirect_dma source(%dma_start3A_790 : memref<64x128xf32, #tpu.memory_space<vmem>>) target(%dma_start3A_796 : memref<10112x128xf32, #tpu.memory_space<vmem_shared>>) offsets(%dma_start3A_793 : memref<64xi32, #tpu.memory_space<vmem>>) semaphore(%arg14 : memref<!tpu.dma_semaphore, #tpu.memory_space<semaphore_mem>>) {add = true}
      %dma_wait3A_797 = arith.constant 5 : i32
      %dma_wait3A_798 = arith.constant 0 : i32
      %dma_wait3A_799 = tpu.memref_slice %arg7[%select_n3A_499, %dma_wait3A_797, %dma_wait3A_798] : memref<2x8x128xi32, #tpu.memory_space<vmem>> -> memref<1x1x128xi32, #tpu.memory_space<vmem>>
      %dma_wait3A_800 = tpu.memref_squeeze %dma_wait3A_799 : memref<1x1x128xi32, #tpu.memory_space<vmem>> -> memref<128xi32, #tpu.memory_space<vmem>>
      %dma_wait3A_801 = arith.constant 0 : i32
      %dma_wait3A_802 = arith.constant 0 : i32
      %dma_wait3A_803 = tpu.memref_slice %arg2[%dma_wait3A_801, %dma_wait3A_802] : memref<10000x128xf32, #tpu.memory_space<hbm>> -> memref<10000x128xf32, #tpu.memory_space<hbm>>
      tpu.wait_indirect_dma semaphore(%arg12 : memref<!tpu.dma_semaphore, #tpu.memory_space<semaphore_mem>>) src(%dma_wait3A_803 : memref<10000x128xf32, #tpu.memory_space<hbm>>) dst(%arg10 : memref<128x128xf32, #tpu.memory_space<vmem>>)
      %dma_start3A_804 = arith.constant 10 : i32
      %dma_start3A_805 = arith.constant 0 : i32
      %dma_start3A_806 = arith.constant 0 : i32
      %dma_start3A_807 = tpu.memref_slice %arg10[%dma_start3A_805, %dma_start3A_806] : memref<128x128xf32, #tpu.memory_space<vmem>> -> memref<64x128xf32, #tpu.memory_space<vmem>>
      %dma_start3A_808 = arith.constant 0 : i32
      %dma_start3A_809 = tpu.memref_slice %arg8[%select_n3A_499, %dma_start3A_804, %dma_start3A_808] : memref<2x16x64xi32, #tpu.memory_space<vmem>> -> memref<1x1x64xi32, #tpu.memory_space<vmem>>
      %dma_start3A_810 = tpu.memref_squeeze %dma_start3A_809 : memref<1x1x64xi32, #tpu.memory_space<vmem>> -> memref<64xi32, #tpu.memory_space<vmem>>
      %dma_start3A_811 = arith.constant 0 : i32
      %dma_start3A_812 = arith.constant 0 : i32
      %dma_start3A_813 = tpu.memref_slice %arg17[%dma_start3A_811, %dma_start3A_812] : memref<10112x128xf32, #tpu.memory_space<vmem_shared>> -> memref<10112x128xf32, #tpu.memory_space<vmem_shared>>
      tpu.enqueue_indirect_dma source(%dma_start3A_807 : memref<64x128xf32, #tpu.memory_space<vmem>>) target(%dma_start3A_813 : memref<10112x128xf32, #tpu.memory_space<vmem_shared>>) offsets(%dma_start3A_810 : memref<64xi32, #tpu.memory_space<vmem>>) semaphore(%arg15 : memref<!tpu.dma_semaphore, #tpu.memory_space<semaphore_mem>>) {add = true}
      %dma_start3A_814 = arith.constant 11 : i32
      %dma_start3A_815 = arith.constant 64 : i32
      %dma_start3A_816 = arith.constant 0 : i32
      %dma_start3A_817 = tpu.memref_slice %arg10[%dma_start3A_815, %dma_start3A_816] : memref<128x128xf32, #tpu.memory_space<vmem>> -> memref<64x128xf32, #tpu.memory_space<vmem>>
      %dma_start3A_818 = arith.constant 0 : i32
      %dma_start3A_819 = tpu.memref_slice %arg8[%select_n3A_499, %dma_start3A_814, %dma_start3A_818] : memref<2x16x64xi32, #tpu.memory_space<vmem>> -> memref<1x1x64xi32, #tpu.memory_space<vmem>>
      %dma_start3A_820 = tpu.memref_squeeze %dma_start3A_819 : memref<1x1x64xi32, #tpu.memory_space<vmem>> -> memref<64xi32, #tpu.memory_space<vmem>>
      %dma_start3A_821 = arith.constant 0 : i32
      %dma_start3A_822 = arith.constant 0 : i32
      %dma_start3A_823 = tpu.memref_slice %arg17[%dma_start3A_821, %dma_start3A_822] : memref<10112x128xf32, #tpu.memory_space<vmem_shared>> -> memref<10112x128xf32, #tpu.memory_space<vmem_shared>>
      tpu.enqueue_indirect_dma source(%dma_start3A_817 : memref<64x128xf32, #tpu.memory_space<vmem>>) target(%dma_start3A_823 : memref<10112x128xf32, #tpu.memory_space<vmem_shared>>) offsets(%dma_start3A_820 : memref<64xi32, #tpu.memory_space<vmem>>) semaphore(%arg16 : memref<!tpu.dma_semaphore, #tpu.memory_space<semaphore_mem>>) {add = true}
      %dma_wait3A_824 = arith.constant 12 : i32
      %dma_wait3A_825 = arith.constant 0 : i32
      %dma_wait3A_826 = arith.constant 0 : i32
      %dma_wait3A_827 = tpu.memref_slice %arg9[%dma_wait3A_825, %dma_wait3A_826] : memref<128x128xf32, #tpu.memory_space<vmem>> -> memref<64x128xf32, #tpu.memory_space<vmem>>
      %dma_wait3A_828 = arith.constant 0 : i32
      %dma_wait3A_829 = tpu.memref_slice %arg8[%select_n3A_499, %dma_wait3A_824, %dma_wait3A_828] : memref<2x16x64xi32, #tpu.memory_space<vmem>> -> memref<1x1x64xi32, #tpu.memory_space<vmem>>
      %dma_wait3A_830 = tpu.memref_squeeze %dma_wait3A_829 : memref<1x1x64xi32, #tpu.memory_space<vmem>> -> memref<64xi32, #tpu.memory_space<vmem>>
      %dma_wait3A_831 = arith.constant 0 : i32
      %dma_wait3A_832 = arith.constant 0 : i32
      %dma_wait3A_833 = tpu.memref_slice %arg17[%dma_wait3A_831, %dma_wait3A_832] : memref<10112x128xf32, #tpu.memory_space<vmem_shared>> -> memref<10112x128xf32, #tpu.memory_space<vmem_shared>>
      tpu.wait_indirect_dma semaphore(%arg13 : memref<!tpu.dma_semaphore, #tpu.memory_space<semaphore_mem>>) src(%dma_wait3A_827 : memref<64x128xf32, #tpu.memory_space<vmem>>) dst(%dma_wait3A_833 : memref<10112x128xf32, #tpu.memory_space<vmem_shared>>)
      %dma_wait3A_834 = arith.constant 13 : i32
      %dma_wait3A_835 = arith.constant 64 : i32
      %dma_wait3A_836 = arith.constant 0 : i32
      %dma_wait3A_837 = tpu.memref_slice %arg9[%dma_wait3A_835, %dma_wait3A_836] : memref<128x128xf32, #tpu.memory_space<vmem>> -> memref<64x128xf32, #tpu.memory_space<vmem>>
      %dma_wait3A_838 = arith.constant 0 : i32
      %dma_wait3A_839 = tpu.memref_slice %arg8[%select_n3A_499, %dma_wait3A_834, %dma_wait3A_838] : memref<2x16x64xi32, #tpu.memory_space<vmem>> -> memref<1x1x64xi32, #tpu.memory_space<vmem>>
      %dma_wait3A_840 = tpu.memref_squeeze %dma_wait3A_839 : memref<1x1x64xi32, #tpu.memory_space<vmem>> -> memref<64xi32, #tpu.memory_space<vmem>>
      %dma_wait3A_841 = arith.constant 0 : i32
      %dma_wait3A_842 = arith.constant 0 : i32
      %dma_wait3A_843 = tpu.memref_slice %arg17[%dma_wait3A_841, %dma_wait3A_842] : memref<10112x128xf32, #tpu.memory_space<vmem_shared>> -> memref<10112x128xf32, #tpu.memory_space<vmem_shared>>
      tpu.wait_indirect_dma semaphore(%arg14 : memref<!tpu.dma_semaphore, #tpu.memory_space<semaphore_mem>>) src(%dma_wait3A_837 : memref<64x128xf32, #tpu.memory_space<vmem>>) dst(%dma_wait3A_843 : memref<10112x128xf32, #tpu.memory_space<vmem_shared>>)
      %dma_start3A_844 = arith.constant 6 : i32
      %dma_start3A_845 = arith.constant 0 : i32
      %dma_start3A_846 = tpu.memref_slice %arg7[%select_n3A_499, %dma_start3A_844, %dma_start3A_845] : memref<2x8x128xi32, #tpu.memory_space<vmem>> -> memref<1x1x128xi32, #tpu.memory_space<vmem>>
      %dma_start3A_847 = tpu.memref_squeeze %dma_start3A_846 : memref<1x1x128xi32, #tpu.memory_space<vmem>> -> memref<128xi32, #tpu.memory_space<vmem>>
      %dma_start3A_848 = arith.constant 0 : i32
      %dma_start3A_849 = arith.constant 0 : i32
      %dma_start3A_850 = tpu.memref_slice %arg2[%dma_start3A_848, %dma_start3A_849] : memref<10000x128xf32, #tpu.memory_space<hbm>> -> memref<10000x128xf32, #tpu.memory_space<hbm>>
      tpu.enqueue_indirect_dma source(%dma_start3A_850 : memref<10000x128xf32, #tpu.memory_space<hbm>>) target(%arg9 : memref<128x128xf32, #tpu.memory_space<vmem>>) offsets(%dma_start3A_847 : memref<128xi32, #tpu.memory_space<vmem>>) semaphore(%arg11 : memref<!tpu.dma_semaphore, #tpu.memory_space<semaphore_mem>>)
      %dma_wait3A_851 = arith.constant 14 : i32
      %dma_wait3A_852 = arith.constant 0 : i32
      %dma_wait3A_853 = arith.constant 0 : i32
      %dma_wait3A_854 = tpu.memref_slice %arg10[%dma_wait3A_852, %dma_wait3A_853] : memref<128x128xf32, #tpu.memory_space<vmem>> -> memref<64x128xf32, #tpu.memory_space<vmem>>
      %dma_wait3A_855 = arith.constant 0 : i32
      %dma_wait3A_856 = tpu.memref_slice %arg8[%select_n3A_499, %dma_wait3A_851, %dma_wait3A_855] : memref<2x16x64xi32, #tpu.memory_space<vmem>> -> memref<1x1x64xi32, #tpu.memory_space<vmem>>
      %dma_wait3A_857 = tpu.memref_squeeze %dma_wait3A_856 : memref<1x1x64xi32, #tpu.memory_space<vmem>> -> memref<64xi32, #tpu.memory_space<vmem>>
      %dma_wait3A_858 = arith.constant 0 : i32
      %dma_wait3A_859 = arith.constant 0 : i32
      %dma_wait3A_860 = tpu.memref_slice %arg17[%dma_wait3A_858, %dma_wait3A_859] : memref<10112x128xf32, #tpu.memory_space<vmem_shared>> -> memref<10112x128xf32, #tpu.memory_space<vmem_shared>>
      tpu.wait_indirect_dma semaphore(%arg15 : memref<!tpu.dma_semaphore, #tpu.memory_space<semaphore_mem>>) src(%dma_wait3A_854 : memref<64x128xf32, #tpu.memory_space<vmem>>) dst(%dma_wait3A_860 : memref<10112x128xf32, #tpu.memory_space<vmem_shared>>)
      %dma_wait3A_861 = arith.constant 15 : i32
      %dma_wait3A_862 = arith.constant 64 : i32
      %dma_wait3A_863 = arith.constant 0 : i32
      %dma_wait3A_864 = tpu.memref_slice %arg10[%dma_wait3A_862, %dma_wait3A_863] : memref<128x128xf32, #tpu.memory_space<vmem>> -> memref<64x128xf32, #tpu.memory_space<vmem>>
      %dma_wait3A_865 = arith.constant 0 : i32
      %dma_wait3A_866 = tpu.memref_slice %arg8[%select_n3A_499, %dma_wait3A_861, %dma_wait3A_865] : memref<2x16x64xi32, #tpu.memory_space<vmem>> -> memref<1x1x64xi32, #tpu.memory_space<vmem>>
      %dma_wait3A_867 = tpu.memref_squeeze %dma_wait3A_866 : memref<1x1x64xi32, #tpu.memory_space<vmem>> -> memref<64xi32, #tpu.memory_space<vmem>>
      %dma_wait3A_868 = arith.constant 0 : i32
      %dma_wait3A_869 = arith.constant 0 : i32
      %dma_wait3A_870 = tpu.memref_slice %arg17[%dma_wait3A_868, %dma_wait3A_869] : memref<10112x128xf32, #tpu.memory_space<vmem_shared>> -> memref<10112x128xf32, #tpu.memory_space<vmem_shared>>
      tpu.wait_indirect_dma semaphore(%arg16 : memref<!tpu.dma_semaphore, #tpu.memory_space<semaphore_mem>>) src(%dma_wait3A_864 : memref<64x128xf32, #tpu.memory_space<vmem>>) dst(%dma_wait3A_870 : memref<10112x128xf32, #tpu.memory_space<vmem_shared>>)
      %dma_start3A_871 = arith.constant 7 : i32
      %dma_start3A_872 = arith.constant 0 : i32
      %dma_start3A_873 = tpu.memref_slice %arg7[%select_n3A_499, %dma_start3A_871, %dma_start3A_872] : memref<2x8x128xi32, #tpu.memory_space<vmem>> -> memref<1x1x128xi32, #tpu.memory_space<vmem>>
      %dma_start3A_874 = tpu.memref_squeeze %dma_start3A_873 : memref<1x1x128xi32, #tpu.memory_space<vmem>> -> memref<128xi32, #tpu.memory_space<vmem>>
      %dma_start3A_875 = arith.constant 0 : i32
      %dma_start3A_876 = arith.constant 0 : i32
      %dma_start3A_877 = tpu.memref_slice %arg2[%dma_start3A_875, %dma_start3A_876] : memref<10000x128xf32, #tpu.memory_space<hbm>> -> memref<10000x128xf32, #tpu.memory_space<hbm>>
      tpu.enqueue_indirect_dma source(%dma_start3A_877 : memref<10000x128xf32, #tpu.memory_space<hbm>>) target(%arg10 : memref<128x128xf32, #tpu.memory_space<vmem>>) offsets(%dma_start3A_874 : memref<128xi32, #tpu.memory_space<vmem>>) semaphore(%arg12 : memref<!tpu.dma_semaphore, #tpu.memory_space<semaphore_mem>>)
      %dma_wait3A_878 = arith.constant 6 : i32
      %dma_wait3A_879 = arith.constant 0 : i32
      %dma_wait3A_880 = tpu.memref_slice %arg7[%select_n3A_499, %dma_wait3A_878, %dma_wait3A_879] : memref<2x8x128xi32, #tpu.memory_space<vmem>> -> memref<1x1x128xi32, #tpu.memory_space<vmem>>
      %dma_wait3A_881 = tpu.memref_squeeze %dma_wait3A_880 : memref<1x1x128xi32, #tpu.memory_space<vmem>> -> memref<128xi32, #tpu.memory_space<vmem>>
      %dma_wait3A_882 = arith.constant 0 : i32
      %dma_wait3A_883 = arith.constant 0 : i32
      %dma_wait3A_884 = tpu.memref_slice %arg2[%dma_wait3A_882, %dma_wait3A_883] : memref<10000x128xf32, #tpu.memory_space<hbm>> -> memref<10000x128xf32, #tpu.memory_space<hbm>>
      tpu.wait_indirect_dma semaphore(%arg11 : memref<!tpu.dma_semaphore, #tpu.memory_space<semaphore_mem>>) src(%dma_wait3A_884 : memref<10000x128xf32, #tpu.memory_space<hbm>>) dst(%arg9 : memref<128x128xf32, #tpu.memory_space<vmem>>)
      %dma_start3A_885 = arith.constant 12 : i32
      %dma_start3A_886 = arith.constant 0 : i32
      %dma_start3A_887 = arith.constant 0 : i32
      %dma_start3A_888 = tpu.memref_slice %arg9[%dma_start3A_886, %dma_start3A_887] : memref<128x128xf32, #tpu.memory_space<vmem>> -> memref<64x128xf32, #tpu.memory_space<vmem>>
      %dma_start3A_889 = arith.constant 0 : i32
      %dma_start3A_890 = tpu.memref_slice %arg8[%select_n3A_499, %dma_start3A_885, %dma_start3A_889] : memref<2x16x64xi32, #tpu.memory_space<vmem>> -> memref<1x1x64xi32, #tpu.memory_space<vmem>>
      %dma_start3A_891 = tpu.memref_squeeze %dma_start3A_890 : memref<1x1x64xi32, #tpu.memory_space<vmem>> -> memref<64xi32, #tpu.memory_space<vmem>>
      %dma_start3A_892 = arith.constant 0 : i32
      %dma_start3A_893 = arith.constant 0 : i32
      %dma_start3A_894 = tpu.memref_slice %arg17[%dma_start3A_892, %dma_start3A_893] : memref<10112x128xf32, #tpu.memory_space<vmem_shared>> -> memref<10112x128xf32, #tpu.memory_space<vmem_shared>>
      tpu.enqueue_indirect_dma source(%dma_start3A_888 : memref<64x128xf32, #tpu.memory_space<vmem>>) target(%dma_start3A_894 : memref<10112x128xf32, #tpu.memory_space<vmem_shared>>) offsets(%dma_start3A_891 : memref<64xi32, #tpu.memory_space<vmem>>) semaphore(%arg13 : memref<!tpu.dma_semaphore, #tpu.memory_space<semaphore_mem>>) {add = true}
      %dma_start3A_895 = arith.constant 13 : i32
      %dma_start3A_896 = arith.constant 64 : i32
      %dma_start3A_897 = arith.constant 0 : i32
      %dma_start3A_898 = tpu.memref_slice %arg9[%dma_start3A_896, %dma_start3A_897] : memref<128x128xf32, #tpu.memory_space<vmem>> -> memref<64x128xf32, #tpu.memory_space<vmem>>
      %dma_start3A_899 = arith.constant 0 : i32
      %dma_start3A_900 = tpu.memref_slice %arg8[%select_n3A_499, %dma_start3A_895, %dma_start3A_899] : memref<2x16x64xi32, #tpu.memory_space<vmem>> -> memref<1x1x64xi32, #tpu.memory_space<vmem>>
      %dma_start3A_901 = tpu.memref_squeeze %dma_start3A_900 : memref<1x1x64xi32, #tpu.memory_space<vmem>> -> memref<64xi32, #tpu.memory_space<vmem>>
      %dma_start3A_902 = arith.constant 0 : i32
      %dma_start3A_903 = arith.constant 0 : i32
      %dma_start3A_904 = tpu.memref_slice %arg17[%dma_start3A_902, %dma_start3A_903] : memref<10112x128xf32, #tpu.memory_space<vmem_shared>> -> memref<10112x128xf32, #tpu.memory_space<vmem_shared>>
      tpu.enqueue_indirect_dma source(%dma_start3A_898 : memref<64x128xf32, #tpu.memory_space<vmem>>) target(%dma_start3A_904 : memref<10112x128xf32, #tpu.memory_space<vmem_shared>>) offsets(%dma_start3A_901 : memref<64xi32, #tpu.memory_space<vmem>>) semaphore(%arg14 : memref<!tpu.dma_semaphore, #tpu.memory_space<semaphore_mem>>) {add = true}
      %dma_wait3A_905 = arith.constant 7 : i32
      %dma_wait3A_906 = arith.constant 0 : i32
      %dma_wait3A_907 = tpu.memref_slice %arg7[%select_n3A_499, %dma_wait3A_905, %dma_wait3A_906] : memref<2x8x128xi32, #tpu.memory_space<vmem>> -> memref<1x1x128xi32, #tpu.memory_space<vmem>>
      %dma_wait3A_908 = tpu.memref_squeeze %dma_wait3A_907 : memref<1x1x128xi32, #tpu.memory_space<vmem>> -> memref<128xi32, #tpu.memory_space<vmem>>
      %dma_wait3A_909 = arith.constant 0 : i32
      %dma_wait3A_910 = arith.constant 0 : i32
      %dma_wait3A_911 = tpu.memref_slice %arg2[%dma_wait3A_909, %dma_wait3A_910] : memref<10000x128xf32, #tpu.memory_space<hbm>> -> memref<10000x128xf32, #tpu.memory_space<hbm>>
      tpu.wait_indirect_dma semaphore(%arg12 : memref<!tpu.dma_semaphore, #tpu.memory_space<semaphore_mem>>) src(%dma_wait3A_911 : memref<10000x128xf32, #tpu.memory_space<hbm>>) dst(%arg10 : memref<128x128xf32, #tpu.memory_space<vmem>>)
      %dma_start3A_912 = arith.constant 14 : i32
      %dma_start3A_913 = arith.constant 0 : i32
      %dma_start3A_914 = arith.constant 0 : i32
      %dma_start3A_915 = tpu.memref_slice %arg10[%dma_start3A_913, %dma_start3A_914] : memref<128x128xf32, #tpu.memory_space<vmem>> -> memref<64x128xf32, #tpu.memory_space<vmem>>
      %dma_start3A_916 = arith.constant 0 : i32
      %dma_start3A_917 = tpu.memref_slice %arg8[%select_n3A_499, %dma_start3A_912, %dma_start3A_916] : memref<2x16x64xi32, #tpu.memory_space<vmem>> -> memref<1x1x64xi32, #tpu.memory_space<vmem>>
      %dma_start3A_918 = tpu.memref_squeeze %dma_start3A_917 : memref<1x1x64xi32, #tpu.memory_space<vmem>> -> memref<64xi32, #tpu.memory_space<vmem>>
      %dma_start3A_919 = arith.constant 0 : i32
      %dma_start3A_920 = arith.constant 0 : i32
      %dma_start3A_921 = tpu.memref_slice %arg17[%dma_start3A_919, %dma_start3A_920] : memref<10112x128xf32, #tpu.memory_space<vmem_shared>> -> memref<10112x128xf32, #tpu.memory_space<vmem_shared>>
      tpu.enqueue_indirect_dma source(%dma_start3A_915 : memref<64x128xf32, #tpu.memory_space<vmem>>) target(%dma_start3A_921 : memref<10112x128xf32, #tpu.memory_space<vmem_shared>>) offsets(%dma_start3A_918 : memref<64xi32, #tpu.memory_space<vmem>>) semaphore(%arg15 : memref<!tpu.dma_semaphore, #tpu.memory_space<semaphore_mem>>) {add = true}
      %dma_start3A_922 = arith.constant 15 : i32
      %dma_start3A_923 = arith.constant 64 : i32
      %dma_start3A_924 = arith.constant 0 : i32
      %dma_start3A_925 = tpu.memref_slice %arg10[%dma_start3A_923, %dma_start3A_924] : memref<128x128xf32, #tpu.memory_space<vmem>> -> memref<64x128xf32, #tpu.memory_space<vmem>>
      %dma_start3A_926 = arith.constant 0 : i32
      %dma_start3A_927 = tpu.memref_slice %arg8[%select_n3A_499, %dma_start3A_922, %dma_start3A_926] : memref<2x16x64xi32, #tpu.memory_space<vmem>> -> memref<1x1x64xi32, #tpu.memory_space<vmem>>
      %dma_start3A_928 = tpu.memref_squeeze %dma_start3A_927 : memref<1x1x64xi32, #tpu.memory_space<vmem>> -> memref<64xi32, #tpu.memory_space<vmem>>
      %dma_start3A_929 = arith.constant 0 : i32
      %dma_start3A_930 = arith.constant 0 : i32
      %dma_start3A_931 = tpu.memref_slice %arg17[%dma_start3A_929, %dma_start3A_930] : memref<10112x128xf32, #tpu.memory_space<vmem_shared>> -> memref<10112x128xf32, #tpu.memory_space<vmem_shared>>
      tpu.enqueue_indirect_dma source(%dma_start3A_925 : memref<64x128xf32, #tpu.memory_space<vmem>>) target(%dma_start3A_931 : memref<10112x128xf32, #tpu.memory_space<vmem_shared>>) offsets(%dma_start3A_928 : memref<64xi32, #tpu.memory_space<vmem>>) semaphore(%arg16 : memref<!tpu.dma_semaphore, #tpu.memory_space<semaphore_mem>>) {add = true}
    }
    %scan3A_444 = arith.constant 9 : i32
    %dma_wait3A_445 = arith.constant 1 : i32
    %dma_wait3A_446 = arith.constant 12 : i32
    %dma_wait3A_447 = arith.constant 0 : i32
    %dma_wait3A_448 = arith.constant 0 : i32
    %dma_wait3A_449 = tpu.memref_slice %arg9[%dma_wait3A_447, %dma_wait3A_448] : memref<128x128xf32, #tpu.memory_space<vmem>> -> memref<64x128xf32, #tpu.memory_space<vmem>>
    %dma_wait3A_450 = arith.constant 0 : i32
    %dma_wait3A_451 = tpu.memref_slice %arg8[%dma_wait3A_445, %dma_wait3A_446, %dma_wait3A_450] : memref<2x16x64xi32, #tpu.memory_space<vmem>> -> memref<1x1x64xi32, #tpu.memory_space<vmem>>
    %dma_wait3A_452 = tpu.memref_squeeze %dma_wait3A_451 : memref<1x1x64xi32, #tpu.memory_space<vmem>> -> memref<64xi32, #tpu.memory_space<vmem>>
    %dma_wait3A_453 = arith.constant 0 : i32
    %dma_wait3A_454 = arith.constant 0 : i32
    %dma_wait3A_455 = tpu.memref_slice %arg17[%dma_wait3A_453, %dma_wait3A_454] : memref<10112x128xf32, #tpu.memory_space<vmem_shared>> -> memref<10112x128xf32, #tpu.memory_space<vmem_shared>>
    tpu.wait_indirect_dma semaphore(%arg13 : memref<!tpu.dma_semaphore, #tpu.memory_space<semaphore_mem>>) src(%dma_wait3A_449 : memref<64x128xf32, #tpu.memory_space<vmem>>) dst(%dma_wait3A_455 : memref<10112x128xf32, #tpu.memory_space<vmem_shared>>)
    %dma_wait3A_456 = arith.constant 1 : i32
    %dma_wait3A_457 = arith.constant 13 : i32
    %dma_wait3A_458 = arith.constant 64 : i32
    %dma_wait3A_459 = arith.constant 0 : i32
    %dma_wait3A_460 = tpu.memref_slice %arg9[%dma_wait3A_458, %dma_wait3A_459] : memref<128x128xf32, #tpu.memory_space<vmem>> -> memref<64x128xf32, #tpu.memory_space<vmem>>
    %dma_wait3A_461 = arith.constant 0 : i32
    %dma_wait3A_462 = tpu.memref_slice %arg8[%dma_wait3A_456, %dma_wait3A_457, %dma_wait3A_461] : memref<2x16x64xi32, #tpu.memory_space<vmem>> -> memref<1x1x64xi32, #tpu.memory_space<vmem>>
    %dma_wait3A_463 = tpu.memref_squeeze %dma_wait3A_462 : memref<1x1x64xi32, #tpu.memory_space<vmem>> -> memref<64xi32, #tpu.memory_space<vmem>>
    %dma_wait3A_464 = arith.constant 0 : i32
    %dma_wait3A_465 = arith.constant 0 : i32
    %dma_wait3A_466 = tpu.memref_slice %arg17[%dma_wait3A_464, %dma_wait3A_465] : memref<10112x128xf32, #tpu.memory_space<vmem_shared>> -> memref<10112x128xf32, #tpu.memory_space<vmem_shared>>
    tpu.wait_indirect_dma semaphore(%arg14 : memref<!tpu.dma_semaphore, #tpu.memory_space<semaphore_mem>>) src(%dma_wait3A_460 : memref<64x128xf32, #tpu.memory_space<vmem>>) dst(%dma_wait3A_466 : memref<10112x128xf32, #tpu.memory_space<vmem_shared>>)
    %dma_wait3A_467 = arith.constant 1 : i32
    %dma_wait3A_468 = arith.constant 14 : i32
    %dma_wait3A_469 = arith.constant 0 : i32
    %dma_wait3A_470 = arith.constant 0 : i32
    %dma_wait3A_471 = tpu.memref_slice %arg10[%dma_wait3A_469, %dma_wait3A_470] : memref<128x128xf32, #tpu.memory_space<vmem>> -> memref<64x128xf32, #tpu.memory_space<vmem>>
    %dma_wait3A_472 = arith.constant 0 : i32
    %dma_wait3A_473 = tpu.memref_slice %arg8[%dma_wait3A_467, %dma_wait3A_468, %dma_wait3A_472] : memref<2x16x64xi32, #tpu.memory_space<vmem>> -> memref<1x1x64xi32, #tpu.memory_space<vmem>>
    %dma_wait3A_474 = tpu.memref_squeeze %dma_wait3A_473 : memref<1x1x64xi32, #tpu.memory_space<vmem>> -> memref<64xi32, #tpu.memory_space<vmem>>
    %dma_wait3A_475 = arith.constant 0 : i32
    %dma_wait3A_476 = arith.constant 0 : i32
    %dma_wait3A_477 = tpu.memref_slice %arg17[%dma_wait3A_475, %dma_wait3A_476] : memref<10112x128xf32, #tpu.memory_space<vmem_shared>> -> memref<10112x128xf32, #tpu.memory_space<vmem_shared>>
    tpu.wait_indirect_dma semaphore(%arg15 : memref<!tpu.dma_semaphore, #tpu.memory_space<semaphore_mem>>) src(%dma_wait3A_471 : memref<64x128xf32, #tpu.memory_space<vmem>>) dst(%dma_wait3A_477 : memref<10112x128xf32, #tpu.memory_space<vmem_shared>>)
    %dma_wait3A_478 = arith.constant 1 : i32
    %dma_wait3A_479 = arith.constant 15 : i32
    %dma_wait3A_480 = arith.constant 64 : i32
    %dma_wait3A_481 = arith.constant 0 : i32
    %dma_wait3A_482 = tpu.memref_slice %arg10[%dma_wait3A_480, %dma_wait3A_481] : memref<128x128xf32, #tpu.memory_space<vmem>> -> memref<64x128xf32, #tpu.memory_space<vmem>>
    %dma_wait3A_483 = arith.constant 0 : i32
    %dma_wait3A_484 = tpu.memref_slice %arg8[%dma_wait3A_478, %dma_wait3A_479, %dma_wait3A_483] : memref<2x16x64xi32, #tpu.memory_space<vmem>> -> memref<1x1x64xi32, #tpu.memory_space<vmem>>
    %dma_wait3A_485 = tpu.memref_squeeze %dma_wait3A_484 : memref<1x1x64xi32, #tpu.memory_space<vmem>> -> memref<64xi32, #tpu.memory_space<vmem>>
    %dma_wait3A_486 = arith.constant 0 : i32
    %dma_wait3A_487 = arith.constant 0 : i32
    %dma_wait3A_488 = tpu.memref_slice %arg17[%dma_wait3A_486, %dma_wait3A_487] : memref<10112x128xf32, #tpu.memory_space<vmem_shared>> -> memref<10112x128xf32, #tpu.memory_space<vmem_shared>>
    tpu.wait_indirect_dma semaphore(%arg16 : memref<!tpu.dma_semaphore, #tpu.memory_space<semaphore_mem>>) src(%dma_wait3A_482 : memref<64x128xf32, #tpu.memory_space<vmem>>) dst(%dma_wait3A_488 : memref<10112x128xf32, #tpu.memory_space<vmem_shared>>)
    %barrier3A_489 = arith.constant 0 : index
    tpu.barrier barrier_id(%barrier3A_489)
    "tpu.region"() ({
      %run_scoped3A_490 = tpu.sem_alloc : memref<!tpu.dma_semaphore, #tpu.memory_space<semaphore_mem>>
      %dma_start3A_491 = arith.constant 0 : i32
      %dma_start3A_492 = tpu.memref_slice %arg6[%arg0, %mul3A_2, %dma_start3A_491] : memref<2x10112x128xf32, #tpu.memory_space<hbm>> -> memref<1x632x128xf32, #tpu.memory_space<hbm>>
      %dma_start3A_493 = tpu.memref_squeeze %dma_start3A_492 : memref<1x632x128xf32, #tpu.memory_space<hbm>> -> memref<632x128xf32, #tpu.memory_space<hbm>>
      %dma_start3A_494 = arith.constant 0 : i32
      %dma_start3A_495 = tpu.memref_slice %arg17[%mul3A_2, %dma_start3A_494] : memref<10112x128xf32, #tpu.memory_space<vmem_shared>> -> memref<632x128xf32, #tpu.memory_space<vmem_shared>>
      tpu.enqueue_dma source(%dma_start3A_495 : memref<632x128xf32, #tpu.memory_space<vmem_shared>>) target(%dma_start3A_493 : memref<632x128xf32, #tpu.memory_space<hbm>>) target_semaphore(%run_scoped3A_490 : memref<!tpu.dma_semaphore, #tpu.memory_space<semaphore_mem>>)
      %dma_wait3A_496 = arith.constant 0 : i32
      %dma_wait3A_497 = tpu.memref_slice %arg6[%arg0, %mul3A_2, %dma_wait3A_496] : memref<2x10112x128xf32, #tpu.memory_space<hbm>> -> memref<1x632x128xf32, #tpu.memory_space<hbm>>
      %dma_wait3A_498 = tpu.memref_squeeze %dma_wait3A_497 : memref<1x632x128xf32, #tpu.memory_space<hbm>> -> memref<632x128xf32, #tpu.memory_space<hbm>>
      %dma_wait3A_499 = arith.constant 0 : i32
      %dma_wait3A_500 = tpu.memref_slice %arg17[%mul3A_2, %dma_wait3A_499] : memref<10112x128xf32, #tpu.memory_space<vmem_shared>> -> memref<632x128xf32, #tpu.memory_space<vmem_shared>>
      tpu.wait_dma2 semaphore(%run_scoped3A_490 : memref<!tpu.dma_semaphore, #tpu.memory_space<semaphore_mem>>) src(%dma_wait3A_500 : memref<632x128xf32, #tpu.memory_space<vmem_shared>>) dst(%dma_wait3A_498 : memref<632x128xf32, #tpu.memory_space<hbm>>)
      tpu.yield
    }) : () -> ()
    return
  }
}

#map = affine_map<(d0, d1) -> (0, 0)>
#map1 = affine_map<(d0, d1) -> (0, 0, 0, 0)>
#map2 = affine_map<(d0, d1) -> (0, 0, 0)>
module attributes {stable_mosaic.version = 14 : i64} {
  func.func @_sc_agg(%arg0: i32, %arg1: i32, %arg2: memref<10000x128xf32, #tpu.memory_space<hbm>>, %arg3: memref<32x10x8x128xi32, #tpu.memory_space<hbm>>, %arg4: memref<32x10x16x64xi32, #tpu.memory_space<hbm>>, %arg5: memref<10112x128xf32, #tpu.memory_space<hbm>>, %arg6: memref<2x10112x128xf32, #tpu.memory_space<hbm>>, %arg7: memref<2x8x128xi32, #tpu.memory_space<vmem>>, %arg8: memref<2x16x64xi32, #tpu.memory_space<vmem>>, %arg9: memref<128x128xf32, #tpu.memory_space<vmem>>, %arg10: memref<128x128xf32, #tpu.memory_space<vmem>>, %arg11: memref<!tpu.dma_semaphore, #tpu.memory_space<semaphore_mem>>, %arg12: memref<!tpu.dma_semaphore, #tpu.memory_space<semaphore_mem>>, %arg13: memref<!tpu.dma_semaphore, #tpu.memory_space<semaphore_mem>>, %arg14: memref<!tpu.dma_semaphore, #tpu.memory_space<semaphore_mem>>, %arg15: memref<!tpu.dma_semaphore, #tpu.memory_space<semaphore_mem>>, %arg16: memref<!tpu.dma_semaphore, #tpu.memory_space<semaphore_mem>>, %arg17: memref<10112x128xf32, #tpu.memory_space<vmem_shared>>) attributes {dimension_semantics = [#tpu.dimension_semantics<core_parallel>, #tpu.dimension_semantics<subcore_parallel>], iteration_bounds = array<i64: 2, 16>, scalar_prefetch = 0 : i64, scratch_operands = 11 : i64, tpu.core_type = #tpu.core_type<sc_vector_subcore>, window_params = [{transform_indices = #map}, {transform_indices = #map1}, {transform_indices = #map1}, {transform_indices = #map}, {transform_indices = #map2}]} {
    %mul3A = arith.constant 2 : i32
    %mul3A_0 = arith.muli %arg1, %mul3A : i32
    %add3A = arith.addi %mul3A_0, %arg0 : i32
    %mul3A_1 = arith.constant 632 : i32
    %mul3A_2 = arith.muli %arg1, %mul3A_1 : i32
    "tpu.region"() ({
      %run_scoped3A_490 = tpu.sem_alloc : memref<!tpu.dma_semaphore, #tpu.memory_space<semaphore_mem>>
      %dma_start3A_491 = arith.constant 0 : i32
      %dma_start3A_492 = tpu.memref_slice %arg17[%mul3A_2, %dma_start3A_491] : memref<10112x128xf32, #tpu.memory_space<vmem_shared>> -> memref<632x128xf32, #tpu.memory_space<vmem_shared>>
      %dma_start3A_493 = arith.constant 0 : i32
      %dma_start3A_494 = tpu.memref_slice %arg5[%mul3A_2, %dma_start3A_493] : memref<10112x128xf32, #tpu.memory_space<hbm>> -> memref<632x128xf32, #tpu.memory_space<hbm>>
      tpu.enqueue_dma source(%dma_start3A_494 : memref<632x128xf32, #tpu.memory_space<hbm>>) target(%dma_start3A_492 : memref<632x128xf32, #tpu.memory_space<vmem_shared>>) target_semaphore(%run_scoped3A_490 : memref<!tpu.dma_semaphore, #tpu.memory_space<semaphore_mem>>)
      %dma_wait3A_495 = arith.constant 0 : i32
      %dma_wait3A_496 = tpu.memref_slice %arg17[%mul3A_2, %dma_wait3A_495] : memref<10112x128xf32, #tpu.memory_space<vmem_shared>> -> memref<632x128xf32, #tpu.memory_space<vmem_shared>>
      %dma_wait3A_497 = arith.constant 0 : i32
      %dma_wait3A_498 = tpu.memref_slice %arg5[%mul3A_2, %dma_wait3A_497] : memref<10112x128xf32, #tpu.memory_space<hbm>> -> memref<632x128xf32, #tpu.memory_space<hbm>>
      tpu.wait_dma2 semaphore(%run_scoped3A_490 : memref<!tpu.dma_semaphore, #tpu.memory_space<semaphore_mem>>) src(%dma_wait3A_498 : memref<632x128xf32, #tpu.memory_space<hbm>>) dst(%dma_wait3A_496 : memref<632x128xf32, #tpu.memory_space<vmem_shared>>)
      tpu.yield
    }) : () -> ()
    %barrier3A = arith.constant 0 : index
    tpu.barrier barrier_id(%barrier3A)
    %run_scoped3A = arith.constant 0 : i32
    %run_scoped3A_3 = arith.constant 0 : i32
    "tpu.region"() ({
      %run_scoped3A_490 = tpu.sem_alloc : memref<!tpu.dma_semaphore, #tpu.memory_space<semaphore_mem>>
      %dma_start3A_491 = arith.constant 0 : i32
      %dma_start3A_492 = arith.constant 0 : i32
      %dma_start3A_493 = tpu.memref_slice %arg7[%run_scoped3A_3, %dma_start3A_491, %dma_start3A_492] : memref<2x8x128xi32, #tpu.memory_space<vmem>> -> memref<1x8x128xi32, #tpu.memory_space<vmem>>
      %dma_start3A_494 = tpu.memref_squeeze %dma_start3A_493 : memref<1x8x128xi32, #tpu.memory_space<vmem>> -> memref<8x128xi32, #tpu.memory_space<vmem>>
      %dma_start3A_495 = arith.constant 0 : i32
      %dma_start3A_496 = arith.constant 0 : i32
      %dma_start3A_497 = tpu.memref_slice %arg3[%add3A, %run_scoped3A, %dma_start3A_495, %dma_start3A_496] : memref<32x10x8x128xi32, #tpu.memory_space<hbm>> -> memref<1x1x8x128xi32, #tpu.memory_space<hbm>>
      %dma_start3A_498 = tpu.memref_squeeze %dma_start3A_497 : memref<1x1x8x128xi32, #tpu.memory_space<hbm>> -> memref<8x128xi32, #tpu.memory_space<hbm>>
      %dma_start3A_499 = arith.constant 0 : i32
      %dma_start3A_500 = arith.constant 0 : i32
      %dma_start3A_501 = tpu.memref_slice %arg7[%run_scoped3A_3, %dma_start3A_499, %dma_start3A_500] : memref<2x8x128xi32, #tpu.memory_space<vmem>> -> memref<1x8x128xi32, #tpu.memory_space<vmem>>
      %dma_start3A_502 = tpu.memref_squeeze %dma_start3A_501 : memref<1x8x128xi32, #tpu.memory_space<vmem>> -> memref<8x128xi32, #tpu.memory_space<vmem>>
      %dma_start3A_503 = arith.constant 0 : i32
      %dma_start3A_504 = arith.constant 0 : i32
      %dma_start3A_505 = tpu.memref_slice %arg3[%add3A, %run_scoped3A, %dma_start3A_503, %dma_start3A_504] : memref<32x10x8x128xi32, #tpu.memory_space<hbm>> -> memref<1x1x8x128xi32, #tpu.memory_space<hbm>>
      %dma_start3A_506 = tpu.memref_squeeze %dma_start3A_505 : memref<1x1x8x128xi32, #tpu.memory_space<hbm>> -> memref<8x128xi32, #tpu.memory_space<hbm>>
      tpu.enqueue_dma source(%dma_start3A_506 : memref<8x128xi32, #tpu.memory_space<hbm>>) target(%dma_start3A_502 : memref<8x128xi32, #tpu.memory_space<vmem>>) target_semaphore(%run_scoped3A_490 : memref<!tpu.dma_semaphore, #tpu.memory_space<semaphore_mem>>)
      %dma_wait3A_507 = arith.constant 0 : i32
      %dma_wait3A_508 = arith.constant 0 : i32
      %dma_wait3A_509 = tpu.memref_slice %arg7[%run_scoped3A_3, %dma_wait3A_507, %dma_wait3A_508] : memref<2x8x128xi32, #tpu.memory_space<vmem>> -> memref<1x8x128xi32, #tpu.memory_space<vmem>>
      %dma_wait3A_510 = tpu.memref_squeeze %dma_wait3A_509 : memref<1x8x128xi32, #tpu.memory_space<vmem>> -> memref<8x128xi32, #tpu.memory_space<vmem>>
      %dma_wait3A_511 = arith.constant 0 : i32
      %dma_wait3A_512 = arith.constant 0 : i32
      %dma_wait3A_513 = tpu.memref_slice %arg3[%add3A, %run_scoped3A, %dma_wait3A_511, %dma_wait3A_512] : memref<32x10x8x128xi32, #tpu.memory_space<hbm>> -> memref<1x1x8x128xi32, #tpu.memory_space<hbm>>
      %dma_wait3A_514 = tpu.memref_squeeze %dma_wait3A_513 : memref<1x1x8x128xi32, #tpu.memory_space<hbm>> -> memref<8x128xi32, #tpu.memory_space<hbm>>
      %dma_wait3A_515 = arith.constant 0 : i32
      %dma_wait3A_516 = arith.constant 0 : i32
      %dma_wait3A_517 = tpu.memref_slice %arg7[%run_scoped3A_3, %dma_wait3A_515, %dma_wait3A_516] : memref<2x8x128xi32, #tpu.memory_space<vmem>> -> memref<1x8x128xi32, #tpu.memory_space<vmem>>
      %dma_wait3A_518 = tpu.memref_squeeze %dma_wait3A_517 : memref<1x8x128xi32, #tpu.memory_space<vmem>> -> memref<8x128xi32, #tpu.memory_space<vmem>>
      %dma_wait3A_519 = arith.constant 0 : i32
      %dma_wait3A_520 = arith.constant 0 : i32
      %dma_wait3A_521 = tpu.memref_slice %arg3[%add3A, %run_scoped3A, %dma_wait3A_519, %dma_wait3A_520] : memref<32x10x8x128xi32, #tpu.memory_space<hbm>> -> memref<1x1x8x128xi32, #tpu.memory_space<hbm>>
      %dma_wait3A_522 = tpu.memref_squeeze %dma_wait3A_521 : memref<1x1x8x128xi32, #tpu.memory_space<hbm>> -> memref<8x128xi32, #tpu.memory_space<hbm>>
      tpu.wait_dma2 semaphore(%run_scoped3A_490 : memref<!tpu.dma_semaphore, #tpu.memory_space<semaphore_mem>>) src(%dma_wait3A_522 : memref<8x128xi32, #tpu.memory_space<hbm>>) dst(%dma_wait3A_518 : memref<8x128xi32, #tpu.memory_space<vmem>>)
      tpu.yield
    }) : () -> ()
    %run_scoped3A_4 = arith.constant 0 : i32
    %run_scoped3A_5 = arith.constant 0 : i32
    "tpu.region"() ({
      %run_scoped3A_490 = tpu.sem_alloc : memref<!tpu.dma_semaphore, #tpu.memory_space<semaphore_mem>>
      %dma_start3A_491 = arith.constant 0 : i32
      %dma_start3A_492 = arith.constant 0 : i32
      %dma_start3A_493 = tpu.memref_slice %arg8[%run_scoped3A_5, %dma_start3A_491, %dma_start3A_492] : memref<2x16x64xi32, #tpu.memory_space<vmem>> -> memref<1x16x64xi32, #tpu.memory_space<vmem>>
      %dma_start3A_494 = tpu.memref_squeeze %dma_start3A_493 : memref<1x16x64xi32, #tpu.memory_space<vmem>> -> memref<16x64xi32, #tpu.memory_space<vmem>>
      %dma_start3A_495 = arith.constant 0 : i32
      %dma_start3A_496 = arith.constant 0 : i32
      %dma_start3A_497 = tpu.memref_slice %arg4[%add3A, %run_scoped3A_4, %dma_start3A_495, %dma_start3A_496] : memref<32x10x16x64xi32, #tpu.memory_space<hbm>> -> memref<1x1x16x64xi32, #tpu.memory_space<hbm>>
      %dma_start3A_498 = tpu.memref_squeeze %dma_start3A_497 : memref<1x1x16x64xi32, #tpu.memory_space<hbm>> -> memref<16x64xi32, #tpu.memory_space<hbm>>
      %dma_start3A_499 = arith.constant 0 : i32
      %dma_start3A_500 = arith.constant 0 : i32
      %dma_start3A_501 = tpu.memref_slice %arg8[%run_scoped3A_5, %dma_start3A_499, %dma_start3A_500] : memref<2x16x64xi32, #tpu.memory_space<vmem>> -> memref<1x16x64xi32, #tpu.memory_space<vmem>>
      %dma_start3A_502 = tpu.memref_squeeze %dma_start3A_501 : memref<1x16x64xi32, #tpu.memory_space<vmem>> -> memref<16x64xi32, #tpu.memory_space<vmem>>
      %dma_start3A_503 = arith.constant 0 : i32
      %dma_start3A_504 = arith.constant 0 : i32
      %dma_start3A_505 = tpu.memref_slice %arg4[%add3A, %run_scoped3A_4, %dma_start3A_503, %dma_start3A_504] : memref<32x10x16x64xi32, #tpu.memory_space<hbm>> -> memref<1x1x16x64xi32, #tpu.memory_space<hbm>>
      %dma_start3A_506 = tpu.memref_squeeze %dma_start3A_505 : memref<1x1x16x64xi32, #tpu.memory_space<hbm>> -> memref<16x64xi32, #tpu.memory_space<hbm>>
      tpu.enqueue_dma source(%dma_start3A_506 : memref<16x64xi32, #tpu.memory_space<hbm>>) target(%dma_start3A_502 : memref<16x64xi32, #tpu.memory_space<vmem>>) target_semaphore(%run_scoped3A_490 : memref<!tpu.dma_semaphore, #tpu.memory_space<semaphore_mem>>)
      %dma_wait3A_507 = arith.constant 0 : i32
      %dma_wait3A_508 = arith.constant 0 : i32
      %dma_wait3A_509 = tpu.memref_slice %arg8[%run_scoped3A_5, %dma_wait3A_507, %dma_wait3A_508] : memref<2x16x64xi32, #tpu.memory_space<vmem>> -> memref<1x16x64xi32, #tpu.memory_space<vmem>>
      %dma_wait3A_510 = tpu.memref_squeeze %dma_wait3A_509 : memref<1x16x64xi32, #tpu.memory_space<vmem>> -> memref<16x64xi32, #tpu.memory_space<vmem>>
      %dma_wait3A_511 = arith.constant 0 : i32
      %dma_wait3A_512 = arith.constant 0 : i32
      %dma_wait3A_513 = tpu.memref_slice %arg4[%add3A, %run_scoped3A_4, %dma_wait3A_511, %dma_wait3A_512] : memref<32x10x16x64xi32, #tpu.memory_space<hbm>> -> memref<1x1x16x64xi32, #tpu.memory_space<hbm>>
      %dma_wait3A_514 = tpu.memref_squeeze %dma_wait3A_513 : memref<1x1x16x64xi32, #tpu.memory_space<hbm>> -> memref<16x64xi32, #tpu.memory_space<hbm>>
      %dma_wait3A_515 = arith.constant 0 : i32
      %dma_wait3A_516 = arith.constant 0 : i32
      %dma_wait3A_517 = tpu.memref_slice %arg8[%run_scoped3A_5, %dma_wait3A_515, %dma_wait3A_516] : memref<2x16x64xi32, #tpu.memory_space<vmem>> -> memref<1x16x64xi32, #tpu.memory_space<vmem>>
      %dma_wait3A_518 = tpu.memref_squeeze %dma_wait3A_517 : memref<1x16x64xi32, #tpu.memory_space<vmem>> -> memref<16x64xi32, #tpu.memory_space<vmem>>
      %dma_wait3A_519 = arith.constant 0 : i32
      %dma_wait3A_520 = arith.constant 0 : i32
      %dma_wait3A_521 = tpu.memref_slice %arg4[%add3A, %run_scoped3A_4, %dma_wait3A_519, %dma_wait3A_520] : memref<32x10x16x64xi32, #tpu.memory_space<hbm>> -> memref<1x1x16x64xi32, #tpu.memory_space<hbm>>
      %dma_wait3A_522 = tpu.memref_squeeze %dma_wait3A_521 : memref<1x1x16x64xi32, #tpu.memory_space<hbm>> -> memref<16x64xi32, #tpu.memory_space<hbm>>
      tpu.wait_dma2 semaphore(%run_scoped3A_490 : memref<!tpu.dma_semaphore, #tpu.memory_space<semaphore_mem>>) src(%dma_wait3A_522 : memref<16x64xi32, #tpu.memory_space<hbm>>) dst(%dma_wait3A_518 : memref<16x64xi32, #tpu.memory_space<vmem>>)
      tpu.yield
    }) : () -> ()
    %dma_start3A = arith.constant 0 : i32
    %dma_start3A_6 = arith.constant 0 : i32
    %dma_start3A_7 = arith.constant 0 : i32
    %dma_start3A_8 = tpu.memref_slice %arg7[%dma_start3A, %dma_start3A_6, %dma_start3A_7] : memref<2x8x128xi32, #tpu.memory_space<vmem>> -> memref<1x1x128xi32, #tpu.memory_space<vmem>>
    %dma_start3A_9 = tpu.memref_squeeze %dma_start3A_8 : memref<1x1x128xi32, #tpu.memory_space<vmem>> -> memref<128xi32, #tpu.memory_space<vmem>>
    %dma_start3A_10 = arith.constant 0 : i32
    %dma_start3A_11 = arith.constant 0 : i32
    %dma_start3A_12 = tpu.memref_slice %arg2[%dma_start3A_10, %dma_start3A_11] : memref<10000x128xf32, #tpu.memory_space<hbm>> -> memref<10000x128xf32, #tpu.memory_space<hbm>>
    tpu.enqueue_indirect_dma source(%dma_start3A_12 : memref<10000x128xf32, #tpu.memory_space<hbm>>) target(%arg9 : memref<128x128xf32, #tpu.memory_space<vmem>>) offsets(%dma_start3A_9 : memref<128xi32, #tpu.memory_space<vmem>>) semaphore(%arg11 : memref<!tpu.dma_semaphore, #tpu.memory_space<semaphore_mem>>)
    %dma_start3A_13 = arith.constant 0 : i32
    %dma_start3A_14 = arith.constant 1 : i32
    %dma_start3A_15 = arith.constant 0 : i32
    %dma_start3A_16 = tpu.memref_slice %arg7[%dma_start3A_13, %dma_start3A_14, %dma_start3A_15] : memref<2x8x128xi32, #tpu.memory_space<vmem>> -> memref<1x1x128xi32, #tpu.memory_space<vmem>>
    %dma_start3A_17 = tpu.memref_squeeze %dma_start3A_16 : memref<1x1x128xi32, #tpu.memory_space<vmem>> -> memref<128xi32, #tpu.memory_space<vmem>>
    %dma_start3A_18 = arith.constant 0 : i32
    %dma_start3A_19 = arith.constant 0 : i32
    %dma_start3A_20 = tpu.memref_slice %arg2[%dma_start3A_18, %dma_start3A_19] : memref<10000x128xf32, #tpu.memory_space<hbm>> -> memref<10000x128xf32, #tpu.memory_space<hbm>>
    tpu.enqueue_indirect_dma source(%dma_start3A_20 : memref<10000x128xf32, #tpu.memory_space<hbm>>) target(%arg10 : memref<128x128xf32, #tpu.memory_space<vmem>>) offsets(%dma_start3A_17 : memref<128xi32, #tpu.memory_space<vmem>>) semaphore(%arg12 : memref<!tpu.dma_semaphore, #tpu.memory_space<semaphore_mem>>)
    %dma_wait3A = arith.constant 0 : i32
    %dma_wait3A_21 = arith.constant 0 : i32
    %dma_wait3A_22 = arith.constant 0 : i32
    %dma_wait3A_23 = tpu.memref_slice %arg7[%dma_wait3A, %dma_wait3A_21, %dma_wait3A_22] : memref<2x8x128xi32, #tpu.memory_space<vmem>> -> memref<1x1x128xi32, #tpu.memory_space<vmem>>
    %dma_wait3A_24 = tpu.memref_squeeze %dma_wait3A_23 : memref<1x1x128xi32, #tpu.memory_space<vmem>> -> memref<128xi32, #tpu.memory_space<vmem>>
    %dma_wait3A_25 = arith.constant 0 : i32
    %dma_wait3A_26 = arith.constant 0 : i32
    %dma_wait3A_27 = tpu.memref_slice %arg2[%dma_wait3A_25, %dma_wait3A_26] : memref<10000x128xf32, #tpu.memory_space<hbm>> -> memref<10000x128xf32, #tpu.memory_space<hbm>>
    tpu.wait_indirect_dma semaphore(%arg11 : memref<!tpu.dma_semaphore, #tpu.memory_space<semaphore_mem>>) src(%dma_wait3A_27 : memref<10000x128xf32, #tpu.memory_space<hbm>>) dst(%arg9 : memref<128x128xf32, #tpu.memory_space<vmem>>)
    %dma_start3A_28 = arith.constant 0 : i32
    %dma_start3A_29 = arith.constant 0 : i32
    %dma_start3A_30 = arith.constant 0 : i32
    %dma_start3A_31 = arith.constant 0 : i32
    %dma_start3A_32 = tpu.memref_slice %arg9[%dma_start3A_30, %dma_start3A_31] : memref<128x128xf32, #tpu.memory_space<vmem>> -> memref<64x128xf32, #tpu.memory_space<vmem>>
    %dma_start3A_33 = arith.constant 0 : i32
    %dma_start3A_34 = tpu.memref_slice %arg8[%dma_start3A_28, %dma_start3A_29, %dma_start3A_33] : memref<2x16x64xi32, #tpu.memory_space<vmem>> -> memref<1x1x64xi32, #tpu.memory_space<vmem>>
    %dma_start3A_35 = tpu.memref_squeeze %dma_start3A_34 : memref<1x1x64xi32, #tpu.memory_space<vmem>> -> memref<64xi32, #tpu.memory_space<vmem>>
    %dma_start3A_36 = arith.constant 0 : i32
    %dma_start3A_37 = arith.constant 0 : i32
    %dma_start3A_38 = tpu.memref_slice %arg17[%dma_start3A_36, %dma_start3A_37] : memref<10112x128xf32, #tpu.memory_space<vmem_shared>> -> memref<10112x128xf32, #tpu.memory_space<vmem_shared>>
    tpu.enqueue_indirect_dma source(%dma_start3A_32 : memref<64x128xf32, #tpu.memory_space<vmem>>) target(%dma_start3A_38 : memref<10112x128xf32, #tpu.memory_space<vmem_shared>>) offsets(%dma_start3A_35 : memref<64xi32, #tpu.memory_space<vmem>>) semaphore(%arg13 : memref<!tpu.dma_semaphore, #tpu.memory_space<semaphore_mem>>) {add = true}
    %dma_start3A_39 = arith.constant 0 : i32
    %dma_start3A_40 = arith.constant 1 : i32
    %dma_start3A_41 = arith.constant 64 : i32
    %dma_start3A_42 = arith.constant 0 : i32
    %dma_start3A_43 = tpu.memref_slice %arg9[%dma_start3A_41, %dma_start3A_42] : memref<128x128xf32, #tpu.memory_space<vmem>> -> memref<64x128xf32, #tpu.memory_space<vmem>>
    %dma_start3A_44 = arith.constant 0 : i32
    %dma_start3A_45 = tpu.memref_slice %arg8[%dma_start3A_39, %dma_start3A_40, %dma_start3A_44] : memref<2x16x64xi32, #tpu.memory_space<vmem>> -> memref<1x1x64xi32, #tpu.memory_space<vmem>>
    %dma_start3A_46 = tpu.memref_squeeze %dma_start3A_45 : memref<1x1x64xi32, #tpu.memory_space<vmem>> -> memref<64xi32, #tpu.memory_space<vmem>>
    %dma_start3A_47 = arith.constant 0 : i32
    %dma_start3A_48 = arith.constant 0 : i32
    %dma_start3A_49 = tpu.memref_slice %arg17[%dma_start3A_47, %dma_start3A_48] : memref<10112x128xf32, #tpu.memory_space<vmem_shared>> -> memref<10112x128xf32, #tpu.memory_space<vmem_shared>>
    tpu.enqueue_indirect_dma source(%dma_start3A_43 : memref<64x128xf32, #tpu.memory_space<vmem>>) target(%dma_start3A_49 : memref<10112x128xf32, #tpu.memory_space<vmem_shared>>) offsets(%dma_start3A_46 : memref<64xi32, #tpu.memory_space<vmem>>) semaphore(%arg14 : memref<!tpu.dma_semaphore, #tpu.memory_space<semaphore_mem>>) {add = true}
    %dma_wait3A_50 = arith.constant 0 : i32
    %dma_wait3A_51 = arith.constant 1 : i32
    %dma_wait3A_52 = arith.constant 0 : i32
    %dma_wait3A_53 = tpu.memref_slice %arg7[%dma_wait3A_50, %dma_wait3A_51, %dma_wait3A_52] : memref<2x8x128xi32, #tpu.memory_space<vmem>> -> memref<1x1x128xi32, #tpu.memory_space<vmem>>
    %dma_wait3A_54 = tpu.memref_squeeze %dma_wait3A_53 : memref<1x1x128xi32, #tpu.memory_space<vmem>> -> memref<128xi32, #tpu.memory_space<vmem>>
    %dma_wait3A_55 = arith.constant 0 : i32
    %dma_wait3A_56 = arith.constant 0 : i32
    %dma_wait3A_57 = tpu.memref_slice %arg2[%dma_wait3A_55, %dma_wait3A_56] : memref<10000x128xf32, #tpu.memory_space<hbm>> -> memref<10000x128xf32, #tpu.memory_space<hbm>>
    tpu.wait_indirect_dma semaphore(%arg12 : memref<!tpu.dma_semaphore, #tpu.memory_space<semaphore_mem>>) src(%dma_wait3A_57 : memref<10000x128xf32, #tpu.memory_space<hbm>>) dst(%arg10 : memref<128x128xf32, #tpu.memory_space<vmem>>)
    %dma_start3A_58 = arith.constant 0 : i32
    %dma_start3A_59 = arith.constant 2 : i32
    %dma_start3A_60 = arith.constant 0 : i32
    %dma_start3A_61 = arith.constant 0 : i32
    %dma_start3A_62 = tpu.memref_slice %arg10[%dma_start3A_60, %dma_start3A_61] : memref<128x128xf32, #tpu.memory_space<vmem>> -> memref<64x128xf32, #tpu.memory_space<vmem>>
    %dma_start3A_63 = arith.constant 0 : i32
    %dma_start3A_64 = tpu.memref_slice %arg8[%dma_start3A_58, %dma_start3A_59, %dma_start3A_63] : memref<2x16x64xi32, #tpu.memory_space<vmem>> -> memref<1x1x64xi32, #tpu.memory_space<vmem>>
    %dma_start3A_65 = tpu.memref_squeeze %dma_start3A_64 : memref<1x1x64xi32, #tpu.memory_space<vmem>> -> memref<64xi32, #tpu.memory_space<vmem>>
    %dma_start3A_66 = arith.constant 0 : i32
    %dma_start3A_67 = arith.constant 0 : i32
    %dma_start3A_68 = tpu.memref_slice %arg17[%dma_start3A_66, %dma_start3A_67] : memref<10112x128xf32, #tpu.memory_space<vmem_shared>> -> memref<10112x128xf32, #tpu.memory_space<vmem_shared>>
    tpu.enqueue_indirect_dma source(%dma_start3A_62 : memref<64x128xf32, #tpu.memory_space<vmem>>) target(%dma_start3A_68 : memref<10112x128xf32, #tpu.memory_space<vmem_shared>>) offsets(%dma_start3A_65 : memref<64xi32, #tpu.memory_space<vmem>>) semaphore(%arg15 : memref<!tpu.dma_semaphore, #tpu.memory_space<semaphore_mem>>) {add = true}
    %dma_start3A_69 = arith.constant 0 : i32
    %dma_start3A_70 = arith.constant 3 : i32
    %dma_start3A_71 = arith.constant 64 : i32
    %dma_start3A_72 = arith.constant 0 : i32
    %dma_start3A_73 = tpu.memref_slice %arg10[%dma_start3A_71, %dma_start3A_72] : memref<128x128xf32, #tpu.memory_space<vmem>> -> memref<64x128xf32, #tpu.memory_space<vmem>>
    %dma_start3A_74 = arith.constant 0 : i32
    %dma_start3A_75 = tpu.memref_slice %arg8[%dma_start3A_69, %dma_start3A_70, %dma_start3A_74] : memref<2x16x64xi32, #tpu.memory_space<vmem>> -> memref<1x1x64xi32, #tpu.memory_space<vmem>>
    %dma_start3A_76 = tpu.memref_squeeze %dma_start3A_75 : memref<1x1x64xi32, #tpu.memory_space<vmem>> -> memref<64xi32, #tpu.memory_space<vmem>>
    %dma_start3A_77 = arith.constant 0 : i32
    %dma_start3A_78 = arith.constant 0 : i32
    %dma_start3A_79 = tpu.memref_slice %arg17[%dma_start3A_77, %dma_start3A_78] : memref<10112x128xf32, #tpu.memory_space<vmem_shared>> -> memref<10112x128xf32, #tpu.memory_space<vmem_shared>>
    tpu.enqueue_indirect_dma source(%dma_start3A_73 : memref<64x128xf32, #tpu.memory_space<vmem>>) target(%dma_start3A_79 : memref<10112x128xf32, #tpu.memory_space<vmem_shared>>) offsets(%dma_start3A_76 : memref<64xi32, #tpu.memory_space<vmem>>) semaphore(%arg16 : memref<!tpu.dma_semaphore, #tpu.memory_space<semaphore_mem>>) {add = true}
    %dma_wait3A_80 = arith.constant 0 : i32
    %dma_wait3A_81 = arith.constant 4 : i32
    %dma_wait3A_82 = arith.constant 0 : i32
    %dma_wait3A_83 = arith.constant 0 : i32
    %dma_wait3A_84 = tpu.memref_slice %arg9[%dma_wait3A_82, %dma_wait3A_83] : memref<128x128xf32, #tpu.memory_space<vmem>> -> memref<64x128xf32, #tpu.memory_space<vmem>>
    %dma_wait3A_85 = arith.constant 0 : i32
    %dma_wait3A_86 = tpu.memref_slice %arg8[%dma_wait3A_80, %dma_wait3A_81, %dma_wait3A_85] : memref<2x16x64xi32, #tpu.memory_space<vmem>> -> memref<1x1x64xi32, #tpu.memory_space<vmem>>
    %dma_wait3A_87 = tpu.memref_squeeze %dma_wait3A_86 : memref<1x1x64xi32, #tpu.memory_space<vmem>> -> memref<64xi32, #tpu.memory_space<vmem>>
    %dma_wait3A_88 = arith.constant 0 : i32
    %dma_wait3A_89 = arith.constant 0 : i32
    %dma_wait3A_90 = tpu.memref_slice %arg17[%dma_wait3A_88, %dma_wait3A_89] : memref<10112x128xf32, #tpu.memory_space<vmem_shared>> -> memref<10112x128xf32, #tpu.memory_space<vmem_shared>>
    tpu.wait_indirect_dma semaphore(%arg13 : memref<!tpu.dma_semaphore, #tpu.memory_space<semaphore_mem>>) src(%dma_wait3A_84 : memref<64x128xf32, #tpu.memory_space<vmem>>) dst(%dma_wait3A_90 : memref<10112x128xf32, #tpu.memory_space<vmem_shared>>)
    %dma_wait3A_91 = arith.constant 0 : i32
    %dma_wait3A_92 = arith.constant 5 : i32
    %dma_wait3A_93 = arith.constant 64 : i32
    %dma_wait3A_94 = arith.constant 0 : i32
    %dma_wait3A_95 = tpu.memref_slice %arg9[%dma_wait3A_93, %dma_wait3A_94] : memref<128x128xf32, #tpu.memory_space<vmem>> -> memref<64x128xf32, #tpu.memory_space<vmem>>
    %dma_wait3A_96 = arith.constant 0 : i32
    %dma_wait3A_97 = tpu.memref_slice %arg8[%dma_wait3A_91, %dma_wait3A_92, %dma_wait3A_96] : memref<2x16x64xi32, #tpu.memory_space<vmem>> -> memref<1x1x64xi32, #tpu.memory_space<vmem>>
    %dma_wait3A_98 = tpu.memref_squeeze %dma_wait3A_97 : memref<1x1x64xi32, #tpu.memory_space<vmem>> -> memref<64xi32, #tpu.memory_space<vmem>>
    %dma_wait3A_99 = arith.constant 0 : i32
    %dma_wait3A_100 = arith.constant 0 : i32
    %dma_wait3A_101 = tpu.memref_slice %arg17[%dma_wait3A_99, %dma_wait3A_100] : memref<10112x128xf32, #tpu.memory_space<vmem_shared>> -> memref<10112x128xf32, #tpu.memory_space<vmem_shared>>
    tpu.wait_indirect_dma semaphore(%arg14 : memref<!tpu.dma_semaphore, #tpu.memory_space<semaphore_mem>>) src(%dma_wait3A_95 : memref<64x128xf32, #tpu.memory_space<vmem>>) dst(%dma_wait3A_101 : memref<10112x128xf32, #tpu.memory_space<vmem_shared>>)
    %dma_start3A_102 = arith.constant 0 : i32
    %dma_start3A_103 = arith.constant 2 : i32
    %dma_start3A_104 = arith.constant 0 : i32
    %dma_start3A_105 = tpu.memref_slice %arg7[%dma_start3A_102, %dma_start3A_103, %dma_start3A_104] : memref<2x8x128xi32, #tpu.memory_space<vmem>> -> memref<1x1x128xi32, #tpu.memory_space<vmem>>
    %dma_start3A_106 = tpu.memref_squeeze %dma_start3A_105 : memref<1x1x128xi32, #tpu.memory_space<vmem>> -> memref<128xi32, #tpu.memory_space<vmem>>
    %dma_start3A_107 = arith.constant 0 : i32
    %dma_start3A_108 = arith.constant 0 : i32
    %dma_start3A_109 = tpu.memref_slice %arg2[%dma_start3A_107, %dma_start3A_108] : memref<10000x128xf32, #tpu.memory_space<hbm>> -> memref<10000x128xf32, #tpu.memory_space<hbm>>
    tpu.enqueue_indirect_dma source(%dma_start3A_109 : memref<10000x128xf32, #tpu.memory_space<hbm>>) target(%arg9 : memref<128x128xf32, #tpu.memory_space<vmem>>) offsets(%dma_start3A_106 : memref<128xi32, #tpu.memory_space<vmem>>) semaphore(%arg11 : memref<!tpu.dma_semaphore, #tpu.memory_space<semaphore_mem>>)
    %dma_wait3A_110 = arith.constant 0 : i32
    %dma_wait3A_111 = arith.constant 6 : i32
    %dma_wait3A_112 = arith.constant 0 : i32
    %dma_wait3A_113 = arith.constant 0 : i32
    %dma_wait3A_114 = tpu.memref_slice %arg10[%dma_wait3A_112, %dma_wait3A_113] : memref<128x128xf32, #tpu.memory_space<vmem>> -> memref<64x128xf32, #tpu.memory_space<vmem>>
    %dma_wait3A_115 = arith.constant 0 : i32
    %dma_wait3A_116 = tpu.memref_slice %arg8[%dma_wait3A_110, %dma_wait3A_111, %dma_wait3A_115] : memref<2x16x64xi32, #tpu.memory_space<vmem>> -> memref<1x1x64xi32, #tpu.memory_space<vmem>>
    %dma_wait3A_117 = tpu.memref_squeeze %dma_wait3A_116 : memref<1x1x64xi32, #tpu.memory_space<vmem>> -> memref<64xi32, #tpu.memory_space<vmem>>
    %dma_wait3A_118 = arith.constant 0 : i32
    %dma_wait3A_119 = arith.constant 0 : i32
    %dma_wait3A_120 = tpu.memref_slice %arg17[%dma_wait3A_118, %dma_wait3A_119] : memref<10112x128xf32, #tpu.memory_space<vmem_shared>> -> memref<10112x128xf32, #tpu.memory_space<vmem_shared>>
    tpu.wait_indirect_dma semaphore(%arg15 : memref<!tpu.dma_semaphore, #tpu.memory_space<semaphore_mem>>) src(%dma_wait3A_114 : memref<64x128xf32, #tpu.memory_space<vmem>>) dst(%dma_wait3A_120 : memref<10112x128xf32, #tpu.memory_space<vmem_shared>>)
    %dma_wait3A_121 = arith.constant 0 : i32
    %dma_wait3A_122 = arith.constant 7 : i32
    %dma_wait3A_123 = arith.constant 64 : i32
    %dma_wait3A_124 = arith.constant 0 : i32
    %dma_wait3A_125 = tpu.memref_slice %arg10[%dma_wait3A_123, %dma_wait3A_124] : memref<128x128xf32, #tpu.memory_space<vmem>> -> memref<64x128xf32, #tpu.memory_space<vmem>>
    %dma_wait3A_126 = arith.constant 0 : i32
    %dma_wait3A_127 = tpu.memref_slice %arg8[%dma_wait3A_121, %dma_wait3A_122, %dma_wait3A_126] : memref<2x16x64xi32, #tpu.memory_space<vmem>> -> memref<1x1x64xi32, #tpu.memory_space<vmem>>
    %dma_wait3A_128 = tpu.memref_squeeze %dma_wait3A_127 : memref<1x1x64xi32, #tpu.memory_space<vmem>> -> memref<64xi32, #tpu.memory_space<vmem>>
    %dma_wait3A_129 = arith.constant 0 : i32
    %dma_wait3A_130 = arith.constant 0 : i32
    %dma_wait3A_131 = tpu.memref_slice %arg17[%dma_wait3A_129, %dma_wait3A_130] : memref<10112x128xf32, #tpu.memory_space<vmem_shared>> -> memref<10112x128xf32, #tpu.memory_space<vmem_shared>>
    tpu.wait_indirect_dma semaphore(%arg16 : memref<!tpu.dma_semaphore, #tpu.memory_space<semaphore_mem>>) src(%dma_wait3A_125 : memref<64x128xf32, #tpu.memory_space<vmem>>) dst(%dma_wait3A_131 : memref<10112x128xf32, #tpu.memory_space<vmem_shared>>)
    %dma_start3A_132 = arith.constant 0 : i32
    %dma_start3A_133 = arith.constant 3 : i32
    %dma_start3A_134 = arith.constant 0 : i32
    %dma_start3A_135 = tpu.memref_slice %arg7[%dma_start3A_132, %dma_start3A_133, %dma_start3A_134] : memref<2x8x128xi32, #tpu.memory_space<vmem>> -> memref<1x1x128xi32, #tpu.memory_space<vmem>>
    %dma_start3A_136 = tpu.memref_squeeze %dma_start3A_135 : memref<1x1x128xi32, #tpu.memory_space<vmem>> -> memref<128xi32, #tpu.memory_space<vmem>>
    %dma_start3A_137 = arith.constant 0 : i32
    %dma_start3A_138 = arith.constant 0 : i32
    %dma_start3A_139 = tpu.memref_slice %arg2[%dma_start3A_137, %dma_start3A_138] : memref<10000x128xf32, #tpu.memory_space<hbm>> -> memref<10000x128xf32, #tpu.memory_space<hbm>>
    tpu.enqueue_indirect_dma source(%dma_start3A_139 : memref<10000x128xf32, #tpu.memory_space<hbm>>) target(%arg10 : memref<128x128xf32, #tpu.memory_space<vmem>>) offsets(%dma_start3A_136 : memref<128xi32, #tpu.memory_space<vmem>>) semaphore(%arg12 : memref<!tpu.dma_semaphore, #tpu.memory_space<semaphore_mem>>)
    %dma_wait3A_140 = arith.constant 0 : i32
    %dma_wait3A_141 = arith.constant 2 : i32
    %dma_wait3A_142 = arith.constant 0 : i32
    %dma_wait3A_143 = tpu.memref_slice %arg7[%dma_wait3A_140, %dma_wait3A_141, %dma_wait3A_142] : memref<2x8x128xi32, #tpu.memory_space<vmem>> -> memref<1x1x128xi32, #tpu.memory_space<vmem>>
    %dma_wait3A_144 = tpu.memref_squeeze %dma_wait3A_143 : memref<1x1x128xi32, #tpu.memory_space<vmem>> -> memref<128xi32, #tpu.memory_space<vmem>>
    %dma_wait3A_145 = arith.constant 0 : i32
    %dma_wait3A_146 = arith.constant 0 : i32
    %dma_wait3A_147 = tpu.memref_slice %arg2[%dma_wait3A_145, %dma_wait3A_146] : memref<10000x128xf32, #tpu.memory_space<hbm>> -> memref<10000x128xf32, #tpu.memory_space<hbm>>
    tpu.wait_indirect_dma semaphore(%arg11 : memref<!tpu.dma_semaphore, #tpu.memory_space<semaphore_mem>>) src(%dma_wait3A_147 : memref<10000x128xf32, #tpu.memory_space<hbm>>) dst(%arg9 : memref<128x128xf32, #tpu.memory_space<vmem>>)
    %dma_start3A_148 = arith.constant 0 : i32
    %dma_start3A_149 = arith.constant 4 : i32
    %dma_start3A_150 = arith.constant 0 : i32
    %dma_start3A_151 = arith.constant 0 : i32
    %dma_start3A_152 = tpu.memref_slice %arg9[%dma_start3A_150, %dma_start3A_151] : memref<128x128xf32, #tpu.memory_space<vmem>> -> memref<64x128xf32, #tpu.memory_space<vmem>>
    %dma_start3A_153 = arith.constant 0 : i32
    %dma_start3A_154 = tpu.memref_slice %arg8[%dma_start3A_148, %dma_start3A_149, %dma_start3A_153] : memref<2x16x64xi32, #tpu.memory_space<vmem>> -> memref<1x1x64xi32, #tpu.memory_space<vmem>>
    %dma_start3A_155 = tpu.memref_squeeze %dma_start3A_154 : memref<1x1x64xi32, #tpu.memory_space<vmem>> -> memref<64xi32, #tpu.memory_space<vmem>>
    %dma_start3A_156 = arith.constant 0 : i32
    %dma_start3A_157 = arith.constant 0 : i32
    %dma_start3A_158 = tpu.memref_slice %arg17[%dma_start3A_156, %dma_start3A_157] : memref<10112x128xf32, #tpu.memory_space<vmem_shared>> -> memref<10112x128xf32, #tpu.memory_space<vmem_shared>>
    tpu.enqueue_indirect_dma source(%dma_start3A_152 : memref<64x128xf32, #tpu.memory_space<vmem>>) target(%dma_start3A_158 : memref<10112x128xf32, #tpu.memory_space<vmem_shared>>) offsets(%dma_start3A_155 : memref<64xi32, #tpu.memory_space<vmem>>) semaphore(%arg13 : memref<!tpu.dma_semaphore, #tpu.memory_space<semaphore_mem>>) {add = true}
    %dma_start3A_159 = arith.constant 0 : i32
    %dma_start3A_160 = arith.constant 5 : i32
    %dma_start3A_161 = arith.constant 64 : i32
    %dma_start3A_162 = arith.constant 0 : i32
    %dma_start3A_163 = tpu.memref_slice %arg9[%dma_start3A_161, %dma_start3A_162] : memref<128x128xf32, #tpu.memory_space<vmem>> -> memref<64x128xf32, #tpu.memory_space<vmem>>
    %dma_start3A_164 = arith.constant 0 : i32
    %dma_start3A_165 = tpu.memref_slice %arg8[%dma_start3A_159, %dma_start3A_160, %dma_start3A_164] : memref<2x16x64xi32, #tpu.memory_space<vmem>> -> memref<1x1x64xi32, #tpu.memory_space<vmem>>
    %dma_start3A_166 = tpu.memref_squeeze %dma_start3A_165 : memref<1x1x64xi32, #tpu.memory_space<vmem>> -> memref<64xi32, #tpu.memory_space<vmem>>
    %dma_start3A_167 = arith.constant 0 : i32
    %dma_start3A_168 = arith.constant 0 : i32
    %dma_start3A_169 = tpu.memref_slice %arg17[%dma_start3A_167, %dma_start3A_168] : memref<10112x128xf32, #tpu.memory_space<vmem_shared>> -> memref<10112x128xf32, #tpu.memory_space<vmem_shared>>
    tpu.enqueue_indirect_dma source(%dma_start3A_163 : memref<64x128xf32, #tpu.memory_space<vmem>>) target(%dma_start3A_169 : memref<10112x128xf32, #tpu.memory_space<vmem_shared>>) offsets(%dma_start3A_166 : memref<64xi32, #tpu.memory_space<vmem>>) semaphore(%arg14 : memref<!tpu.dma_semaphore, #tpu.memory_space<semaphore_mem>>) {add = true}
    %dma_wait3A_170 = arith.constant 0 : i32
    %dma_wait3A_171 = arith.constant 3 : i32
    %dma_wait3A_172 = arith.constant 0 : i32
    %dma_wait3A_173 = tpu.memref_slice %arg7[%dma_wait3A_170, %dma_wait3A_171, %dma_wait3A_172] : memref<2x8x128xi32, #tpu.memory_space<vmem>> -> memref<1x1x128xi32, #tpu.memory_space<vmem>>
    %dma_wait3A_174 = tpu.memref_squeeze %dma_wait3A_173 : memref<1x1x128xi32, #tpu.memory_space<vmem>> -> memref<128xi32, #tpu.memory_space<vmem>>
    %dma_wait3A_175 = arith.constant 0 : i32
    %dma_wait3A_176 = arith.constant 0 : i32
    %dma_wait3A_177 = tpu.memref_slice %arg2[%dma_wait3A_175, %dma_wait3A_176] : memref<10000x128xf32, #tpu.memory_space<hbm>> -> memref<10000x128xf32, #tpu.memory_space<hbm>>
    tpu.wait_indirect_dma semaphore(%arg12 : memref<!tpu.dma_semaphore, #tpu.memory_space<semaphore_mem>>) src(%dma_wait3A_177 : memref<10000x128xf32, #tpu.memory_space<hbm>>) dst(%arg10 : memref<128x128xf32, #tpu.memory_space<vmem>>)
    %dma_start3A_178 = arith.constant 0 : i32
    %dma_start3A_179 = arith.constant 6 : i32
    %dma_start3A_180 = arith.constant 0 : i32
    %dma_start3A_181 = arith.constant 0 : i32
    %dma_start3A_182 = tpu.memref_slice %arg10[%dma_start3A_180, %dma_start3A_181] : memref<128x128xf32, #tpu.memory_space<vmem>> -> memref<64x128xf32, #tpu.memory_space<vmem>>
    %dma_start3A_183 = arith.constant 0 : i32
    %dma_start3A_184 = tpu.memref_slice %arg8[%dma_start3A_178, %dma_start3A_179, %dma_start3A_183] : memref<2x16x64xi32, #tpu.memory_space<vmem>> -> memref<1x1x64xi32, #tpu.memory_space<vmem>>
    %dma_start3A_185 = tpu.memref_squeeze %dma_start3A_184 : memref<1x1x64xi32, #tpu.memory_space<vmem>> -> memref<64xi32, #tpu.memory_space<vmem>>
    %dma_start3A_186 = arith.constant 0 : i32
    %dma_start3A_187 = arith.constant 0 : i32
    %dma_start3A_188 = tpu.memref_slice %arg17[%dma_start3A_186, %dma_start3A_187] : memref<10112x128xf32, #tpu.memory_space<vmem_shared>> -> memref<10112x128xf32, #tpu.memory_space<vmem_shared>>
    tpu.enqueue_indirect_dma source(%dma_start3A_182 : memref<64x128xf32, #tpu.memory_space<vmem>>) target(%dma_start3A_188 : memref<10112x128xf32, #tpu.memory_space<vmem_shared>>) offsets(%dma_start3A_185 : memref<64xi32, #tpu.memory_space<vmem>>) semaphore(%arg15 : memref<!tpu.dma_semaphore, #tpu.memory_space<semaphore_mem>>) {add = true}
    %dma_start3A_189 = arith.constant 0 : i32
    %dma_start3A_190 = arith.constant 7 : i32
    %dma_start3A_191 = arith.constant 64 : i32
    %dma_start3A_192 = arith.constant 0 : i32
    %dma_start3A_193 = tpu.memref_slice %arg10[%dma_start3A_191, %dma_start3A_192] : memref<128x128xf32, #tpu.memory_space<vmem>> -> memref<64x128xf32, #tpu.memory_space<vmem>>
    %dma_start3A_194 = arith.constant 0 : i32
    %dma_start3A_195 = tpu.memref_slice %arg8[%dma_start3A_189, %dma_start3A_190, %dma_start3A_194] : memref<2x16x64xi32, #tpu.memory_space<vmem>> -> memref<1x1x64xi32, #tpu.memory_space<vmem>>
    %dma_start3A_196 = tpu.memref_squeeze %dma_start3A_195 : memref<1x1x64xi32, #tpu.memory_space<vmem>> -> memref<64xi32, #tpu.memory_space<vmem>>
    %dma_start3A_197 = arith.constant 0 : i32
    %dma_start3A_198 = arith.constant 0 : i32
    %dma_start3A_199 = tpu.memref_slice %arg17[%dma_start3A_197, %dma_start3A_198] : memref<10112x128xf32, #tpu.memory_space<vmem_shared>> -> memref<10112x128xf32, #tpu.memory_space<vmem_shared>>
    tpu.enqueue_indirect_dma source(%dma_start3A_193 : memref<64x128xf32, #tpu.memory_space<vmem>>) target(%dma_start3A_199 : memref<10112x128xf32, #tpu.memory_space<vmem_shared>>) offsets(%dma_start3A_196 : memref<64xi32, #tpu.memory_space<vmem>>) semaphore(%arg16 : memref<!tpu.dma_semaphore, #tpu.memory_space<semaphore_mem>>) {add = true}
    %dma_wait3A_200 = arith.constant 0 : i32
    %dma_wait3A_201 = arith.constant 8 : i32
    %dma_wait3A_202 = arith.constant 0 : i32
    %dma_wait3A_203 = arith.constant 0 : i32
    %dma_wait3A_204 = tpu.memref_slice %arg9[%dma_wait3A_202, %dma_wait3A_203] : memref<128x128xf32, #tpu.memory_space<vmem>> -> memref<64x128xf32, #tpu.memory_space<vmem>>
    %dma_wait3A_205 = arith.constant 0 : i32
    %dma_wait3A_206 = tpu.memref_slice %arg8[%dma_wait3A_200, %dma_wait3A_201, %dma_wait3A_205] : memref<2x16x64xi32, #tpu.memory_space<vmem>> -> memref<1x1x64xi32, #tpu.memory_space<vmem>>
    %dma_wait3A_207 = tpu.memref_squeeze %dma_wait3A_206 : memref<1x1x64xi32, #tpu.memory_space<vmem>> -> memref<64xi32, #tpu.memory_space<vmem>>
    %dma_wait3A_208 = arith.constant 0 : i32
    %dma_wait3A_209 = arith.constant 0 : i32
    %dma_wait3A_210 = tpu.memref_slice %arg17[%dma_wait3A_208, %dma_wait3A_209] : memref<10112x128xf32, #tpu.memory_space<vmem_shared>> -> memref<10112x128xf32, #tpu.memory_space<vmem_shared>>
    tpu.wait_indirect_dma semaphore(%arg13 : memref<!tpu.dma_semaphore, #tpu.memory_space<semaphore_mem>>) src(%dma_wait3A_204 : memref<64x128xf32, #tpu.memory_space<vmem>>) dst(%dma_wait3A_210 : memref<10112x128xf32, #tpu.memory_space<vmem_shared>>)
    %dma_wait3A_211 = arith.constant 0 : i32
    %dma_wait3A_212 = arith.constant 9 : i32
    %dma_wait3A_213 = arith.constant 64 : i32
    %dma_wait3A_214 = arith.constant 0 : i32
    %dma_wait3A_215 = tpu.memref_slice %arg9[%dma_wait3A_213, %dma_wait3A_214] : memref<128x128xf32, #tpu.memory_space<vmem>> -> memref<64x128xf32, #tpu.memory_space<vmem>>
    %dma_wait3A_216 = arith.constant 0 : i32
    %dma_wait3A_217 = tpu.memref_slice %arg8[%dma_wait3A_211, %dma_wait3A_212, %dma_wait3A_216] : memref<2x16x64xi32, #tpu.memory_space<vmem>> -> memref<1x1x64xi32, #tpu.memory_space<vmem>>
    %dma_wait3A_218 = tpu.memref_squeeze %dma_wait3A_217 : memref<1x1x64xi32, #tpu.memory_space<vmem>> -> memref<64xi32, #tpu.memory_space<vmem>>
    %dma_wait3A_219 = arith.constant 0 : i32
    %dma_wait3A_220 = arith.constant 0 : i32
    %dma_wait3A_221 = tpu.memref_slice %arg17[%dma_wait3A_219, %dma_wait3A_220] : memref<10112x128xf32, #tpu.memory_space<vmem_shared>> -> memref<10112x128xf32, #tpu.memory_space<vmem_shared>>
    tpu.wait_indirect_dma semaphore(%arg14 : memref<!tpu.dma_semaphore, #tpu.memory_space<semaphore_mem>>) src(%dma_wait3A_215 : memref<64x128xf32, #tpu.memory_space<vmem>>) dst(%dma_wait3A_221 : memref<10112x128xf32, #tpu.memory_space<vmem_shared>>)
    %dma_start3A_222 = arith.constant 0 : i32
    %dma_start3A_223 = arith.constant 4 : i32
    %dma_start3A_224 = arith.constant 0 : i32
    %dma_start3A_225 = tpu.memref_slice %arg7[%dma_start3A_222, %dma_start3A_223, %dma_start3A_224] : memref<2x8x128xi32, #tpu.memory_space<vmem>> -> memref<1x1x128xi32, #tpu.memory_space<vmem>>
    %dma_start3A_226 = tpu.memref_squeeze %dma_start3A_225 : memref<1x1x128xi32, #tpu.memory_space<vmem>> -> memref<128xi32, #tpu.memory_space<vmem>>
    %dma_start3A_227 = arith.constant 0 : i32
    %dma_start3A_228 = arith.constant 0 : i32
    %dma_start3A_229 = tpu.memref_slice %arg2[%dma_start3A_227, %dma_start3A_228] : memref<10000x128xf32, #tpu.memory_space<hbm>> -> memref<10000x128xf32, #tpu.memory_space<hbm>>
    tpu.enqueue_indirect_dma source(%dma_start3A_229 : memref<10000x128xf32, #tpu.memory_space<hbm>>) target(%arg9 : memref<128x128xf32, #tpu.memory_space<vmem>>) offsets(%dma_start3A_226 : memref<128xi32, #tpu.memory_space<vmem>>) semaphore(%arg11 : memref<!tpu.dma_semaphore, #tpu.memory_space<semaphore_mem>>)
    %dma_wait3A_230 = arith.constant 0 : i32
    %dma_wait3A_231 = arith.constant 10 : i32
    %dma_wait3A_232 = arith.constant 0 : i32
    %dma_wait3A_233 = arith.constant 0 : i32
    %dma_wait3A_234 = tpu.memref_slice %arg10[%dma_wait3A_232, %dma_wait3A_233] : memref<128x128xf32, #tpu.memory_space<vmem>> -> memref<64x128xf32, #tpu.memory_space<vmem>>
    %dma_wait3A_235 = arith.constant 0 : i32
    %dma_wait3A_236 = tpu.memref_slice %arg8[%dma_wait3A_230, %dma_wait3A_231, %dma_wait3A_235] : memref<2x16x64xi32, #tpu.memory_space<vmem>> -> memref<1x1x64xi32, #tpu.memory_space<vmem>>
    %dma_wait3A_237 = tpu.memref_squeeze %dma_wait3A_236 : memref<1x1x64xi32, #tpu.memory_space<vmem>> -> memref<64xi32, #tpu.memory_space<vmem>>
    %dma_wait3A_238 = arith.constant 0 : i32
    %dma_wait3A_239 = arith.constant 0 : i32
    %dma_wait3A_240 = tpu.memref_slice %arg17[%dma_wait3A_238, %dma_wait3A_239] : memref<10112x128xf32, #tpu.memory_space<vmem_shared>> -> memref<10112x128xf32, #tpu.memory_space<vmem_shared>>
    tpu.wait_indirect_dma semaphore(%arg15 : memref<!tpu.dma_semaphore, #tpu.memory_space<semaphore_mem>>) src(%dma_wait3A_234 : memref<64x128xf32, #tpu.memory_space<vmem>>) dst(%dma_wait3A_240 : memref<10112x128xf32, #tpu.memory_space<vmem_shared>>)
    %dma_wait3A_241 = arith.constant 0 : i32
    %dma_wait3A_242 = arith.constant 11 : i32
    %dma_wait3A_243 = arith.constant 64 : i32
    %dma_wait3A_244 = arith.constant 0 : i32
    %dma_wait3A_245 = tpu.memref_slice %arg10[%dma_wait3A_243, %dma_wait3A_244] : memref<128x128xf32, #tpu.memory_space<vmem>> -> memref<64x128xf32, #tpu.memory_space<vmem>>
    %dma_wait3A_246 = arith.constant 0 : i32
    %dma_wait3A_247 = tpu.memref_slice %arg8[%dma_wait3A_241, %dma_wait3A_242, %dma_wait3A_246] : memref<2x16x64xi32, #tpu.memory_space<vmem>> -> memref<1x1x64xi32, #tpu.memory_space<vmem>>
    %dma_wait3A_248 = tpu.memref_squeeze %dma_wait3A_247 : memref<1x1x64xi32, #tpu.memory_space<vmem>> -> memref<64xi32, #tpu.memory_space<vmem>>
    %dma_wait3A_249 = arith.constant 0 : i32
    %dma_wait3A_250 = arith.constant 0 : i32
    %dma_wait3A_251 = tpu.memref_slice %arg17[%dma_wait3A_249, %dma_wait3A_250] : memref<10112x128xf32, #tpu.memory_space<vmem_shared>> -> memref<10112x128xf32, #tpu.memory_space<vmem_shared>>
    tpu.wait_indirect_dma semaphore(%arg16 : memref<!tpu.dma_semaphore, #tpu.memory_space<semaphore_mem>>) src(%dma_wait3A_245 : memref<64x128xf32, #tpu.memory_space<vmem>>) dst(%dma_wait3A_251 : memref<10112x128xf32, #tpu.memory_space<vmem_shared>>)
    %dma_start3A_252 = arith.constant 0 : i32
    %dma_start3A_253 = arith.constant 5 : i32
    %dma_start3A_254 = arith.constant 0 : i32
    %dma_start3A_255 = tpu.memref_slice %arg7[%dma_start3A_252, %dma_start3A_253, %dma_start3A_254] : memref<2x8x128xi32, #tpu.memory_space<vmem>> -> memref<1x1x128xi32, #tpu.memory_space<vmem>>
    %dma_start3A_256 = tpu.memref_squeeze %dma_start3A_255 : memref<1x1x128xi32, #tpu.memory_space<vmem>> -> memref<128xi32, #tpu.memory_space<vmem>>
    %dma_start3A_257 = arith.constant 0 : i32
    %dma_start3A_258 = arith.constant 0 : i32
    %dma_start3A_259 = tpu.memref_slice %arg2[%dma_start3A_257, %dma_start3A_258] : memref<10000x128xf32, #tpu.memory_space<hbm>> -> memref<10000x128xf32, #tpu.memory_space<hbm>>
    tpu.enqueue_indirect_dma source(%dma_start3A_259 : memref<10000x128xf32, #tpu.memory_space<hbm>>) target(%arg10 : memref<128x128xf32, #tpu.memory_space<vmem>>) offsets(%dma_start3A_256 : memref<128xi32, #tpu.memory_space<vmem>>) semaphore(%arg12 : memref<!tpu.dma_semaphore, #tpu.memory_space<semaphore_mem>>)
    %dma_wait3A_260 = arith.constant 0 : i32
    %dma_wait3A_261 = arith.constant 4 : i32
    %dma_wait3A_262 = arith.constant 0 : i32
    %dma_wait3A_263 = tpu.memref_slice %arg7[%dma_wait3A_260, %dma_wait3A_261, %dma_wait3A_262] : memref<2x8x128xi32, #tpu.memory_space<vmem>> -> memref<1x1x128xi32, #tpu.memory_space<vmem>>
    %dma_wait3A_264 = tpu.memref_squeeze %dma_wait3A_263 : memref<1x1x128xi32, #tpu.memory_space<vmem>> -> memref<128xi32, #tpu.memory_space<vmem>>
    %dma_wait3A_265 = arith.constant 0 : i32
    %dma_wait3A_266 = arith.constant 0 : i32
    %dma_wait3A_267 = tpu.memref_slice %arg2[%dma_wait3A_265, %dma_wait3A_266] : memref<10000x128xf32, #tpu.memory_space<hbm>> -> memref<10000x128xf32, #tpu.memory_space<hbm>>
    tpu.wait_indirect_dma semaphore(%arg11 : memref<!tpu.dma_semaphore, #tpu.memory_space<semaphore_mem>>) src(%dma_wait3A_267 : memref<10000x128xf32, #tpu.memory_space<hbm>>) dst(%arg9 : memref<128x128xf32, #tpu.memory_space<vmem>>)
    %dma_start3A_268 = arith.constant 0 : i32
    %dma_start3A_269 = arith.constant 8 : i32
    %dma_start3A_270 = arith.constant 0 : i32
    %dma_start3A_271 = arith.constant 0 : i32
    %dma_start3A_272 = tpu.memref_slice %arg9[%dma_start3A_270, %dma_start3A_271] : memref<128x128xf32, #tpu.memory_space<vmem>> -> memref<64x128xf32, #tpu.memory_space<vmem>>
    %dma_start3A_273 = arith.constant 0 : i32
    %dma_start3A_274 = tpu.memref_slice %arg8[%dma_start3A_268, %dma_start3A_269, %dma_start3A_273] : memref<2x16x64xi32, #tpu.memory_space<vmem>> -> memref<1x1x64xi32, #tpu.memory_space<vmem>>
    %dma_start3A_275 = tpu.memref_squeeze %dma_start3A_274 : memref<1x1x64xi32, #tpu.memory_space<vmem>> -> memref<64xi32, #tpu.memory_space<vmem>>
    %dma_start3A_276 = arith.constant 0 : i32
    %dma_start3A_277 = arith.constant 0 : i32
    %dma_start3A_278 = tpu.memref_slice %arg17[%dma_start3A_276, %dma_start3A_277] : memref<10112x128xf32, #tpu.memory_space<vmem_shared>> -> memref<10112x128xf32, #tpu.memory_space<vmem_shared>>
    tpu.enqueue_indirect_dma source(%dma_start3A_272 : memref<64x128xf32, #tpu.memory_space<vmem>>) target(%dma_start3A_278 : memref<10112x128xf32, #tpu.memory_space<vmem_shared>>) offsets(%dma_start3A_275 : memref<64xi32, #tpu.memory_space<vmem>>) semaphore(%arg13 : memref<!tpu.dma_semaphore, #tpu.memory_space<semaphore_mem>>) {add = true}
    %dma_start3A_279 = arith.constant 0 : i32
    %dma_start3A_280 = arith.constant 9 : i32
    %dma_start3A_281 = arith.constant 64 : i32
    %dma_start3A_282 = arith.constant 0 : i32
    %dma_start3A_283 = tpu.memref_slice %arg9[%dma_start3A_281, %dma_start3A_282] : memref<128x128xf32, #tpu.memory_space<vmem>> -> memref<64x128xf32, #tpu.memory_space<vmem>>
    %dma_start3A_284 = arith.constant 0 : i32
    %dma_start3A_285 = tpu.memref_slice %arg8[%dma_start3A_279, %dma_start3A_280, %dma_start3A_284] : memref<2x16x64xi32, #tpu.memory_space<vmem>> -> memref<1x1x64xi32, #tpu.memory_space<vmem>>
    %dma_start3A_286 = tpu.memref_squeeze %dma_start3A_285 : memref<1x1x64xi32, #tpu.memory_space<vmem>> -> memref<64xi32, #tpu.memory_space<vmem>>
    %dma_start3A_287 = arith.constant 0 : i32
    %dma_start3A_288 = arith.constant 0 : i32
    %dma_start3A_289 = tpu.memref_slice %arg17[%dma_start3A_287, %dma_start3A_288] : memref<10112x128xf32, #tpu.memory_space<vmem_shared>> -> memref<10112x128xf32, #tpu.memory_space<vmem_shared>>
    tpu.enqueue_indirect_dma source(%dma_start3A_283 : memref<64x128xf32, #tpu.memory_space<vmem>>) target(%dma_start3A_289 : memref<10112x128xf32, #tpu.memory_space<vmem_shared>>) offsets(%dma_start3A_286 : memref<64xi32, #tpu.memory_space<vmem>>) semaphore(%arg14 : memref<!tpu.dma_semaphore, #tpu.memory_space<semaphore_mem>>) {add = true}
    %dma_wait3A_290 = arith.constant 0 : i32
    %dma_wait3A_291 = arith.constant 5 : i32
    %dma_wait3A_292 = arith.constant 0 : i32
    %dma_wait3A_293 = tpu.memref_slice %arg7[%dma_wait3A_290, %dma_wait3A_291, %dma_wait3A_292] : memref<2x8x128xi32, #tpu.memory_space<vmem>> -> memref<1x1x128xi32, #tpu.memory_space<vmem>>
    %dma_wait3A_294 = tpu.memref_squeeze %dma_wait3A_293 : memref<1x1x128xi32, #tpu.memory_space<vmem>> -> memref<128xi32, #tpu.memory_space<vmem>>
    %dma_wait3A_295 = arith.constant 0 : i32
    %dma_wait3A_296 = arith.constant 0 : i32
    %dma_wait3A_297 = tpu.memref_slice %arg2[%dma_wait3A_295, %dma_wait3A_296] : memref<10000x128xf32, #tpu.memory_space<hbm>> -> memref<10000x128xf32, #tpu.memory_space<hbm>>
    tpu.wait_indirect_dma semaphore(%arg12 : memref<!tpu.dma_semaphore, #tpu.memory_space<semaphore_mem>>) src(%dma_wait3A_297 : memref<10000x128xf32, #tpu.memory_space<hbm>>) dst(%arg10 : memref<128x128xf32, #tpu.memory_space<vmem>>)
    %dma_start3A_298 = arith.constant 0 : i32
    %dma_start3A_299 = arith.constant 10 : i32
    %dma_start3A_300 = arith.constant 0 : i32
    %dma_start3A_301 = arith.constant 0 : i32
    %dma_start3A_302 = tpu.memref_slice %arg10[%dma_start3A_300, %dma_start3A_301] : memref<128x128xf32, #tpu.memory_space<vmem>> -> memref<64x128xf32, #tpu.memory_space<vmem>>
    %dma_start3A_303 = arith.constant 0 : i32
    %dma_start3A_304 = tpu.memref_slice %arg8[%dma_start3A_298, %dma_start3A_299, %dma_start3A_303] : memref<2x16x64xi32, #tpu.memory_space<vmem>> -> memref<1x1x64xi32, #tpu.memory_space<vmem>>
    %dma_start3A_305 = tpu.memref_squeeze %dma_start3A_304 : memref<1x1x64xi32, #tpu.memory_space<vmem>> -> memref<64xi32, #tpu.memory_space<vmem>>
    %dma_start3A_306 = arith.constant 0 : i32
    %dma_start3A_307 = arith.constant 0 : i32
    %dma_start3A_308 = tpu.memref_slice %arg17[%dma_start3A_306, %dma_start3A_307] : memref<10112x128xf32, #tpu.memory_space<vmem_shared>> -> memref<10112x128xf32, #tpu.memory_space<vmem_shared>>
    tpu.enqueue_indirect_dma source(%dma_start3A_302 : memref<64x128xf32, #tpu.memory_space<vmem>>) target(%dma_start3A_308 : memref<10112x128xf32, #tpu.memory_space<vmem_shared>>) offsets(%dma_start3A_305 : memref<64xi32, #tpu.memory_space<vmem>>) semaphore(%arg15 : memref<!tpu.dma_semaphore, #tpu.memory_space<semaphore_mem>>) {add = true}
    %dma_start3A_309 = arith.constant 0 : i32
    %dma_start3A_310 = arith.constant 11 : i32
    %dma_start3A_311 = arith.constant 64 : i32
    %dma_start3A_312 = arith.constant 0 : i32
    %dma_start3A_313 = tpu.memref_slice %arg10[%dma_start3A_311, %dma_start3A_312] : memref<128x128xf32, #tpu.memory_space<vmem>> -> memref<64x128xf32, #tpu.memory_space<vmem>>
    %dma_start3A_314 = arith.constant 0 : i32
    %dma_start3A_315 = tpu.memref_slice %arg8[%dma_start3A_309, %dma_start3A_310, %dma_start3A_314] : memref<2x16x64xi32, #tpu.memory_space<vmem>> -> memref<1x1x64xi32, #tpu.memory_space<vmem>>
    %dma_start3A_316 = tpu.memref_squeeze %dma_start3A_315 : memref<1x1x64xi32, #tpu.memory_space<vmem>> -> memref<64xi32, #tpu.memory_space<vmem>>
    %dma_start3A_317 = arith.constant 0 : i32
    %dma_start3A_318 = arith.constant 0 : i32
    %dma_start3A_319 = tpu.memref_slice %arg17[%dma_start3A_317, %dma_start3A_318] : memref<10112x128xf32, #tpu.memory_space<vmem_shared>> -> memref<10112x128xf32, #tpu.memory_space<vmem_shared>>
    tpu.enqueue_indirect_dma source(%dma_start3A_313 : memref<64x128xf32, #tpu.memory_space<vmem>>) target(%dma_start3A_319 : memref<10112x128xf32, #tpu.memory_space<vmem_shared>>) offsets(%dma_start3A_316 : memref<64xi32, #tpu.memory_space<vmem>>) semaphore(%arg16 : memref<!tpu.dma_semaphore, #tpu.memory_space<semaphore_mem>>) {add = true}
    %dma_wait3A_320 = arith.constant 0 : i32
    %dma_wait3A_321 = arith.constant 12 : i32
    %dma_wait3A_322 = arith.constant 0 : i32
    %dma_wait3A_323 = arith.constant 0 : i32
    %dma_wait3A_324 = tpu.memref_slice %arg9[%dma_wait3A_322, %dma_wait3A_323] : memref<128x128xf32, #tpu.memory_space<vmem>> -> memref<64x128xf32, #tpu.memory_space<vmem>>
    %dma_wait3A_325 = arith.constant 0 : i32
    %dma_wait3A_326 = tpu.memref_slice %arg8[%dma_wait3A_320, %dma_wait3A_321, %dma_wait3A_325] : memref<2x16x64xi32, #tpu.memory_space<vmem>> -> memref<1x1x64xi32, #tpu.memory_space<vmem>>
    %dma_wait3A_327 = tpu.memref_squeeze %dma_wait3A_326 : memref<1x1x64xi32, #tpu.memory_space<vmem>> -> memref<64xi32, #tpu.memory_space<vmem>>
    %dma_wait3A_328 = arith.constant 0 : i32
    %dma_wait3A_329 = arith.constant 0 : i32
    %dma_wait3A_330 = tpu.memref_slice %arg17[%dma_wait3A_328, %dma_wait3A_329] : memref<10112x128xf32, #tpu.memory_space<vmem_shared>> -> memref<10112x128xf32, #tpu.memory_space<vmem_shared>>
    tpu.wait_indirect_dma semaphore(%arg13 : memref<!tpu.dma_semaphore, #tpu.memory_space<semaphore_mem>>) src(%dma_wait3A_324 : memref<64x128xf32, #tpu.memory_space<vmem>>) dst(%dma_wait3A_330 : memref<10112x128xf32, #tpu.memory_space<vmem_shared>>)
    %dma_wait3A_331 = arith.constant 0 : i32
    %dma_wait3A_332 = arith.constant 13 : i32
    %dma_wait3A_333 = arith.constant 64 : i32
    %dma_wait3A_334 = arith.constant 0 : i32
    %dma_wait3A_335 = tpu.memref_slice %arg9[%dma_wait3A_333, %dma_wait3A_334] : memref<128x128xf32, #tpu.memory_space<vmem>> -> memref<64x128xf32, #tpu.memory_space<vmem>>
    %dma_wait3A_336 = arith.constant 0 : i32
    %dma_wait3A_337 = tpu.memref_slice %arg8[%dma_wait3A_331, %dma_wait3A_332, %dma_wait3A_336] : memref<2x16x64xi32, #tpu.memory_space<vmem>> -> memref<1x1x64xi32, #tpu.memory_space<vmem>>
    %dma_wait3A_338 = tpu.memref_squeeze %dma_wait3A_337 : memref<1x1x64xi32, #tpu.memory_space<vmem>> -> memref<64xi32, #tpu.memory_space<vmem>>
    %dma_wait3A_339 = arith.constant 0 : i32
    %dma_wait3A_340 = arith.constant 0 : i32
    %dma_wait3A_341 = tpu.memref_slice %arg17[%dma_wait3A_339, %dma_wait3A_340] : memref<10112x128xf32, #tpu.memory_space<vmem_shared>> -> memref<10112x128xf32, #tpu.memory_space<vmem_shared>>
    tpu.wait_indirect_dma semaphore(%arg14 : memref<!tpu.dma_semaphore, #tpu.memory_space<semaphore_mem>>) src(%dma_wait3A_335 : memref<64x128xf32, #tpu.memory_space<vmem>>) dst(%dma_wait3A_341 : memref<10112x128xf32, #tpu.memory_space<vmem_shared>>)
    %dma_start3A_342 = arith.constant 0 : i32
    %dma_start3A_343 = arith.constant 6 : i32
    %dma_start3A_344 = arith.constant 0 : i32
    %dma_start3A_345 = tpu.memref_slice %arg7[%dma_start3A_342, %dma_start3A_343, %dma_start3A_344] : memref<2x8x128xi32, #tpu.memory_space<vmem>> -> memref<1x1x128xi32, #tpu.memory_space<vmem>>
    %dma_start3A_346 = tpu.memref_squeeze %dma_start3A_345 : memref<1x1x128xi32, #tpu.memory_space<vmem>> -> memref<128xi32, #tpu.memory_space<vmem>>
    %dma_start3A_347 = arith.constant 0 : i32
    %dma_start3A_348 = arith.constant 0 : i32
    %dma_start3A_349 = tpu.memref_slice %arg2[%dma_start3A_347, %dma_start3A_348] : memref<10000x128xf32, #tpu.memory_space<hbm>> -> memref<10000x128xf32, #tpu.memory_space<hbm>>
    tpu.enqueue_indirect_dma source(%dma_start3A_349 : memref<10000x128xf32, #tpu.memory_space<hbm>>) target(%arg9 : memref<128x128xf32, #tpu.memory_space<vmem>>) offsets(%dma_start3A_346 : memref<128xi32, #tpu.memory_space<vmem>>) semaphore(%arg11 : memref<!tpu.dma_semaphore, #tpu.memory_space<semaphore_mem>>)
    %dma_wait3A_350 = arith.constant 0 : i32
    %dma_wait3A_351 = arith.constant 14 : i32
    %dma_wait3A_352 = arith.constant 0 : i32
    %dma_wait3A_353 = arith.constant 0 : i32
    %dma_wait3A_354 = tpu.memref_slice %arg10[%dma_wait3A_352, %dma_wait3A_353] : memref<128x128xf32, #tpu.memory_space<vmem>> -> memref<64x128xf32, #tpu.memory_space<vmem>>
    %dma_wait3A_355 = arith.constant 0 : i32
    %dma_wait3A_356 = tpu.memref_slice %arg8[%dma_wait3A_350, %dma_wait3A_351, %dma_wait3A_355] : memref<2x16x64xi32, #tpu.memory_space<vmem>> -> memref<1x1x64xi32, #tpu.memory_space<vmem>>
    %dma_wait3A_357 = tpu.memref_squeeze %dma_wait3A_356 : memref<1x1x64xi32, #tpu.memory_space<vmem>> -> memref<64xi32, #tpu.memory_space<vmem>>
    %dma_wait3A_358 = arith.constant 0 : i32
    %dma_wait3A_359 = arith.constant 0 : i32
    %dma_wait3A_360 = tpu.memref_slice %arg17[%dma_wait3A_358, %dma_wait3A_359] : memref<10112x128xf32, #tpu.memory_space<vmem_shared>> -> memref<10112x128xf32, #tpu.memory_space<vmem_shared>>
    tpu.wait_indirect_dma semaphore(%arg15 : memref<!tpu.dma_semaphore, #tpu.memory_space<semaphore_mem>>) src(%dma_wait3A_354 : memref<64x128xf32, #tpu.memory_space<vmem>>) dst(%dma_wait3A_360 : memref<10112x128xf32, #tpu.memory_space<vmem_shared>>)
    %dma_wait3A_361 = arith.constant 0 : i32
    %dma_wait3A_362 = arith.constant 15 : i32
    %dma_wait3A_363 = arith.constant 64 : i32
    %dma_wait3A_364 = arith.constant 0 : i32
    %dma_wait3A_365 = tpu.memref_slice %arg10[%dma_wait3A_363, %dma_wait3A_364] : memref<128x128xf32, #tpu.memory_space<vmem>> -> memref<64x128xf32, #tpu.memory_space<vmem>>
    %dma_wait3A_366 = arith.constant 0 : i32
    %dma_wait3A_367 = tpu.memref_slice %arg8[%dma_wait3A_361, %dma_wait3A_362, %dma_wait3A_366] : memref<2x16x64xi32, #tpu.memory_space<vmem>> -> memref<1x1x64xi32, #tpu.memory_space<vmem>>
    %dma_wait3A_368 = tpu.memref_squeeze %dma_wait3A_367 : memref<1x1x64xi32, #tpu.memory_space<vmem>> -> memref<64xi32, #tpu.memory_space<vmem>>
    %dma_wait3A_369 = arith.constant 0 : i32
    %dma_wait3A_370 = arith.constant 0 : i32
    %dma_wait3A_371 = tpu.memref_slice %arg17[%dma_wait3A_369, %dma_wait3A_370] : memref<10112x128xf32, #tpu.memory_space<vmem_shared>> -> memref<10112x128xf32, #tpu.memory_space<vmem_shared>>
    tpu.wait_indirect_dma semaphore(%arg16 : memref<!tpu.dma_semaphore, #tpu.memory_space<semaphore_mem>>) src(%dma_wait3A_365 : memref<64x128xf32, #tpu.memory_space<vmem>>) dst(%dma_wait3A_371 : memref<10112x128xf32, #tpu.memory_space<vmem_shared>>)
    %dma_start3A_372 = arith.constant 0 : i32
    %dma_start3A_373 = arith.constant 7 : i32
    %dma_start3A_374 = arith.constant 0 : i32
    %dma_start3A_375 = tpu.memref_slice %arg7[%dma_start3A_372, %dma_start3A_373, %dma_start3A_374] : memref<2x8x128xi32, #tpu.memory_space<vmem>> -> memref<1x1x128xi32, #tpu.memory_space<vmem>>
    %dma_start3A_376 = tpu.memref_squeeze %dma_start3A_375 : memref<1x1x128xi32, #tpu.memory_space<vmem>> -> memref<128xi32, #tpu.memory_space<vmem>>
    %dma_start3A_377 = arith.constant 0 : i32
    %dma_start3A_378 = arith.constant 0 : i32
    %dma_start3A_379 = tpu.memref_slice %arg2[%dma_start3A_377, %dma_start3A_378] : memref<10000x128xf32, #tpu.memory_space<hbm>> -> memref<10000x128xf32, #tpu.memory_space<hbm>>
    tpu.enqueue_indirect_dma source(%dma_start3A_379 : memref<10000x128xf32, #tpu.memory_space<hbm>>) target(%arg10 : memref<128x128xf32, #tpu.memory_space<vmem>>) offsets(%dma_start3A_376 : memref<128xi32, #tpu.memory_space<vmem>>) semaphore(%arg12 : memref<!tpu.dma_semaphore, #tpu.memory_space<semaphore_mem>>)
    %dma_wait3A_380 = arith.constant 0 : i32
    %dma_wait3A_381 = arith.constant 6 : i32
    %dma_wait3A_382 = arith.constant 0 : i32
    %dma_wait3A_383 = tpu.memref_slice %arg7[%dma_wait3A_380, %dma_wait3A_381, %dma_wait3A_382] : memref<2x8x128xi32, #tpu.memory_space<vmem>> -> memref<1x1x128xi32, #tpu.memory_space<vmem>>
    %dma_wait3A_384 = tpu.memref_squeeze %dma_wait3A_383 : memref<1x1x128xi32, #tpu.memory_space<vmem>> -> memref<128xi32, #tpu.memory_space<vmem>>
    %dma_wait3A_385 = arith.constant 0 : i32
    %dma_wait3A_386 = arith.constant 0 : i32
    %dma_wait3A_387 = tpu.memref_slice %arg2[%dma_wait3A_385, %dma_wait3A_386] : memref<10000x128xf32, #tpu.memory_space<hbm>> -> memref<10000x128xf32, #tpu.memory_space<hbm>>
    tpu.wait_indirect_dma semaphore(%arg11 : memref<!tpu.dma_semaphore, #tpu.memory_space<semaphore_mem>>) src(%dma_wait3A_387 : memref<10000x128xf32, #tpu.memory_space<hbm>>) dst(%arg9 : memref<128x128xf32, #tpu.memory_space<vmem>>)
    %dma_start3A_388 = arith.constant 0 : i32
    %dma_start3A_389 = arith.constant 12 : i32
    %dma_start3A_390 = arith.constant 0 : i32
    %dma_start3A_391 = arith.constant 0 : i32
    %dma_start3A_392 = tpu.memref_slice %arg9[%dma_start3A_390, %dma_start3A_391] : memref<128x128xf32, #tpu.memory_space<vmem>> -> memref<64x128xf32, #tpu.memory_space<vmem>>
    %dma_start3A_393 = arith.constant 0 : i32
    %dma_start3A_394 = tpu.memref_slice %arg8[%dma_start3A_388, %dma_start3A_389, %dma_start3A_393] : memref<2x16x64xi32, #tpu.memory_space<vmem>> -> memref<1x1x64xi32, #tpu.memory_space<vmem>>
    %dma_start3A_395 = tpu.memref_squeeze %dma_start3A_394 : memref<1x1x64xi32, #tpu.memory_space<vmem>> -> memref<64xi32, #tpu.memory_space<vmem>>
    %dma_start3A_396 = arith.constant 0 : i32
    %dma_start3A_397 = arith.constant 0 : i32
    %dma_start3A_398 = tpu.memref_slice %arg17[%dma_start3A_396, %dma_start3A_397] : memref<10112x128xf32, #tpu.memory_space<vmem_shared>> -> memref<10112x128xf32, #tpu.memory_space<vmem_shared>>
    tpu.enqueue_indirect_dma source(%dma_start3A_392 : memref<64x128xf32, #tpu.memory_space<vmem>>) target(%dma_start3A_398 : memref<10112x128xf32, #tpu.memory_space<vmem_shared>>) offsets(%dma_start3A_395 : memref<64xi32, #tpu.memory_space<vmem>>) semaphore(%arg13 : memref<!tpu.dma_semaphore, #tpu.memory_space<semaphore_mem>>) {add = true}
    %dma_start3A_399 = arith.constant 0 : i32
    %dma_start3A_400 = arith.constant 13 : i32
    %dma_start3A_401 = arith.constant 64 : i32
    %dma_start3A_402 = arith.constant 0 : i32
    %dma_start3A_403 = tpu.memref_slice %arg9[%dma_start3A_401, %dma_start3A_402] : memref<128x128xf32, #tpu.memory_space<vmem>> -> memref<64x128xf32, #tpu.memory_space<vmem>>
    %dma_start3A_404 = arith.constant 0 : i32
    %dma_start3A_405 = tpu.memref_slice %arg8[%dma_start3A_399, %dma_start3A_400, %dma_start3A_404] : memref<2x16x64xi32, #tpu.memory_space<vmem>> -> memref<1x1x64xi32, #tpu.memory_space<vmem>>
    %dma_start3A_406 = tpu.memref_squeeze %dma_start3A_405 : memref<1x1x64xi32, #tpu.memory_space<vmem>> -> memref<64xi32, #tpu.memory_space<vmem>>
    %dma_start3A_407 = arith.constant 0 : i32
    %dma_start3A_408 = arith.constant 0 : i32
    %dma_start3A_409 = tpu.memref_slice %arg17[%dma_start3A_407, %dma_start3A_408] : memref<10112x128xf32, #tpu.memory_space<vmem_shared>> -> memref<10112x128xf32, #tpu.memory_space<vmem_shared>>
    tpu.enqueue_indirect_dma source(%dma_start3A_403 : memref<64x128xf32, #tpu.memory_space<vmem>>) target(%dma_start3A_409 : memref<10112x128xf32, #tpu.memory_space<vmem_shared>>) offsets(%dma_start3A_406 : memref<64xi32, #tpu.memory_space<vmem>>) semaphore(%arg14 : memref<!tpu.dma_semaphore, #tpu.memory_space<semaphore_mem>>) {add = true}
    %dma_wait3A_410 = arith.constant 0 : i32
    %dma_wait3A_411 = arith.constant 7 : i32
    %dma_wait3A_412 = arith.constant 0 : i32
    %dma_wait3A_413 = tpu.memref_slice %arg7[%dma_wait3A_410, %dma_wait3A_411, %dma_wait3A_412] : memref<2x8x128xi32, #tpu.memory_space<vmem>> -> memref<1x1x128xi32, #tpu.memory_space<vmem>>
    %dma_wait3A_414 = tpu.memref_squeeze %dma_wait3A_413 : memref<1x1x128xi32, #tpu.memory_space<vmem>> -> memref<128xi32, #tpu.memory_space<vmem>>
    %dma_wait3A_415 = arith.constant 0 : i32
    %dma_wait3A_416 = arith.constant 0 : i32
    %dma_wait3A_417 = tpu.memref_slice %arg2[%dma_wait3A_415, %dma_wait3A_416] : memref<10000x128xf32, #tpu.memory_space<hbm>> -> memref<10000x128xf32, #tpu.memory_space<hbm>>
    tpu.wait_indirect_dma semaphore(%arg12 : memref<!tpu.dma_semaphore, #tpu.memory_space<semaphore_mem>>) src(%dma_wait3A_417 : memref<10000x128xf32, #tpu.memory_space<hbm>>) dst(%arg10 : memref<128x128xf32, #tpu.memory_space<vmem>>)
    %dma_start3A_418 = arith.constant 0 : i32
    %dma_start3A_419 = arith.constant 14 : i32
    %dma_start3A_420 = arith.constant 0 : i32
    %dma_start3A_421 = arith.constant 0 : i32
    %dma_start3A_422 = tpu.memref_slice %arg10[%dma_start3A_420, %dma_start3A_421] : memref<128x128xf32, #tpu.memory_space<vmem>> -> memref<64x128xf32, #tpu.memory_space<vmem>>
    %dma_start3A_423 = arith.constant 0 : i32
    %dma_start3A_424 = tpu.memref_slice %arg8[%dma_start3A_418, %dma_start3A_419, %dma_start3A_423] : memref<2x16x64xi32, #tpu.memory_space<vmem>> -> memref<1x1x64xi32, #tpu.memory_space<vmem>>
    %dma_start3A_425 = tpu.memref_squeeze %dma_start3A_424 : memref<1x1x64xi32, #tpu.memory_space<vmem>> -> memref<64xi32, #tpu.memory_space<vmem>>
    %dma_start3A_426 = arith.constant 0 : i32
    %dma_start3A_427 = arith.constant 0 : i32
    %dma_start3A_428 = tpu.memref_slice %arg17[%dma_start3A_426, %dma_start3A_427] : memref<10112x128xf32, #tpu.memory_space<vmem_shared>> -> memref<10112x128xf32, #tpu.memory_space<vmem_shared>>
    tpu.enqueue_indirect_dma source(%dma_start3A_422 : memref<64x128xf32, #tpu.memory_space<vmem>>) target(%dma_start3A_428 : memref<10112x128xf32, #tpu.memory_space<vmem_shared>>) offsets(%dma_start3A_425 : memref<64xi32, #tpu.memory_space<vmem>>) semaphore(%arg15 : memref<!tpu.dma_semaphore, #tpu.memory_space<semaphore_mem>>) {add = true}
    %dma_start3A_429 = arith.constant 0 : i32
    %dma_start3A_430 = arith.constant 15 : i32
    %dma_start3A_431 = arith.constant 64 : i32
    %dma_start3A_432 = arith.constant 0 : i32
    %dma_start3A_433 = tpu.memref_slice %arg10[%dma_start3A_431, %dma_start3A_432] : memref<128x128xf32, #tpu.memory_space<vmem>> -> memref<64x128xf32, #tpu.memory_space<vmem>>
    %dma_start3A_434 = arith.constant 0 : i32
    %dma_start3A_435 = tpu.memref_slice %arg8[%dma_start3A_429, %dma_start3A_430, %dma_start3A_434] : memref<2x16x64xi32, #tpu.memory_space<vmem>> -> memref<1x1x64xi32, #tpu.memory_space<vmem>>
    %dma_start3A_436 = tpu.memref_squeeze %dma_start3A_435 : memref<1x1x64xi32, #tpu.memory_space<vmem>> -> memref<64xi32, #tpu.memory_space<vmem>>
    %dma_start3A_437 = arith.constant 0 : i32
    %dma_start3A_438 = arith.constant 0 : i32
    %dma_start3A_439 = tpu.memref_slice %arg17[%dma_start3A_437, %dma_start3A_438] : memref<10112x128xf32, #tpu.memory_space<vmem_shared>> -> memref<10112x128xf32, #tpu.memory_space<vmem_shared>>
    tpu.enqueue_indirect_dma source(%dma_start3A_433 : memref<64x128xf32, #tpu.memory_space<vmem>>) target(%dma_start3A_439 : memref<10112x128xf32, #tpu.memory_space<vmem_shared>>) offsets(%dma_start3A_436 : memref<64xi32, #tpu.memory_space<vmem>>) semaphore(%arg16 : memref<!tpu.dma_semaphore, #tpu.memory_space<semaphore_mem>>) {add = true}
    %scan3A = arith.constant 0 : i32
    %scan3A_440 = arith.constant 1 : i32
    %scan3A_441 = arith.constant 9 : i32
    %scan3A_442 = arith.addi %scan3A_440, %scan3A_441 : i32
    %scan3A_443 = arith.constant 1 : i32
    scf.for %scan3A_490 = %scan3A_440 to %scan3A_442 step %scan3A_443  : i32 {
      %jit3A = arith.constant 2 : i32
      %eq3A = arith.constant 0 : i32
      %eq3A_491 = arith.cmpi eq, %jit3A, %eq3A : i32
      %jit3A_492 = arith.constant 1 : i32
      %select_n3A = arith.select %eq3A_491, %jit3A_492, %jit3A : i32
      %rem3A = arith.remsi %scan3A_490, %select_n3A : i32
      %ne3A = arith.constant 0 : i32
      %ne3A_493 = arith.cmpi ne, %rem3A, %ne3A : i32
      %lt3A = arith.constant 0 : i32
      %lt3A_494 = arith.cmpi slt, %rem3A, %lt3A : i32
      %lt3A_495 = arith.constant 0 : i32
      %lt3A_496 = arith.cmpi slt, %select_n3A, %lt3A_495 : i32
      %ne3A_497 = arith.xori %lt3A_494, %lt3A_496 : i1
      %and3A = arith.andi %ne3A_497, %ne3A_493 : i1
      %add3A_498 = arith.addi %rem3A, %select_n3A : i32
      %select_n3A_499 = arith.select %and3A, %add3A_498, %rem3A : i32
      "tpu.region"() ({
        %run_scoped3A_932 = tpu.sem_alloc : memref<!tpu.dma_semaphore, #tpu.memory_space<semaphore_mem>>
        %dma_start3A_933 = arith.constant 0 : i32
        %dma_start3A_934 = arith.constant 0 : i32
        %dma_start3A_935 = tpu.memref_slice %arg7[%select_n3A_499, %dma_start3A_933, %dma_start3A_934] : memref<2x8x128xi32, #tpu.memory_space<vmem>> -> memref<1x8x128xi32, #tpu.memory_space<vmem>>
        %dma_start3A_936 = tpu.memref_squeeze %dma_start3A_935 : memref<1x8x128xi32, #tpu.memory_space<vmem>> -> memref<8x128xi32, #tpu.memory_space<vmem>>
        %dma_start3A_937 = arith.constant 0 : i32
        %dma_start3A_938 = arith.constant 0 : i32
        %dma_start3A_939 = tpu.memref_slice %arg3[%add3A, %scan3A_490, %dma_start3A_937, %dma_start3A_938] : memref<32x10x8x128xi32, #tpu.memory_space<hbm>> -> memref<1x1x8x128xi32, #tpu.memory_space<hbm>>
        %dma_start3A_940 = tpu.memref_squeeze %dma_start3A_939 : memref<1x1x8x128xi32, #tpu.memory_space<hbm>> -> memref<8x128xi32, #tpu.memory_space<hbm>>
        %dma_start3A_941 = arith.constant 0 : i32
        %dma_start3A_942 = arith.constant 0 : i32
        %dma_start3A_943 = tpu.memref_slice %arg7[%select_n3A_499, %dma_start3A_941, %dma_start3A_942] : memref<2x8x128xi32, #tpu.memory_space<vmem>> -> memref<1x8x128xi32, #tpu.memory_space<vmem>>
        %dma_start3A_944 = tpu.memref_squeeze %dma_start3A_943 : memref<1x8x128xi32, #tpu.memory_space<vmem>> -> memref<8x128xi32, #tpu.memory_space<vmem>>
        %dma_start3A_945 = arith.constant 0 : i32
        %dma_start3A_946 = arith.constant 0 : i32
        %dma_start3A_947 = tpu.memref_slice %arg3[%add3A, %scan3A_490, %dma_start3A_945, %dma_start3A_946] : memref<32x10x8x128xi32, #tpu.memory_space<hbm>> -> memref<1x1x8x128xi32, #tpu.memory_space<hbm>>
        %dma_start3A_948 = tpu.memref_squeeze %dma_start3A_947 : memref<1x1x8x128xi32, #tpu.memory_space<hbm>> -> memref<8x128xi32, #tpu.memory_space<hbm>>
        tpu.enqueue_dma source(%dma_start3A_948 : memref<8x128xi32, #tpu.memory_space<hbm>>) target(%dma_start3A_944 : memref<8x128xi32, #tpu.memory_space<vmem>>) target_semaphore(%run_scoped3A_932 : memref<!tpu.dma_semaphore, #tpu.memory_space<semaphore_mem>>)
        %dma_wait3A_949 = arith.constant 0 : i32
        %dma_wait3A_950 = arith.constant 0 : i32
        %dma_wait3A_951 = tpu.memref_slice %arg7[%select_n3A_499, %dma_wait3A_949, %dma_wait3A_950] : memref<2x8x128xi32, #tpu.memory_space<vmem>> -> memref<1x8x128xi32, #tpu.memory_space<vmem>>
        %dma_wait3A_952 = tpu.memref_squeeze %dma_wait3A_951 : memref<1x8x128xi32, #tpu.memory_space<vmem>> -> memref<8x128xi32, #tpu.memory_space<vmem>>
        %dma_wait3A_953 = arith.constant 0 : i32
        %dma_wait3A_954 = arith.constant 0 : i32
        %dma_wait3A_955 = tpu.memref_slice %arg3[%add3A, %scan3A_490, %dma_wait3A_953, %dma_wait3A_954] : memref<32x10x8x128xi32, #tpu.memory_space<hbm>> -> memref<1x1x8x128xi32, #tpu.memory_space<hbm>>
        %dma_wait3A_956 = tpu.memref_squeeze %dma_wait3A_955 : memref<1x1x8x128xi32, #tpu.memory_space<hbm>> -> memref<8x128xi32, #tpu.memory_space<hbm>>
        %dma_wait3A_957 = arith.constant 0 : i32
        %dma_wait3A_958 = arith.constant 0 : i32
        %dma_wait3A_959 = tpu.memref_slice %arg7[%select_n3A_499, %dma_wait3A_957, %dma_wait3A_958] : memref<2x8x128xi32, #tpu.memory_space<vmem>> -> memref<1x8x128xi32, #tpu.memory_space<vmem>>
        %dma_wait3A_960 = tpu.memref_squeeze %dma_wait3A_959 : memref<1x8x128xi32, #tpu.memory_space<vmem>> -> memref<8x128xi32, #tpu.memory_space<vmem>>
        %dma_wait3A_961 = arith.constant 0 : i32
        %dma_wait3A_962 = arith.constant 0 : i32
        %dma_wait3A_963 = tpu.memref_slice %arg3[%add3A, %scan3A_490, %dma_wait3A_961, %dma_wait3A_962] : memref<32x10x8x128xi32, #tpu.memory_space<hbm>> -> memref<1x1x8x128xi32, #tpu.memory_space<hbm>>
        %dma_wait3A_964 = tpu.memref_squeeze %dma_wait3A_963 : memref<1x1x8x128xi32, #tpu.memory_space<hbm>> -> memref<8x128xi32, #tpu.memory_space<hbm>>
        tpu.wait_dma2 semaphore(%run_scoped3A_932 : memref<!tpu.dma_semaphore, #tpu.memory_space<semaphore_mem>>) src(%dma_wait3A_964 : memref<8x128xi32, #tpu.memory_space<hbm>>) dst(%dma_wait3A_960 : memref<8x128xi32, #tpu.memory_space<vmem>>)
        tpu.yield
      }) : () -> ()
      "tpu.region"() ({
        %run_scoped3A_932 = tpu.sem_alloc : memref<!tpu.dma_semaphore, #tpu.memory_space<semaphore_mem>>
        %dma_start3A_933 = arith.constant 0 : i32
        %dma_start3A_934 = arith.constant 0 : i32
        %dma_start3A_935 = tpu.memref_slice %arg8[%select_n3A_499, %dma_start3A_933, %dma_start3A_934] : memref<2x16x64xi32, #tpu.memory_space<vmem>> -> memref<1x16x64xi32, #tpu.memory_space<vmem>>
        %dma_start3A_936 = tpu.memref_squeeze %dma_start3A_935 : memref<1x16x64xi32, #tpu.memory_space<vmem>> -> memref<16x64xi32, #tpu.memory_space<vmem>>
        %dma_start3A_937 = arith.constant 0 : i32
        %dma_start3A_938 = arith.constant 0 : i32
        %dma_start3A_939 = tpu.memref_slice %arg4[%add3A, %scan3A_490, %dma_start3A_937, %dma_start3A_938] : memref<32x10x16x64xi32, #tpu.memory_space<hbm>> -> memref<1x1x16x64xi32, #tpu.memory_space<hbm>>
        %dma_start3A_940 = tpu.memref_squeeze %dma_start3A_939 : memref<1x1x16x64xi32, #tpu.memory_space<hbm>> -> memref<16x64xi32, #tpu.memory_space<hbm>>
        %dma_start3A_941 = arith.constant 0 : i32
        %dma_start3A_942 = arith.constant 0 : i32
        %dma_start3A_943 = tpu.memref_slice %arg8[%select_n3A_499, %dma_start3A_941, %dma_start3A_942] : memref<2x16x64xi32, #tpu.memory_space<vmem>> -> memref<1x16x64xi32, #tpu.memory_space<vmem>>
        %dma_start3A_944 = tpu.memref_squeeze %dma_start3A_943 : memref<1x16x64xi32, #tpu.memory_space<vmem>> -> memref<16x64xi32, #tpu.memory_space<vmem>>
        %dma_start3A_945 = arith.constant 0 : i32
        %dma_start3A_946 = arith.constant 0 : i32
        %dma_start3A_947 = tpu.memref_slice %arg4[%add3A, %scan3A_490, %dma_start3A_945, %dma_start3A_946] : memref<32x10x16x64xi32, #tpu.memory_space<hbm>> -> memref<1x1x16x64xi32, #tpu.memory_space<hbm>>
        %dma_start3A_948 = tpu.memref_squeeze %dma_start3A_947 : memref<1x1x16x64xi32, #tpu.memory_space<hbm>> -> memref<16x64xi32, #tpu.memory_space<hbm>>
        tpu.enqueue_dma source(%dma_start3A_948 : memref<16x64xi32, #tpu.memory_space<hbm>>) target(%dma_start3A_944 : memref<16x64xi32, #tpu.memory_space<vmem>>) target_semaphore(%run_scoped3A_932 : memref<!tpu.dma_semaphore, #tpu.memory_space<semaphore_mem>>)
        %dma_wait3A_949 = arith.constant 0 : i32
        %dma_wait3A_950 = arith.constant 0 : i32
        %dma_wait3A_951 = tpu.memref_slice %arg8[%select_n3A_499, %dma_wait3A_949, %dma_wait3A_950] : memref<2x16x64xi32, #tpu.memory_space<vmem>> -> memref<1x16x64xi32, #tpu.memory_space<vmem>>
        %dma_wait3A_952 = tpu.memref_squeeze %dma_wait3A_951 : memref<1x16x64xi32, #tpu.memory_space<vmem>> -> memref<16x64xi32, #tpu.memory_space<vmem>>
        %dma_wait3A_953 = arith.constant 0 : i32
        %dma_wait3A_954 = arith.constant 0 : i32
        %dma_wait3A_955 = tpu.memref_slice %arg4[%add3A, %scan3A_490, %dma_wait3A_953, %dma_wait3A_954] : memref<32x10x16x64xi32, #tpu.memory_space<hbm>> -> memref<1x1x16x64xi32, #tpu.memory_space<hbm>>
        %dma_wait3A_956 = tpu.memref_squeeze %dma_wait3A_955 : memref<1x1x16x64xi32, #tpu.memory_space<hbm>> -> memref<16x64xi32, #tpu.memory_space<hbm>>
        %dma_wait3A_957 = arith.constant 0 : i32
        %dma_wait3A_958 = arith.constant 0 : i32
        %dma_wait3A_959 = tpu.memref_slice %arg8[%select_n3A_499, %dma_wait3A_957, %dma_wait3A_958] : memref<2x16x64xi32, #tpu.memory_space<vmem>> -> memref<1x16x64xi32, #tpu.memory_space<vmem>>
        %dma_wait3A_960 = tpu.memref_squeeze %dma_wait3A_959 : memref<1x16x64xi32, #tpu.memory_space<vmem>> -> memref<16x64xi32, #tpu.memory_space<vmem>>
        %dma_wait3A_961 = arith.constant 0 : i32
        %dma_wait3A_962 = arith.constant 0 : i32
        %dma_wait3A_963 = tpu.memref_slice %arg4[%add3A, %scan3A_490, %dma_wait3A_961, %dma_wait3A_962] : memref<32x10x16x64xi32, #tpu.memory_space<hbm>> -> memref<1x1x16x64xi32, #tpu.memory_space<hbm>>
        %dma_wait3A_964 = tpu.memref_squeeze %dma_wait3A_963 : memref<1x1x16x64xi32, #tpu.memory_space<hbm>> -> memref<16x64xi32, #tpu.memory_space<hbm>>
        tpu.wait_dma2 semaphore(%run_scoped3A_932 : memref<!tpu.dma_semaphore, #tpu.memory_space<semaphore_mem>>) src(%dma_wait3A_964 : memref<16x64xi32, #tpu.memory_space<hbm>>) dst(%dma_wait3A_960 : memref<16x64xi32, #tpu.memory_space<vmem>>)
        tpu.yield
      }) : () -> ()
      %dma_wait3A_500 = arith.constant 0 : i32
      %dma_wait3A_501 = arith.constant 0 : i32
      %dma_wait3A_502 = arith.constant 0 : i32
      %dma_wait3A_503 = tpu.memref_slice %arg9[%dma_wait3A_501, %dma_wait3A_502] : memref<128x128xf32, #tpu.memory_space<vmem>> -> memref<64x128xf32, #tpu.memory_space<vmem>>
      %dma_wait3A_504 = arith.constant 0 : i32
      %dma_wait3A_505 = tpu.memref_slice %arg8[%select_n3A_499, %dma_wait3A_500, %dma_wait3A_504] : memref<2x16x64xi32, #tpu.memory_space<vmem>> -> memref<1x1x64xi32, #tpu.memory_space<vmem>>
      %dma_wait3A_506 = tpu.memref_squeeze %dma_wait3A_505 : memref<1x1x64xi32, #tpu.memory_space<vmem>> -> memref<64xi32, #tpu.memory_space<vmem>>
      %dma_wait3A_507 = arith.constant 0 : i32
      %dma_wait3A_508 = arith.constant 0 : i32
      %dma_wait3A_509 = tpu.memref_slice %arg17[%dma_wait3A_507, %dma_wait3A_508] : memref<10112x128xf32, #tpu.memory_space<vmem_shared>> -> memref<10112x128xf32, #tpu.memory_space<vmem_shared>>
      tpu.wait_indirect_dma semaphore(%arg13 : memref<!tpu.dma_semaphore, #tpu.memory_space<semaphore_mem>>) src(%dma_wait3A_503 : memref<64x128xf32, #tpu.memory_space<vmem>>) dst(%dma_wait3A_509 : memref<10112x128xf32, #tpu.memory_space<vmem_shared>>)
      %dma_wait3A_510 = arith.constant 1 : i32
      %dma_wait3A_511 = arith.constant 64 : i32
      %dma_wait3A_512 = arith.constant 0 : i32
      %dma_wait3A_513 = tpu.memref_slice %arg9[%dma_wait3A_511, %dma_wait3A_512] : memref<128x128xf32, #tpu.memory_space<vmem>> -> memref<64x128xf32, #tpu.memory_space<vmem>>
      %dma_wait3A_514 = arith.constant 0 : i32
      %dma_wait3A_515 = tpu.memref_slice %arg8[%select_n3A_499, %dma_wait3A_510, %dma_wait3A_514] : memref<2x16x64xi32, #tpu.memory_space<vmem>> -> memref<1x1x64xi32, #tpu.memory_space<vmem>>
      %dma_wait3A_516 = tpu.memref_squeeze %dma_wait3A_515 : memref<1x1x64xi32, #tpu.memory_space<vmem>> -> memref<64xi32, #tpu.memory_space<vmem>>
      %dma_wait3A_517 = arith.constant 0 : i32
      %dma_wait3A_518 = arith.constant 0 : i32
      %dma_wait3A_519 = tpu.memref_slice %arg17[%dma_wait3A_517, %dma_wait3A_518] : memref<10112x128xf32, #tpu.memory_space<vmem_shared>> -> memref<10112x128xf32, #tpu.memory_space<vmem_shared>>
      tpu.wait_indirect_dma semaphore(%arg14 : memref<!tpu.dma_semaphore, #tpu.memory_space<semaphore_mem>>) src(%dma_wait3A_513 : memref<64x128xf32, #tpu.memory_space<vmem>>) dst(%dma_wait3A_519 : memref<10112x128xf32, #tpu.memory_space<vmem_shared>>)
      %dma_start3A_520 = arith.constant 0 : i32
      %dma_start3A_521 = arith.constant 0 : i32
      %dma_start3A_522 = tpu.memref_slice %arg7[%select_n3A_499, %dma_start3A_520, %dma_start3A_521] : memref<2x8x128xi32, #tpu.memory_space<vmem>> -> memref<1x1x128xi32, #tpu.memory_space<vmem>>
      %dma_start3A_523 = tpu.memref_squeeze %dma_start3A_522 : memref<1x1x128xi32, #tpu.memory_space<vmem>> -> memref<128xi32, #tpu.memory_space<vmem>>
      %dma_start3A_524 = arith.constant 0 : i32
      %dma_start3A_525 = arith.constant 0 : i32
      %dma_start3A_526 = tpu.memref_slice %arg2[%dma_start3A_524, %dma_start3A_525] : memref<10000x128xf32, #tpu.memory_space<hbm>> -> memref<10000x128xf32, #tpu.memory_space<hbm>>
      tpu.enqueue_indirect_dma source(%dma_start3A_526 : memref<10000x128xf32, #tpu.memory_space<hbm>>) target(%arg9 : memref<128x128xf32, #tpu.memory_space<vmem>>) offsets(%dma_start3A_523 : memref<128xi32, #tpu.memory_space<vmem>>) semaphore(%arg11 : memref<!tpu.dma_semaphore, #tpu.memory_space<semaphore_mem>>)
      %dma_wait3A_527 = arith.constant 2 : i32
      %dma_wait3A_528 = arith.constant 0 : i32
      %dma_wait3A_529 = arith.constant 0 : i32
      %dma_wait3A_530 = tpu.memref_slice %arg10[%dma_wait3A_528, %dma_wait3A_529] : memref<128x128xf32, #tpu.memory_space<vmem>> -> memref<64x128xf32, #tpu.memory_space<vmem>>
      %dma_wait3A_531 = arith.constant 0 : i32
      %dma_wait3A_532 = tpu.memref_slice %arg8[%select_n3A_499, %dma_wait3A_527, %dma_wait3A_531] : memref<2x16x64xi32, #tpu.memory_space<vmem>> -> memref<1x1x64xi32, #tpu.memory_space<vmem>>
      %dma_wait3A_533 = tpu.memref_squeeze %dma_wait3A_532 : memref<1x1x64xi32, #tpu.memory_space<vmem>> -> memref<64xi32, #tpu.memory_space<vmem>>
      %dma_wait3A_534 = arith.constant 0 : i32
      %dma_wait3A_535 = arith.constant 0 : i32
      %dma_wait3A_536 = tpu.memref_slice %arg17[%dma_wait3A_534, %dma_wait3A_535] : memref<10112x128xf32, #tpu.memory_space<vmem_shared>> -> memref<10112x128xf32, #tpu.memory_space<vmem_shared>>
      tpu.wait_indirect_dma semaphore(%arg15 : memref<!tpu.dma_semaphore, #tpu.memory_space<semaphore_mem>>) src(%dma_wait3A_530 : memref<64x128xf32, #tpu.memory_space<vmem>>) dst(%dma_wait3A_536 : memref<10112x128xf32, #tpu.memory_space<vmem_shared>>)
      %dma_wait3A_537 = arith.constant 3 : i32
      %dma_wait3A_538 = arith.constant 64 : i32
      %dma_wait3A_539 = arith.constant 0 : i32
      %dma_wait3A_540 = tpu.memref_slice %arg10[%dma_wait3A_538, %dma_wait3A_539] : memref<128x128xf32, #tpu.memory_space<vmem>> -> memref<64x128xf32, #tpu.memory_space<vmem>>
      %dma_wait3A_541 = arith.constant 0 : i32
      %dma_wait3A_542 = tpu.memref_slice %arg8[%select_n3A_499, %dma_wait3A_537, %dma_wait3A_541] : memref<2x16x64xi32, #tpu.memory_space<vmem>> -> memref<1x1x64xi32, #tpu.memory_space<vmem>>
      %dma_wait3A_543 = tpu.memref_squeeze %dma_wait3A_542 : memref<1x1x64xi32, #tpu.memory_space<vmem>> -> memref<64xi32, #tpu.memory_space<vmem>>
      %dma_wait3A_544 = arith.constant 0 : i32
      %dma_wait3A_545 = arith.constant 0 : i32
      %dma_wait3A_546 = tpu.memref_slice %arg17[%dma_wait3A_544, %dma_wait3A_545] : memref<10112x128xf32, #tpu.memory_space<vmem_shared>> -> memref<10112x128xf32, #tpu.memory_space<vmem_shared>>
      tpu.wait_indirect_dma semaphore(%arg16 : memref<!tpu.dma_semaphore, #tpu.memory_space<semaphore_mem>>) src(%dma_wait3A_540 : memref<64x128xf32, #tpu.memory_space<vmem>>) dst(%dma_wait3A_546 : memref<10112x128xf32, #tpu.memory_space<vmem_shared>>)
      %dma_start3A_547 = arith.constant 1 : i32
      %dma_start3A_548 = arith.constant 0 : i32
      %dma_start3A_549 = tpu.memref_slice %arg7[%select_n3A_499, %dma_start3A_547, %dma_start3A_548] : memref<2x8x128xi32, #tpu.memory_space<vmem>> -> memref<1x1x128xi32, #tpu.memory_space<vmem>>
      %dma_start3A_550 = tpu.memref_squeeze %dma_start3A_549 : memref<1x1x128xi32, #tpu.memory_space<vmem>> -> memref<128xi32, #tpu.memory_space<vmem>>
      %dma_start3A_551 = arith.constant 0 : i32
      %dma_start3A_552 = arith.constant 0 : i32
      %dma_start3A_553 = tpu.memref_slice %arg2[%dma_start3A_551, %dma_start3A_552] : memref<10000x128xf32, #tpu.memory_space<hbm>> -> memref<10000x128xf32, #tpu.memory_space<hbm>>
      tpu.enqueue_indirect_dma source(%dma_start3A_553 : memref<10000x128xf32, #tpu.memory_space<hbm>>) target(%arg10 : memref<128x128xf32, #tpu.memory_space<vmem>>) offsets(%dma_start3A_550 : memref<128xi32, #tpu.memory_space<vmem>>) semaphore(%arg12 : memref<!tpu.dma_semaphore, #tpu.memory_space<semaphore_mem>>)
      %dma_wait3A_554 = arith.constant 0 : i32
      %dma_wait3A_555 = arith.constant 0 : i32
      %dma_wait3A_556 = tpu.memref_slice %arg7[%select_n3A_499, %dma_wait3A_554, %dma_wait3A_555] : memref<2x8x128xi32, #tpu.memory_space<vmem>> -> memref<1x1x128xi32, #tpu.memory_space<vmem>>
      %dma_wait3A_557 = tpu.memref_squeeze %dma_wait3A_556 : memref<1x1x128xi32, #tpu.memory_space<vmem>> -> memref<128xi32, #tpu.memory_space<vmem>>
      %dma_wait3A_558 = arith.constant 0 : i32
      %dma_wait3A_559 = arith.constant 0 : i32
      %dma_wait3A_560 = tpu.memref_slice %arg2[%dma_wait3A_558, %dma_wait3A_559] : memref<10000x128xf32, #tpu.memory_space<hbm>> -> memref<10000x128xf32, #tpu.memory_space<hbm>>
      tpu.wait_indirect_dma semaphore(%arg11 : memref<!tpu.dma_semaphore, #tpu.memory_space<semaphore_mem>>) src(%dma_wait3A_560 : memref<10000x128xf32, #tpu.memory_space<hbm>>) dst(%arg9 : memref<128x128xf32, #tpu.memory_space<vmem>>)
      %dma_start3A_561 = arith.constant 0 : i32
      %dma_start3A_562 = arith.constant 0 : i32
      %dma_start3A_563 = arith.constant 0 : i32
      %dma_start3A_564 = tpu.memref_slice %arg9[%dma_start3A_562, %dma_start3A_563] : memref<128x128xf32, #tpu.memory_space<vmem>> -> memref<64x128xf32, #tpu.memory_space<vmem>>
      %dma_start3A_565 = arith.constant 0 : i32
      %dma_start3A_566 = tpu.memref_slice %arg8[%select_n3A_499, %dma_start3A_561, %dma_start3A_565] : memref<2x16x64xi32, #tpu.memory_space<vmem>> -> memref<1x1x64xi32, #tpu.memory_space<vmem>>
      %dma_start3A_567 = tpu.memref_squeeze %dma_start3A_566 : memref<1x1x64xi32, #tpu.memory_space<vmem>> -> memref<64xi32, #tpu.memory_space<vmem>>
      %dma_start3A_568 = arith.constant 0 : i32
      %dma_start3A_569 = arith.constant 0 : i32
      %dma_start3A_570 = tpu.memref_slice %arg17[%dma_start3A_568, %dma_start3A_569] : memref<10112x128xf32, #tpu.memory_space<vmem_shared>> -> memref<10112x128xf32, #tpu.memory_space<vmem_shared>>
      tpu.enqueue_indirect_dma source(%dma_start3A_564 : memref<64x128xf32, #tpu.memory_space<vmem>>) target(%dma_start3A_570 : memref<10112x128xf32, #tpu.memory_space<vmem_shared>>) offsets(%dma_start3A_567 : memref<64xi32, #tpu.memory_space<vmem>>) semaphore(%arg13 : memref<!tpu.dma_semaphore, #tpu.memory_space<semaphore_mem>>) {add = true}
      %dma_start3A_571 = arith.constant 1 : i32
      %dma_start3A_572 = arith.constant 64 : i32
      %dma_start3A_573 = arith.constant 0 : i32
      %dma_start3A_574 = tpu.memref_slice %arg9[%dma_start3A_572, %dma_start3A_573] : memref<128x128xf32, #tpu.memory_space<vmem>> -> memref<64x128xf32, #tpu.memory_space<vmem>>
      %dma_start3A_575 = arith.constant 0 : i32
      %dma_start3A_576 = tpu.memref_slice %arg8[%select_n3A_499, %dma_start3A_571, %dma_start3A_575] : memref<2x16x64xi32, #tpu.memory_space<vmem>> -> memref<1x1x64xi32, #tpu.memory_space<vmem>>
      %dma_start3A_577 = tpu.memref_squeeze %dma_start3A_576 : memref<1x1x64xi32, #tpu.memory_space<vmem>> -> memref<64xi32, #tpu.memory_space<vmem>>
      %dma_start3A_578 = arith.constant 0 : i32
      %dma_start3A_579 = arith.constant 0 : i32
      %dma_start3A_580 = tpu.memref_slice %arg17[%dma_start3A_578, %dma_start3A_579] : memref<10112x128xf32, #tpu.memory_space<vmem_shared>> -> memref<10112x128xf32, #tpu.memory_space<vmem_shared>>
      tpu.enqueue_indirect_dma source(%dma_start3A_574 : memref<64x128xf32, #tpu.memory_space<vmem>>) target(%dma_start3A_580 : memref<10112x128xf32, #tpu.memory_space<vmem_shared>>) offsets(%dma_start3A_577 : memref<64xi32, #tpu.memory_space<vmem>>) semaphore(%arg14 : memref<!tpu.dma_semaphore, #tpu.memory_space<semaphore_mem>>) {add = true}
      %dma_wait3A_581 = arith.constant 1 : i32
      %dma_wait3A_582 = arith.constant 0 : i32
      %dma_wait3A_583 = tpu.memref_slice %arg7[%select_n3A_499, %dma_wait3A_581, %dma_wait3A_582] : memref<2x8x128xi32, #tpu.memory_space<vmem>> -> memref<1x1x128xi32, #tpu.memory_space<vmem>>
      %dma_wait3A_584 = tpu.memref_squeeze %dma_wait3A_583 : memref<1x1x128xi32, #tpu.memory_space<vmem>> -> memref<128xi32, #tpu.memory_space<vmem>>
      %dma_wait3A_585 = arith.constant 0 : i32
      %dma_wait3A_586 = arith.constant 0 : i32
      %dma_wait3A_587 = tpu.memref_slice %arg2[%dma_wait3A_585, %dma_wait3A_586] : memref<10000x128xf32, #tpu.memory_space<hbm>> -> memref<10000x128xf32, #tpu.memory_space<hbm>>
      tpu.wait_indirect_dma semaphore(%arg12 : memref<!tpu.dma_semaphore, #tpu.memory_space<semaphore_mem>>) src(%dma_wait3A_587 : memref<10000x128xf32, #tpu.memory_space<hbm>>) dst(%arg10 : memref<128x128xf32, #tpu.memory_space<vmem>>)
      %dma_start3A_588 = arith.constant 2 : i32
      %dma_start3A_589 = arith.constant 0 : i32
      %dma_start3A_590 = arith.constant 0 : i32
      %dma_start3A_591 = tpu.memref_slice %arg10[%dma_start3A_589, %dma_start3A_590] : memref<128x128xf32, #tpu.memory_space<vmem>> -> memref<64x128xf32, #tpu.memory_space<vmem>>
      %dma_start3A_592 = arith.constant 0 : i32
      %dma_start3A_593 = tpu.memref_slice %arg8[%select_n3A_499, %dma_start3A_588, %dma_start3A_592] : memref<2x16x64xi32, #tpu.memory_space<vmem>> -> memref<1x1x64xi32, #tpu.memory_space<vmem>>
      %dma_start3A_594 = tpu.memref_squeeze %dma_start3A_593 : memref<1x1x64xi32, #tpu.memory_space<vmem>> -> memref<64xi32, #tpu.memory_space<vmem>>
      %dma_start3A_595 = arith.constant 0 : i32
      %dma_start3A_596 = arith.constant 0 : i32
      %dma_start3A_597 = tpu.memref_slice %arg17[%dma_start3A_595, %dma_start3A_596] : memref<10112x128xf32, #tpu.memory_space<vmem_shared>> -> memref<10112x128xf32, #tpu.memory_space<vmem_shared>>
      tpu.enqueue_indirect_dma source(%dma_start3A_591 : memref<64x128xf32, #tpu.memory_space<vmem>>) target(%dma_start3A_597 : memref<10112x128xf32, #tpu.memory_space<vmem_shared>>) offsets(%dma_start3A_594 : memref<64xi32, #tpu.memory_space<vmem>>) semaphore(%arg15 : memref<!tpu.dma_semaphore, #tpu.memory_space<semaphore_mem>>) {add = true}
      %dma_start3A_598 = arith.constant 3 : i32
      %dma_start3A_599 = arith.constant 64 : i32
      %dma_start3A_600 = arith.constant 0 : i32
      %dma_start3A_601 = tpu.memref_slice %arg10[%dma_start3A_599, %dma_start3A_600] : memref<128x128xf32, #tpu.memory_space<vmem>> -> memref<64x128xf32, #tpu.memory_space<vmem>>
      %dma_start3A_602 = arith.constant 0 : i32
      %dma_start3A_603 = tpu.memref_slice %arg8[%select_n3A_499, %dma_start3A_598, %dma_start3A_602] : memref<2x16x64xi32, #tpu.memory_space<vmem>> -> memref<1x1x64xi32, #tpu.memory_space<vmem>>
      %dma_start3A_604 = tpu.memref_squeeze %dma_start3A_603 : memref<1x1x64xi32, #tpu.memory_space<vmem>> -> memref<64xi32, #tpu.memory_space<vmem>>
      %dma_start3A_605 = arith.constant 0 : i32
      %dma_start3A_606 = arith.constant 0 : i32
      %dma_start3A_607 = tpu.memref_slice %arg17[%dma_start3A_605, %dma_start3A_606] : memref<10112x128xf32, #tpu.memory_space<vmem_shared>> -> memref<10112x128xf32, #tpu.memory_space<vmem_shared>>
      tpu.enqueue_indirect_dma source(%dma_start3A_601 : memref<64x128xf32, #tpu.memory_space<vmem>>) target(%dma_start3A_607 : memref<10112x128xf32, #tpu.memory_space<vmem_shared>>) offsets(%dma_start3A_604 : memref<64xi32, #tpu.memory_space<vmem>>) semaphore(%arg16 : memref<!tpu.dma_semaphore, #tpu.memory_space<semaphore_mem>>) {add = true}
      %dma_wait3A_608 = arith.constant 4 : i32
      %dma_wait3A_609 = arith.constant 0 : i32
      %dma_wait3A_610 = arith.constant 0 : i32
      %dma_wait3A_611 = tpu.memref_slice %arg9[%dma_wait3A_609, %dma_wait3A_610] : memref<128x128xf32, #tpu.memory_space<vmem>> -> memref<64x128xf32, #tpu.memory_space<vmem>>
      %dma_wait3A_612 = arith.constant 0 : i32
      %dma_wait3A_613 = tpu.memref_slice %arg8[%select_n3A_499, %dma_wait3A_608, %dma_wait3A_612] : memref<2x16x64xi32, #tpu.memory_space<vmem>> -> memref<1x1x64xi32, #tpu.memory_space<vmem>>
      %dma_wait3A_614 = tpu.memref_squeeze %dma_wait3A_613 : memref<1x1x64xi32, #tpu.memory_space<vmem>> -> memref<64xi32, #tpu.memory_space<vmem>>
      %dma_wait3A_615 = arith.constant 0 : i32
      %dma_wait3A_616 = arith.constant 0 : i32
      %dma_wait3A_617 = tpu.memref_slice %arg17[%dma_wait3A_615, %dma_wait3A_616] : memref<10112x128xf32, #tpu.memory_space<vmem_shared>> -> memref<10112x128xf32, #tpu.memory_space<vmem_shared>>
      tpu.wait_indirect_dma semaphore(%arg13 : memref<!tpu.dma_semaphore, #tpu.memory_space<semaphore_mem>>) src(%dma_wait3A_611 : memref<64x128xf32, #tpu.memory_space<vmem>>) dst(%dma_wait3A_617 : memref<10112x128xf32, #tpu.memory_space<vmem_shared>>)
      %dma_wait3A_618 = arith.constant 5 : i32
      %dma_wait3A_619 = arith.constant 64 : i32
      %dma_wait3A_620 = arith.constant 0 : i32
      %dma_wait3A_621 = tpu.memref_slice %arg9[%dma_wait3A_619, %dma_wait3A_620] : memref<128x128xf32, #tpu.memory_space<vmem>> -> memref<64x128xf32, #tpu.memory_space<vmem>>
      %dma_wait3A_622 = arith.constant 0 : i32
      %dma_wait3A_623 = tpu.memref_slice %arg8[%select_n3A_499, %dma_wait3A_618, %dma_wait3A_622] : memref<2x16x64xi32, #tpu.memory_space<vmem>> -> memref<1x1x64xi32, #tpu.memory_space<vmem>>
      %dma_wait3A_624 = tpu.memref_squeeze %dma_wait3A_623 : memref<1x1x64xi32, #tpu.memory_space<vmem>> -> memref<64xi32, #tpu.memory_space<vmem>>
      %dma_wait3A_625 = arith.constant 0 : i32
      %dma_wait3A_626 = arith.constant 0 : i32
      %dma_wait3A_627 = tpu.memref_slice %arg17[%dma_wait3A_625, %dma_wait3A_626] : memref<10112x128xf32, #tpu.memory_space<vmem_shared>> -> memref<10112x128xf32, #tpu.memory_space<vmem_shared>>
      tpu.wait_indirect_dma semaphore(%arg14 : memref<!tpu.dma_semaphore, #tpu.memory_space<semaphore_mem>>) src(%dma_wait3A_621 : memref<64x128xf32, #tpu.memory_space<vmem>>) dst(%dma_wait3A_627 : memref<10112x128xf32, #tpu.memory_space<vmem_shared>>)
      %dma_start3A_628 = arith.constant 2 : i32
      %dma_start3A_629 = arith.constant 0 : i32
      %dma_start3A_630 = tpu.memref_slice %arg7[%select_n3A_499, %dma_start3A_628, %dma_start3A_629] : memref<2x8x128xi32, #tpu.memory_space<vmem>> -> memref<1x1x128xi32, #tpu.memory_space<vmem>>
      %dma_start3A_631 = tpu.memref_squeeze %dma_start3A_630 : memref<1x1x128xi32, #tpu.memory_space<vmem>> -> memref<128xi32, #tpu.memory_space<vmem>>
      %dma_start3A_632 = arith.constant 0 : i32
      %dma_start3A_633 = arith.constant 0 : i32
      %dma_start3A_634 = tpu.memref_slice %arg2[%dma_start3A_632, %dma_start3A_633] : memref<10000x128xf32, #tpu.memory_space<hbm>> -> memref<10000x128xf32, #tpu.memory_space<hbm>>
      tpu.enqueue_indirect_dma source(%dma_start3A_634 : memref<10000x128xf32, #tpu.memory_space<hbm>>) target(%arg9 : memref<128x128xf32, #tpu.memory_space<vmem>>) offsets(%dma_start3A_631 : memref<128xi32, #tpu.memory_space<vmem>>) semaphore(%arg11 : memref<!tpu.dma_semaphore, #tpu.memory_space<semaphore_mem>>)
      %dma_wait3A_635 = arith.constant 6 : i32
      %dma_wait3A_636 = arith.constant 0 : i32
      %dma_wait3A_637 = arith.constant 0 : i32
      %dma_wait3A_638 = tpu.memref_slice %arg10[%dma_wait3A_636, %dma_wait3A_637] : memref<128x128xf32, #tpu.memory_space<vmem>> -> memref<64x128xf32, #tpu.memory_space<vmem>>
      %dma_wait3A_639 = arith.constant 0 : i32
      %dma_wait3A_640 = tpu.memref_slice %arg8[%select_n3A_499, %dma_wait3A_635, %dma_wait3A_639] : memref<2x16x64xi32, #tpu.memory_space<vmem>> -> memref<1x1x64xi32, #tpu.memory_space<vmem>>
      %dma_wait3A_641 = tpu.memref_squeeze %dma_wait3A_640 : memref<1x1x64xi32, #tpu.memory_space<vmem>> -> memref<64xi32, #tpu.memory_space<vmem>>
      %dma_wait3A_642 = arith.constant 0 : i32
      %dma_wait3A_643 = arith.constant 0 : i32
      %dma_wait3A_644 = tpu.memref_slice %arg17[%dma_wait3A_642, %dma_wait3A_643] : memref<10112x128xf32, #tpu.memory_space<vmem_shared>> -> memref<10112x128xf32, #tpu.memory_space<vmem_shared>>
      tpu.wait_indirect_dma semaphore(%arg15 : memref<!tpu.dma_semaphore, #tpu.memory_space<semaphore_mem>>) src(%dma_wait3A_638 : memref<64x128xf32, #tpu.memory_space<vmem>>) dst(%dma_wait3A_644 : memref<10112x128xf32, #tpu.memory_space<vmem_shared>>)
      %dma_wait3A_645 = arith.constant 7 : i32
      %dma_wait3A_646 = arith.constant 64 : i32
      %dma_wait3A_647 = arith.constant 0 : i32
      %dma_wait3A_648 = tpu.memref_slice %arg10[%dma_wait3A_646, %dma_wait3A_647] : memref<128x128xf32, #tpu.memory_space<vmem>> -> memref<64x128xf32, #tpu.memory_space<vmem>>
      %dma_wait3A_649 = arith.constant 0 : i32
      %dma_wait3A_650 = tpu.memref_slice %arg8[%select_n3A_499, %dma_wait3A_645, %dma_wait3A_649] : memref<2x16x64xi32, #tpu.memory_space<vmem>> -> memref<1x1x64xi32, #tpu.memory_space<vmem>>
      %dma_wait3A_651 = tpu.memref_squeeze %dma_wait3A_650 : memref<1x1x64xi32, #tpu.memory_space<vmem>> -> memref<64xi32, #tpu.memory_space<vmem>>
      %dma_wait3A_652 = arith.constant 0 : i32
      %dma_wait3A_653 = arith.constant 0 : i32
      %dma_wait3A_654 = tpu.memref_slice %arg17[%dma_wait3A_652, %dma_wait3A_653] : memref<10112x128xf32, #tpu.memory_space<vmem_shared>> -> memref<10112x128xf32, #tpu.memory_space<vmem_shared>>
      tpu.wait_indirect_dma semaphore(%arg16 : memref<!tpu.dma_semaphore, #tpu.memory_space<semaphore_mem>>) src(%dma_wait3A_648 : memref<64x128xf32, #tpu.memory_space<vmem>>) dst(%dma_wait3A_654 : memref<10112x128xf32, #tpu.memory_space<vmem_shared>>)
      %dma_start3A_655 = arith.constant 3 : i32
      %dma_start3A_656 = arith.constant 0 : i32
      %dma_start3A_657 = tpu.memref_slice %arg7[%select_n3A_499, %dma_start3A_655, %dma_start3A_656] : memref<2x8x128xi32, #tpu.memory_space<vmem>> -> memref<1x1x128xi32, #tpu.memory_space<vmem>>
      %dma_start3A_658 = tpu.memref_squeeze %dma_start3A_657 : memref<1x1x128xi32, #tpu.memory_space<vmem>> -> memref<128xi32, #tpu.memory_space<vmem>>
      %dma_start3A_659 = arith.constant 0 : i32
      %dma_start3A_660 = arith.constant 0 : i32
      %dma_start3A_661 = tpu.memref_slice %arg2[%dma_start3A_659, %dma_start3A_660] : memref<10000x128xf32, #tpu.memory_space<hbm>> -> memref<10000x128xf32, #tpu.memory_space<hbm>>
      tpu.enqueue_indirect_dma source(%dma_start3A_661 : memref<10000x128xf32, #tpu.memory_space<hbm>>) target(%arg10 : memref<128x128xf32, #tpu.memory_space<vmem>>) offsets(%dma_start3A_658 : memref<128xi32, #tpu.memory_space<vmem>>) semaphore(%arg12 : memref<!tpu.dma_semaphore, #tpu.memory_space<semaphore_mem>>)
      %dma_wait3A_662 = arith.constant 2 : i32
      %dma_wait3A_663 = arith.constant 0 : i32
      %dma_wait3A_664 = tpu.memref_slice %arg7[%select_n3A_499, %dma_wait3A_662, %dma_wait3A_663] : memref<2x8x128xi32, #tpu.memory_space<vmem>> -> memref<1x1x128xi32, #tpu.memory_space<vmem>>
      %dma_wait3A_665 = tpu.memref_squeeze %dma_wait3A_664 : memref<1x1x128xi32, #tpu.memory_space<vmem>> -> memref<128xi32, #tpu.memory_space<vmem>>
      %dma_wait3A_666 = arith.constant 0 : i32
      %dma_wait3A_667 = arith.constant 0 : i32
      %dma_wait3A_668 = tpu.memref_slice %arg2[%dma_wait3A_666, %dma_wait3A_667] : memref<10000x128xf32, #tpu.memory_space<hbm>> -> memref<10000x128xf32, #tpu.memory_space<hbm>>
      tpu.wait_indirect_dma semaphore(%arg11 : memref<!tpu.dma_semaphore, #tpu.memory_space<semaphore_mem>>) src(%dma_wait3A_668 : memref<10000x128xf32, #tpu.memory_space<hbm>>) dst(%arg9 : memref<128x128xf32, #tpu.memory_space<vmem>>)
      %dma_start3A_669 = arith.constant 4 : i32
      %dma_start3A_670 = arith.constant 0 : i32
      %dma_start3A_671 = arith.constant 0 : i32
      %dma_start3A_672 = tpu.memref_slice %arg9[%dma_start3A_670, %dma_start3A_671] : memref<128x128xf32, #tpu.memory_space<vmem>> -> memref<64x128xf32, #tpu.memory_space<vmem>>
      %dma_start3A_673 = arith.constant 0 : i32
      %dma_start3A_674 = tpu.memref_slice %arg8[%select_n3A_499, %dma_start3A_669, %dma_start3A_673] : memref<2x16x64xi32, #tpu.memory_space<vmem>> -> memref<1x1x64xi32, #tpu.memory_space<vmem>>
      %dma_start3A_675 = tpu.memref_squeeze %dma_start3A_674 : memref<1x1x64xi32, #tpu.memory_space<vmem>> -> memref<64xi32, #tpu.memory_space<vmem>>
      %dma_start3A_676 = arith.constant 0 : i32
      %dma_start3A_677 = arith.constant 0 : i32
      %dma_start3A_678 = tpu.memref_slice %arg17[%dma_start3A_676, %dma_start3A_677] : memref<10112x128xf32, #tpu.memory_space<vmem_shared>> -> memref<10112x128xf32, #tpu.memory_space<vmem_shared>>
      tpu.enqueue_indirect_dma source(%dma_start3A_672 : memref<64x128xf32, #tpu.memory_space<vmem>>) target(%dma_start3A_678 : memref<10112x128xf32, #tpu.memory_space<vmem_shared>>) offsets(%dma_start3A_675 : memref<64xi32, #tpu.memory_space<vmem>>) semaphore(%arg13 : memref<!tpu.dma_semaphore, #tpu.memory_space<semaphore_mem>>) {add = true}
      %dma_start3A_679 = arith.constant 5 : i32
      %dma_start3A_680 = arith.constant 64 : i32
      %dma_start3A_681 = arith.constant 0 : i32
      %dma_start3A_682 = tpu.memref_slice %arg9[%dma_start3A_680, %dma_start3A_681] : memref<128x128xf32, #tpu.memory_space<vmem>> -> memref<64x128xf32, #tpu.memory_space<vmem>>
      %dma_start3A_683 = arith.constant 0 : i32
      %dma_start3A_684 = tpu.memref_slice %arg8[%select_n3A_499, %dma_start3A_679, %dma_start3A_683] : memref<2x16x64xi32, #tpu.memory_space<vmem>> -> memref<1x1x64xi32, #tpu.memory_space<vmem>>
      %dma_start3A_685 = tpu.memref_squeeze %dma_start3A_684 : memref<1x1x64xi32, #tpu.memory_space<vmem>> -> memref<64xi32, #tpu.memory_space<vmem>>
      %dma_start3A_686 = arith.constant 0 : i32
      %dma_start3A_687 = arith.constant 0 : i32
      %dma_start3A_688 = tpu.memref_slice %arg17[%dma_start3A_686, %dma_start3A_687] : memref<10112x128xf32, #tpu.memory_space<vmem_shared>> -> memref<10112x128xf32, #tpu.memory_space<vmem_shared>>
      tpu.enqueue_indirect_dma source(%dma_start3A_682 : memref<64x128xf32, #tpu.memory_space<vmem>>) target(%dma_start3A_688 : memref<10112x128xf32, #tpu.memory_space<vmem_shared>>) offsets(%dma_start3A_685 : memref<64xi32, #tpu.memory_space<vmem>>) semaphore(%arg14 : memref<!tpu.dma_semaphore, #tpu.memory_space<semaphore_mem>>) {add = true}
      %dma_wait3A_689 = arith.constant 3 : i32
      %dma_wait3A_690 = arith.constant 0 : i32
      %dma_wait3A_691 = tpu.memref_slice %arg7[%select_n3A_499, %dma_wait3A_689, %dma_wait3A_690] : memref<2x8x128xi32, #tpu.memory_space<vmem>> -> memref<1x1x128xi32, #tpu.memory_space<vmem>>
      %dma_wait3A_692 = tpu.memref_squeeze %dma_wait3A_691 : memref<1x1x128xi32, #tpu.memory_space<vmem>> -> memref<128xi32, #tpu.memory_space<vmem>>
      %dma_wait3A_693 = arith.constant 0 : i32
      %dma_wait3A_694 = arith.constant 0 : i32
      %dma_wait3A_695 = tpu.memref_slice %arg2[%dma_wait3A_693, %dma_wait3A_694] : memref<10000x128xf32, #tpu.memory_space<hbm>> -> memref<10000x128xf32, #tpu.memory_space<hbm>>
      tpu.wait_indirect_dma semaphore(%arg12 : memref<!tpu.dma_semaphore, #tpu.memory_space<semaphore_mem>>) src(%dma_wait3A_695 : memref<10000x128xf32, #tpu.memory_space<hbm>>) dst(%arg10 : memref<128x128xf32, #tpu.memory_space<vmem>>)
      %dma_start3A_696 = arith.constant 6 : i32
      %dma_start3A_697 = arith.constant 0 : i32
      %dma_start3A_698 = arith.constant 0 : i32
      %dma_start3A_699 = tpu.memref_slice %arg10[%dma_start3A_697, %dma_start3A_698] : memref<128x128xf32, #tpu.memory_space<vmem>> -> memref<64x128xf32, #tpu.memory_space<vmem>>
      %dma_start3A_700 = arith.constant 0 : i32
      %dma_start3A_701 = tpu.memref_slice %arg8[%select_n3A_499, %dma_start3A_696, %dma_start3A_700] : memref<2x16x64xi32, #tpu.memory_space<vmem>> -> memref<1x1x64xi32, #tpu.memory_space<vmem>>
      %dma_start3A_702 = tpu.memref_squeeze %dma_start3A_701 : memref<1x1x64xi32, #tpu.memory_space<vmem>> -> memref<64xi32, #tpu.memory_space<vmem>>
      %dma_start3A_703 = arith.constant 0 : i32
      %dma_start3A_704 = arith.constant 0 : i32
      %dma_start3A_705 = tpu.memref_slice %arg17[%dma_start3A_703, %dma_start3A_704] : memref<10112x128xf32, #tpu.memory_space<vmem_shared>> -> memref<10112x128xf32, #tpu.memory_space<vmem_shared>>
      tpu.enqueue_indirect_dma source(%dma_start3A_699 : memref<64x128xf32, #tpu.memory_space<vmem>>) target(%dma_start3A_705 : memref<10112x128xf32, #tpu.memory_space<vmem_shared>>) offsets(%dma_start3A_702 : memref<64xi32, #tpu.memory_space<vmem>>) semaphore(%arg15 : memref<!tpu.dma_semaphore, #tpu.memory_space<semaphore_mem>>) {add = true}
      %dma_start3A_706 = arith.constant 7 : i32
      %dma_start3A_707 = arith.constant 64 : i32
      %dma_start3A_708 = arith.constant 0 : i32
      %dma_start3A_709 = tpu.memref_slice %arg10[%dma_start3A_707, %dma_start3A_708] : memref<128x128xf32, #tpu.memory_space<vmem>> -> memref<64x128xf32, #tpu.memory_space<vmem>>
      %dma_start3A_710 = arith.constant 0 : i32
      %dma_start3A_711 = tpu.memref_slice %arg8[%select_n3A_499, %dma_start3A_706, %dma_start3A_710] : memref<2x16x64xi32, #tpu.memory_space<vmem>> -> memref<1x1x64xi32, #tpu.memory_space<vmem>>
      %dma_start3A_712 = tpu.memref_squeeze %dma_start3A_711 : memref<1x1x64xi32, #tpu.memory_space<vmem>> -> memref<64xi32, #tpu.memory_space<vmem>>
      %dma_start3A_713 = arith.constant 0 : i32
      %dma_start3A_714 = arith.constant 0 : i32
      %dma_start3A_715 = tpu.memref_slice %arg17[%dma_start3A_713, %dma_start3A_714] : memref<10112x128xf32, #tpu.memory_space<vmem_shared>> -> memref<10112x128xf32, #tpu.memory_space<vmem_shared>>
      tpu.enqueue_indirect_dma source(%dma_start3A_709 : memref<64x128xf32, #tpu.memory_space<vmem>>) target(%dma_start3A_715 : memref<10112x128xf32, #tpu.memory_space<vmem_shared>>) offsets(%dma_start3A_712 : memref<64xi32, #tpu.memory_space<vmem>>) semaphore(%arg16 : memref<!tpu.dma_semaphore, #tpu.memory_space<semaphore_mem>>) {add = true}
      %dma_wait3A_716 = arith.constant 8 : i32
      %dma_wait3A_717 = arith.constant 0 : i32
      %dma_wait3A_718 = arith.constant 0 : i32
      %dma_wait3A_719 = tpu.memref_slice %arg9[%dma_wait3A_717, %dma_wait3A_718] : memref<128x128xf32, #tpu.memory_space<vmem>> -> memref<64x128xf32, #tpu.memory_space<vmem>>
      %dma_wait3A_720 = arith.constant 0 : i32
      %dma_wait3A_721 = tpu.memref_slice %arg8[%select_n3A_499, %dma_wait3A_716, %dma_wait3A_720] : memref<2x16x64xi32, #tpu.memory_space<vmem>> -> memref<1x1x64xi32, #tpu.memory_space<vmem>>
      %dma_wait3A_722 = tpu.memref_squeeze %dma_wait3A_721 : memref<1x1x64xi32, #tpu.memory_space<vmem>> -> memref<64xi32, #tpu.memory_space<vmem>>
      %dma_wait3A_723 = arith.constant 0 : i32
      %dma_wait3A_724 = arith.constant 0 : i32
      %dma_wait3A_725 = tpu.memref_slice %arg17[%dma_wait3A_723, %dma_wait3A_724] : memref<10112x128xf32, #tpu.memory_space<vmem_shared>> -> memref<10112x128xf32, #tpu.memory_space<vmem_shared>>
      tpu.wait_indirect_dma semaphore(%arg13 : memref<!tpu.dma_semaphore, #tpu.memory_space<semaphore_mem>>) src(%dma_wait3A_719 : memref<64x128xf32, #tpu.memory_space<vmem>>) dst(%dma_wait3A_725 : memref<10112x128xf32, #tpu.memory_space<vmem_shared>>)
      %dma_wait3A_726 = arith.constant 9 : i32
      %dma_wait3A_727 = arith.constant 64 : i32
      %dma_wait3A_728 = arith.constant 0 : i32
      %dma_wait3A_729 = tpu.memref_slice %arg9[%dma_wait3A_727, %dma_wait3A_728] : memref<128x128xf32, #tpu.memory_space<vmem>> -> memref<64x128xf32, #tpu.memory_space<vmem>>
      %dma_wait3A_730 = arith.constant 0 : i32
      %dma_wait3A_731 = tpu.memref_slice %arg8[%select_n3A_499, %dma_wait3A_726, %dma_wait3A_730] : memref<2x16x64xi32, #tpu.memory_space<vmem>> -> memref<1x1x64xi32, #tpu.memory_space<vmem>>
      %dma_wait3A_732 = tpu.memref_squeeze %dma_wait3A_731 : memref<1x1x64xi32, #tpu.memory_space<vmem>> -> memref<64xi32, #tpu.memory_space<vmem>>
      %dma_wait3A_733 = arith.constant 0 : i32
      %dma_wait3A_734 = arith.constant 0 : i32
      %dma_wait3A_735 = tpu.memref_slice %arg17[%dma_wait3A_733, %dma_wait3A_734] : memref<10112x128xf32, #tpu.memory_space<vmem_shared>> -> memref<10112x128xf32, #tpu.memory_space<vmem_shared>>
      tpu.wait_indirect_dma semaphore(%arg14 : memref<!tpu.dma_semaphore, #tpu.memory_space<semaphore_mem>>) src(%dma_wait3A_729 : memref<64x128xf32, #tpu.memory_space<vmem>>) dst(%dma_wait3A_735 : memref<10112x128xf32, #tpu.memory_space<vmem_shared>>)
      %dma_start3A_736 = arith.constant 4 : i32
      %dma_start3A_737 = arith.constant 0 : i32
      %dma_start3A_738 = tpu.memref_slice %arg7[%select_n3A_499, %dma_start3A_736, %dma_start3A_737] : memref<2x8x128xi32, #tpu.memory_space<vmem>> -> memref<1x1x128xi32, #tpu.memory_space<vmem>>
      %dma_start3A_739 = tpu.memref_squeeze %dma_start3A_738 : memref<1x1x128xi32, #tpu.memory_space<vmem>> -> memref<128xi32, #tpu.memory_space<vmem>>
      %dma_start3A_740 = arith.constant 0 : i32
      %dma_start3A_741 = arith.constant 0 : i32
      %dma_start3A_742 = tpu.memref_slice %arg2[%dma_start3A_740, %dma_start3A_741] : memref<10000x128xf32, #tpu.memory_space<hbm>> -> memref<10000x128xf32, #tpu.memory_space<hbm>>
      tpu.enqueue_indirect_dma source(%dma_start3A_742 : memref<10000x128xf32, #tpu.memory_space<hbm>>) target(%arg9 : memref<128x128xf32, #tpu.memory_space<vmem>>) offsets(%dma_start3A_739 : memref<128xi32, #tpu.memory_space<vmem>>) semaphore(%arg11 : memref<!tpu.dma_semaphore, #tpu.memory_space<semaphore_mem>>)
      %dma_wait3A_743 = arith.constant 10 : i32
      %dma_wait3A_744 = arith.constant 0 : i32
      %dma_wait3A_745 = arith.constant 0 : i32
      %dma_wait3A_746 = tpu.memref_slice %arg10[%dma_wait3A_744, %dma_wait3A_745] : memref<128x128xf32, #tpu.memory_space<vmem>> -> memref<64x128xf32, #tpu.memory_space<vmem>>
      %dma_wait3A_747 = arith.constant 0 : i32
      %dma_wait3A_748 = tpu.memref_slice %arg8[%select_n3A_499, %dma_wait3A_743, %dma_wait3A_747] : memref<2x16x64xi32, #tpu.memory_space<vmem>> -> memref<1x1x64xi32, #tpu.memory_space<vmem>>
      %dma_wait3A_749 = tpu.memref_squeeze %dma_wait3A_748 : memref<1x1x64xi32, #tpu.memory_space<vmem>> -> memref<64xi32, #tpu.memory_space<vmem>>
      %dma_wait3A_750 = arith.constant 0 : i32
      %dma_wait3A_751 = arith.constant 0 : i32
      %dma_wait3A_752 = tpu.memref_slice %arg17[%dma_wait3A_750, %dma_wait3A_751] : memref<10112x128xf32, #tpu.memory_space<vmem_shared>> -> memref<10112x128xf32, #tpu.memory_space<vmem_shared>>
      tpu.wait_indirect_dma semaphore(%arg15 : memref<!tpu.dma_semaphore, #tpu.memory_space<semaphore_mem>>) src(%dma_wait3A_746 : memref<64x128xf32, #tpu.memory_space<vmem>>) dst(%dma_wait3A_752 : memref<10112x128xf32, #tpu.memory_space<vmem_shared>>)
      %dma_wait3A_753 = arith.constant 11 : i32
      %dma_wait3A_754 = arith.constant 64 : i32
      %dma_wait3A_755 = arith.constant 0 : i32
      %dma_wait3A_756 = tpu.memref_slice %arg10[%dma_wait3A_754, %dma_wait3A_755] : memref<128x128xf32, #tpu.memory_space<vmem>> -> memref<64x128xf32, #tpu.memory_space<vmem>>
      %dma_wait3A_757 = arith.constant 0 : i32
      %dma_wait3A_758 = tpu.memref_slice %arg8[%select_n3A_499, %dma_wait3A_753, %dma_wait3A_757] : memref<2x16x64xi32, #tpu.memory_space<vmem>> -> memref<1x1x64xi32, #tpu.memory_space<vmem>>
      %dma_wait3A_759 = tpu.memref_squeeze %dma_wait3A_758 : memref<1x1x64xi32, #tpu.memory_space<vmem>> -> memref<64xi32, #tpu.memory_space<vmem>>
      %dma_wait3A_760 = arith.constant 0 : i32
      %dma_wait3A_761 = arith.constant 0 : i32
      %dma_wait3A_762 = tpu.memref_slice %arg17[%dma_wait3A_760, %dma_wait3A_761] : memref<10112x128xf32, #tpu.memory_space<vmem_shared>> -> memref<10112x128xf32, #tpu.memory_space<vmem_shared>>
      tpu.wait_indirect_dma semaphore(%arg16 : memref<!tpu.dma_semaphore, #tpu.memory_space<semaphore_mem>>) src(%dma_wait3A_756 : memref<64x128xf32, #tpu.memory_space<vmem>>) dst(%dma_wait3A_762 : memref<10112x128xf32, #tpu.memory_space<vmem_shared>>)
      %dma_start3A_763 = arith.constant 5 : i32
      %dma_start3A_764 = arith.constant 0 : i32
      %dma_start3A_765 = tpu.memref_slice %arg7[%select_n3A_499, %dma_start3A_763, %dma_start3A_764] : memref<2x8x128xi32, #tpu.memory_space<vmem>> -> memref<1x1x128xi32, #tpu.memory_space<vmem>>
      %dma_start3A_766 = tpu.memref_squeeze %dma_start3A_765 : memref<1x1x128xi32, #tpu.memory_space<vmem>> -> memref<128xi32, #tpu.memory_space<vmem>>
      %dma_start3A_767 = arith.constant 0 : i32
      %dma_start3A_768 = arith.constant 0 : i32
      %dma_start3A_769 = tpu.memref_slice %arg2[%dma_start3A_767, %dma_start3A_768] : memref<10000x128xf32, #tpu.memory_space<hbm>> -> memref<10000x128xf32, #tpu.memory_space<hbm>>
      tpu.enqueue_indirect_dma source(%dma_start3A_769 : memref<10000x128xf32, #tpu.memory_space<hbm>>) target(%arg10 : memref<128x128xf32, #tpu.memory_space<vmem>>) offsets(%dma_start3A_766 : memref<128xi32, #tpu.memory_space<vmem>>) semaphore(%arg12 : memref<!tpu.dma_semaphore, #tpu.memory_space<semaphore_mem>>)
      %dma_wait3A_770 = arith.constant 4 : i32
      %dma_wait3A_771 = arith.constant 0 : i32
      %dma_wait3A_772 = tpu.memref_slice %arg7[%select_n3A_499, %dma_wait3A_770, %dma_wait3A_771] : memref<2x8x128xi32, #tpu.memory_space<vmem>> -> memref<1x1x128xi32, #tpu.memory_space<vmem>>
      %dma_wait3A_773 = tpu.memref_squeeze %dma_wait3A_772 : memref<1x1x128xi32, #tpu.memory_space<vmem>> -> memref<128xi32, #tpu.memory_space<vmem>>
      %dma_wait3A_774 = arith.constant 0 : i32
      %dma_wait3A_775 = arith.constant 0 : i32
      %dma_wait3A_776 = tpu.memref_slice %arg2[%dma_wait3A_774, %dma_wait3A_775] : memref<10000x128xf32, #tpu.memory_space<hbm>> -> memref<10000x128xf32, #tpu.memory_space<hbm>>
      tpu.wait_indirect_dma semaphore(%arg11 : memref<!tpu.dma_semaphore, #tpu.memory_space<semaphore_mem>>) src(%dma_wait3A_776 : memref<10000x128xf32, #tpu.memory_space<hbm>>) dst(%arg9 : memref<128x128xf32, #tpu.memory_space<vmem>>)
      %dma_start3A_777 = arith.constant 8 : i32
      %dma_start3A_778 = arith.constant 0 : i32
      %dma_start3A_779 = arith.constant 0 : i32
      %dma_start3A_780 = tpu.memref_slice %arg9[%dma_start3A_778, %dma_start3A_779] : memref<128x128xf32, #tpu.memory_space<vmem>> -> memref<64x128xf32, #tpu.memory_space<vmem>>
      %dma_start3A_781 = arith.constant 0 : i32
      %dma_start3A_782 = tpu.memref_slice %arg8[%select_n3A_499, %dma_start3A_777, %dma_start3A_781] : memref<2x16x64xi32, #tpu.memory_space<vmem>> -> memref<1x1x64xi32, #tpu.memory_space<vmem>>
      %dma_start3A_783 = tpu.memref_squeeze %dma_start3A_782 : memref<1x1x64xi32, #tpu.memory_space<vmem>> -> memref<64xi32, #tpu.memory_space<vmem>>
      %dma_start3A_784 = arith.constant 0 : i32
      %dma_start3A_785 = arith.constant 0 : i32
      %dma_start3A_786 = tpu.memref_slice %arg17[%dma_start3A_784, %dma_start3A_785] : memref<10112x128xf32, #tpu.memory_space<vmem_shared>> -> memref<10112x128xf32, #tpu.memory_space<vmem_shared>>
      tpu.enqueue_indirect_dma source(%dma_start3A_780 : memref<64x128xf32, #tpu.memory_space<vmem>>) target(%dma_start3A_786 : memref<10112x128xf32, #tpu.memory_space<vmem_shared>>) offsets(%dma_start3A_783 : memref<64xi32, #tpu.memory_space<vmem>>) semaphore(%arg13 : memref<!tpu.dma_semaphore, #tpu.memory_space<semaphore_mem>>) {add = true}
      %dma_start3A_787 = arith.constant 9 : i32
      %dma_start3A_788 = arith.constant 64 : i32
      %dma_start3A_789 = arith.constant 0 : i32
      %dma_start3A_790 = tpu.memref_slice %arg9[%dma_start3A_788, %dma_start3A_789] : memref<128x128xf32, #tpu.memory_space<vmem>> -> memref<64x128xf32, #tpu.memory_space<vmem>>
      %dma_start3A_791 = arith.constant 0 : i32
      %dma_start3A_792 = tpu.memref_slice %arg8[%select_n3A_499, %dma_start3A_787, %dma_start3A_791] : memref<2x16x64xi32, #tpu.memory_space<vmem>> -> memref<1x1x64xi32, #tpu.memory_space<vmem>>
      %dma_start3A_793 = tpu.memref_squeeze %dma_start3A_792 : memref<1x1x64xi32, #tpu.memory_space<vmem>> -> memref<64xi32, #tpu.memory_space<vmem>>
      %dma_start3A_794 = arith.constant 0 : i32
      %dma_start3A_795 = arith.constant 0 : i32
      %dma_start3A_796 = tpu.memref_slice %arg17[%dma_start3A_794, %dma_start3A_795] : memref<10112x128xf32, #tpu.memory_space<vmem_shared>> -> memref<10112x128xf32, #tpu.memory_space<vmem_shared>>
      tpu.enqueue_indirect_dma source(%dma_start3A_790 : memref<64x128xf32, #tpu.memory_space<vmem>>) target(%dma_start3A_796 : memref<10112x128xf32, #tpu.memory_space<vmem_shared>>) offsets(%dma_start3A_793 : memref<64xi32, #tpu.memory_space<vmem>>) semaphore(%arg14 : memref<!tpu.dma_semaphore, #tpu.memory_space<semaphore_mem>>) {add = true}
      %dma_wait3A_797 = arith.constant 5 : i32
      %dma_wait3A_798 = arith.constant 0 : i32
      %dma_wait3A_799 = tpu.memref_slice %arg7[%select_n3A_499, %dma_wait3A_797, %dma_wait3A_798] : memref<2x8x128xi32, #tpu.memory_space<vmem>> -> memref<1x1x128xi32, #tpu.memory_space<vmem>>
      %dma_wait3A_800 = tpu.memref_squeeze %dma_wait3A_799 : memref<1x1x128xi32, #tpu.memory_space<vmem>> -> memref<128xi32, #tpu.memory_space<vmem>>
      %dma_wait3A_801 = arith.constant 0 : i32
      %dma_wait3A_802 = arith.constant 0 : i32
      %dma_wait3A_803 = tpu.memref_slice %arg2[%dma_wait3A_801, %dma_wait3A_802] : memref<10000x128xf32, #tpu.memory_space<hbm>> -> memref<10000x128xf32, #tpu.memory_space<hbm>>
      tpu.wait_indirect_dma semaphore(%arg12 : memref<!tpu.dma_semaphore, #tpu.memory_space<semaphore_mem>>) src(%dma_wait3A_803 : memref<10000x128xf32, #tpu.memory_space<hbm>>) dst(%arg10 : memref<128x128xf32, #tpu.memory_space<vmem>>)
      %dma_start3A_804 = arith.constant 10 : i32
      %dma_start3A_805 = arith.constant 0 : i32
      %dma_start3A_806 = arith.constant 0 : i32
      %dma_start3A_807 = tpu.memref_slice %arg10[%dma_start3A_805, %dma_start3A_806] : memref<128x128xf32, #tpu.memory_space<vmem>> -> memref<64x128xf32, #tpu.memory_space<vmem>>
      %dma_start3A_808 = arith.constant 0 : i32
      %dma_start3A_809 = tpu.memref_slice %arg8[%select_n3A_499, %dma_start3A_804, %dma_start3A_808] : memref<2x16x64xi32, #tpu.memory_space<vmem>> -> memref<1x1x64xi32, #tpu.memory_space<vmem>>
      %dma_start3A_810 = tpu.memref_squeeze %dma_start3A_809 : memref<1x1x64xi32, #tpu.memory_space<vmem>> -> memref<64xi32, #tpu.memory_space<vmem>>
      %dma_start3A_811 = arith.constant 0 : i32
      %dma_start3A_812 = arith.constant 0 : i32
      %dma_start3A_813 = tpu.memref_slice %arg17[%dma_start3A_811, %dma_start3A_812] : memref<10112x128xf32, #tpu.memory_space<vmem_shared>> -> memref<10112x128xf32, #tpu.memory_space<vmem_shared>>
      tpu.enqueue_indirect_dma source(%dma_start3A_807 : memref<64x128xf32, #tpu.memory_space<vmem>>) target(%dma_start3A_813 : memref<10112x128xf32, #tpu.memory_space<vmem_shared>>) offsets(%dma_start3A_810 : memref<64xi32, #tpu.memory_space<vmem>>) semaphore(%arg15 : memref<!tpu.dma_semaphore, #tpu.memory_space<semaphore_mem>>) {add = true}
      %dma_start3A_814 = arith.constant 11 : i32
      %dma_start3A_815 = arith.constant 64 : i32
      %dma_start3A_816 = arith.constant 0 : i32
      %dma_start3A_817 = tpu.memref_slice %arg10[%dma_start3A_815, %dma_start3A_816] : memref<128x128xf32, #tpu.memory_space<vmem>> -> memref<64x128xf32, #tpu.memory_space<vmem>>
      %dma_start3A_818 = arith.constant 0 : i32
      %dma_start3A_819 = tpu.memref_slice %arg8[%select_n3A_499, %dma_start3A_814, %dma_start3A_818] : memref<2x16x64xi32, #tpu.memory_space<vmem>> -> memref<1x1x64xi32, #tpu.memory_space<vmem>>
      %dma_start3A_820 = tpu.memref_squeeze %dma_start3A_819 : memref<1x1x64xi32, #tpu.memory_space<vmem>> -> memref<64xi32, #tpu.memory_space<vmem>>
      %dma_start3A_821 = arith.constant 0 : i32
      %dma_start3A_822 = arith.constant 0 : i32
      %dma_start3A_823 = tpu.memref_slice %arg17[%dma_start3A_821, %dma_start3A_822] : memref<10112x128xf32, #tpu.memory_space<vmem_shared>> -> memref<10112x128xf32, #tpu.memory_space<vmem_shared>>
      tpu.enqueue_indirect_dma source(%dma_start3A_817 : memref<64x128xf32, #tpu.memory_space<vmem>>) target(%dma_start3A_823 : memref<10112x128xf32, #tpu.memory_space<vmem_shared>>) offsets(%dma_start3A_820 : memref<64xi32, #tpu.memory_space<vmem>>) semaphore(%arg16 : memref<!tpu.dma_semaphore, #tpu.memory_space<semaphore_mem>>) {add = true}
      %dma_wait3A_824 = arith.constant 12 : i32
      %dma_wait3A_825 = arith.constant 0 : i32
      %dma_wait3A_826 = arith.constant 0 : i32
      %dma_wait3A_827 = tpu.memref_slice %arg9[%dma_wait3A_825, %dma_wait3A_826] : memref<128x128xf32, #tpu.memory_space<vmem>> -> memref<64x128xf32, #tpu.memory_space<vmem>>
      %dma_wait3A_828 = arith.constant 0 : i32
      %dma_wait3A_829 = tpu.memref_slice %arg8[%select_n3A_499, %dma_wait3A_824, %dma_wait3A_828] : memref<2x16x64xi32, #tpu.memory_space<vmem>> -> memref<1x1x64xi32, #tpu.memory_space<vmem>>
      %dma_wait3A_830 = tpu.memref_squeeze %dma_wait3A_829 : memref<1x1x64xi32, #tpu.memory_space<vmem>> -> memref<64xi32, #tpu.memory_space<vmem>>
      %dma_wait3A_831 = arith.constant 0 : i32
      %dma_wait3A_832 = arith.constant 0 : i32
      %dma_wait3A_833 = tpu.memref_slice %arg17[%dma_wait3A_831, %dma_wait3A_832] : memref<10112x128xf32, #tpu.memory_space<vmem_shared>> -> memref<10112x128xf32, #tpu.memory_space<vmem_shared>>
      tpu.wait_indirect_dma semaphore(%arg13 : memref<!tpu.dma_semaphore, #tpu.memory_space<semaphore_mem>>) src(%dma_wait3A_827 : memref<64x128xf32, #tpu.memory_space<vmem>>) dst(%dma_wait3A_833 : memref<10112x128xf32, #tpu.memory_space<vmem_shared>>)
      %dma_wait3A_834 = arith.constant 13 : i32
      %dma_wait3A_835 = arith.constant 64 : i32
      %dma_wait3A_836 = arith.constant 0 : i32
      %dma_wait3A_837 = tpu.memref_slice %arg9[%dma_wait3A_835, %dma_wait3A_836] : memref<128x128xf32, #tpu.memory_space<vmem>> -> memref<64x128xf32, #tpu.memory_space<vmem>>
      %dma_wait3A_838 = arith.constant 0 : i32
      %dma_wait3A_839 = tpu.memref_slice %arg8[%select_n3A_499, %dma_wait3A_834, %dma_wait3A_838] : memref<2x16x64xi32, #tpu.memory_space<vmem>> -> memref<1x1x64xi32, #tpu.memory_space<vmem>>
      %dma_wait3A_840 = tpu.memref_squeeze %dma_wait3A_839 : memref<1x1x64xi32, #tpu.memory_space<vmem>> -> memref<64xi32, #tpu.memory_space<vmem>>
      %dma_wait3A_841 = arith.constant 0 : i32
      %dma_wait3A_842 = arith.constant 0 : i32
      %dma_wait3A_843 = tpu.memref_slice %arg17[%dma_wait3A_841, %dma_wait3A_842] : memref<10112x128xf32, #tpu.memory_space<vmem_shared>> -> memref<10112x128xf32, #tpu.memory_space<vmem_shared>>
      tpu.wait_indirect_dma semaphore(%arg14 : memref<!tpu.dma_semaphore, #tpu.memory_space<semaphore_mem>>) src(%dma_wait3A_837 : memref<64x128xf32, #tpu.memory_space<vmem>>) dst(%dma_wait3A_843 : memref<10112x128xf32, #tpu.memory_space<vmem_shared>>)
      %dma_start3A_844 = arith.constant 6 : i32
      %dma_start3A_845 = arith.constant 0 : i32
      %dma_start3A_846 = tpu.memref_slice %arg7[%select_n3A_499, %dma_start3A_844, %dma_start3A_845] : memref<2x8x128xi32, #tpu.memory_space<vmem>> -> memref<1x1x128xi32, #tpu.memory_space<vmem>>
      %dma_start3A_847 = tpu.memref_squeeze %dma_start3A_846 : memref<1x1x128xi32, #tpu.memory_space<vmem>> -> memref<128xi32, #tpu.memory_space<vmem>>
      %dma_start3A_848 = arith.constant 0 : i32
      %dma_start3A_849 = arith.constant 0 : i32
      %dma_start3A_850 = tpu.memref_slice %arg2[%dma_start3A_848, %dma_start3A_849] : memref<10000x128xf32, #tpu.memory_space<hbm>> -> memref<10000x128xf32, #tpu.memory_space<hbm>>
      tpu.enqueue_indirect_dma source(%dma_start3A_850 : memref<10000x128xf32, #tpu.memory_space<hbm>>) target(%arg9 : memref<128x128xf32, #tpu.memory_space<vmem>>) offsets(%dma_start3A_847 : memref<128xi32, #tpu.memory_space<vmem>>) semaphore(%arg11 : memref<!tpu.dma_semaphore, #tpu.memory_space<semaphore_mem>>)
      %dma_wait3A_851 = arith.constant 14 : i32
      %dma_wait3A_852 = arith.constant 0 : i32
      %dma_wait3A_853 = arith.constant 0 : i32
      %dma_wait3A_854 = tpu.memref_slice %arg10[%dma_wait3A_852, %dma_wait3A_853] : memref<128x128xf32, #tpu.memory_space<vmem>> -> memref<64x128xf32, #tpu.memory_space<vmem>>
      %dma_wait3A_855 = arith.constant 0 : i32
      %dma_wait3A_856 = tpu.memref_slice %arg8[%select_n3A_499, %dma_wait3A_851, %dma_wait3A_855] : memref<2x16x64xi32, #tpu.memory_space<vmem>> -> memref<1x1x64xi32, #tpu.memory_space<vmem>>
      %dma_wait3A_857 = tpu.memref_squeeze %dma_wait3A_856 : memref<1x1x64xi32, #tpu.memory_space<vmem>> -> memref<64xi32, #tpu.memory_space<vmem>>
      %dma_wait3A_858 = arith.constant 0 : i32
      %dma_wait3A_859 = arith.constant 0 : i32
      %dma_wait3A_860 = tpu.memref_slice %arg17[%dma_wait3A_858, %dma_wait3A_859] : memref<10112x128xf32, #tpu.memory_space<vmem_shared>> -> memref<10112x128xf32, #tpu.memory_space<vmem_shared>>
      tpu.wait_indirect_dma semaphore(%arg15 : memref<!tpu.dma_semaphore, #tpu.memory_space<semaphore_mem>>) src(%dma_wait3A_854 : memref<64x128xf32, #tpu.memory_space<vmem>>) dst(%dma_wait3A_860 : memref<10112x128xf32, #tpu.memory_space<vmem_shared>>)
      %dma_wait3A_861 = arith.constant 15 : i32
      %dma_wait3A_862 = arith.constant 64 : i32
      %dma_wait3A_863 = arith.constant 0 : i32
      %dma_wait3A_864 = tpu.memref_slice %arg10[%dma_wait3A_862, %dma_wait3A_863] : memref<128x128xf32, #tpu.memory_space<vmem>> -> memref<64x128xf32, #tpu.memory_space<vmem>>
      %dma_wait3A_865 = arith.constant 0 : i32
      %dma_wait3A_866 = tpu.memref_slice %arg8[%select_n3A_499, %dma_wait3A_861, %dma_wait3A_865] : memref<2x16x64xi32, #tpu.memory_space<vmem>> -> memref<1x1x64xi32, #tpu.memory_space<vmem>>
      %dma_wait3A_867 = tpu.memref_squeeze %dma_wait3A_866 : memref<1x1x64xi32, #tpu.memory_space<vmem>> -> memref<64xi32, #tpu.memory_space<vmem>>
      %dma_wait3A_868 = arith.constant 0 : i32
      %dma_wait3A_869 = arith.constant 0 : i32
      %dma_wait3A_870 = tpu.memref_slice %arg17[%dma_wait3A_868, %dma_wait3A_869] : memref<10112x128xf32, #tpu.memory_space<vmem_shared>> -> memref<10112x128xf32, #tpu.memory_space<vmem_shared>>
      tpu.wait_indirect_dma semaphore(%arg16 : memref<!tpu.dma_semaphore, #tpu.memory_space<semaphore_mem>>) src(%dma_wait3A_864 : memref<64x128xf32, #tpu.memory_space<vmem>>) dst(%dma_wait3A_870 : memref<10112x128xf32, #tpu.memory_space<vmem_shared>>)
      %dma_start3A_871 = arith.constant 7 : i32
      %dma_start3A_872 = arith.constant 0 : i32
      %dma_start3A_873 = tpu.memref_slice %arg7[%select_n3A_499, %dma_start3A_871, %dma_start3A_872] : memref<2x8x128xi32, #tpu.memory_space<vmem>> -> memref<1x1x128xi32, #tpu.memory_space<vmem>>
      %dma_start3A_874 = tpu.memref_squeeze %dma_start3A_873 : memref<1x1x128xi32, #tpu.memory_space<vmem>> -> memref<128xi32, #tpu.memory_space<vmem>>
      %dma_start3A_875 = arith.constant 0 : i32
      %dma_start3A_876 = arith.constant 0 : i32
      %dma_start3A_877 = tpu.memref_slice %arg2[%dma_start3A_875, %dma_start3A_876] : memref<10000x128xf32, #tpu.memory_space<hbm>> -> memref<10000x128xf32, #tpu.memory_space<hbm>>
      tpu.enqueue_indirect_dma source(%dma_start3A_877 : memref<10000x128xf32, #tpu.memory_space<hbm>>) target(%arg10 : memref<128x128xf32, #tpu.memory_space<vmem>>) offsets(%dma_start3A_874 : memref<128xi32, #tpu.memory_space<vmem>>) semaphore(%arg12 : memref<!tpu.dma_semaphore, #tpu.memory_space<semaphore_mem>>)
      %dma_wait3A_878 = arith.constant 6 : i32
      %dma_wait3A_879 = arith.constant 0 : i32
      %dma_wait3A_880 = tpu.memref_slice %arg7[%select_n3A_499, %dma_wait3A_878, %dma_wait3A_879] : memref<2x8x128xi32, #tpu.memory_space<vmem>> -> memref<1x1x128xi32, #tpu.memory_space<vmem>>
      %dma_wait3A_881 = tpu.memref_squeeze %dma_wait3A_880 : memref<1x1x128xi32, #tpu.memory_space<vmem>> -> memref<128xi32, #tpu.memory_space<vmem>>
      %dma_wait3A_882 = arith.constant 0 : i32
      %dma_wait3A_883 = arith.constant 0 : i32
      %dma_wait3A_884 = tpu.memref_slice %arg2[%dma_wait3A_882, %dma_wait3A_883] : memref<10000x128xf32, #tpu.memory_space<hbm>> -> memref<10000x128xf32, #tpu.memory_space<hbm>>
      tpu.wait_indirect_dma semaphore(%arg11 : memref<!tpu.dma_semaphore, #tpu.memory_space<semaphore_mem>>) src(%dma_wait3A_884 : memref<10000x128xf32, #tpu.memory_space<hbm>>) dst(%arg9 : memref<128x128xf32, #tpu.memory_space<vmem>>)
      %dma_start3A_885 = arith.constant 12 : i32
      %dma_start3A_886 = arith.constant 0 : i32
      %dma_start3A_887 = arith.constant 0 : i32
      %dma_start3A_888 = tpu.memref_slice %arg9[%dma_start3A_886, %dma_start3A_887] : memref<128x128xf32, #tpu.memory_space<vmem>> -> memref<64x128xf32, #tpu.memory_space<vmem>>
      %dma_start3A_889 = arith.constant 0 : i32
      %dma_start3A_890 = tpu.memref_slice %arg8[%select_n3A_499, %dma_start3A_885, %dma_start3A_889] : memref<2x16x64xi32, #tpu.memory_space<vmem>> -> memref<1x1x64xi32, #tpu.memory_space<vmem>>
      %dma_start3A_891 = tpu.memref_squeeze %dma_start3A_890 : memref<1x1x64xi32, #tpu.memory_space<vmem>> -> memref<64xi32, #tpu.memory_space<vmem>>
      %dma_start3A_892 = arith.constant 0 : i32
      %dma_start3A_893 = arith.constant 0 : i32
      %dma_start3A_894 = tpu.memref_slice %arg17[%dma_start3A_892, %dma_start3A_893] : memref<10112x128xf32, #tpu.memory_space<vmem_shared>> -> memref<10112x128xf32, #tpu.memory_space<vmem_shared>>
      tpu.enqueue_indirect_dma source(%dma_start3A_888 : memref<64x128xf32, #tpu.memory_space<vmem>>) target(%dma_start3A_894 : memref<10112x128xf32, #tpu.memory_space<vmem_shared>>) offsets(%dma_start3A_891 : memref<64xi32, #tpu.memory_space<vmem>>) semaphore(%arg13 : memref<!tpu.dma_semaphore, #tpu.memory_space<semaphore_mem>>) {add = true}
      %dma_start3A_895 = arith.constant 13 : i32
      %dma_start3A_896 = arith.constant 64 : i32
      %dma_start3A_897 = arith.constant 0 : i32
      %dma_start3A_898 = tpu.memref_slice %arg9[%dma_start3A_896, %dma_start3A_897] : memref<128x128xf32, #tpu.memory_space<vmem>> -> memref<64x128xf32, #tpu.memory_space<vmem>>
      %dma_start3A_899 = arith.constant 0 : i32
      %dma_start3A_900 = tpu.memref_slice %arg8[%select_n3A_499, %dma_start3A_895, %dma_start3A_899] : memref<2x16x64xi32, #tpu.memory_space<vmem>> -> memref<1x1x64xi32, #tpu.memory_space<vmem>>
      %dma_start3A_901 = tpu.memref_squeeze %dma_start3A_900 : memref<1x1x64xi32, #tpu.memory_space<vmem>> -> memref<64xi32, #tpu.memory_space<vmem>>
      %dma_start3A_902 = arith.constant 0 : i32
      %dma_start3A_903 = arith.constant 0 : i32
      %dma_start3A_904 = tpu.memref_slice %arg17[%dma_start3A_902, %dma_start3A_903] : memref<10112x128xf32, #tpu.memory_space<vmem_shared>> -> memref<10112x128xf32, #tpu.memory_space<vmem_shared>>
      tpu.enqueue_indirect_dma source(%dma_start3A_898 : memref<64x128xf32, #tpu.memory_space<vmem>>) target(%dma_start3A_904 : memref<10112x128xf32, #tpu.memory_space<vmem_shared>>) offsets(%dma_start3A_901 : memref<64xi32, #tpu.memory_space<vmem>>) semaphore(%arg14 : memref<!tpu.dma_semaphore, #tpu.memory_space<semaphore_mem>>) {add = true}
      %dma_wait3A_905 = arith.constant 7 : i32
      %dma_wait3A_906 = arith.constant 0 : i32
      %dma_wait3A_907 = tpu.memref_slice %arg7[%select_n3A_499, %dma_wait3A_905, %dma_wait3A_906] : memref<2x8x128xi32, #tpu.memory_space<vmem>> -> memref<1x1x128xi32, #tpu.memory_space<vmem>>
      %dma_wait3A_908 = tpu.memref_squeeze %dma_wait3A_907 : memref<1x1x128xi32, #tpu.memory_space<vmem>> -> memref<128xi32, #tpu.memory_space<vmem>>
      %dma_wait3A_909 = arith.constant 0 : i32
      %dma_wait3A_910 = arith.constant 0 : i32
      %dma_wait3A_911 = tpu.memref_slice %arg2[%dma_wait3A_909, %dma_wait3A_910] : memref<10000x128xf32, #tpu.memory_space<hbm>> -> memref<10000x128xf32, #tpu.memory_space<hbm>>
      tpu.wait_indirect_dma semaphore(%arg12 : memref<!tpu.dma_semaphore, #tpu.memory_space<semaphore_mem>>) src(%dma_wait3A_911 : memref<10000x128xf32, #tpu.memory_space<hbm>>) dst(%arg10 : memref<128x128xf32, #tpu.memory_space<vmem>>)
      %dma_start3A_912 = arith.constant 14 : i32
      %dma_start3A_913 = arith.constant 0 : i32
      %dma_start3A_914 = arith.constant 0 : i32
      %dma_start3A_915 = tpu.memref_slice %arg10[%dma_start3A_913, %dma_start3A_914] : memref<128x128xf32, #tpu.memory_space<vmem>> -> memref<64x128xf32, #tpu.memory_space<vmem>>
      %dma_start3A_916 = arith.constant 0 : i32
      %dma_start3A_917 = tpu.memref_slice %arg8[%select_n3A_499, %dma_start3A_912, %dma_start3A_916] : memref<2x16x64xi32, #tpu.memory_space<vmem>> -> memref<1x1x64xi32, #tpu.memory_space<vmem>>
      %dma_start3A_918 = tpu.memref_squeeze %dma_start3A_917 : memref<1x1x64xi32, #tpu.memory_space<vmem>> -> memref<64xi32, #tpu.memory_space<vmem>>
      %dma_start3A_919 = arith.constant 0 : i32
      %dma_start3A_920 = arith.constant 0 : i32
      %dma_start3A_921 = tpu.memref_slice %arg17[%dma_start3A_919, %dma_start3A_920] : memref<10112x128xf32, #tpu.memory_space<vmem_shared>> -> memref<10112x128xf32, #tpu.memory_space<vmem_shared>>
      tpu.enqueue_indirect_dma source(%dma_start3A_915 : memref<64x128xf32, #tpu.memory_space<vmem>>) target(%dma_start3A_921 : memref<10112x128xf32, #tpu.memory_space<vmem_shared>>) offsets(%dma_start3A_918 : memref<64xi32, #tpu.memory_space<vmem>>) semaphore(%arg15 : memref<!tpu.dma_semaphore, #tpu.memory_space<semaphore_mem>>) {add = true}
      %dma_start3A_922 = arith.constant 15 : i32
      %dma_start3A_923 = arith.constant 64 : i32
      %dma_start3A_924 = arith.constant 0 : i32
      %dma_start3A_925 = tpu.memref_slice %arg10[%dma_start3A_923, %dma_start3A_924] : memref<128x128xf32, #tpu.memory_space<vmem>> -> memref<64x128xf32, #tpu.memory_space<vmem>>
      %dma_start3A_926 = arith.constant 0 : i32
      %dma_start3A_927 = tpu.memref_slice %arg8[%select_n3A_499, %dma_start3A_922, %dma_start3A_926] : memref<2x16x64xi32, #tpu.memory_space<vmem>> -> memref<1x1x64xi32, #tpu.memory_space<vmem>>
      %dma_start3A_928 = tpu.memref_squeeze %dma_start3A_927 : memref<1x1x64xi32, #tpu.memory_space<vmem>> -> memref<64xi32, #tpu.memory_space<vmem>>
      %dma_start3A_929 = arith.constant 0 : i32
      %dma_start3A_930 = arith.constant 0 : i32
      %dma_start3A_931 = tpu.memref_slice %arg17[%dma_start3A_929, %dma_start3A_930] : memref<10112x128xf32, #tpu.memory_space<vmem_shared>> -> memref<10112x128xf32, #tpu.memory_space<vmem_shared>>
      tpu.enqueue_indirect_dma source(%dma_start3A_925 : memref<64x128xf32, #tpu.memory_space<vmem>>) target(%dma_start3A_931 : memref<10112x128xf32, #tpu.memory_space<vmem_shared>>) offsets(%dma_start3A_928 : memref<64xi32, #tpu.memory_space<vmem>>) semaphore(%arg16 : memref<!tpu.dma_semaphore, #tpu.memory_space<semaphore_mem>>) {add = true}
    }
    %scan3A_444 = arith.constant 9 : i32
    %dma_wait3A_445 = arith.constant 1 : i32
    %dma_wait3A_446 = arith.constant 12 : i32
    %dma_wait3A_447 = arith.constant 0 : i32
    %dma_wait3A_448 = arith.constant 0 : i32
    %dma_wait3A_449 = tpu.memref_slice %arg9[%dma_wait3A_447, %dma_wait3A_448] : memref<128x128xf32, #tpu.memory_space<vmem>> -> memref<64x128xf32, #tpu.memory_space<vmem>>
    %dma_wait3A_450 = arith.constant 0 : i32
    %dma_wait3A_451 = tpu.memref_slice %arg8[%dma_wait3A_445, %dma_wait3A_446, %dma_wait3A_450] : memref<2x16x64xi32, #tpu.memory_space<vmem>> -> memref<1x1x64xi32, #tpu.memory_space<vmem>>
    %dma_wait3A_452 = tpu.memref_squeeze %dma_wait3A_451 : memref<1x1x64xi32, #tpu.memory_space<vmem>> -> memref<64xi32, #tpu.memory_space<vmem>>
    %dma_wait3A_453 = arith.constant 0 : i32
    %dma_wait3A_454 = arith.constant 0 : i32
    %dma_wait3A_455 = tpu.memref_slice %arg17[%dma_wait3A_453, %dma_wait3A_454] : memref<10112x128xf32, #tpu.memory_space<vmem_shared>> -> memref<10112x128xf32, #tpu.memory_space<vmem_shared>>
    tpu.wait_indirect_dma semaphore(%arg13 : memref<!tpu.dma_semaphore, #tpu.memory_space<semaphore_mem>>) src(%dma_wait3A_449 : memref<64x128xf32, #tpu.memory_space<vmem>>) dst(%dma_wait3A_455 : memref<10112x128xf32, #tpu.memory_space<vmem_shared>>)
    %dma_wait3A_456 = arith.constant 1 : i32
    %dma_wait3A_457 = arith.constant 13 : i32
    %dma_wait3A_458 = arith.constant 64 : i32
    %dma_wait3A_459 = arith.constant 0 : i32
    %dma_wait3A_460 = tpu.memref_slice %arg9[%dma_wait3A_458, %dma_wait3A_459] : memref<128x128xf32, #tpu.memory_space<vmem>> -> memref<64x128xf32, #tpu.memory_space<vmem>>
    %dma_wait3A_461 = arith.constant 0 : i32
    %dma_wait3A_462 = tpu.memref_slice %arg8[%dma_wait3A_456, %dma_wait3A_457, %dma_wait3A_461] : memref<2x16x64xi32, #tpu.memory_space<vmem>> -> memref<1x1x64xi32, #tpu.memory_space<vmem>>
    %dma_wait3A_463 = tpu.memref_squeeze %dma_wait3A_462 : memref<1x1x64xi32, #tpu.memory_space<vmem>> -> memref<64xi32, #tpu.memory_space<vmem>>
    %dma_wait3A_464 = arith.constant 0 : i32
    %dma_wait3A_465 = arith.constant 0 : i32
    %dma_wait3A_466 = tpu.memref_slice %arg17[%dma_wait3A_464, %dma_wait3A_465] : memref<10112x128xf32, #tpu.memory_space<vmem_shared>> -> memref<10112x128xf32, #tpu.memory_space<vmem_shared>>
    tpu.wait_indirect_dma semaphore(%arg14 : memref<!tpu.dma_semaphore, #tpu.memory_space<semaphore_mem>>) src(%dma_wait3A_460 : memref<64x128xf32, #tpu.memory_space<vmem>>) dst(%dma_wait3A_466 : memref<10112x128xf32, #tpu.memory_space<vmem_shared>>)
    %dma_wait3A_467 = arith.constant 1 : i32
    %dma_wait3A_468 = arith.constant 14 : i32
    %dma_wait3A_469 = arith.constant 0 : i32
    %dma_wait3A_470 = arith.constant 0 : i32
    %dma_wait3A_471 = tpu.memref_slice %arg10[%dma_wait3A_469, %dma_wait3A_470] : memref<128x128xf32, #tpu.memory_space<vmem>> -> memref<64x128xf32, #tpu.memory_space<vmem>>
    %dma_wait3A_472 = arith.constant 0 : i32
    %dma_wait3A_473 = tpu.memref_slice %arg8[%dma_wait3A_467, %dma_wait3A_468, %dma_wait3A_472] : memref<2x16x64xi32, #tpu.memory_space<vmem>> -> memref<1x1x64xi32, #tpu.memory_space<vmem>>
    %dma_wait3A_474 = tpu.memref_squeeze %dma_wait3A_473 : memref<1x1x64xi32, #tpu.memory_space<vmem>> -> memref<64xi32, #tpu.memory_space<vmem>>
    %dma_wait3A_475 = arith.constant 0 : i32
    %dma_wait3A_476 = arith.constant 0 : i32
    %dma_wait3A_477 = tpu.memref_slice %arg17[%dma_wait3A_475, %dma_wait3A_476] : memref<10112x128xf32, #tpu.memory_space<vmem_shared>> -> memref<10112x128xf32, #tpu.memory_space<vmem_shared>>
    tpu.wait_indirect_dma semaphore(%arg15 : memref<!tpu.dma_semaphore, #tpu.memory_space<semaphore_mem>>) src(%dma_wait3A_471 : memref<64x128xf32, #tpu.memory_space<vmem>>) dst(%dma_wait3A_477 : memref<10112x128xf32, #tpu.memory_space<vmem_shared>>)
    %dma_wait3A_478 = arith.constant 1 : i32
    %dma_wait3A_479 = arith.constant 15 : i32
    %dma_wait3A_480 = arith.constant 64 : i32
    %dma_wait3A_481 = arith.constant 0 : i32
    %dma_wait3A_482 = tpu.memref_slice %arg10[%dma_wait3A_480, %dma_wait3A_481] : memref<128x128xf32, #tpu.memory_space<vmem>> -> memref<64x128xf32, #tpu.memory_space<vmem>>
    %dma_wait3A_483 = arith.constant 0 : i32
    %dma_wait3A_484 = tpu.memref_slice %arg8[%dma_wait3A_478, %dma_wait3A_479, %dma_wait3A_483] : memref<2x16x64xi32, #tpu.memory_space<vmem>> -> memref<1x1x64xi32, #tpu.memory_space<vmem>>
    %dma_wait3A_485 = tpu.memref_squeeze %dma_wait3A_484 : memref<1x1x64xi32, #tpu.memory_space<vmem>> -> memref<64xi32, #tpu.memory_space<vmem>>
    %dma_wait3A_486 = arith.constant 0 : i32
    %dma_wait3A_487 = arith.constant 0 : i32
    %dma_wait3A_488 = tpu.memref_slice %arg17[%dma_wait3A_486, %dma_wait3A_487] : memref<10112x128xf32, #tpu.memory_space<vmem_shared>> -> memref<10112x128xf32, #tpu.memory_space<vmem_shared>>
    tpu.wait_indirect_dma semaphore(%arg16 : memref<!tpu.dma_semaphore, #tpu.memory_space<semaphore_mem>>) src(%dma_wait3A_482 : memref<64x128xf32, #tpu.memory_space<vmem>>) dst(%dma_wait3A_488 : memref<10112x128xf32, #tpu.memory_space<vmem_shared>>)
    %barrier3A_489 = arith.constant 0 : index
    tpu.barrier barrier_id(%barrier3A_489)
    "tpu.region"() ({
      %run_scoped3A_490 = tpu.sem_alloc : memref<!tpu.dma_semaphore, #tpu.memory_space<semaphore_mem>>
      %dma_start3A_491 = arith.constant 0 : i32
      %dma_start3A_492 = tpu.memref_slice %arg6[%arg0, %mul3A_2, %dma_start3A_491] : memref<2x10112x128xf32, #tpu.memory_space<hbm>> -> memref<1x632x128xf32, #tpu.memory_space<hbm>>
      %dma_start3A_493 = tpu.memref_squeeze %dma_start3A_492 : memref<1x632x128xf32, #tpu.memory_space<hbm>> -> memref<632x128xf32, #tpu.memory_space<hbm>>
      %dma_start3A_494 = arith.constant 0 : i32
      %dma_start3A_495 = tpu.memref_slice %arg17[%mul3A_2, %dma_start3A_494] : memref<10112x128xf32, #tpu.memory_space<vmem_shared>> -> memref<632x128xf32, #tpu.memory_space<vmem_shared>>
      tpu.enqueue_dma source(%dma_start3A_495 : memref<632x128xf32, #tpu.memory_space<vmem_shared>>) target(%dma_start3A_493 : memref<632x128xf32, #tpu.memory_space<hbm>>) target_semaphore(%run_scoped3A_490 : memref<!tpu.dma_semaphore, #tpu.memory_space<semaphore_mem>>)
      %dma_wait3A_496 = arith.constant 0 : i32
      %dma_wait3A_497 = tpu.memref_slice %arg6[%arg0, %mul3A_2, %dma_wait3A_496] : memref<2x10112x128xf32, #tpu.memory_space<hbm>> -> memref<1x632x128xf32, #tpu.memory_space<hbm>>
      %dma_wait3A_498 = tpu.memref_squeeze %dma_wait3A_497 : memref<1x632x128xf32, #tpu.memory_space<hbm>> -> memref<632x128xf32, #tpu.memory_space<hbm>>
      %dma_wait3A_499 = arith.constant 0 : i32
      %dma_wait3A_500 = tpu.memref_slice %arg17[%mul3A_2, %dma_wait3A_499] : memref<10112x128xf32, #tpu.memory_space<vmem_shared>> -> memref<632x128xf32, #tpu.memory_space<vmem_shared>>
      tpu.wait_dma2 semaphore(%run_scoped3A_490 : memref<!tpu.dma_semaphore, #tpu.memory_space<semaphore_mem>>) src(%dma_wait3A_500 : memref<632x128xf32, #tpu.memory_space<vmem_shared>>) dst(%dma_wait3A_498 : memref<632x128xf32, #tpu.memory_space<hbm>>)
      tpu.yield
    }) : () -> ()
    return
  }
}

module attributes {stable_mosaic.version = 14 : i64} {
  func.func @_mlp_body(%arg0: i32, %arg1: memref<1x1xf32, #tpu.memory_space<smem>>, %arg2: memref<1000x128xf32, #tpu.memory_space<vmem>>, %arg3: memref<2x1000x128xf32, #tpu.memory_space<vmem>>, %arg4: memref<128x128xf32, #tpu.memory_space<vmem>>, %arg5: memref<1x128xf32, #tpu.memory_space<vmem>>, %arg6: memref<128x128xf32, #tpu.memory_space<vmem>>, %arg7: memref<1x128xf32, #tpu.memory_space<vmem>>, %arg8: memref<1000x128xf32, #tpu.memory_space<vmem>>) attributes {dimension_semantics = [#tpu.dimension_semantics<arbitrary>], iteration_bounds = array<i64: 10>, scalar_prefetch = 0 : i64, scratch_operands = 0 : i64, tpu.core_type = #tpu.core_type<tc>, window_params = [{transform_indices = @transform_0, window_bounds = array<i64: 1, 1>}, {transform_indices = @transform_1, window_bounds = array<i64: 1000, 128>}, {transform_indices = @transform_2, window_bounds = array<i64: 2, 1000, 128>}, {pipeline_mode = #tpu.pipeline_mode<synchronous>, transform_indices = @transform_3, window_bounds = array<i64: 128, 128>}, {pipeline_mode = #tpu.pipeline_mode<synchronous>, transform_indices = @transform_4, window_bounds = array<i64: 1, 128>}, {pipeline_mode = #tpu.pipeline_mode<synchronous>, transform_indices = @transform_5, window_bounds = array<i64: 128, 128>}, {pipeline_mode = #tpu.pipeline_mode<synchronous>, transform_indices = @transform_6, window_bounds = array<i64: 1, 128>}, {transform_indices = @transform_7, window_bounds = array<i64: 1000, 128>}]} {
    %get3A = arith.constant 0 : index
    %get3A_0 = arith.constant 0 : index
    %get3A_1 = memref.load %arg1[%get3A, %get3A_0] : memref<1x1xf32, #tpu.memory_space<smem>>
    %add3A = arith.constant 1.000000e+00 : f32
    %add3A_2 = arith.addf %add3A, %get3A_1 : f32
    %get3A_3 = arith.constant 0 : index
    %get3A_4 = arith.constant 0 : index
    %get3A_5 = vector.load %arg2[%get3A_3, %get3A_4] : memref<1000x128xf32, #tpu.memory_space<vmem>>, vector<1000x128xf32>
    %mul3A = vector.broadcast %add3A_2 : f32 to vector<1000x128xf32>
    %mul3A_6 = arith.mulf %mul3A, %get3A_5 : vector<1000x128xf32>
    %get3A_7 = arith.constant 0 : index
    %get3A_8 = arith.constant 0 : index
    %get3A_9 = arith.constant 0 : index
    %get3A_10 = vector.load %arg3[%get3A_7, %get3A_8, %get3A_9] : memref<2x1000x128xf32, #tpu.memory_space<vmem>>, vector<1x1000x128xf32>
    %get3A_11 = vector.shape_cast %get3A_10 : vector<1x1000x128xf32> to vector<1000x128xf32>
    %add3A_12 = arith.addf %mul3A_6, %get3A_11 : vector<1000x128xf32>
    %get3A_13 = arith.constant 1 : index
    %get3A_14 = arith.constant 0 : index
    %get3A_15 = arith.constant 0 : index
    %get3A_16 = vector.load %arg3[%get3A_13, %get3A_14, %get3A_15] : memref<2x1000x128xf32, #tpu.memory_space<vmem>>, vector<1x1000x128xf32>
    %get3A_17 = vector.shape_cast %get3A_16 : vector<1x1000x128xf32> to vector<1000x128xf32>
    %add3A_18 = arith.addf %add3A_12, %get3A_17 : vector<1000x128xf32>
    %get3A_19 = arith.constant 0 : index
    %get3A_20 = arith.constant 0 : index
    %get3A_21 = vector.load %arg4[%get3A_19, %get3A_20] : memref<128x128xf32, #tpu.memory_space<vmem>>, vector<128x128xf32>
    %dot_general3A = arith.constant dense<0.000000e+00> : vector<1000x128xf32>
    %dot_general3A_22 = tpu.matmul %add3A_18, %get3A_21, %dot_general3A {dimension_numbers = #tpu.dot_dimension_numbers<[1], [0], [0], [1], [0, 0, 1, 1], [], []>, transpose_lhs_hint = false} : vector<1000x128xf32>, vector<128x128xf32>, vector<1000x128xf32> -> vector<1000x128xf32>
    %get3A_23 = arith.constant 0 : index
    %get3A_24 = arith.constant 0 : index
    %get3A_25 = vector.load %arg5[%get3A_23, %get3A_24] : memref<1x128xf32, #tpu.memory_space<vmem>>, vector<1x128xf32>
    %add3A_26 = vector.broadcast %get3A_25 : vector<1x128xf32> to vector<1000x128xf32>
    %add3A_27 = arith.addf %dot_general3A_22, %add3A_26 : vector<1000x128xf32>
    %max3A = arith.constant 0.000000e+00 : f32
    %max3A_28 = vector.broadcast %max3A : f32 to vector<1000x128xf32>
    %max3A_29 = arith.maximumf %add3A_27, %max3A_28 : vector<1000x128xf32>
    %get3A_30 = arith.constant 0 : index
    %get3A_31 = arith.constant 0 : index
    %get3A_32 = vector.load %arg6[%get3A_30, %get3A_31] : memref<128x128xf32, #tpu.memory_space<vmem>>, vector<128x128xf32>
    %dot_general3A_33 = arith.constant dense<0.000000e+00> : vector<1000x128xf32>
    %dot_general3A_34 = tpu.matmul %max3A_29, %get3A_32, %dot_general3A_33 {dimension_numbers = #tpu.dot_dimension_numbers<[1], [0], [0], [1], [0, 0, 1, 1], [], []>, transpose_lhs_hint = false} : vector<1000x128xf32>, vector<128x128xf32>, vector<1000x128xf32> -> vector<1000x128xf32>
    %get3A_35 = arith.constant 0 : index
    %get3A_36 = arith.constant 0 : index
    %get3A_37 = vector.load %arg7[%get3A_35, %get3A_36] : memref<1x128xf32, #tpu.memory_space<vmem>>, vector<1x128xf32>
    %add3A_38 = vector.broadcast %get3A_37 : vector<1x128xf32> to vector<1000x128xf32>
    %add3A_39 = arith.addf %dot_general3A_34, %add3A_38 : vector<1000x128xf32>
    %swap3A = arith.constant 0 : index
    %swap3A_40 = arith.constant 0 : index
    %swap3A_41 = vector.load %arg8[%swap3A, %swap3A_40] : memref<1000x128xf32, #tpu.memory_space<vmem>>, vector<1000x128xf32>
    tpu.vector_store %arg8[%swap3A, %swap3A_40], %add3A_39 {strides = array<i32>} : memref<1000x128xf32, #tpu.memory_space<vmem>>, vector<1000x128xf32>,
    return
  }
  func.func @transform_0(%arg0: i32) -> (i32, i32) {
    %c0_i32 = arith.constant 0 : i32
    %c0_i32_0 = arith.constant 0 : i32
    %c0_i32_1 = arith.constant 0 : i32
    return %c0_i32, %c0_i32_0 : i32, i32
  }
  func.func @transform_1(%arg0: i32) -> (i32, i32) {
    %c0_i32 = arith.constant 0 : i32
    %c0_i32_0 = arith.constant 0 : i32
    return %arg0, %c0_i32 : i32, i32
  }
  func.func @transform_2(%arg0: i32) -> (i32, i32, i32) {
    %c0_i32 = arith.constant 0 : i32
    %c0_i32_0 = arith.constant 0 : i32
    %c0_i32_1 = arith.constant 0 : i32
    return %c0_i32, %arg0, %c0_i32_0 : i32, i32, i32
  }
  func.func @transform_3(%arg0: i32) -> (i32, i32) {
    %c0_i32 = arith.constant 0 : i32
    %c0_i32_0 = arith.constant 0 : i32
    %c0_i32_1 = arith.constant 0 : i32
    return %c0_i32, %c0_i32_0 : i32, i32
  }
  func.func @transform_4(%arg0: i32) -> (i32, i32) {
    %c0_i32 = arith.constant 0 : i32
    %c0_i32_0 = arith.constant 0 : i32
    %c0_i32_1 = arith.constant 0 : i32
    return %c0_i32, %c0_i32_0 : i32, i32
  }
  func.func @transform_5(%arg0: i32) -> (i32, i32) {
    %c0_i32 = arith.constant 0 : i32
    %c0_i32_0 = arith.constant 0 : i32
    %c0_i32_1 = arith.constant 0 : i32
    return %c0_i32, %c0_i32_0 : i32, i32
  }
  func.func @transform_6(%arg0: i32) -> (i32, i32) {
    %c0_i32 = arith.constant 0 : i32
    %c0_i32_0 = arith.constant 0 : i32
    %c0_i32_1 = arith.constant 0 : i32
    return %c0_i32, %c0_i32_0 : i32, i32
  }
  func.func @transform_7(%arg0: i32) -> (i32, i32) {
    %c0_i32 = arith.constant 0 : i32
    %c0_i32_0 = arith.constant 0 : i32
    return %arg0, %c0_i32 : i32, i32
  }
}

module attributes {stable_mosaic.version = 14 : i64} {
  func.func @_mlp2_body(%arg0: i32, %arg1: memref<1x1xf32, #tpu.memory_space<smem>>, %arg2: memref<1000x128xf32, #tpu.memory_space<vmem>>, %arg3: memref<2x1000x128xf32, #tpu.memory_space<vmem>>, %arg4: memref<128x128xf32, #tpu.memory_space<vmem>>, %arg5: memref<1x128xf32, #tpu.memory_space<vmem>>, %arg6: memref<128x128xf32, #tpu.memory_space<vmem>>, %arg7: memref<1x128xf32, #tpu.memory_space<vmem>>, %arg8: memref<128x128xf32, #tpu.memory_space<vmem>>, %arg9: memref<1x128xf32, #tpu.memory_space<vmem>>, %arg10: memref<1000x128xf32, #tpu.memory_space<vmem>>) attributes {dimension_semantics = [#tpu.dimension_semantics<arbitrary>], iteration_bounds = array<i64: 10>, scalar_prefetch = 0 : i64, scratch_operands = 0 : i64, tpu.core_type = #tpu.core_type<tc>, window_params = [{transform_indices = @transform_0, window_bounds = array<i64: 1, 1>}, {transform_indices = @transform_1, window_bounds = array<i64: 1000, 128>}, {transform_indices = @transform_2, window_bounds = array<i64: 2, 1000, 128>}, {pipeline_mode = #tpu.pipeline_mode<synchronous>, transform_indices = @transform_3, window_bounds = array<i64: 128, 128>}, {pipeline_mode = #tpu.pipeline_mode<synchronous>, transform_indices = @transform_4, window_bounds = array<i64: 1, 128>}, {pipeline_mode = #tpu.pipeline_mode<synchronous>, transform_indices = @transform_5, window_bounds = array<i64: 128, 128>}, {pipeline_mode = #tpu.pipeline_mode<synchronous>, transform_indices = @transform_6, window_bounds = array<i64: 1, 128>}, {pipeline_mode = #tpu.pipeline_mode<synchronous>, transform_indices = @transform_7, window_bounds = array<i64: 128, 128>}, {pipeline_mode = #tpu.pipeline_mode<synchronous>, transform_indices = @transform_8, window_bounds = array<i64: 1, 128>}, {transform_indices = @transform_9, window_bounds = array<i64: 1000, 128>}]} {
    %get3A = arith.constant 0 : index
    %get3A_0 = arith.constant 0 : index
    %get3A_1 = memref.load %arg1[%get3A, %get3A_0] : memref<1x1xf32, #tpu.memory_space<smem>>
    %add3A = arith.constant 1.000000e+00 : f32
    %add3A_2 = arith.addf %add3A, %get3A_1 : f32
    %get3A_3 = arith.constant 0 : index
    %get3A_4 = arith.constant 0 : index
    %get3A_5 = vector.load %arg2[%get3A_3, %get3A_4] : memref<1000x128xf32, #tpu.memory_space<vmem>>, vector<1000x128xf32>
    %mul3A = vector.broadcast %add3A_2 : f32 to vector<1000x128xf32>
    %mul3A_6 = arith.mulf %mul3A, %get3A_5 : vector<1000x128xf32>
    %get3A_7 = arith.constant 0 : index
    %get3A_8 = arith.constant 0 : index
    %get3A_9 = arith.constant 0 : index
    %get3A_10 = vector.load %arg3[%get3A_7, %get3A_8, %get3A_9] : memref<2x1000x128xf32, #tpu.memory_space<vmem>>, vector<1x1000x128xf32>
    %get3A_11 = vector.shape_cast %get3A_10 : vector<1x1000x128xf32> to vector<1000x128xf32>
    %add3A_12 = arith.addf %mul3A_6, %get3A_11 : vector<1000x128xf32>
    %get3A_13 = arith.constant 1 : index
    %get3A_14 = arith.constant 0 : index
    %get3A_15 = arith.constant 0 : index
    %get3A_16 = vector.load %arg3[%get3A_13, %get3A_14, %get3A_15] : memref<2x1000x128xf32, #tpu.memory_space<vmem>>, vector<1x1000x128xf32>
    %get3A_17 = vector.shape_cast %get3A_16 : vector<1x1000x128xf32> to vector<1000x128xf32>
    %add3A_18 = arith.addf %add3A_12, %get3A_17 : vector<1000x128xf32>
    %get3A_19 = arith.constant 0 : index
    %get3A_20 = arith.constant 0 : index
    %get3A_21 = vector.load %arg4[%get3A_19, %get3A_20] : memref<128x128xf32, #tpu.memory_space<vmem>>, vector<128x128xf32>
    %dot_general3A = arith.constant dense<0.000000e+00> : vector<1000x128xf32>
    %dot_general3A_22 = tpu.matmul %add3A_18, %get3A_21, %dot_general3A {dimension_numbers = #tpu.dot_dimension_numbers<[1], [0], [0], [1], [0, 0, 1, 1], [], []>, transpose_lhs_hint = false} : vector<1000x128xf32>, vector<128x128xf32>, vector<1000x128xf32> -> vector<1000x128xf32>
    %get3A_23 = arith.constant 0 : index
    %get3A_24 = arith.constant 0 : index
    %get3A_25 = vector.load %arg5[%get3A_23, %get3A_24] : memref<1x128xf32, #tpu.memory_space<vmem>>, vector<1x128xf32>
    %add3A_26 = vector.broadcast %get3A_25 : vector<1x128xf32> to vector<1000x128xf32>
    %add3A_27 = arith.addf %dot_general3A_22, %add3A_26 : vector<1000x128xf32>
    %max3A = arith.constant 0.000000e+00 : f32
    %max3A_28 = vector.broadcast %max3A : f32 to vector<1000x128xf32>
    %max3A_29 = arith.maximumf %add3A_27, %max3A_28 : vector<1000x128xf32>
    %get3A_30 = arith.constant 0 : index
    %get3A_31 = arith.constant 0 : index
    %get3A_32 = vector.load %arg6[%get3A_30, %get3A_31] : memref<128x128xf32, #tpu.memory_space<vmem>>, vector<128x128xf32>
    %dot_general3A_33 = arith.constant dense<0.000000e+00> : vector<1000x128xf32>
    %dot_general3A_34 = tpu.matmul %max3A_29, %get3A_32, %dot_general3A_33 {dimension_numbers = #tpu.dot_dimension_numbers<[1], [0], [0], [1], [0, 0, 1, 1], [], []>, transpose_lhs_hint = false} : vector<1000x128xf32>, vector<128x128xf32>, vector<1000x128xf32> -> vector<1000x128xf32>
    %get3A_35 = arith.constant 0 : index
    %get3A_36 = arith.constant 0 : index
    %get3A_37 = vector.load %arg7[%get3A_35, %get3A_36] : memref<1x128xf32, #tpu.memory_space<vmem>>, vector<1x128xf32>
    %add3A_38 = vector.broadcast %get3A_37 : vector<1x128xf32> to vector<1000x128xf32>
    %add3A_39 = arith.addf %dot_general3A_34, %add3A_38 : vector<1000x128xf32>
    %get3A_40 = arith.constant 0 : index
    %get3A_41 = arith.constant 0 : index
    %get3A_42 = vector.load %arg8[%get3A_40, %get3A_41] : memref<128x128xf32, #tpu.memory_space<vmem>>, vector<128x128xf32>
    %dot_general3A_43 = arith.constant dense<0.000000e+00> : vector<1000x128xf32>
    %dot_general3A_44 = tpu.matmul %add3A_39, %get3A_42, %dot_general3A_43 {dimension_numbers = #tpu.dot_dimension_numbers<[1], [0], [0], [1], [0, 0, 1, 1], [], []>, transpose_lhs_hint = false} : vector<1000x128xf32>, vector<128x128xf32>, vector<1000x128xf32> -> vector<1000x128xf32>
    %get3A_45 = arith.constant 0 : index
    %get3A_46 = arith.constant 0 : index
    %get3A_47 = vector.load %arg9[%get3A_45, %get3A_46] : memref<1x128xf32, #tpu.memory_space<vmem>>, vector<1x128xf32>
    %add3A_48 = vector.broadcast %get3A_47 : vector<1x128xf32> to vector<1000x128xf32>
    %add3A_49 = arith.addf %dot_general3A_44, %add3A_48 : vector<1000x128xf32>
    %swap3A = arith.constant 0 : index
    %swap3A_50 = arith.constant 0 : index
    %swap3A_51 = vector.load %arg10[%swap3A, %swap3A_50] : memref<1000x128xf32, #tpu.memory_space<vmem>>, vector<1000x128xf32>
    tpu.vector_store %arg10[%swap3A, %swap3A_50], %add3A_49 {strides = array<i32>} : memref<1000x128xf32, #tpu.memory_space<vmem>>, vector<1000x128xf32>,
    return
  }
  func.func @transform_0(%arg0: i32) -> (i32, i32) {
    %c0_i32 = arith.constant 0 : i32
    %c0_i32_0 = arith.constant 0 : i32
    %c0_i32_1 = arith.constant 0 : i32
    return %c0_i32, %c0_i32_0 : i32, i32
  }
  func.func @transform_1(%arg0: i32) -> (i32, i32) {
    %c0_i32 = arith.constant 0 : i32
    %c0_i32_0 = arith.constant 0 : i32
    return %arg0, %c0_i32 : i32, i32
  }
  func.func @transform_2(%arg0: i32) -> (i32, i32, i32) {
    %c0_i32 = arith.constant 0 : i32
    %c0_i32_0 = arith.constant 0 : i32
    %c0_i32_1 = arith.constant 0 : i32
    return %c0_i32, %arg0, %c0_i32_0 : i32, i32, i32
  }
  func.func @transform_3(%arg0: i32) -> (i32, i32) {
    %c0_i32 = arith.constant 0 : i32
    %c0_i32_0 = arith.constant 0 : i32
    %c0_i32_1 = arith.constant 0 : i32
    return %c0_i32, %c0_i32_0 : i32, i32
  }
  func.func @transform_4(%arg0: i32) -> (i32, i32) {
    %c0_i32 = arith.constant 0 : i32
    %c0_i32_0 = arith.constant 0 : i32
    %c0_i32_1 = arith.constant 0 : i32
    return %c0_i32, %c0_i32_0 : i32, i32
  }
  func.func @transform_5(%arg0: i32) -> (i32, i32) {
    %c0_i32 = arith.constant 0 : i32
    %c0_i32_0 = arith.constant 0 : i32
    %c0_i32_1 = arith.constant 0 : i32
    return %c0_i32, %c0_i32_0 : i32, i32
  }
  func.func @transform_6(%arg0: i32) -> (i32, i32) {
    %c0_i32 = arith.constant 0 : i32
    %c0_i32_0 = arith.constant 0 : i32
    %c0_i32_1 = arith.constant 0 : i32
    return %c0_i32, %c0_i32_0 : i32, i32
  }
  func.func @transform_7(%arg0: i32) -> (i32, i32) {
    %c0_i32 = arith.constant 0 : i32
    %c0_i32_0 = arith.constant 0 : i32
    %c0_i32_1 = arith.constant 0 : i32
    return %c0_i32, %c0_i32_0 : i32, i32
  }
  func.func @transform_8(%arg0: i32) -> (i32, i32) {
    %c0_i32 = arith.constant 0 : i32
    %c0_i32_0 = arith.constant 0 : i32
    %c0_i32_1 = arith.constant 0 : i32
    return %c0_i32, %c0_i32_0 : i32, i32
  }
  func.func @transform_9(%arg0: i32) -> (i32, i32) {
    %c0_i32 = arith.constant 0 : i32
    %c0_i32_0 = arith.constant 0 : i32
    return %arg0, %c0_i32 : i32, i32
  }
}

</mosaic_0001>

<sc_bundles>
// kernel: kernel.6.cloned.1.call-start
scs
__scs_entry_jumppad:
0x0: {  	(pc) =	sbr.rel $0x88, $3  }
0x1: {  	(tag) =	ssettag $0x0;
	lr =	simm.s32 $0x1  }
0x2: {  	[smem:$0x3F93] =	sst lr;
	_ =	strace $0xD0000000  }
0x3: {  	_ = 	snop  }
0x4: {  	_ = 	snop  }
0x5: {  	_ = 	snop  }
0x6: {  	_ = 	snop  }
0x7: {  	_ = 	snop  }
__scs_overlays_trampoline_lowered:
0x8: {  	[smem:$0x3FA2] =	sst s0  }
0x9: {  	[smem:$0x3FA3] =	sst s1  }
0xa: {  	[smem:$0x3FA4] =	sst s2  }
0xb: {  	[smem:$0x3FA5] =	sst s3  }
0xc: {  	[smem:$0x3FA6] =	sst s4  }
0xd: {  	[smem:$0x3FA7] =	sst s5  }
0xe: {  	[smem:$0x3FA8] =	sst s6  }
0xf: {  	[smem:$0x3FA9] =	sst s7  }
0x10: {  	[smem:$0x3FAA] =	sst s8  }
0x11: {  	[smem:$0x3FAB] =	sst s9;
	s0 =	simm.s32 @!p0 $0x0  }
0x12: {  	s1 =	sld [smem:$0x3F91];
	s0 =	simm.s32 @p0 $0x1  }
0x13: {  	[smem:$0x3FAC] =	sst s0;
	s0 =	simm.s32 @!p1 $0x0  }
0x14: {  	s2 =	sld [smem:$0x3F90];
	s0 =	simm.s32 @p1 $0x1  }
0x15: {  	[smem:$0x3FAD] =	sst s0;
	s0 =	simm.s32 @!p2 $0x0  }
0x16: {  	s3 =	sld [smem:$0x3FDB];
	s0 =	simm.s32 @p2 $0x1  }
0x17: {  	s4 =	simm.s32 $0x1BF5;
	[smem:$0x3FAF] =	sst s0  }
0x18: {  	s0 =	sld [smem:$0x3F92];
	_ =	swait.ge [sflag:s4], $0x0  }
0x19: {  	s7 =	sld [smem:$0x3F93]  }
0x1a: {  	s8 =	sadd.s32 $0xFFFFE003, lr  }
0x1b: {  	s9 =	sadd.s32 $0xFFFFFEF7, lr;
	s5 =	simm.s32 $0xFFFFFFFF;
	p2 =	slt.u32 s8, $0xFFFFF086  }
0x1c: {  	p1 =	slt.u32 s9, $0xF7A;
	s5 =	simm.s32 @!p2 $0x0  }
0x1d: {  	s5 =	simm.s32 @p1 $0x1;
	p0 =	seq.s32 s7, s2  }
0x1e: {  	s7 =	smul.u32 @!p0 $0xF7A, s2;
	p2 =	seq.s32 @!p0 s5, $0x0  }
0x1f: {  	s9 =	smul.u32 $0xF7A, s1;
	s8 =	simm.s32 @!p0 $0x1BF5;
	p2 =	por !p2, p0  }
0x20: {  	[sflag:s8] =	ssyncset.s32 @!p0 $0xFFFFF086;
	s6 =	sadd.s32 @!p0 s3, s7;
	s7 =	simm.s32 @!p0 $0x108  }
0x21: {  	s3 =	sadd.s32 s3, s9;
	s6 =	sadd.s32 @!p0 $0x88, s6;
	s7 =	simm.s32 @p2 $0x1082  }
0x22: {  	[simem:s7], [sflag:s8] =	dma.local @!p0 [hbm:s6], $0xF7A  }
0x23: {  	s9 =	sor.u32 $0xD0000000, s2;
	s6 =	simm.s32 $0x108;
	_ =	swait.ge @!p0 [sflag:s8], $0x0  }
0x24: {  	s3 =	sadd.s32 $0x88, s3;
	s6 =	simm.s32 @!p1 $0x1082;
	[sflag:s4] =	ssyncset.s32 $0xFFFFF086  }
0x25: {  	[simem:s6], [sflag:s4] =	dma.local [hbm:s3], $0xF7A  }
0x26: {  	[smem:$0x3F93] =	sst s1;
	(tag) =	ssettag s2;
	_ =	strace s9  }
0x27: {  	s1 =	sld [smem:$0x3FA3]  }
0x28: {  	s2 =	sld [smem:$0x3FA4]  }
0x29: {  	s4 =	sld [smem:$0x3FA6]  }
0x2a: {  	p0 =	seq.s32 s5, $0x0;
	s5 =	sld [smem:$0x3FA7]  }
0x2b: {  	s6 =	sld [smem:$0x3FA8]  }
0x2c: {  	s7 =	sld [smem:$0x3FA9]  }
0x2d: {  	s3 =	simm.s32 $0x108;
	s8 =	sld [smem:$0x3FAA]  }
0x2e: {  	s3 =	simm.s32 @!p0 $0x1082;
	s9 =	sld [smem:$0x3FAB]  }
0x2f: {  	lr =	sadd.s32 s0, s3;
	s0 =	sld [smem:$0x3FA2]  }
0x30: {  	s3 =	sld [smem:$0x3FA5]  }
0x31: {  	[smem:$0x3FAE] =	sst s10  }
0x32: {  	s10 =	sld [smem:$0x3FAC];
	_ =	sdelay $0x3  }
0x33: {  	p0 =	seq.s32 s10, $0x1;
	s10 =	sld [smem:$0x3FAE];
	_ =	sdelay $0x3  }
0x34: {  	[smem:$0x3FAE] =	sst s10  }
0x35: {  	s10 =	sld [smem:$0x3FAD];
	_ =	sdelay $0x3  }
0x36: {  	p1 =	seq.s32 s10, $0x1;
	s10 =	sld [smem:$0x3FAE];
	_ =	sdelay $0x3  }
0x37: {  	[smem:$0x3FAE] =	sst s10  }
0x38: {  	s10 =	sld [smem:$0x3FAF]  }
0x39: {  	_ = 	snop;
	(pc) =	sbr.ind lr, $3  }
0x3a: {  	_ = 	snop  }
0x3b: {  	_ = 	snop  }
0x3c: {  	p2 =	seq.s32 s10, $0x1;
	s10 =	sld [smem:$0x3FAE]  }
0x3d: {  	_ =	shalt  }
0x3e: {  	_ =	shalt  }
0x3f: {  	_ =	shalt  }
0x40: {  	_ =	shalt  }
0x41: {  	_ =	shalt  }
0x42: {  	_ =	shalt  }
0x43: {  	_ =	shalt  }
0x44: {  	_ =	shalt  }
0x45: {  	_ =	shalt  }
0x46: {  	_ =	shalt  }
0x47: {  	_ =	shalt  }
0x48: {  	_ =	shalt  }
0x49: {  	_ =	shalt  }
0x4a: {  	_ =	shalt  }
0x4b: {  	_ =	shalt  }
0x4c: {  	_ =	shalt  }
0x4d: {  	_ =	shalt  }
0x4e: {  	_ =	shalt  }
0x4f: {  	_ =	shalt  }
0x50: {  	_ =	shalt  }
0x51: {  	_ =	shalt  }
0x52: {  	_ =	shalt  }
0x53: {  	_ =	shalt  }
0x54: {  	_ =	shalt  }
0x55: {  	_ =	shalt  }
0x56: {  	_ =	shalt  }
0x57: {  	_ =	shalt  }
0x58: {  	_ =	shalt  }
0x59: {  	_ =	shalt  }
0x5a: {  	_ =	shalt  }
0x5b: {  	_ =	shalt  }
0x5c: {  	_ =	shalt  }
0x5d: {  	_ =	shalt  }
0x5e: {  	_ =	shalt  }
0x5f: {  	_ =	shalt  }
0x60: {  	_ =	shalt  }
0x61: {  	_ =	shalt  }
0x62: {  	_ =	shalt  }
0x63: {  	_ =	shalt  }
0x64: {  	_ =	shalt  }
0x65: {  	_ =	shalt  }
0x66: {  	_ =	shalt  }
0x67: {  	_ =	shalt  }
0x68: {  	_ =	shalt  }
0x69: {  	_ =	shalt  }
0x6a: {  	_ =	shalt  }
0x6b: {  	_ =	shalt  }
0x6c: {  	_ =	shalt  }
0x6d: {  	_ =	shalt  }
0x6e: {  	_ =	shalt  }
0x6f: {  	_ =	shalt  }
0x70: {  	_ =	shalt  }
0x71: {  	_ =	shalt  }
0x72: {  	_ =	shalt  }
0x73: {  	_ =	shalt  }
0x74: {  	_ =	shalt  }
0x75: {  	_ =	shalt  }
0x76: {  	_ =	shalt  }
0x77: {  	_ =	shalt  }
0x78: {  	_ =	shalt  }
0x79: {  	_ =	shalt  }
0x7a: {  	_ =	shalt  }
0x7b: {  	_ =	shalt  }
0x7c: {  	_ =	shalt  }
0x7d: {  	_ =	shalt  }
0x7e: {  	_ =	shalt  }
0x7f: {  	_ =	shalt  }
0x80: {  	_ =	shalt  }
0x81: {  	_ =	shalt  }
0x82: {  	_ =	shalt  }
0x83: {  	_ =	shalt  }
0x84: {  	_ =	shalt  }
0x85: {  	_ =	shalt  }
0x86: {  	_ =	shalt  }
0x87: {  	_ =	shalt  }
.Lfunc_end0:
.L_simem_size_0:
called_computation_lowered:
.L_overlay_start_0:
0x88: {  	s2 =	sld [smem:$0x3FD9]  }
0x89: {  	s3 =	sld [smem:$0x3FFE];
	_ =	sdelay $0x1  }
0x8a: {  	s1 =	srdreg.scid  }
0x8b: {  	s0 =	sand.u32 $0x1, s1  }
0x8c: {  	s17 =	sshll.u32 s0, $0xA;
	s2 =	sadd.s32 s3, s2  }
0x8d: {  	s2 =	sadd.s32 s2, s17  }
0x8e: {  	[smem:$0x3FBA] =	sst s2  }
0x8f: {  	_ = 	snop  }
0x90: {  	s2 =	sld [smem:$0x3FC9];
	(tm) =	ssettm $0x1  }
0x91: {  	s18 =	sld [smem:$0x3FFB];
	_ =	sdelay $0x3  }
0x92: {  	_ =	strace s18  }
0x93: {  	s3 =	sld [smem:$0x3FFC];
	_ =	sdelay $0x3  }
0x94: {  	_ =	strace s3  }
0x95: {  	s3 =	sld [smem:$0x3FFD];
	_ =	sdelay $0x3  }
0x96: {  	_ =	strace s3  }
0x97: {  	_ =	strace $0x8FFFFFFF  }
0x98: {  	s19 =	sld [smem:$0x3FDB];
	_ =	sdelay $0x1  }
0x99: {  	s4 =	simm.s32 $_scs_section_size  }
0x9a: {  	s5 =	simm.s32 $_size__tile_overlayer_lowered;
	s6 =	simm.s32 $_tile_overlayer_lowered  }
0x9b: {  	s22 =	simm.s32 $0x1BFF;
	s21 =	sshll.u32 s6, $0x1;
	s3 =	sadd.s32 s4, s19  }
0x9c: {  	s7 =	simm.s32 $0x0;
	s20 =	sshll.u32 s5, $0x1;
	s5 =	sadd.s32 s21, s3  }
0x9d: {  	[timem:s7], [sflag:s22] =	dma.local [hbm:s5], s20  }
0x9e: {  	_ =	swait.ge [sflag:s22], s20  }
0x9f: {  	s4 =	ssub.s32 $0x0, s20;
	[sflag:s22] =	ssyncset.done $0x0  }
0xa0: {  	[sflag:s22] =	ssyncadd.s32 s4;
	_ =	sdelay $0x1  }
0xa1: {  	s23 =	simm.s32 $0x1B8B  }
0xa2: {  	_ =	swait.ge [sflag:s23], $0x1  }
0xa3: {  	[sflag:s23] =	ssyncset.done $0x0  }
0xa4: {  	s25 =	simm.s32 $0x1B8E;
	s24 =	sld [smem:$0x3FFE];
	[sflag:s23] =	ssyncadd.s32 $0xFFFFFFFF  }
0xa5: {  	s26 =	simm.s32 $execute0_lowered;
	[smem:$0x3FD2] =	sst s25  }
0xa6: {  	s5 =	sshll.u32 s26, $0x1;
	_ =	strace $0x80000046;
	[dreg:$0x1] =	wrdreg $0xFFFFFFFF  }
0xa7: {  	s28 =	simm.s32 $_size_execute0_lowered;
	s3 =	sadd.s32 s3, s5;
	[dreg:$0x0] =	wrdreg $0x0  }
0xa8: {  	s5 =	sshll.u32 s28, $0x1;
	[dreg:$0x2] =	wrdreg s3  }
0xa9: {  	[dreg:$0x3] =	wrdreg s5  }
0xaa: {  	[dreg:$0x4] =	wrdreg $0xC0  }
0xab: {  	_ =	task [dreg:s7], $0x5FFFF  }
0xac: {  	[dreg:$0x1] =	wrdreg $0xFFFFFFFF  }
0xad: {  	[dreg:$0x0] =	wrdreg $0x60  }
0xae: {  	[dreg:$0x2] =	wrdreg s2  }
0xaf: {  	[dreg:$0x3] =	wrdreg s24  }
0xb0: {  	[dreg:$0x4] =	wrdreg $0x98000  }
0xb1: {  	[dreg:$0x5] =	wrdreg $0x9  }
0xb2: {  	_ =	task.clear_ibuf [dreg:s7], $0x6FFFF;
	_ =	strace $0x90000046  }
0xb3: {  	s29 =	simm.s32 $0x9;
	_ =	strace $0x80000048  }
0xb4: {  	_ =	swait.ge [sflag:s29], $0x1  }
0xb5: {  	[sflag:s29] =	ssyncadd.s32 $0xFFFFFFFF  }
0xb6: {  	_ =	strace $0x90000048  }
0xb7: {  	_ =	sfence  }
0xb8: {  	s30 =	sld [smem:$0x0];
	_ =	sdelay $0x2  }
0xb9: {  	s31 =	sshll.u32 s1, $0xD;
	s1 =	sshrl.u32 s1, $0x2  }
0xba: {  	s3 =	sand.u32 $0x4000, s31;
	s1 =	sadd.s32 s1, s30  }
0xbb: {  	s0 =	sor.u32 s3, s0;
	s1 =	sshll.u32 s1, $0x11  }
0xbc: {  	s0 =	sor.u32 s1, s0  }
0xbd: {  	s0 =	sadd.s32 $0x8F2B, s0  }
0xbe: {  	[sflag:s0] =	ssyncadd.remote.s32 $0x1  }
0xbf: {  	_ =	sfence.sel $0xFFFF  }
0xc0: {  	[dreg:$0x0] =	wrdreg $0xFFFFFFFF;
	(pc) =	sbr.abs _section_cstart, $3  }
0xc1: {  	[dreg:$0x1] =	wrdreg $0xFFFFFFFF  }
0xc2: {  	_ =	task.clear_ibuf [dreg:s7], $0x2FFFF;
	_ =	strace $0x9FFFFFFF  }
0xc3: {  	(tm) =	ssettm $0x7FFFFFFF  }
tec
execute0_lowered:
.L_overlay_start_1:
0x0: {  	(tag) =	ssettag $0x1  }
0x1: {  	s1 =	rddreg [dreg:$0x0]  }
0x2: {  	s0 =	rddreg [dreg:$0x1]  }
0x3: {  	s2 =	rddreg [dreg:$0x2];
	s4 =	simm.s32 $0x0;
	s15 =	stileid.u32  }
0x4: {  	s3 =	srdreg.scid;
	s16 =	simm.s32 $0x80;
	s6 =	smul.u32 $0x13C00, s15  }
0x5: {  	s28 =	simm.s32 $0x4;
	s30 =	simm.s32 $0x5;
	s11 =	smul.u32 $0x4F000, s15  }
0x6: {  	s31 =	simm.s32 $0x6;
	s29 =	simm.s32 $0x1;
	s13 =	smul.u32 $0xA000, s15  }
0x7: {  	[smem:$0x7FF] =	sst s4;
	s3 =	sand.u32 $0x1, s3;
	s22 =	smul.u32 $0x5000, s15  }
0x8: {  	s5 =	sadd.s32 $0x2600, s0;
	s7 =	sadd.s32 $0xC600, s0;
	s8 =	smul.u32 $0x13C000, s3  }
0x9: {  	s9 =	sshll.u32 s15, $0x1;
	s23 =	sshll.u32 s15, $0x6;
	s20 =	smul.u32 $0x5000, s3  }
0xa: {  	s9 =	sor.u32 s3, s9;
	s12 =	ssub.s32 $0x2, s3;
	s3 =	smul.u32 $0x2800, s3  }
0xb: {  	_ =	strace $0x80000047;
	s10 =	sshrl.u32 s6, $0x3;
	s17 =	smul.u32 $0x2800, s9  }
0xc: {  	s9 =	smul.u32 $0x5000, s9;
	s18 =	sshrl.u32 s12, $0x1;
	s19 =	sshrl.u32 s11, $0x2  }
0xd: {  	s10 =	sadd.s32 s10, s0;
	s6 =	sadd.s32 s6, s8;
	s12 =	ssub.s32 s12, s18  }
0xe: {  	s14 =	sadd.s32 s19, s2;
	s25 =	sadd.s32 s20, s13;
	s3 =	sadd.s32 s3, s22  }
0xf: {  	s18 =	simm.s32 $0x5800;
	s19 =	simm.s32 $0x40;
	s22 =	simm.s32 $0x2  }
0x10: {  	s6 =	sshrl.u32 s6, $0x3;
	s21 =	sadd.s32 $0x20600, s10;
	s8 =	sshrl.u32 s17, $0x3  }
0x11: {  	s24 =	sshrl.u32 s9, $0x3;
	s26 =	sor.u32 $0x800, s25;
	s3 =	sor.u32 $0x400, s3  }
0x12: {  	s10 =	smax.u32 s12, $0x1;
	s13 =	sshrl.u32 s14, $0x3;
	s14 =	simm.s32 $0x7  }
0x13: {  	s17 =	simm.s32 $0x1800;
	s25 =	simm.s32 $0x7800;
	s0 =	sadd.s32 s6, s0  }
0x14: {  	[dreg:$0x4] =	wrdreg s21;
	s6 =	sor.u32 $0x1C07, s23;
	s8 =	sadd.s32 s5, s8  }
0x15: {  	s3 =	sshrl.u32 s3, $0x3;
	[dreg:$0x5] =	wrdreg s8;
	s8 =	sadd.s32 s7, s24  }
0x16: {  	s21 =	simm.s32 $0x3800;
	s0 =	sadd.s32 $0x47E00, s0;
	[dreg:$0x6] =	wrdreg s8  }
0x17: {  	s12 =	sadd.s32 s3, s5;
	[dreg:$0x7] =	wrdreg s0;
	s0 =	sshrl.u32 s26, $0x3  }
0x18: {  	s26 =	simm.s32 $0x3;
	s11 =	sadd.s32 s0, s7;
	s0 =	simm.s32 $0x0  }
.LBB2_1:
0x19: {  	s3 =	rddreg [dreg:$0x4]  }
0x1a: {  	[spmem:s13], [sflag:s6] =	dma.local [hbm:s3], $0x2780  }
0x1b: {  	_ =	swait.ge [sflag:s14], $0x2780  }
0x1c: {  	[sflag:s14] =	ssyncset.done $0x0  }
0x1d: {  	[sflag:s14] =	ssyncadd.s32 $0xFFFFD880  }
0x1e: {  	[bflag:$0x0] =	sbarrier.arrive $0xFFFF  }
0x1f: {  	s23 =	rddreg [dreg:$0x5]  }
0x20: {  	[tilespmem:s4], [sflag:$0x7] =	stream.linear.gather [hbm4b:s23+s4], $0x400, $0x38;
	[tilespmem:$0x1D400] =	vst v63  }
0x21: {  	_ =	swait.ge [sflag:s14], $0x400  }
0x22: {  	[sflag:s14] =	ssyncset.done $0x0  }
0x23: {  	s5 =	simm.s32 $0x800;
	s24 =	rddreg [dreg:$0x6];
	[sflag:s14] =	ssyncadd.s32 $0xFFFFFC00  }
0x24: {  	[tilespmem:s5], [sflag:$0x7] =	stream.linear.gather [hbm4b:s24+s4], $0x800, $0x38;
	[tilespmem:$0x1D400] =	vst v63  }
0x25: {  	_ =	swait.ge [sflag:s14], $0x800  }
0x26: {  	[sflag:s14] =	ssyncset.done $0x0  }
0x27: {  	[sflag:s14] =	ssyncadd.s32 $0xFFFFF800  }
0x28: {  	[tilespmem:s17], [sflag:$0x1] =	stream.indirect.gather [hbm4b:s1+s16], $0x80, s4, s16, $0xb8;
	[tilespmem:$0x1D400] =	vst v63  }
0x29: {  	_ = 	snop  }
0x2a: {  	[tilespmem:s18], [sflag:$0x2] =	stream.indirect.gather [hbm4b:s1+s16], $0x80, s16, s16, $0xb8;
	[tilespmem:$0x1D400] =	vst v63  }
0x2b: {  	_ =	swait.ge [sflag:s29], $0x4000  }
0x2c: {  	[sflag:s29] =	ssyncset.done $0x0  }
0x2d: {  	[sflag:s29] =	ssyncadd.s32 $0xFFFFC000  }
0x2e: {  	[spmem:s2] =	stream.indirect.scatter.add.f32 [tilespmem:s17], [sflag:$0x3], $0x80, s5, s19, $0xb8;
	[tilespmem:$0x1D400] =	vst v63  }
0x2f: {  	s5 =	simm.s32 $0x880  }
0x30: {  	[spmem:s2] =	stream.indirect.scatter.add.f32 [tilespmem:s21], [sflag:$0x4], $0x80, s5, s19, $0xb8;
	[tilespmem:$0x1D400] =	vst v63  }
0x31: {  	_ =	swait.ge [sflag:s22], $0x4000  }
0x32: {  	[sflag:s22] =	ssyncset.done $0x0  }
0x33: {  	s7 =	simm.s32 $0x900;
	[sflag:s22] =	ssyncadd.s32 $0xFFFFC000  }
0x34: {  	[spmem:s2] =	stream.indirect.scatter.add.f32 [tilespmem:s18], [sflag:$0x5], $0x80, s7, s19, $0xb8;
	[tilespmem:$0x1D400] =	vst v63  }
0x35: {  	s8 =	simm.s32 $0x980  }
0x36: {  	[spmem:s2] =	stream.indirect.scatter.add.f32 [tilespmem:s25], [sflag:$0x6], $0x80, s8, s19, $0xb8;
	[tilespmem:$0x1D400] =	vst v63  }
0x37: {  	_ =	swait.ge [sflag:s26], $0x2000  }
0x38: {  	[sflag:s26] =	ssyncset.done $0x0  }
0x39: {  	[sflag:s26] =	ssyncadd.s32 $0xFFFFE000  }
0x3a: {  	_ =	swait.ge [sflag:s28], $0x2000  }
0x3b: {  	[sflag:s28] =	ssyncset.done $0x0  }
0x3c: {  	s9 =	simm.s32 $0x100;
	[sflag:s28] =	ssyncadd.s32 $0xFFFFE000  }
0x3d: {  	[tilespmem:s17], [sflag:$0x1] =	stream.indirect.gather [hbm4b:s1+s16], $0x80, s9, s16, $0xb8;
	[tilespmem:$0x1D400] =	vst v63  }
0x3e: {  	_ =	swait.ge [sflag:s30], $0x2000  }
0x3f: {  	[sflag:s30] =	ssyncset.done $0x0  }
0x40: {  	[sflag:s30] =	ssyncadd.s32 $0xFFFFE000  }
0x41: {  	_ =	swait.ge [sflag:s31], $0x2000  }
0x42: {  	[sflag:s31] =	ssyncset.done $0x0  }
0x43: {  	s15 =	simm.s32 $0x180;
	[sflag:s31] =	ssyncadd.s32 $0xFFFFE000  }
0x44: {  	[tilespmem:s18], [sflag:$0x2] =	stream.indirect.gather [hbm4b:s1+s16], $0x80, s15, s16, $0xb8;
	[tilespmem:$0x1D400] =	vst v63  }
0x45: {  	_ =	swait.ge [sflag:s29], $0x4000  }
0x46: {  	[sflag:s29] =	ssyncset.done $0x0  }
0x47: {  	s20 =	simm.s32 $0xA00;
	[sflag:s29] =	ssyncadd.s32 $0xFFFFC000  }
0x48: {  	[spmem:s2] =	stream.indirect.scatter.add.f32 [tilespmem:s17], [sflag:$0x3], $0x80, s20, s19, $0xb8;
	[tilespmem:$0x1D400] =	vst v63  }
0x49: {  	s23 =	simm.s32 $0xA80  }
0x4a: {  	[spmem:s2] =	stream.indirect.scatter.add.f32 [tilespmem:s21], [sflag:$0x4], $0x80, s23, s19, $0xb8;
	[tilespmem:$0x1D400] =	vst v63  }
0x4b: {  	_ =	swait.ge [sflag:s22], $0x4000  }
0x4c: {  	[sflag:s22] =	ssyncset.done $0x0  }
0x4d: {  	s24 =	simm.s32 $0xB00;
	[sflag:s22] =	ssyncadd.s32 $0xFFFFC000  }
0x4e: {  	[spmem:s2] =	stream.indirect.scatter.add.f32 [tilespmem:s18], [sflag:$0x5], $0x80, s24, s19, $0xb8;
	[tilespmem:$0x1D400] =	vst v63  }
0x4f: {  	s5 =	simm.s32 $0xB80  }
0x50: {  	[spmem:s2] =	stream.indirect.scatter.add.f32 [tilespmem:s25], [sflag:$0x6], $0x80, s5, s19, $0xb8;
	[tilespmem:$0x1D400] =	vst v63  }
0x51: {  	_ =	swait.ge [sflag:s26], $0x2000  }
0x52: {  	[sflag:s26] =	ssyncset.done $0x0  }
0x53: {  	[sflag:s26] =	ssyncadd.s32 $0xFFFFE000  }
0x54: {  	_ =	swait.ge [sflag:s28], $0x2000  }
0x55: {  	[sflag:s28] =	ssyncset.done $0x0  }
0x56: {  	s7 =	simm.s32 $0x200;
	[sflag:s28] =	ssyncadd.s32 $0xFFFFE000  }
0x57: {  	[tilespmem:s17], [sflag:$0x1] =	stream.indirect.gather [hbm4b:s1+s16], $0x80, s7, s16, $0xb8;
	[tilespmem:$0x1D400] =	vst v63  }
0x58: {  	_ =	swait.ge [sflag:s30], $0x2000  }
0x59: {  	[sflag:s30] =	ssyncset.done $0x0  }
0x5a: {  	[sflag:s30] =	ssyncadd.s32 $0xFFFFE000  }
0x5b: {  	_ =	swait.ge [sflag:s31], $0x2000  }
0x5c: {  	[sflag:s31] =	ssyncset.done $0x0  }
0x5d: {  	s8 =	simm.s32 $0x280;
	[sflag:s31] =	ssyncadd.s32 $0xFFFFE000  }
0x5e: {  	[tilespmem:s18], [sflag:$0x2] =	stream.indirect.gather [hbm4b:s1+s16], $0x80, s8, s16, $0xb8;
	[tilespmem:$0x1D400] =	vst v63  }
0x5f: {  	_ =	swait.ge [sflag:s29], $0x4000  }
0x60: {  	[sflag:s29] =	ssyncset.done $0x0  }
0x61: {  	s9 =	simm.s32 $0xC00;
	[sflag:s29] =	ssyncadd.s32 $0xFFFFC000  }
0x62: {  	[spmem:s2] =	stream.indirect.scatter.add.f32 [tilespmem:s17], [sflag:$0x3], $0x80, s9, s19, $0xb8;
	[tilespmem:$0x1D400] =	vst v63  }
0x63: {  	s15 =	simm.s32 $0xC80  }
0x64: {  	[spmem:s2] =	stream.indirect.scatter.add.f32 [tilespmem:s21], [sflag:$0x4], $0x80, s15, s19, $0xb8;
	[tilespmem:$0x1D400] =	vst v63  }
0x65: {  	_ =	swait.ge [sflag:s22], $0x4000  }
0x66: {  	[sflag:s22] =	ssyncset.done $0x0  }
0x67: {  	s20 =	simm.s32 $0xD00;
	[sflag:s22] =	ssyncadd.s32 $0xFFFFC000  }
0x68: {  	[spmem:s2] =	stream.indirect.scatter.add.f32 [tilespmem:s18], [sflag:$0x5], $0x80, s20, s19, $0xb8;
	[tilespmem:$0x1D400] =	vst v63  }
0x69: {  	s23 =	simm.s32 $0xD80  }
0x6a: {  	[spmem:s2] =	stream.indirect.scatter.add.f32 [tilespmem:s25], [sflag:$0x6], $0x80, s23, s19, $0xb8;
	[tilespmem:$0x1D400] =	vst v63  }
0x6b: {  	_ =	swait.ge [sflag:s26], $0x2000  }
0x6c: {  	[sflag:s26] =	ssyncset.done $0x0  }
0x6d: {  	[sflag:s26] =	ssyncadd.s32 $0xFFFFE000  }
0x6e: {  	_ =	swait.ge [sflag:s28], $0x2000  }
0x6f: {  	[sflag:s28] =	ssyncset.done $0x0  }
0x70: {  	s24 =	simm.s32 $0x300;
	[sflag:s28] =	ssyncadd.s32 $0xFFFFE000  }
0x71: {  	[tilespmem:s17], [sflag:$0x1] =	stream.indirect.gather [hbm4b:s1+s16], $0x80, s24, s16, $0xb8;
	[tilespmem:$0x1D400] =	vst v63  }
0x72: {  	_ =	swait.ge [sflag:s30], $0x2000  }
0x73: {  	[sflag:s30] =	ssyncset.done $0x0  }
0x74: {  	[sflag:s30] =	ssyncadd.s32 $0xFFFFE000  }
0x75: {  	_ =	swait.ge [sflag:s31], $0x2000  }
0x76: {  	[sflag:s31] =	ssyncset.done $0x0  }
0x77: {  	s5 =	simm.s32 $0x380;
	[sflag:s31] =	ssyncadd.s32 $0xFFFFE000  }
0x78: {  	[tilespmem:s18], [sflag:$0x2] =	stream.indirect.gather [hbm4b:s1+s16], $0x80, s5, s16, $0xb8;
	[tilespmem:$0x1D400] =	vst v63  }
0x79: {  	_ =	swait.ge [sflag:s29], $0x4000  }
0x7a: {  	[sflag:s29] =	ssyncset.done $0x0  }
0x7b: {  	s7 =	simm.s32 $0xE00;
	[sflag:s29] =	ssyncadd.s32 $0xFFFFC000  }
0x7c: {  	[spmem:s2] =	stream.indirect.scatter.add.f32 [tilespmem:s17], [sflag:$0x3], $0x80, s7, s19, $0xb8;
	[tilespmem:$0x1D400] =	vst v63  }
0x7d: {  	s8 =	simm.s32 $0xE80  }
0x7e: {  	[spmem:s2] =	stream.indirect.scatter.add.f32 [tilespmem:s21], [sflag:$0x4], $0x80, s8, s19, $0xb8;
	[tilespmem:$0x1D400] =	vst v63  }
0x7f: {  	_ =	swait.ge [sflag:s22], $0x4000  }
0x80: {  	[sflag:s22] =	ssyncset.done $0x0  }
0x81: {  	s9 =	simm.s32 $0xF00;
	[sflag:s22] =	ssyncadd.s32 $0xFFFFC000  }
0x82: {  	[spmem:s2] =	stream.indirect.scatter.add.f32 [tilespmem:s18], [sflag:$0x5], $0x80, s9, s19, $0xb8;
	[tilespmem:$0x1D400] =	vst v63  }
0x83: {  	s15 =	simm.s32 $0xF80;
	s20 =	sand.u32 $0x1, s29  }
0x84: {  	[spmem:s2] =	stream.indirect.scatter.add.f32 [tilespmem:s25], [sflag:$0x6], $0x80, s15, s19, $0xb8;
	[tilespmem:$0x1D400] =	vst v63  }
0x85: {  	s3 =	sshll.u32 s20, $0xA  }
0x86: {  	[tilespmem:s3], [sflag:$0x7] =	stream.linear.gather [hbm4b:s12+s4], $0x400, $0x38;
	[tilespmem:$0x1D400] =	vst v63  }
0x87: {  	_ =	swait.ge [sflag:s14], $0x400  }
0x88: {  	s7 =	sshll.u32 s20, $0xB;
	[sflag:s14] =	ssyncset.done $0x0  }
0x89: {  	s5 =	sadd.s32 $0x800, s7;
	[sflag:s14] =	ssyncadd.s32 $0xFFFFFC00  }
0x8a: {  	[tilespmem:s5], [sflag:$0x7] =	stream.linear.gather [hbm4b:s11+s4], $0x800, $0x38;
	[tilespmem:$0x1D400] =	vst v63  }
0x8b: {  	_ =	swait.ge [sflag:s14], $0x800  }
0x8c: {  	[sflag:s14] =	ssyncset.done $0x0  }
0x8d: {  	[sflag:s14] =	ssyncadd.s32 $0xFFFFF800  }
0x8e: {  	_ =	swait.ge [sflag:s26], $0x2000  }
0x8f: {  	[sflag:s26] =	ssyncset.done $0x0  }
0x90: {  	[sflag:s26] =	ssyncadd.s32 $0xFFFFE000  }
0x91: {  	_ =	swait.ge [sflag:s28], $0x2000  }
0x92: {  	[sflag:s28] =	ssyncset.done $0x0  }
0x93: {  	[sflag:s28] =	ssyncadd.s32 $0xFFFFE000  }
0x94: {  	[tilespmem:s17], [sflag:$0x1] =	stream.indirect.gather [hbm4b:s1+s16], $0x80, s3, s16, $0xb8;
	[tilespmem:$0x1D400] =	vst v63  }
0x95: {  	_ =	swait.ge [sflag:s30], $0x2000  }
0x96: {  	[sflag:s30] =	ssyncset.done $0x0  }
0x97: {  	[sflag:s30] =	ssyncadd.s32 $0xFFFFE000  }
0x98: {  	_ =	swait.ge [sflag:s31], $0x2000  }
0x99: {  	[sflag:s31] =	ssyncset.done $0x0  }
0x9a: {  	s8 =	sor.u32 $0x80, s3;
	[sflag:s31] =	ssyncadd.s32 $0xFFFFE000  }
0x9b: {  	[tilespmem:s18], [sflag:$0x2] =	stream.indirect.gather [hbm4b:s1+s16], $0x80, s8, s16, $0xb8;
	[tilespmem:$0x1D400] =	vst v63  }
0x9c: {  	_ =	swait.ge [sflag:s29], $0x4000  }
0x9d: {  	[sflag:s29] =	ssyncset.done $0x0  }
0x9e: {  	[sflag:s29] =	ssyncadd.s32 $0xFFFFC000  }
0x9f: {  	[spmem:s2] =	stream.indirect.scatter.add.f32 [tilespmem:s17], [sflag:$0x3], $0x80, s5, s19, $0xb8;
	[tilespmem:$0x1D400] =	vst v63  }
0xa0: {  	s23 =	sadd.s32 $0x880, s7  }
0xa1: {  	[spmem:s2] =	stream.indirect.scatter.add.f32 [tilespmem:s21], [sflag:$0x4], $0x80, s23, s19, $0xb8;
	[tilespmem:$0x1D400] =	vst v63  }
0xa2: {  	_ =	swait.ge [sflag:s22], $0x4000  }
0xa3: {  	[sflag:s22] =	ssyncset.done $0x0  }
0xa4: {  	s24 =	sadd.s32 $0x900, s7;
	[sflag:s22] =	ssyncadd.s32 $0xFFFFC000  }
0xa5: {  	[spmem:s2] =	stream.indirect.scatter.add.f32 [tilespmem:s18], [sflag:$0x5], $0x80, s24, s19, $0xb8;
	[tilespmem:$0x1D400] =	vst v63  }
0xa6: {  	s8 =	sadd.s32 $0x980, s7  }
0xa7: {  	[spmem:s2] =	stream.indirect.scatter.add.f32 [tilespmem:s25], [sflag:$0x6], $0x80, s8, s19, $0xb8;
	[tilespmem:$0x1D400] =	vst v63  }
0xa8: {  	_ =	swait.ge [sflag:s26], $0x2000  }
0xa9: {  	[sflag:s26] =	ssyncset.done $0x0  }
0xaa: {  	[sflag:s26] =	ssyncadd.s32 $0xFFFFE000  }
0xab: {  	_ =	swait.ge [sflag:s28], $0x2000  }
0xac: {  	[sflag:s28] =	ssyncset.done $0x0  }
0xad: {  	s9 =	sor.u32 $0x100, s3;
	[sflag:s28] =	ssyncadd.s32 $0xFFFFE000  }
0xae: {  	[tilespmem:s17], [sflag:$0x1] =	stream.indirect.gather [hbm4b:s1+s16], $0x80, s9, s16, $0xb8;
	[tilespmem:$0x1D400] =	vst v63  }
0xaf: {  	_ =	swait.ge [sflag:s30], $0x2000  }
0xb0: {  	[sflag:s30] =	ssyncset.done $0x0  }
0xb1: {  	[sflag:s30] =	ssyncadd.s32 $0xFFFFE000  }
0xb2: {  	_ =	swait.ge [sflag:s31], $0x2000  }
0xb3: {  	[sflag:s31] =	ssyncset.done $0x0  }
0xb4: {  	s15 =	sor.u32 $0x180, s3;
	[sflag:s31] =	ssyncadd.s32 $0xFFFFE000  }
0xb5: {  	[tilespmem:s18], [sflag:$0x2] =	stream.indirect.gather [hbm4b:s1+s16], $0x80, s15, s16, $0xb8;
	[tilespmem:$0x1D400] =	vst v63  }
0xb6: {  	_ =	swait.ge [sflag:s29], $0x4000  }
0xb7: {  	[sflag:s29] =	ssyncset.done $0x0  }
0xb8: {  	s20 =	sadd.s32 $0xA00, s7;
	[sflag:s29] =	ssyncadd.s32 $0xFFFFC000  }
0xb9: {  	[spmem:s2] =	stream.indirect.scatter.add.f32 [tilespmem:s17], [sflag:$0x3], $0x80, s20, s19, $0xb8;
	[tilespmem:$0x1D400] =	vst v63  }
0xba: {  	s23 =	sadd.s32 $0xA80, s7  }
0xbb: {  	[spmem:s2] =	stream.indirect.scatter.add.f32 [tilespmem:s21], [sflag:$0x4], $0x80, s23, s19, $0xb8;
	[tilespmem:$0x1D400] =	vst v63  }
0xbc: {  	_ =	swait.ge [sflag:s22], $0x4000  }
0xbd: {  	[sflag:s22] =	ssyncset.done $0x0  }
0xbe: {  	s24 =	sadd.s32 $0xB00, s7;
	[sflag:s22] =	ssyncadd.s32 $0xFFFFC000  }
0xbf: {  	[spmem:s2] =	stream.indirect.scatter.add.f32 [tilespmem:s18], [sflag:$0x5], $0x80, s24, s19, $0xb8;
	[tilespmem:$0x1D400] =	vst v63  }
0xc0: {  	s8 =	sadd.s32 $0xB80, s7  }
0xc1: {  	[spmem:s2] =	stream.indirect.scatter.add.f32 [tilespmem:s25], [sflag:$0x6], $0x80, s8, s19, $0xb8;
	[tilespmem:$0x1D400] =	vst v63  }
0xc2: {  	_ =	swait.ge [sflag:s26], $0x2000  }
0xc3: {  	[sflag:s26] =	ssyncset.done $0x0  }
0xc4: {  	[sflag:s26] =	ssyncadd.s32 $0xFFFFE000  }
0xc5: {  	_ =	swait.ge [sflag:s28], $0x2000  }
0xc6: {  	[sflag:s28] =	ssyncset.done $0x0  }
0xc7: {  	s9 =	sor.u32 $0x200, s3;
	[sflag:s28] =	ssyncadd.s32 $0xFFFFE000  }
0xc8: {  	[tilespmem:s17], [sflag:$0x1] =	stream.indirect.gather [hbm4b:s1+s16], $0x80, s9, s16, $0xb8;
	[tilespmem:$0x1D400] =	vst v63  }
0xc9: {  	_ =	swait.ge [sflag:s30], $0x2000  }
0xca: {  	[sflag:s30] =	ssyncset.done $0x0  }
0xcb: {  	[sflag:s30] =	ssyncadd.s32 $0xFFFFE000  }
0xcc: {  	_ =	swait.ge [sflag:s31], $0x2000  }
0xcd: {  	[sflag:s31] =	ssyncset.done $0x0  }
0xce: {  	s15 =	sor.u32 $0x280, s3;
	[sflag:s31] =	ssyncadd.s32 $0xFFFFE000  }
0xcf: {  	[tilespmem:s18], [sflag:$0x2] =	stream.indirect.gather [hbm4b:s1+s16], $0x80, s15, s16, $0xb8;
	[tilespmem:$0x1D400] =	vst v63  }
0xd0: {  	_ =	swait.ge [sflag:s29], $0x4000  }
0xd1: {  	[sflag:s29] =	ssyncset.done $0x0  }
0xd2: {  	s20 =	sadd.s32 $0xC00, s7;
	[sflag:s29] =	ssyncadd.s32 $0xFFFFC000  }
0xd3: {  	[spmem:s2] =	stream.indirect.scatter.add.f32 [tilespmem:s17], [sflag:$0x3], $0x80, s20, s19, $0xb8;
	[tilespmem:$0x1D400] =	vst v63  }
0xd4: {  	s23 =	sadd.s32 $0xC80, s7  }
0xd5: {  	[spmem:s2] =	stream.indirect.scatter.add.f32 [tilespmem:s21], [sflag:$0x4], $0x80, s23, s19, $0xb8;
	[tilespmem:$0x1D400] =	vst v63  }
0xd6: {  	_ =	swait.ge [sflag:s22], $0x4000  }
0xd7: {  	[sflag:s22] =	ssyncset.done $0x0  }
0xd8: {  	s24 =	sadd.s32 $0xD00, s7;
	[sflag:s22] =	ssyncadd.s32 $0xFFFFC000  }
0xd9: {  	[spmem:s2] =	stream.indirect.scatter.add.f32 [tilespmem:s18], [sflag:$0x5], $0x80, s24, s19, $0xb8;
	[tilespmem:$0x1D400] =	vst v63  }
0xda: {  	s8 =	sadd.s32 $0xD80, s7  }
0xdb: {  	[spmem:s2] =	stream.indirect.scatter.add.f32 [tilespmem:s25], [sflag:$0x6], $0x80, s8, s19, $0xb8;
	[tilespmem:$0x1D400] =	vst v63  }
0xdc: {  	_ =	swait.ge [sflag:s26], $0x2000  }
0xdd: {  	[sflag:s26] =	ssyncset.done $0x0  }
0xde: {  	[sflag:s26] =	ssyncadd.s32 $0xFFFFE000  }
0xdf: {  	_ =	swait.ge [sflag:s28], $0x2000  }
0xe0: {  	[sflag:s28] =	ssyncset.done $0x0  }
0xe1: {  	s9 =	sor.u32 $0x300, s3;
	[sflag:s28] =	ssyncadd.s32 $0xFFFFE000  }
0xe2: {  	[tilespmem:s17], [sflag:$0x1] =	stream.indirect.gather [hbm4b:s1+s16], $0x80, s9, s16, $0xb8;
	[tilespmem:$0x1D400] =	vst v63  }
0xe3: {  	_ =	swait.ge [sflag:s30], $0x2000  }
0xe4: {  	[sflag:s30] =	ssyncset.done $0x0  }
0xe5: {  	[sflag:s30] =	ssyncadd.s32 $0xFFFFE000  }
0xe6: {  	_ =	swait.ge [sflag:s31], $0x2000  }
0xe7: {  	[sflag:s31] =	ssyncset.done $0x0  }
0xe8: {  	s3 =	sor.u32 $0x380, s3;
	[sflag:s31] =	ssyncadd.s32 $0xFFFFE000  }
0xe9: {  	[tilespmem:s18], [sflag:$0x2] =	stream.indirect.gather [hbm4b:s1+s16], $0x80, s3, s16, $0xb8;
	[tilespmem:$0x1D400] =	vst v63  }
0xea: {  	_ =	swait.ge [sflag:s29], $0x4000  }
0xeb: {  	[sflag:s29] =	ssyncset.done $0x0  }
0xec: {  	s15 =	sadd.s32 $0xE00, s7;
	[sflag:s29] =	ssyncadd.s32 $0xFFFFC000  }
0xed: {  	[spmem:s2] =	stream.indirect.scatter.add.f32 [tilespmem:s17], [sflag:$0x3], $0x80, s15, s19, $0xb8;
	[tilespmem:$0x1D400] =	vst v63  }
0xee: {  	s20 =	sadd.s32 $0xE80, s7  }
0xef: {  	[spmem:s2] =	stream.indirect.scatter.add.f32 [tilespmem:s21], [sflag:$0x4], $0x80, s20, s19, $0xb8;
	[tilespmem:$0x1D400] =	vst v63  }
0xf0: {  	s5 =	simm.s32 $0x3;
	_ =	swait.ge [sflag:s22], $0x4000  }
0xf1: {  	s23 =	simm.s32 $0x2;
	s24 =	sadd.s32 $0xF00, s7;
	[sflag:s22] =	ssyncset.done $0x0  }
0xf2: {  	s7 =	sadd.s32 $0xF80, s7;
	s20 =	sand.u32 $0x1, s23;
	[sflag:s22] =	ssyncadd.s32 $0xFFFFC000  }
0xf3: {  	[spmem:s2] =	stream.indirect.scatter.add.f32 [tilespmem:s18], [sflag:$0x5], $0x80, s24, s19, $0xb8;
	[tilespmem:$0x1D400] =	vst v63  }
0xf4: {  	s23 =	sadd.s32 $0x100, s11;
	s3 =	sshll.u32 s20, $0xB;
	s24 =	sadd.s32 $0x80, s12  }
.LBB2_2:
0xf5: {  	[spmem:s2] =	stream.indirect.scatter.add.f32 [tilespmem:s25], [sflag:$0x6], $0x80, s7, s19, $0xb8;
	[tilespmem:$0x1D400] =	vst v63  }
0xf6: {  	s9 =	smov.u32 s5;
	s7 =	smov.u32 s3  }
0xf7: {  	s15 =	sadd.s32 $0x1, s5;
	s8 =	sshll.u32 s20, $0xA;
	s20 =	sand.u32 $0x1, s9  }
0xf8: {  	[tilespmem:s8], [sflag:$0x7] =	stream.linear.gather [hbm4b:s24+s4], $0x400, $0x38;
	[tilespmem:$0x1D400] =	vst v63  }
0xf9: {  	p0 =	sne.s32 s5, $0x9;
	s3 =	sshll.u32 s20, $0xB;
	_ =	swait.ge [sflag:s14], $0x400  }
0xfa: {  	[sflag:s14] =	ssyncset.done $0x0  }
0xfb: {  	s5 =	sadd.s32 $0x800, s7;
	[sflag:s14] =	ssyncadd.s32 $0xFFFFFC00  }
0xfc: {  	[tilespmem:s5], [sflag:$0x7] =	stream.linear.gather [hbm4b:s23+s4], $0x800, $0x38;
	[tilespmem:$0x1D400] =	vst v63  }
0xfd: {  	_ =	swait.ge [sflag:s14], $0x800  }
0xfe: {  	[sflag:s14] =	ssyncset.done $0x0  }
0xff: {  	[sflag:s14] =	ssyncadd.s32 $0xFFFFF800  }
0x100: {  	_ =	swait.ge [sflag:s26], $0x2000  }
0x101: {  	[sflag:s26] =	ssyncset.done $0x0  }
0x102: {  	[sflag:s26] =	ssyncadd.s32 $0xFFFFE000  }
0x103: {  	_ =	swait.ge [sflag:s28], $0x2000  }
0x104: {  	[sflag:s28] =	ssyncset.done $0x0  }
0x105: {  	[sflag:s28] =	ssyncadd.s32 $0xFFFFE000  }
0x106: {  	[tilespmem:s17], [sflag:$0x1] =	stream.indirect.gather [hbm4b:s1+s16], $0x80, s8, s16, $0xb8;
	[tilespmem:$0x1D400] =	vst v63  }
0x107: {  	_ =	swait.ge [sflag:s30], $0x2000  }
0x108: {  	[sflag:s30] =	ssyncset.done $0x0  }
0x109: {  	[sflag:s30] =	ssyncadd.s32 $0xFFFFE000  }
0x10a: {  	_ =	swait.ge [sflag:s31], $0x2000  }
0x10b: {  	[sflag:s31] =	ssyncset.done $0x0  }
0x10c: {  	s9 =	sor.u32 $0x80, s8;
	[sflag:s31] =	ssyncadd.s32 $0xFFFFE000  }
0x10d: {  	[tilespmem:s18], [sflag:$0x2] =	stream.indirect.gather [hbm4b:s1+s16], $0x80, s9, s16, $0xb8;
	[tilespmem:$0x1D400] =	vst v63  }
0x10e: {  	_ =	swait.ge [sflag:s29], $0x4000  }
0x10f: {  	[sflag:s29] =	ssyncset.done $0x0  }
0x110: {  	[sflag:s29] =	ssyncadd.s32 $0xFFFFC000  }
0x111: {  	[spmem:s2] =	stream.indirect.scatter.add.f32 [tilespmem:s17], [sflag:$0x3], $0x80, s5, s19, $0xb8;
	[tilespmem:$0x1D400] =	vst v63  }
0x112: {  	s5 =	sadd.s32 $0x880, s7  }
0x113: {  	[spmem:s2] =	stream.indirect.scatter.add.f32 [tilespmem:s21], [sflag:$0x4], $0x80, s5, s19, $0xb8;
	[tilespmem:$0x1D400] =	vst v63  }
0x114: {  	_ =	swait.ge [sflag:s22], $0x4000  }
0x115: {  	[sflag:s22] =	ssyncset.done $0x0  }
0x116: {  	s5 =	sadd.s32 $0x900, s7;
	[sflag:s22] =	ssyncadd.s32 $0xFFFFC000  }
0x117: {  	[spmem:s2] =	stream.indirect.scatter.add.f32 [tilespmem:s18], [sflag:$0x5], $0x80, s5, s19, $0xb8;
	[tilespmem:$0x1D400] =	vst v63  }
0x118: {  	s5 =	sadd.s32 $0x980, s7  }
0x119: {  	[spmem:s2] =	stream.indirect.scatter.add.f32 [tilespmem:s25], [sflag:$0x6], $0x80, s5, s19, $0xb8;
	[tilespmem:$0x1D400] =	vst v63  }
0x11a: {  	_ =	swait.ge [sflag:s26], $0x2000  }
0x11b: {  	[sflag:s26] =	ssyncset.done $0x0  }
0x11c: {  	[sflag:s26] =	ssyncadd.s32 $0xFFFFE000  }
0x11d: {  	_ =	swait.ge [sflag:s28], $0x2000  }
0x11e: {  	[sflag:s28] =	ssyncset.done $0x0  }
0x11f: {  	s5 =	sor.u32 $0x100, s8;
	[sflag:s28] =	ssyncadd.s32 $0xFFFFE000  }
0x120: {  	[tilespmem:s17], [sflag:$0x1] =	stream.indirect.gather [hbm4b:s1+s16], $0x80, s5, s16, $0xb8;
	[tilespmem:$0x1D400] =	vst v63  }
0x121: {  	_ =	swait.ge [sflag:s30], $0x2000  }
0x122: {  	[sflag:s30] =	ssyncset.done $0x0  }
0x123: {  	[sflag:s30] =	ssyncadd.s32 $0xFFFFE000  }
0x124: {  	_ =	swait.ge [sflag:s31], $0x2000  }
0x125: {  	[sflag:s31] =	ssyncset.done $0x0  }
0x126: {  	s5 =	sor.u32 $0x180, s8;
	[sflag:s31] =	ssyncadd.s32 $0xFFFFE000  }
0x127: {  	[tilespmem:s18], [sflag:$0x2] =	stream.indirect.gather [hbm4b:s1+s16], $0x80, s5, s16, $0xb8;
	[tilespmem:$0x1D400] =	vst v63  }
0x128: {  	_ =	swait.ge [sflag:s29], $0x4000  }
0x129: {  	[sflag:s29] =	ssyncset.done $0x0  }
0x12a: {  	s5 =	sadd.s32 $0xA00, s7;
	[sflag:s29] =	ssyncadd.s32 $0xFFFFC000  }
0x12b: {  	[spmem:s2] =	stream.indirect.scatter.add.f32 [tilespmem:s17], [sflag:$0x3], $0x80, s5, s19, $0xb8;
	[tilespmem:$0x1D400] =	vst v63  }
0x12c: {  	s5 =	sadd.s32 $0xA80, s7  }
0x12d: {  	[spmem:s2] =	stream.indirect.scatter.add.f32 [tilespmem:s21], [sflag:$0x4], $0x80, s5, s19, $0xb8;
	[tilespmem:$0x1D400] =	vst v63  }
0x12e: {  	_ =	swait.ge [sflag:s22], $0x4000  }
0x12f: {  	[sflag:s22] =	ssyncset.done $0x0  }
0x130: {  	s5 =	sadd.s32 $0xB00, s7;
	[sflag:s22] =	ssyncadd.s32 $0xFFFFC000  }
0x131: {  	[spmem:s2] =	stream.indirect.scatter.add.f32 [tilespmem:s18], [sflag:$0x5], $0x80, s5, s19, $0xb8;
	[tilespmem:$0x1D400] =	vst v63  }
0x132: {  	s5 =	sadd.s32 $0xB80, s7  }
0x133: {  	[spmem:s2] =	stream.indirect.scatter.add.f32 [tilespmem:s25], [sflag:$0x6], $0x80, s5, s19, $0xb8;
	[tilespmem:$0x1D400] =	vst v63  }
0x134: {  	_ =	swait.ge [sflag:s26], $0x2000  }
0x135: {  	[sflag:s26] =	ssyncset.done $0x0  }
0x136: {  	[sflag:s26] =	ssyncadd.s32 $0xFFFFE000  }
0x137: {  	_ =	swait.ge [sflag:s28], $0x2000  }
0x138: {  	[sflag:s28] =	ssyncset.done $0x0  }
0x139: {  	s5 =	sor.u32 $0x200, s8;
	[sflag:s28] =	ssyncadd.s32 $0xFFFFE000  }
0x13a: {  	[tilespmem:s17], [sflag:$0x1] =	stream.indirect.gather [hbm4b:s1+s16], $0x80, s5, s16, $0xb8;
	[tilespmem:$0x1D400] =	vst v63  }
0x13b: {  	_ =	swait.ge [sflag:s30], $0x2000  }
0x13c: {  	[sflag:s30] =	ssyncset.done $0x0  }
0x13d: {  	[sflag:s30] =	ssyncadd.s32 $0xFFFFE000  }
0x13e: {  	_ =	swait.ge [sflag:s31], $0x2000  }
0x13f: {  	[sflag:s31] =	ssyncset.done $0x0  }
0x140: {  	s5 =	sor.u32 $0x280, s8;
	[sflag:s31] =	ssyncadd.s32 $0xFFFFE000  }
0x141: {  	[tilespmem:s18], [sflag:$0x2] =	stream.indirect.gather [hbm4b:s1+s16], $0x80, s5, s16, $0xb8;
	[tilespmem:$0x1D400] =	vst v63  }
0x142: {  	_ =	swait.ge [sflag:s29], $0x4000  }
0x143: {  	[sflag:s29] =	ssyncset.done $0x0  }
0x144: {  	s5 =	sadd.s32 $0xC00, s7;
	[sflag:s29] =	ssyncadd.s32 $0xFFFFC000  }
0x145: {  	[spmem:s2] =	stream.indirect.scatter.add.f32 [tilespmem:s17], [sflag:$0x3], $0x80, s5, s19, $0xb8;
	[tilespmem:$0x1D400] =	vst v63  }
0x146: {  	s5 =	sadd.s32 $0xC80, s7  }
0x147: {  	[spmem:s2] =	stream.indirect.scatter.add.f32 [tilespmem:s21], [sflag:$0x4], $0x80, s5, s19, $0xb8;
	[tilespmem:$0x1D400] =	vst v63  }
0x148: {  	_ =	swait.ge [sflag:s22], $0x4000  }
0x149: {  	[sflag:s22] =	ssyncset.done $0x0  }
0x14a: {  	s5 =	sadd.s32 $0xD00, s7;
	[sflag:s22] =	ssyncadd.s32 $0xFFFFC000  }
0x14b: {  	[spmem:s2] =	stream.indirect.scatter.add.f32 [tilespmem:s18], [sflag:$0x5], $0x80, s5, s19, $0xb8;
	[tilespmem:$0x1D400] =	vst v63  }
0x14c: {  	s5 =	sadd.s32 $0xD80, s7  }
0x14d: {  	[spmem:s2] =	stream.indirect.scatter.add.f32 [tilespmem:s25], [sflag:$0x6], $0x80, s5, s19, $0xb8;
	[tilespmem:$0x1D400] =	vst v63  }
0x14e: {  	_ =	swait.ge [sflag:s26], $0x2000  }
0x14f: {  	[sflag:s26] =	ssyncset.done $0x0  }
0x150: {  	[sflag:s26] =	ssyncadd.s32 $0xFFFFE000  }
0x151: {  	_ =	swait.ge [sflag:s28], $0x2000  }
0x152: {  	[sflag:s28] =	ssyncset.done $0x0  }
0x153: {  	s5 =	sor.u32 $0x300, s8;
	[sflag:s28] =	ssyncadd.s32 $0xFFFFE000  }
0x154: {  	[tilespmem:s17], [sflag:$0x1] =	stream.indirect.gather [hbm4b:s1+s16], $0x80, s5, s16, $0xb8;
	[tilespmem:$0x1D400] =	vst v63  }
0x155: {  	_ =	swait.ge [sflag:s30], $0x2000  }
0x156: {  	[sflag:s30] =	ssyncset.done $0x0  }
0x157: {  	[sflag:s30] =	ssyncadd.s32 $0xFFFFE000  }
0x158: {  	_ =	swait.ge [sflag:s31], $0x2000  }
0x159: {  	[sflag:s31] =	ssyncset.done $0x0  }
0x15a: {  	s5 =	sor.u32 $0x380, s8;
	[sflag:s31] =	ssyncadd.s32 $0xFFFFE000  }
0x15b: {  	[tilespmem:s18], [sflag:$0x2] =	stream.indirect.gather [hbm4b:s1+s16], $0x80, s5, s16, $0xb8;
	[tilespmem:$0x1D400] =	vst v63  }
0x15c: {  	_ =	swait.ge [sflag:s29], $0x4000  }
0x15d: {  	[sflag:s29] =	ssyncset.done $0x0  }
0x15e: {  	s5 =	sadd.s32 $0xE00, s7;
	[sflag:s29] =	ssyncadd.s32 $0xFFFFC000  }
0x15f: {  	[spmem:s2] =	stream.indirect.scatter.add.f32 [tilespmem:s17], [sflag:$0x3], $0x80, s5, s19, $0xb8;
	[tilespmem:$0x1D400] =	vst v63  }
0x160: {  	s5 =	sadd.s32 $0xE80, s7  }
0x161: {  	[spmem:s2] =	stream.indirect.scatter.add.f32 [tilespmem:s21], [sflag:$0x4], $0x80, s5, s19, $0xb8;
	[tilespmem:$0x1D400] =	vst v63  }
.Ltmp0:
0x162: {  	_ =	swait.ge [sflag:s22], $0x4000;
	(pc) =	sbr.rel @p0 .LBB2_2-.Ltmp0, $4  }
0x163: {  	[sflag:s22] =	ssyncset.done $0x0  }
0x164: {  	s24 =	sadd.s32 $0x80, s24;
	s5 =	sadd.s32 $0xF00, s7;
	[sflag:s22] =	ssyncadd.s32 $0xFFFFC000  }
0x165: {  	[spmem:s2] =	stream.indirect.scatter.add.f32 [tilespmem:s18], [sflag:$0x5], $0x80, s5, s19, $0xb8;
	[tilespmem:$0x1D400] =	vst v63  }
0x166: {  	s23 =	sadd.s32 $0x100, s23;
	s7 =	sadd.s32 $0xF80, s7;
	s5 =	smov.u32 s15  }
0x167: {  	[spmem:s2] =	stream.indirect.scatter.add.f32 [tilespmem:s25], [sflag:$0x6], $0x80, s7, s19, $0xb8;
	[tilespmem:$0x1D400] =	vst v63  }
0x168: {  	s5 =	sshll.u32 s20, $0xA  }
0x169: {  	[tilespmem:s5], [sflag:$0x7] =	stream.linear.gather [hbm4b:s24+s4], $0x400, $0x38;
	[tilespmem:$0x1D400] =	vst v63  }
0x16a: {  	_ =	swait.ge [sflag:s14], $0x400  }
0x16b: {  	[sflag:s14] =	ssyncset.done $0x0  }
0x16c: {  	s15 =	sadd.s32 $0x800, s3;
	[sflag:s14] =	ssyncadd.s32 $0xFFFFFC00  }
0x16d: {  	[tilespmem:s15], [sflag:$0x7] =	stream.linear.gather [hbm4b:s23+s4], $0x800, $0x38;
	[tilespmem:$0x1D400] =	vst v63  }
0x16e: {  	_ =	swait.ge [sflag:s14], $0x800  }
0x16f: {  	[sflag:s14] =	ssyncset.done $0x0  }
0x170: {  	[sflag:s14] =	ssyncadd.s32 $0xFFFFF800  }
0x171: {  	_ =	swait.ge [sflag:s26], $0x2000  }
0x172: {  	[sflag:s26] =	ssyncset.done $0x0  }
0x173: {  	[sflag:s26] =	ssyncadd.s32 $0xFFFFE000  }
0x174: {  	_ =	swait.ge [sflag:s28], $0x2000  }
0x175: {  	[sflag:s28] =	ssyncset.done $0x0  }
0x176: {  	[sflag:s28] =	ssyncadd.s32 $0xFFFFE000  }
0x177: {  	[tilespmem:s17], [sflag:$0x1] =	stream.indirect.gather [hbm4b:s1+s16], $0x80, s5, s16, $0xb8;
	[tilespmem:$0x1D400] =	vst v63  }
0x178: {  	_ =	swait.ge [sflag:s30], $0x2000  }
0x179: {  	[sflag:s30] =	ssyncset.done $0x0  }
0x17a: {  	[sflag:s30] =	ssyncadd.s32 $0xFFFFE000  }
0x17b: {  	_ =	swait.ge [sflag:s31], $0x2000  }
0x17c: {  	[sflag:s31] =	ssyncset.done $0x0  }
0x17d: {  	s8 =	sor.u32 $0x80, s5;
	[sflag:s31] =	ssyncadd.s32 $0xFFFFE000  }
0x17e: {  	[tilespmem:s18], [sflag:$0x2] =	stream.indirect.gather [hbm4b:s1+s16], $0x80, s8, s16, $0xb8;
	[tilespmem:$0x1D400] =	vst v63  }
0x17f: {  	_ =	swait.ge [sflag:s29], $0x4000  }
0x180: {  	[sflag:s29] =	ssyncset.done $0x0  }
0x181: {  	[sflag:s29] =	ssyncadd.s32 $0xFFFFC000  }
0x182: {  	[spmem:s2] =	stream.indirect.scatter.add.f32 [tilespmem:s17], [sflag:$0x3], $0x80, s15, s19, $0xb8;
	[tilespmem:$0x1D400] =	vst v63  }
0x183: {  	s20 =	sadd.s32 $0x880, s3  }
0x184: {  	[spmem:s2] =	stream.indirect.scatter.add.f32 [tilespmem:s21], [sflag:$0x4], $0x80, s20, s19, $0xb8;
	[tilespmem:$0x1D400] =	vst v63  }
0x185: {  	_ =	swait.ge [sflag:s22], $0x4000  }
0x186: {  	[sflag:s22] =	ssyncset.done $0x0  }
0x187: {  	s23 =	sadd.s32 $0x900, s3;
	[sflag:s22] =	ssyncadd.s32 $0xFFFFC000  }
0x188: {  	[spmem:s2] =	stream.indirect.scatter.add.f32 [tilespmem:s18], [sflag:$0x5], $0x80, s23, s19, $0xb8;
	[tilespmem:$0x1D400] =	vst v63  }
0x189: {  	s24 =	sadd.s32 $0x980, s3  }
0x18a: {  	[spmem:s2] =	stream.indirect.scatter.add.f32 [tilespmem:s25], [sflag:$0x6], $0x80, s24, s19, $0xb8;
	[tilespmem:$0x1D400] =	vst v63  }
0x18b: {  	_ =	swait.ge [sflag:s26], $0x2000  }
0x18c: {  	[sflag:s26] =	ssyncset.done $0x0  }
0x18d: {  	[sflag:s26] =	ssyncadd.s32 $0xFFFFE000  }
0x18e: {  	_ =	swait.ge [sflag:s28], $0x2000  }
0x18f: {  	[sflag:s28] =	ssyncset.done $0x0  }
0x190: {  	s8 =	sor.u32 $0x100, s5;
	[sflag:s28] =	ssyncadd.s32 $0xFFFFE000  }
0x191: {  	[tilespmem:s17], [sflag:$0x1] =	stream.indirect.gather [hbm4b:s1+s16], $0x80, s8, s16, $0xb8;
	[tilespmem:$0x1D400] =	vst v63  }
0x192: {  	_ =	swait.ge [sflag:s30], $0x2000  }
0x193: {  	[sflag:s30] =	ssyncset.done $0x0  }
0x194: {  	[sflag:s30] =	ssyncadd.s32 $0xFFFFE000  }
0x195: {  	_ =	swait.ge [sflag:s31], $0x2000  }
0x196: {  	[sflag:s31] =	ssyncset.done $0x0  }
0x197: {  	s9 =	sor.u32 $0x180, s5;
	[sflag:s31] =	ssyncadd.s32 $0xFFFFE000  }
0x198: {  	[tilespmem:s18], [sflag:$0x2] =	stream.indirect.gather [hbm4b:s1+s16], $0x80, s9, s16, $0xb8;
	[tilespmem:$0x1D400] =	vst v63  }
0x199: {  	_ =	swait.ge [sflag:s29], $0x4000  }
0x19a: {  	[sflag:s29] =	ssyncset.done $0x0  }
0x19b: {  	s15 =	sadd.s32 $0xA00, s3;
	[sflag:s29] =	ssyncadd.s32 $0xFFFFC000  }
0x19c: {  	[spmem:s2] =	stream.indirect.scatter.add.f32 [tilespmem:s17], [sflag:$0x3], $0x80, s15, s19, $0xb8;
	[tilespmem:$0x1D400] =	vst v63  }
0x19d: {  	s20 =	sadd.s32 $0xA80, s3  }
0x19e: {  	[spmem:s2] =	stream.indirect.scatter.add.f32 [tilespmem:s21], [sflag:$0x4], $0x80, s20, s19, $0xb8;
	[tilespmem:$0x1D400] =	vst v63  }
0x19f: {  	_ =	swait.ge [sflag:s22], $0x4000  }
0x1a0: {  	[sflag:s22] =	ssyncset.done $0x0  }
0x1a1: {  	s23 =	sadd.s32 $0xB00, s3;
	[sflag:s22] =	ssyncadd.s32 $0xFFFFC000  }
0x1a2: {  	[spmem:s2] =	stream.indirect.scatter.add.f32 [tilespmem:s18], [sflag:$0x5], $0x80, s23, s19, $0xb8;
	[tilespmem:$0x1D400] =	vst v63  }
0x1a3: {  	s24 =	sadd.s32 $0xB80, s3  }
0x1a4: {  	[spmem:s2] =	stream.indirect.scatter.add.f32 [tilespmem:s25], [sflag:$0x6], $0x80, s24, s19, $0xb8;
	[tilespmem:$0x1D400] =	vst v63  }
0x1a5: {  	_ =	swait.ge [sflag:s26], $0x2000  }
0x1a6: {  	[sflag:s26] =	ssyncset.done $0x0  }
0x1a7: {  	[sflag:s26] =	ssyncadd.s32 $0xFFFFE000  }
0x1a8: {  	_ =	swait.ge [sflag:s28], $0x2000  }
0x1a9: {  	[sflag:s28] =	ssyncset.done $0x0  }
0x1aa: {  	s8 =	sor.u32 $0x200, s5;
	[sflag:s28] =	ssyncadd.s32 $0xFFFFE000  }
0x1ab: {  	[tilespmem:s17], [sflag:$0x1] =	stream.indirect.gather [hbm4b:s1+s16], $0x80, s8, s16, $0xb8;
	[tilespmem:$0x1D400] =	vst v63  }
0x1ac: {  	_ =	swait.ge [sflag:s30], $0x2000  }
0x1ad: {  	[sflag:s30] =	ssyncset.done $0x0  }
0x1ae: {  	[sflag:s30] =	ssyncadd.s32 $0xFFFFE000  }
0x1af: {  	_ =	swait.ge [sflag:s31], $0x2000  }
0x1b0: {  	[sflag:s31] =	ssyncset.done $0x0  }
0x1b1: {  	s9 =	sor.u32 $0x280, s5;
	[sflag:s31] =	ssyncadd.s32 $0xFFFFE000  }
0x1b2: {  	[tilespmem:s18], [sflag:$0x2] =	stream.indirect.gather [hbm4b:s1+s16], $0x80, s9, s16, $0xb8;
	[tilespmem:$0x1D400] =	vst v63  }
0x1b3: {  	_ =	swait.ge [sflag:s29], $0x4000  }
0x1b4: {  	[sflag:s29] =	ssyncset.done $0x0  }
0x1b5: {  	s15 =	sadd.s32 $0xC00, s3;
	[sflag:s29] =	ssyncadd.s32 $0xFFFFC000  }
0x1b6: {  	[spmem:s2] =	stream.indirect.scatter.add.f32 [tilespmem:s17], [sflag:$0x3], $0x80, s15, s19, $0xb8;
	[tilespmem:$0x1D400] =	vst v63  }
0x1b7: {  	s20 =	sadd.s32 $0xC80, s3  }
0x1b8: {  	[spmem:s2] =	stream.indirect.scatter.add.f32 [tilespmem:s21], [sflag:$0x4], $0x80, s20, s19, $0xb8;
	[tilespmem:$0x1D400] =	vst v63  }
0x1b9: {  	_ =	swait.ge [sflag:s22], $0x4000  }
0x1ba: {  	[sflag:s22] =	ssyncset.done $0x0  }
0x1bb: {  	s23 =	sadd.s32 $0xD00, s3;
	[sflag:s22] =	ssyncadd.s32 $0xFFFFC000  }
0x1bc: {  	[spmem:s2] =	stream.indirect.scatter.add.f32 [tilespmem:s18], [sflag:$0x5], $0x80, s23, s19, $0xb8;
	[tilespmem:$0x1D400] =	vst v63  }
0x1bd: {  	s24 =	sadd.s32 $0xD80, s3  }
0x1be: {  	[spmem:s2] =	stream.indirect.scatter.add.f32 [tilespmem:s25], [sflag:$0x6], $0x80, s24, s19, $0xb8;
	[tilespmem:$0x1D400] =	vst v63  }
0x1bf: {  	_ =	swait.ge [sflag:s26], $0x2000  }
0x1c0: {  	[sflag:s26] =	ssyncset.done $0x0  }
0x1c1: {  	[sflag:s26] =	ssyncadd.s32 $0xFFFFE000  }
0x1c2: {  	_ =	swait.ge [sflag:s28], $0x2000  }
0x1c3: {  	[sflag:s28] =	ssyncset.done $0x0  }
0x1c4: {  	s8 =	sor.u32 $0x300, s5;
	[sflag:s28] =	ssyncadd.s32 $0xFFFFE000  }
0x1c5: {  	[tilespmem:s17], [sflag:$0x1] =	stream.indirect.gather [hbm4b:s1+s16], $0x80, s8, s16, $0xb8;
	[tilespmem:$0x1D400] =	vst v63  }
0x1c6: {  	_ =	swait.ge [sflag:s30], $0x2000  }
0x1c7: {  	[sflag:s30] =	ssyncset.done $0x0  }
0x1c8: {  	[sflag:s30] =	ssyncadd.s32 $0xFFFFE000  }
0x1c9: {  	_ =	swait.ge [sflag:s31], $0x2000  }
0x1ca: {  	[sflag:s31] =	ssyncset.done $0x0  }
0x1cb: {  	s5 =	sor.u32 $0x380, s5;
	[sflag:s31] =	ssyncadd.s32 $0xFFFFE000  }
0x1cc: {  	[tilespmem:s18], [sflag:$0x2] =	stream.indirect.gather [hbm4b:s1+s16], $0x80, s5, s16, $0xb8;
	[tilespmem:$0x1D400] =	vst v63  }
0x1cd: {  	_ =	swait.ge [sflag:s29], $0x4000  }
0x1ce: {  	[sflag:s29] =	ssyncset.done $0x0  }
0x1cf: {  	s9 =	sadd.s32 $0xE00, s3;
	[sflag:s29] =	ssyncadd.s32 $0xFFFFC000  }
0x1d0: {  	[spmem:s2] =	stream.indirect.scatter.add.f32 [tilespmem:s17], [sflag:$0x3], $0x80, s9, s19, $0xb8;
	[tilespmem:$0x1D400] =	vst v63  }
0x1d1: {  	s15 =	sadd.s32 $0xE80, s3  }
0x1d2: {  	[spmem:s2] =	stream.indirect.scatter.add.f32 [tilespmem:s21], [sflag:$0x4], $0x80, s15, s19, $0xb8;
	[tilespmem:$0x1D400] =	vst v63  }
0x1d3: {  	_ =	swait.ge [sflag:s22], $0x4000  }
0x1d4: {  	[sflag:s22] =	ssyncset.done $0x0  }
0x1d5: {  	s20 =	sadd.s32 $0xF00, s3;
	[sflag:s22] =	ssyncadd.s32 $0xFFFFC000  }
0x1d6: {  	[spmem:s2] =	stream.indirect.scatter.add.f32 [tilespmem:s18], [sflag:$0x5], $0x80, s20, s19, $0xb8;
	[tilespmem:$0x1D400] =	vst v63  }
0x1d7: {  	s23 =	sadd.s32 $0xF80, s3  }
0x1d8: {  	[spmem:s2] =	stream.indirect.scatter.add.f32 [tilespmem:s25], [sflag:$0x6], $0x80, s23, s19, $0xb8;
	[tilespmem:$0x1D400] =	vst v63  }
0x1d9: {  	_ =	swait.ge [sflag:s26], $0x2000  }
0x1da: {  	[sflag:s26] =	ssyncset.done $0x0  }
0x1db: {  	[sflag:s26] =	ssyncadd.s32 $0xFFFFE000  }
0x1dc: {  	_ =	swait.ge [sflag:s28], $0x2000  }
0x1dd: {  	[sflag:s28] =	ssyncset.done $0x0  }
0x1de: {  	[sflag:s28] =	ssyncadd.s32 $0xFFFFE000  }
0x1df: {  	_ =	swait.ge [sflag:s30], $0x2000  }
0x1e0: {  	[sflag:s30] =	ssyncset.done $0x0  }
0x1e1: {  	[sflag:s30] =	ssyncadd.s32 $0xFFFFE000  }
0x1e2: {  	_ =	swait.ge [sflag:s31], $0x2000  }
0x1e3: {  	[sflag:s31] =	ssyncset.done $0x0  }
0x1e4: {  	s0 =	sadd.s32 $0x1, s0;
	[sflag:s31] =	ssyncadd.s32 $0xFFFFE000  }
0x1e5: {  	p0 =	sne.s32 s0, s10;
	[bflag:$0x0] =	sbarrier.arrive $0xFFFF  }
.Ltmp1:
0x1e6: {  	s24 =	rddreg [dreg:$0x7];
	(pc) =	sbr.rel @p0 .LBB2_1-.Ltmp1, $4  }
0x1e7: {  	[hbm:s24], [sflag:s6] =	dma.local [spmem:s13], $0x2780  }
0x1e8: {  	_ =	swait.ge [sflag:s14], $0x2780  }
0x1e9: {  	[sflag:s14] =	ssyncset.done $0x0  }
0x1ea: {  	[sflag:s14] =	ssyncadd.s32 $0xFFFFD880  }
0x1eb: {  	_ =	sfence.sel $0x180000  }
0x1ec: {  	[bflag:$0x0] =	sbarrier.arrive $0xFFFF  }
0x1ed: {  	_ =	strace $0x90000047  }
0x1ee: {  	s0 =	stileid.u32;
	[bflag:$0x2] =	sbarrier.arrive $0xFFFF  }
0x1ef: {  	p0 =	sne.s32 s0, $0x0;
	s0 =	rddreg [dreg:$0x3]  }
0x1f0: {  	s0 =	sadd.s32 @!p0 $0x100000, s0  }
0x1f1: {  	[sflag:s0] =	ssyncadd.tile.s32 @!p0 $0x1;
	_ =	shalt  }
.Lfunc_end2:
_tile_overlayer_lowered:
.L_overlay_start_2:
0x1f2: {  	(tag) =	ssettag $0x2  }
0x1f3: {  	s0 =	rddreg [dreg:$0x0];
	s2 =	stileid.u32  }
0x1f4: {  	s1 =	rddreg [dreg:$0x1];
	p0 =	sne.s32 s2, $0x0  }
0x1f5: {  	s3 =	rddreg [dreg:$0x2];
	[bflag:$0x3] =	sbarrier.arrive $0xFFFF;
	s2 =	simm.s32 @!p0 $0x1C07  }
0x1f6: {  	[timem:s3], [sflag:s2] =	dma.local @!p0 [hbm:s0], s1  }
0x1f7: {  	s0 =	simm.s32 @!p0 $0x7  }
0x1f8: {  	_ =	swait.ge @!p0 [sflag:s0], s1  }
0x1f9: {  	s1 =	ssub.s32 @!p0 $0x0, s1;
	[sflag:s0] =	ssyncset.done @!p0 $0x0  }
0x1fa: {  	[sflag:s0] =	ssyncadd.s32 @!p0 s1  }
0x1fb: {  	[bflag:$0x3] =	sbarrier.arrive $0xFFFF  }
0x1fc: {  	_ =	shalt  }

// kernel: kernel.9.cloned.1.call-start
scs
__scs_entry_jumppad:
0x0: {  	(pc) =	sbr.rel $0x88, $3  }
0x1: {  	(tag) =	ssettag $0x0;
	lr =	simm.s32 $0x1  }
0x2: {  	[smem:$0x3F93] =	sst lr;
	_ =	strace $0xD0000000  }
0x3: {  	_ = 	snop  }
0x4: {  	_ = 	snop  }
0x5: {  	_ = 	snop  }
0x6: {  	_ = 	snop  }
0x7: {  	_ = 	snop  }
__scs_overlays_trampoline_lowered:
0x8: {  	[smem:$0x3FA2] =	sst s0  }
0x9: {  	[smem:$0x3FA3] =	sst s1  }
0xa: {  	[smem:$0x3FA4] =	sst s2  }
0xb: {  	[smem:$0x3FA5] =	sst s3  }
0xc: {  	[smem:$0x3FA6] =	sst s4  }
0xd: {  	[smem:$0x3FA7] =	sst s5  }
0xe: {  	[smem:$0x3FA8] =	sst s6  }
0xf: {  	[smem:$0x3FA9] =	sst s7  }
0x10: {  	[smem:$0x3FAA] =	sst s8  }
0x11: {  	[smem:$0x3FAB] =	sst s9;
	s0 =	simm.s32 @!p0 $0x0  }
0x12: {  	s1 =	sld [smem:$0x3F91];
	s0 =	simm.s32 @p0 $0x1  }
0x13: {  	[smem:$0x3FAC] =	sst s0;
	s0 =	simm.s32 @!p1 $0x0  }
0x14: {  	s2 =	sld [smem:$0x3F90];
	s0 =	simm.s32 @p1 $0x1  }
0x15: {  	[smem:$0x3FAD] =	sst s0;
	s0 =	simm.s32 @!p2 $0x0  }
0x16: {  	s3 =	sld [smem:$0x3FDB];
	s0 =	simm.s32 @p2 $0x1  }
0x17: {  	s4 =	simm.s32 $0x1BF5;
	[smem:$0x3FAF] =	sst s0  }
0x18: {  	s0 =	sld [smem:$0x3F92];
	_ =	swait.ge [sflag:s4], $0x0  }
0x19: {  	s7 =	sld [smem:$0x3F93]  }
0x1a: {  	s8 =	sadd.s32 $0xFFFFE003, lr  }
0x1b: {  	s9 =	sadd.s32 $0xFFFFFEF7, lr;
	s5 =	simm.s32 $0xFFFFFFFF;
	p2 =	slt.u32 s8, $0xFFFFF086  }
0x1c: {  	p1 =	slt.u32 s9, $0xF7A;
	s5 =	simm.s32 @!p2 $0x0  }
0x1d: {  	s5 =	simm.s32 @p1 $0x1;
	p0 =	seq.s32 s7, s2  }
0x1e: {  	s7 =	smul.u32 @!p0 $0xF7A, s2;
	p2 =	seq.s32 @!p0 s5, $0x0  }
0x1f: {  	s9 =	smul.u32 $0xF7A, s1;
	s8 =	simm.s32 @!p0 $0x1BF5;
	p2 =	por !p2, p0  }
0x20: {  	[sflag:s8] =	ssyncset.s32 @!p0 $0xFFFFF086;
	s6 =	sadd.s32 @!p0 s3, s7;
	s7 =	simm.s32 @!p0 $0x108  }
0x21: {  	s3 =	sadd.s32 s3, s9;
	s6 =	sadd.s32 @!p0 $0x88, s6;
	s7 =	simm.s32 @p2 $0x1082  }
0x22: {  	[simem:s7], [sflag:s8] =	dma.local @!p0 [hbm:s6], $0xF7A  }
0x23: {  	s9 =	sor.u32 $0xD0000000, s2;
	s6 =	simm.s32 $0x108;
	_ =	swait.ge @!p0 [sflag:s8], $0x0  }
0x24: {  	s3 =	sadd.s32 $0x88, s3;
	s6 =	simm.s32 @!p1 $0x1082;
	[sflag:s4] =	ssyncset.s32 $0xFFFFF086  }
0x25: {  	[simem:s6], [sflag:s4] =	dma.local [hbm:s3], $0xF7A  }
0x26: {  	[smem:$0x3F93] =	sst s1;
	(tag) =	ssettag s2;
	_ =	strace s9  }
0x27: {  	s1 =	sld [smem:$0x3FA3]  }
0x28: {  	s2 =	sld [smem:$0x3FA4]  }
0x29: {  	s4 =	sld [smem:$0x3FA6]  }
0x2a: {  	p0 =	seq.s32 s5, $0x0;
	s5 =	sld [smem:$0x3FA7]  }
0x2b: {  	s6 =	sld [smem:$0x3FA8]  }
0x2c: {  	s7 =	sld [smem:$0x3FA9]  }
0x2d: {  	s3 =	simm.s32 $0x108;
	s8 =	sld [smem:$0x3FAA]  }
0x2e: {  	s3 =	simm.s32 @!p0 $0x1082;
	s9 =	sld [smem:$0x3FAB]  }
0x2f: {  	lr =	sadd.s32 s0, s3;
	s0 =	sld [smem:$0x3FA2]  }
0x30: {  	s3 =	sld [smem:$0x3FA5]  }
0x31: {  	[smem:$0x3FAE] =	sst s10  }
0x32: {  	s10 =	sld [smem:$0x3FAC];
	_ =	sdelay $0x3  }
0x33: {  	p0 =	seq.s32 s10, $0x1;
	s10 =	sld [smem:$0x3FAE];
	_ =	sdelay $0x3  }
0x34: {  	[smem:$0x3FAE] =	sst s10  }
0x35: {  	s10 =	sld [smem:$0x3FAD];
	_ =	sdelay $0x3  }
0x36: {  	p1 =	seq.s32 s10, $0x1;
	s10 =	sld [smem:$0x3FAE];
	_ =	sdelay $0x3  }
0x37: {  	[smem:$0x3FAE] =	sst s10  }
0x38: {  	s10 =	sld [smem:$0x3FAF]  }
0x39: {  	_ = 	snop;
	(pc) =	sbr.ind lr, $3  }
0x3a: {  	_ = 	snop  }
0x3b: {  	_ = 	snop  }
0x3c: {  	p2 =	seq.s32 s10, $0x1;
	s10 =	sld [smem:$0x3FAE]  }
0x3d: {  	_ =	shalt  }
0x3e: {  	_ =	shalt  }
0x3f: {  	_ =	shalt  }
0x40: {  	_ =	shalt  }
0x41: {  	_ =	shalt  }
0x42: {  	_ =	shalt  }
0x43: {  	_ =	shalt  }
0x44: {  	_ =	shalt  }
0x45: {  	_ =	shalt  }
0x46: {  	_ =	shalt  }
0x47: {  	_ =	shalt  }
0x48: {  	_ =	shalt  }
0x49: {  	_ =	shalt  }
0x4a: {  	_ =	shalt  }
0x4b: {  	_ =	shalt  }
0x4c: {  	_ =	shalt  }
0x4d: {  	_ =	shalt  }
0x4e: {  	_ =	shalt  }
0x4f: {  	_ =	shalt  }
0x50: {  	_ =	shalt  }
0x51: {  	_ =	shalt  }
0x52: {  	_ =	shalt  }
0x53: {  	_ =	shalt  }
0x54: {  	_ =	shalt  }
0x55: {  	_ =	shalt  }
0x56: {  	_ =	shalt  }
0x57: {  	_ =	shalt  }
0x58: {  	_ =	shalt  }
0x59: {  	_ =	shalt  }
0x5a: {  	_ =	shalt  }
0x5b: {  	_ =	shalt  }
0x5c: {  	_ =	shalt  }
0x5d: {  	_ =	shalt  }
0x5e: {  	_ =	shalt  }
0x5f: {  	_ =	shalt  }
0x60: {  	_ =	shalt  }
0x61: {  	_ =	shalt  }
0x62: {  	_ =	shalt  }
0x63: {  	_ =	shalt  }
0x64: {  	_ =	shalt  }
0x65: {  	_ =	shalt  }
0x66: {  	_ =	shalt  }
0x67: {  	_ =	shalt  }
0x68: {  	_ =	shalt  }
0x69: {  	_ =	shalt  }
0x6a: {  	_ =	shalt  }
0x6b: {  	_ =	shalt  }
0x6c: {  	_ =	shalt  }
0x6d: {  	_ =	shalt  }
0x6e: {  	_ =	shalt  }
0x6f: {  	_ =	shalt  }
0x70: {  	_ =	shalt  }
0x71: {  	_ =	shalt  }
0x72: {  	_ =	shalt  }
0x73: {  	_ =	shalt  }
0x74: {  	_ =	shalt  }
0x75: {  	_ =	shalt  }
0x76: {  	_ =	shalt  }
0x77: {  	_ =	shalt  }
0x78: {  	_ =	shalt  }
0x79: {  	_ =	shalt  }
0x7a: {  	_ =	shalt  }
0x7b: {  	_ =	shalt  }
0x7c: {  	_ =	shalt  }
0x7d: {  	_ =	shalt  }
0x7e: {  	_ =	shalt  }
0x7f: {  	_ =	shalt  }
0x80: {  	_ =	shalt  }
0x81: {  	_ =	shalt  }
0x82: {  	_ =	shalt  }
0x83: {  	_ =	shalt  }
0x84: {  	_ =	shalt  }
0x85: {  	_ =	shalt  }
0x86: {  	_ =	shalt  }
0x87: {  	_ =	shalt  }
.Lfunc_end0:
.L_simem_size_0:
called_computation.1_lowered:
.L_overlay_start_0:
0x88: {  	s2 =	sld [smem:$0x3FD9]  }
0x89: {  	s3 =	sld [smem:$0x3FFE];
	_ =	sdelay $0x1  }
0x8a: {  	s1 =	srdreg.scid  }
0x8b: {  	s0 =	sand.u32 $0x1, s1  }
0x8c: {  	s17 =	sshll.u32 s0, $0xA;
	s2 =	sadd.s32 s3, s2  }
0x8d: {  	s2 =	sadd.s32 s2, s17  }
0x8e: {  	[smem:$0x3FBA] =	sst s2  }
0x8f: {  	_ = 	snop  }
0x90: {  	s2 =	sld [smem:$0x3FD0];
	(tm) =	ssettm $0x1  }
0x91: {  	s18 =	sld [smem:$0x3FFB];
	_ =	sdelay $0x3  }
0x92: {  	_ =	strace s18  }
0x93: {  	s3 =	sld [smem:$0x3FFC];
	_ =	sdelay $0x3  }
0x94: {  	_ =	strace s3  }
0x95: {  	s3 =	sld [smem:$0x3FFD];
	_ =	sdelay $0x3  }
0x96: {  	_ =	strace s3  }
0x97: {  	_ =	strace $0x8FFFFFFF  }
0x98: {  	s19 =	sld [smem:$0x3FDB];
	_ =	sdelay $0x1  }
0x99: {  	s4 =	simm.s32 $_scs_section_size  }
0x9a: {  	s5 =	simm.s32 $_size__tile_overlayer_lowered;
	s6 =	simm.s32 $_tile_overlayer_lowered  }
0x9b: {  	s22 =	simm.s32 $0x1BFF;
	s21 =	sshll.u32 s6, $0x1;
	s3 =	sadd.s32 s4, s19  }
0x9c: {  	s7 =	simm.s32 $0x0;
	s20 =	sshll.u32 s5, $0x1;
	s5 =	sadd.s32 s21, s3  }
0x9d: {  	[timem:s7], [sflag:s22] =	dma.local [hbm:s5], s20  }
0x9e: {  	_ =	swait.ge [sflag:s22], s20  }
0x9f: {  	s4 =	ssub.s32 $0x0, s20;
	[sflag:s22] =	ssyncset.done $0x0  }
0xa0: {  	[sflag:s22] =	ssyncadd.s32 s4;
	_ =	sdelay $0x1  }
0xa1: {  	s23 =	simm.s32 $0x1B8B  }
0xa2: {  	_ =	swait.ge [sflag:s23], $0x1  }
0xa3: {  	[sflag:s23] =	ssyncset.done $0x0  }
0xa4: {  	s25 =	simm.s32 $0x1B8E;
	s24 =	sld [smem:$0x3FFE];
	[sflag:s23] =	ssyncadd.s32 $0xFFFFFFFF  }
0xa5: {  	s26 =	simm.s32 $execute0_lowered;
	[smem:$0x3FD2] =	sst s25  }
0xa6: {  	s5 =	sshll.u32 s26, $0x1;
	_ =	strace $0x80000049;
	[dreg:$0x1] =	wrdreg $0xFFFFFFFF  }
0xa7: {  	s28 =	simm.s32 $_size_execute0_lowered;
	s3 =	sadd.s32 s3, s5;
	[dreg:$0x0] =	wrdreg $0x0  }
0xa8: {  	s5 =	sshll.u32 s28, $0x1;
	[dreg:$0x2] =	wrdreg s3  }
0xa9: {  	[dreg:$0x3] =	wrdreg s5  }
0xaa: {  	[dreg:$0x4] =	wrdreg $0xC0  }
0xab: {  	_ =	task [dreg:s7], $0x5FFFF  }
0xac: {  	[dreg:$0x1] =	wrdreg $0xFFFFFFFF  }
0xad: {  	[dreg:$0x0] =	wrdreg $0x60  }
0xae: {  	[dreg:$0x2] =	wrdreg s2  }
0xaf: {  	[dreg:$0x3] =	wrdreg s24  }
0xb0: {  	[dreg:$0x4] =	wrdreg $0x98000  }
0xb1: {  	[dreg:$0x5] =	wrdreg $0x9  }
0xb2: {  	_ =	task.clear_ibuf [dreg:s7], $0x6FFFF;
	_ =	strace $0x90000049  }
0xb3: {  	s29 =	simm.s32 $0x9;
	_ =	strace $0x8000004B  }
0xb4: {  	_ =	swait.ge [sflag:s29], $0x1  }
0xb5: {  	[sflag:s29] =	ssyncadd.s32 $0xFFFFFFFF  }
0xb6: {  	_ =	strace $0x9000004B  }
0xb7: {  	_ =	sfence  }
0xb8: {  	s30 =	sld [smem:$0x0];
	_ =	sdelay $0x2  }
0xb9: {  	s31 =	sshll.u32 s1, $0xD;
	s1 =	sshrl.u32 s1, $0x2  }
0xba: {  	s3 =	sand.u32 $0x4000, s31;
	s1 =	sadd.s32 s1, s30  }
0xbb: {  	s0 =	sor.u32 s3, s0;
	s1 =	sshll.u32 s1, $0x11  }
0xbc: {  	s0 =	sor.u32 s1, s0  }
0xbd: {  	s0 =	sadd.s32 $0x8F2B, s0  }
0xbe: {  	[sflag:s0] =	ssyncadd.remote.s32 $0x1  }
0xbf: {  	_ =	sfence.sel $0xFFFF  }
0xc0: {  	[dreg:$0x0] =	wrdreg $0xFFFFFFFF;
	(pc) =	sbr.abs _section_cstart, $3  }
0xc1: {  	[dreg:$0x1] =	wrdreg $0xFFFFFFFF  }
0xc2: {  	_ =	task.clear_ibuf [dreg:s7], $0x2FFFF;
	_ =	strace $0x9FFFFFFF  }
0xc3: {  	(tm) =	ssettm $0x7FFFFFFF  }
tec
execute0_lowered:
.L_overlay_start_1:
0x0: {  	(tag) =	ssettag $0x1  }
0x1: {  	s1 =	rddreg [dreg:$0x0]  }
0x2: {  	s0 =	rddreg [dreg:$0x1]  }
0x3: {  	s2 =	rddreg [dreg:$0x2];
	s4 =	simm.s32 $0x0;
	s15 =	stileid.u32  }
0x4: {  	s3 =	srdreg.scid;
	s16 =	simm.s32 $0x80;
	s6 =	smul.u32 $0x13C00, s15  }
0x5: {  	s28 =	simm.s32 $0x4;
	s30 =	simm.s32 $0x5;
	s11 =	smul.u32 $0x4F000, s15  }
0x6: {  	s31 =	simm.s32 $0x6;
	s29 =	simm.s32 $0x1;
	s13 =	smul.u32 $0xA000, s15  }
0x7: {  	[smem:$0x7FF] =	sst s4;
	s3 =	sand.u32 $0x1, s3;
	s22 =	smul.u32 $0x5000, s15  }
0x8: {  	s5 =	sadd.s32 $0x2600, s0;
	s7 =	sadd.s32 $0xC600, s0;
	s8 =	smul.u32 $0x13C000, s3  }
0x9: {  	s9 =	sshll.u32 s15, $0x1;
	s23 =	sshll.u32 s15, $0x6;
	s20 =	smul.u32 $0x5000, s3  }
0xa: {  	s9 =	sor.u32 s3, s9;
	s12 =	ssub.s32 $0x2, s3;
	s3 =	smul.u32 $0x2800, s3  }
0xb: {  	_ =	strace $0x8000004A;
	s10 =	sshrl.u32 s6, $0x3;
	s17 =	smul.u32 $0x2800, s9  }
0xc: {  	s9 =	smul.u32 $0x5000, s9;
	s18 =	sshrl.u32 s12, $0x1;
	s19 =	sshrl.u32 s11, $0x2  }
0xd: {  	s10 =	sadd.s32 s10, s0;
	s6 =	sadd.s32 s6, s8;
	s12 =	ssub.s32 s12, s18  }
0xe: {  	s14 =	sadd.s32 s19, s2;
	s25 =	sadd.s32 s20, s13;
	s3 =	sadd.s32 s3, s22  }
0xf: {  	s18 =	simm.s32 $0x5800;
	s19 =	simm.s32 $0x40;
	s22 =	simm.s32 $0x2  }
0x10: {  	s6 =	sshrl.u32 s6, $0x3;
	s21 =	sadd.s32 $0x20600, s10;
	s8 =	sshrl.u32 s17, $0x3  }
0x11: {  	s24 =	sshrl.u32 s9, $0x3;
	s26 =	sor.u32 $0x800, s25;
	s3 =	sor.u32 $0x400, s3  }
0x12: {  	s10 =	smax.u32 s12, $0x1;
	s13 =	sshrl.u32 s14, $0x3;
	s14 =	simm.s32 $0x7  }
0x13: {  	s17 =	simm.s32 $0x1800;
	s25 =	simm.s32 $0x7800;
	s0 =	sadd.s32 s6, s0  }
0x14: {  	[dreg:$0x4] =	wrdreg s21;
	s6 =	sor.u32 $0x1C07, s23;
	s8 =	sadd.s32 s5, s8  }
0x15: {  	s3 =	sshrl.u32 s3, $0x3;
	[dreg:$0x5] =	wrdreg s8;
	s8 =	sadd.s32 s7, s24  }
0x16: {  	s21 =	simm.s32 $0x3800;
	s0 =	sadd.s32 $0x47E00, s0;
	[dreg:$0x6] =	wrdreg s8  }
0x17: {  	s12 =	sadd.s32 s3, s5;
	[dreg:$0x7] =	wrdreg s0;
	s0 =	sshrl.u32 s26, $0x3  }
0x18: {  	s26 =	simm.s32 $0x3;
	s11 =	sadd.s32 s0, s7;
	s0 =	simm.s32 $0x0  }
.LBB2_1:
0x19: {  	s3 =	rddreg [dreg:$0x4]  }
0x1a: {  	[spmem:s13], [sflag:s6] =	dma.local [hbm:s3], $0x2780  }
0x1b: {  	_ =	swait.ge [sflag:s14], $0x2780  }
0x1c: {  	[sflag:s14] =	ssyncset.done $0x0  }
0x1d: {  	[sflag:s14] =	ssyncadd.s32 $0xFFFFD880  }
0x1e: {  	[bflag:$0x0] =	sbarrier.arrive $0xFFFF  }
0x1f: {  	s23 =	rddreg [dreg:$0x5]  }
0x20: {  	[tilespmem:s4], [sflag:$0x7] =	stream.linear.gather [hbm4b:s23+s4], $0x400, $0x38;
	[tilespmem:$0x1D400] =	vst v63  }
0x21: {  	_ =	swait.ge [sflag:s14], $0x400  }
0x22: {  	[sflag:s14] =	ssyncset.done $0x0  }
0x23: {  	s5 =	simm.s32 $0x800;
	s24 =	rddreg [dreg:$0x6];
	[sflag:s14] =	ssyncadd.s32 $0xFFFFFC00  }
0x24: {  	[tilespmem:s5], [sflag:$0x7] =	stream.linear.gather [hbm4b:s24+s4], $0x800, $0x38;
	[tilespmem:$0x1D400] =	vst v63  }
0x25: {  	_ =	swait.ge [sflag:s14], $0x800  }
0x26: {  	[sflag:s14] =	ssyncset.done $0x0  }
0x27: {  	[sflag:s14] =	ssyncadd.s32 $0xFFFFF800  }
0x28: {  	[tilespmem:s17], [sflag:$0x1] =	stream.indirect.gather [hbm4b:s1+s16], $0x80, s4, s16, $0xb8;
	[tilespmem:$0x1D400] =	vst v63  }
0x29: {  	_ = 	snop  }
0x2a: {  	[tilespmem:s18], [sflag:$0x2] =	stream.indirect.gather [hbm4b:s1+s16], $0x80, s16, s16, $0xb8;
	[tilespmem:$0x1D400] =	vst v63  }
0x2b: {  	_ =	swait.ge [sflag:s29], $0x4000  }
0x2c: {  	[sflag:s29] =	ssyncset.done $0x0  }
0x2d: {  	[sflag:s29] =	ssyncadd.s32 $0xFFFFC000  }
0x2e: {  	[spmem:s2] =	stream.indirect.scatter.add.f32 [tilespmem:s17], [sflag:$0x3], $0x80, s5, s19, $0xb8;
	[tilespmem:$0x1D400] =	vst v63  }
0x2f: {  	s5 =	simm.s32 $0x880  }
0x30: {  	[spmem:s2] =	stream.indirect.scatter.add.f32 [tilespmem:s21], [sflag:$0x4], $0x80, s5, s19, $0xb8;
	[tilespmem:$0x1D400] =	vst v63  }
0x31: {  	_ =	swait.ge [sflag:s22], $0x4000  }
0x32: {  	[sflag:s22] =	ssyncset.done $0x0  }
0x33: {  	s7 =	simm.s32 $0x900;
	[sflag:s22] =	ssyncadd.s32 $0xFFFFC000  }
0x34: {  	[spmem:s2] =	stream.indirect.scatter.add.f32 [tilespmem:s18], [sflag:$0x5], $0x80, s7, s19, $0xb8;
	[tilespmem:$0x1D400] =	vst v63  }
0x35: {  	s8 =	simm.s32 $0x980  }
0x36: {  	[spmem:s2] =	stream.indirect.scatter.add.f32 [tilespmem:s25], [sflag:$0x6], $0x80, s8, s19, $0xb8;
	[tilespmem:$0x1D400] =	vst v63  }
0x37: {  	_ =	swait.ge [sflag:s26], $0x2000  }
0x38: {  	[sflag:s26] =	ssyncset.done $0x0  }
0x39: {  	[sflag:s26] =	ssyncadd.s32 $0xFFFFE000  }
0x3a: {  	_ =	swait.ge [sflag:s28], $0x2000  }
0x3b: {  	[sflag:s28] =	ssyncset.done $0x0  }
0x3c: {  	s9 =	simm.s32 $0x100;
	[sflag:s28] =	ssyncadd.s32 $0xFFFFE000  }
0x3d: {  	[tilespmem:s17], [sflag:$0x1] =	stream.indirect.gather [hbm4b:s1+s16], $0x80, s9, s16, $0xb8;
	[tilespmem:$0x1D400] =	vst v63  }
0x3e: {  	_ =	swait.ge [sflag:s30], $0x2000  }
0x3f: {  	[sflag:s30] =	ssyncset.done $0x0  }
0x40: {  	[sflag:s30] =	ssyncadd.s32 $0xFFFFE000  }
0x41: {  	_ =	swait.ge [sflag:s31], $0x2000  }
0x42: {  	[sflag:s31] =	ssyncset.done $0x0  }
0x43: {  	s15 =	simm.s32 $0x180;
	[sflag:s31] =	ssyncadd.s32 $0xFFFFE000  }
0x44: {  	[tilespmem:s18], [sflag:$0x2] =	stream.indirect.gather [hbm4b:s1+s16], $0x80, s15, s16, $0xb8;
	[tilespmem:$0x1D400] =	vst v63  }
0x45: {  	_ =	swait.ge [sflag:s29], $0x4000  }
0x46: {  	[sflag:s29] =	ssyncset.done $0x0  }
0x47: {  	s20 =	simm.s32 $0xA00;
	[sflag:s29] =	ssyncadd.s32 $0xFFFFC000  }
0x48: {  	[spmem:s2] =	stream.indirect.scatter.add.f32 [tilespmem:s17], [sflag:$0x3], $0x80, s20, s19, $0xb8;
	[tilespmem:$0x1D400] =	vst v63  }
0x49: {  	s23 =	simm.s32 $0xA80  }
0x4a: {  	[spmem:s2] =	stream.indirect.scatter.add.f32 [tilespmem:s21], [sflag:$0x4], $0x80, s23, s19, $0xb8;
	[tilespmem:$0x1D400] =	vst v63  }
0x4b: {  	_ =	swait.ge [sflag:s22], $0x4000  }
0x4c: {  	[sflag:s22] =	ssyncset.done $0x0  }
0x4d: {  	s24 =	simm.s32 $0xB00;
	[sflag:s22] =	ssyncadd.s32 $0xFFFFC000  }
0x4e: {  	[spmem:s2] =	stream.indirect.scatter.add.f32 [tilespmem:s18], [sflag:$0x5], $0x80, s24, s19, $0xb8;
	[tilespmem:$0x1D400] =	vst v63  }
0x4f: {  	s5 =	simm.s32 $0xB80  }
0x50: {  	[spmem:s2] =	stream.indirect.scatter.add.f32 [tilespmem:s25], [sflag:$0x6], $0x80, s5, s19, $0xb8;
	[tilespmem:$0x1D400] =	vst v63  }
0x51: {  	_ =	swait.ge [sflag:s26], $0x2000  }
0x52: {  	[sflag:s26] =	ssyncset.done $0x0  }
0x53: {  	[sflag:s26] =	ssyncadd.s32 $0xFFFFE000  }
0x54: {  	_ =	swait.ge [sflag:s28], $0x2000  }
0x55: {  	[sflag:s28] =	ssyncset.done $0x0  }
0x56: {  	s7 =	simm.s32 $0x200;
	[sflag:s28] =	ssyncadd.s32 $0xFFFFE000  }
0x57: {  	[tilespmem:s17], [sflag:$0x1] =	stream.indirect.gather [hbm4b:s1+s16], $0x80, s7, s16, $0xb8;
	[tilespmem:$0x1D400] =	vst v63  }
0x58: {  	_ =	swait.ge [sflag:s30], $0x2000  }
0x59: {  	[sflag:s30] =	ssyncset.done $0x0  }
0x5a: {  	[sflag:s30] =	ssyncadd.s32 $0xFFFFE000  }
0x5b: {  	_ =	swait.ge [sflag:s31], $0x2000  }
0x5c: {  	[sflag:s31] =	ssyncset.done $0x0  }
0x5d: {  	s8 =	simm.s32 $0x280;
	[sflag:s31] =	ssyncadd.s32 $0xFFFFE000  }
0x5e: {  	[tilespmem:s18], [sflag:$0x2] =	stream.indirect.gather [hbm4b:s1+s16], $0x80, s8, s16, $0xb8;
	[tilespmem:$0x1D400] =	vst v63  }
0x5f: {  	_ =	swait.ge [sflag:s29], $0x4000  }
0x60: {  	[sflag:s29] =	ssyncset.done $0x0  }
0x61: {  	s9 =	simm.s32 $0xC00;
	[sflag:s29] =	ssyncadd.s32 $0xFFFFC000  }
0x62: {  	[spmem:s2] =	stream.indirect.scatter.add.f32 [tilespmem:s17], [sflag:$0x3], $0x80, s9, s19, $0xb8;
	[tilespmem:$0x1D400] =	vst v63  }
0x63: {  	s15 =	simm.s32 $0xC80  }
0x64: {  	[spmem:s2] =	stream.indirect.scatter.add.f32 [tilespmem:s21], [sflag:$0x4], $0x80, s15, s19, $0xb8;
	[tilespmem:$0x1D400] =	vst v63  }
0x65: {  	_ =	swait.ge [sflag:s22], $0x4000  }
0x66: {  	[sflag:s22] =	ssyncset.done $0x0  }
0x67: {  	s20 =	simm.s32 $0xD00;
	[sflag:s22] =	ssyncadd.s32 $0xFFFFC000  }
0x68: {  	[spmem:s2] =	stream.indirect.scatter.add.f32 [tilespmem:s18], [sflag:$0x5], $0x80, s20, s19, $0xb8;
	[tilespmem:$0x1D400] =	vst v63  }
0x69: {  	s23 =	simm.s32 $0xD80  }
0x6a: {  	[spmem:s2] =	stream.indirect.scatter.add.f32 [tilespmem:s25], [sflag:$0x6], $0x80, s23, s19, $0xb8;
	[tilespmem:$0x1D400] =	vst v63  }
0x6b: {  	_ =	swait.ge [sflag:s26], $0x2000  }
0x6c: {  	[sflag:s26] =	ssyncset.done $0x0  }
0x6d: {  	[sflag:s26] =	ssyncadd.s32 $0xFFFFE000  }
0x6e: {  	_ =	swait.ge [sflag:s28], $0x2000  }
0x6f: {  	[sflag:s28] =	ssyncset.done $0x0  }
0x70: {  	s24 =	simm.s32 $0x300;
	[sflag:s28] =	ssyncadd.s32 $0xFFFFE000  }
0x71: {  	[tilespmem:s17], [sflag:$0x1] =	stream.indirect.gather [hbm4b:s1+s16], $0x80, s24, s16, $0xb8;
	[tilespmem:$0x1D400] =	vst v63  }
0x72: {  	_ =	swait.ge [sflag:s30], $0x2000  }
0x73: {  	[sflag:s30] =	ssyncset.done $0x0  }
0x74: {  	[sflag:s30] =	ssyncadd.s32 $0xFFFFE000  }
0x75: {  	_ =	swait.ge [sflag:s31], $0x2000  }
0x76: {  	[sflag:s31] =	ssyncset.done $0x0  }
0x77: {  	s5 =	simm.s32 $0x380;
	[sflag:s31] =	ssyncadd.s32 $0xFFFFE000  }
0x78: {  	[tilespmem:s18], [sflag:$0x2] =	stream.indirect.gather [hbm4b:s1+s16], $0x80, s5, s16, $0xb8;
	[tilespmem:$0x1D400] =	vst v63  }
0x79: {  	_ =	swait.ge [sflag:s29], $0x4000  }
0x7a: {  	[sflag:s29] =	ssyncset.done $0x0  }
0x7b: {  	s7 =	simm.s32 $0xE00;
	[sflag:s29] =	ssyncadd.s32 $0xFFFFC000  }
0x7c: {  	[spmem:s2] =	stream.indirect.scatter.add.f32 [tilespmem:s17], [sflag:$0x3], $0x80, s7, s19, $0xb8;
	[tilespmem:$0x1D400] =	vst v63  }
0x7d: {  	s8 =	simm.s32 $0xE80  }
0x7e: {  	[spmem:s2] =	stream.indirect.scatter.add.f32 [tilespmem:s21], [sflag:$0x4], $0x80, s8, s19, $0xb8;
	[tilespmem:$0x1D400] =	vst v63  }
0x7f: {  	_ =	swait.ge [sflag:s22], $0x4000  }
0x80: {  	[sflag:s22] =	ssyncset.done $0x0  }
0x81: {  	s9 =	simm.s32 $0xF00;
	[sflag:s22] =	ssyncadd.s32 $0xFFFFC000  }
0x82: {  	[spmem:s2] =	stream.indirect.scatter.add.f32 [tilespmem:s18], [sflag:$0x5], $0x80, s9, s19, $0xb8;
	[tilespmem:$0x1D400] =	vst v63  }
0x83: {  	s15 =	simm.s32 $0xF80;
	s20 =	sand.u32 $0x1, s29  }
0x84: {  	[spmem:s2] =	stream.indirect.scatter.add.f32 [tilespmem:s25], [sflag:$0x6], $0x80, s15, s19, $0xb8;
	[tilespmem:$0x1D400] =	vst v63  }
0x85: {  	s3 =	sshll.u32 s20, $0xA  }
0x86: {  	[tilespmem:s3], [sflag:$0x7] =	stream.linear.gather [hbm4b:s12+s4], $0x400, $0x38;
	[tilespmem:$0x1D400] =	vst v63  }
0x87: {  	_ =	swait.ge [sflag:s14], $0x400  }
0x88: {  	s7 =	sshll.u32 s20, $0xB;
	[sflag:s14] =	ssyncset.done $0x0  }
0x89: {  	s5 =	sadd.s32 $0x800, s7;
	[sflag:s14] =	ssyncadd.s32 $0xFFFFFC00  }
0x8a: {  	[tilespmem:s5], [sflag:$0x7] =	stream.linear.gather [hbm4b:s11+s4], $0x800, $0x38;
	[tilespmem:$0x1D400] =	vst v63  }
0x8b: {  	_ =	swait.ge [sflag:s14], $0x800  }
0x8c: {  	[sflag:s14] =	ssyncset.done $0x0  }
0x8d: {  	[sflag:s14] =	ssyncadd.s32 $0xFFFFF800  }
0x8e: {  	_ =	swait.ge [sflag:s26], $0x2000  }
0x8f: {  	[sflag:s26] =	ssyncset.done $0x0  }
0x90: {  	[sflag:s26] =	ssyncadd.s32 $0xFFFFE000  }
0x91: {  	_ =	swait.ge [sflag:s28], $0x2000  }
0x92: {  	[sflag:s28] =	ssyncset.done $0x0  }
0x93: {  	[sflag:s28] =	ssyncadd.s32 $0xFFFFE000  }
0x94: {  	[tilespmem:s17], [sflag:$0x1] =	stream.indirect.gather [hbm4b:s1+s16], $0x80, s3, s16, $0xb8;
	[tilespmem:$0x1D400] =	vst v63  }
0x95: {  	_ =	swait.ge [sflag:s30], $0x2000  }
0x96: {  	[sflag:s30] =	ssyncset.done $0x0  }
0x97: {  	[sflag:s30] =	ssyncadd.s32 $0xFFFFE000  }
0x98: {  	_ =	swait.ge [sflag:s31], $0x2000  }
0x99: {  	[sflag:s31] =	ssyncset.done $0x0  }
0x9a: {  	s8 =	sor.u32 $0x80, s3;
	[sflag:s31] =	ssyncadd.s32 $0xFFFFE000  }
0x9b: {  	[tilespmem:s18], [sflag:$0x2] =	stream.indirect.gather [hbm4b:s1+s16], $0x80, s8, s16, $0xb8;
	[tilespmem:$0x1D400] =	vst v63  }
0x9c: {  	_ =	swait.ge [sflag:s29], $0x4000  }
0x9d: {  	[sflag:s29] =	ssyncset.done $0x0  }
0x9e: {  	[sflag:s29] =	ssyncadd.s32 $0xFFFFC000  }
0x9f: {  	[spmem:s2] =	stream.indirect.scatter.add.f32 [tilespmem:s17], [sflag:$0x3], $0x80, s5, s19, $0xb8;
	[tilespmem:$0x1D400] =	vst v63  }
0xa0: {  	s23 =	sadd.s32 $0x880, s7  }
0xa1: {  	[spmem:s2] =	stream.indirect.scatter.add.f32 [tilespmem:s21], [sflag:$0x4], $0x80, s23, s19, $0xb8;
	[tilespmem:$0x1D400] =	vst v63  }
0xa2: {  	_ =	swait.ge [sflag:s22], $0x4000  }
0xa3: {  	[sflag:s22] =	ssyncset.done $0x0  }
0xa4: {  	s24 =	sadd.s32 $0x900, s7;
	[sflag:s22] =	ssyncadd.s32 $0xFFFFC000  }
0xa5: {  	[spmem:s2] =	stream.indirect.scatter.add.f32 [tilespmem:s18], [sflag:$0x5], $0x80, s24, s19, $0xb8;
	[tilespmem:$0x1D400] =	vst v63  }
0xa6: {  	s8 =	sadd.s32 $0x980, s7  }
0xa7: {  	[spmem:s2] =	stream.indirect.scatter.add.f32 [tilespmem:s25], [sflag:$0x6], $0x80, s8, s19, $0xb8;
	[tilespmem:$0x1D400] =	vst v63  }
0xa8: {  	_ =	swait.ge [sflag:s26], $0x2000  }
0xa9: {  	[sflag:s26] =	ssyncset.done $0x0  }
0xaa: {  	[sflag:s26] =	ssyncadd.s32 $0xFFFFE000  }
0xab: {  	_ =	swait.ge [sflag:s28], $0x2000  }
0xac: {  	[sflag:s28] =	ssyncset.done $0x0  }
0xad: {  	s9 =	sor.u32 $0x100, s3;
	[sflag:s28] =	ssyncadd.s32 $0xFFFFE000  }
0xae: {  	[tilespmem:s17], [sflag:$0x1] =	stream.indirect.gather [hbm4b:s1+s16], $0x80, s9, s16, $0xb8;
	[tilespmem:$0x1D400] =	vst v63  }
0xaf: {  	_ =	swait.ge [sflag:s30], $0x2000  }
0xb0: {  	[sflag:s30] =	ssyncset.done $0x0  }
0xb1: {  	[sflag:s30] =	ssyncadd.s32 $0xFFFFE000  }
0xb2: {  	_ =	swait.ge [sflag:s31], $0x2000  }
0xb3: {  	[sflag:s31] =	ssyncset.done $0x0  }
0xb4: {  	s15 =	sor.u32 $0x180, s3;
	[sflag:s31] =	ssyncadd.s32 $0xFFFFE000  }
0xb5: {  	[tilespmem:s18], [sflag:$0x2] =	stream.indirect.gather [hbm4b:s1+s16], $0x80, s15, s16, $0xb8;
	[tilespmem:$0x1D400] =	vst v63  }
0xb6: {  	_ =	swait.ge [sflag:s29], $0x4000  }
0xb7: {  	[sflag:s29] =	ssyncset.done $0x0  }
0xb8: {  	s20 =	sadd.s32 $0xA00, s7;
	[sflag:s29] =	ssyncadd.s32 $0xFFFFC000  }
0xb9: {  	[spmem:s2] =	stream.indirect.scatter.add.f32 [tilespmem:s17], [sflag:$0x3], $0x80, s20, s19, $0xb8;
	[tilespmem:$0x1D400] =	vst v63  }
0xba: {  	s23 =	sadd.s32 $0xA80, s7  }
0xbb: {  	[spmem:s2] =	stream.indirect.scatter.add.f32 [tilespmem:s21], [sflag:$0x4], $0x80, s23, s19, $0xb8;
	[tilespmem:$0x1D400] =	vst v63  }
0xbc: {  	_ =	swait.ge [sflag:s22], $0x4000  }
0xbd: {  	[sflag:s22] =	ssyncset.done $0x0  }
0xbe: {  	s24 =	sadd.s32 $0xB00, s7;
	[sflag:s22] =	ssyncadd.s32 $0xFFFFC000  }
0xbf: {  	[spmem:s2] =	stream.indirect.scatter.add.f32 [tilespmem:s18], [sflag:$0x5], $0x80, s24, s19, $0xb8;
	[tilespmem:$0x1D400] =	vst v63  }
0xc0: {  	s8 =	sadd.s32 $0xB80, s7  }
0xc1: {  	[spmem:s2] =	stream.indirect.scatter.add.f32 [tilespmem:s25], [sflag:$0x6], $0x80, s8, s19, $0xb8;
	[tilespmem:$0x1D400] =	vst v63  }
0xc2: {  	_ =	swait.ge [sflag:s26], $0x2000  }
0xc3: {  	[sflag:s26] =	ssyncset.done $0x0  }
0xc4: {  	[sflag:s26] =	ssyncadd.s32 $0xFFFFE000  }
0xc5: {  	_ =	swait.ge [sflag:s28], $0x2000  }
0xc6: {  	[sflag:s28] =	ssyncset.done $0x0  }
0xc7: {  	s9 =	sor.u32 $0x200, s3;
	[sflag:s28] =	ssyncadd.s32 $0xFFFFE000  }
0xc8: {  	[tilespmem:s17], [sflag:$0x1] =	stream.indirect.gather [hbm4b:s1+s16], $0x80, s9, s16, $0xb8;
	[tilespmem:$0x1D400] =	vst v63  }
0xc9: {  	_ =	swait.ge [sflag:s30], $0x2000  }
0xca: {  	[sflag:s30] =	ssyncset.done $0x0  }
0xcb: {  	[sflag:s30] =	ssyncadd.s32 $0xFFFFE000  }
0xcc: {  	_ =	swait.ge [sflag:s31], $0x2000  }
0xcd: {  	[sflag:s31] =	ssyncset.done $0x0  }
0xce: {  	s15 =	sor.u32 $0x280, s3;
	[sflag:s31] =	ssyncadd.s32 $0xFFFFE000  }
0xcf: {  	[tilespmem:s18], [sflag:$0x2] =	stream.indirect.gather [hbm4b:s1+s16], $0x80, s15, s16, $0xb8;
	[tilespmem:$0x1D400] =	vst v63  }
0xd0: {  	_ =	swait.ge [sflag:s29], $0x4000  }
0xd1: {  	[sflag:s29] =	ssyncset.done $0x0  }
0xd2: {  	s20 =	sadd.s32 $0xC00, s7;
	[sflag:s29] =	ssyncadd.s32 $0xFFFFC000  }
0xd3: {  	[spmem:s2] =	stream.indirect.scatter.add.f32 [tilespmem:s17], [sflag:$0x3], $0x80, s20, s19, $0xb8;
	[tilespmem:$0x1D400] =	vst v63  }
0xd4: {  	s23 =	sadd.s32 $0xC80, s7  }
0xd5: {  	[spmem:s2] =	stream.indirect.scatter.add.f32 [tilespmem:s21], [sflag:$0x4], $0x80, s23, s19, $0xb8;
	[tilespmem:$0x1D400] =	vst v63  }
0xd6: {  	_ =	swait.ge [sflag:s22], $0x4000  }
0xd7: {  	[sflag:s22] =	ssyncset.done $0x0  }
0xd8: {  	s24 =	sadd.s32 $0xD00, s7;
	[sflag:s22] =	ssyncadd.s32 $0xFFFFC000  }
0xd9: {  	[spmem:s2] =	stream.indirect.scatter.add.f32 [tilespmem:s18], [sflag:$0x5], $0x80, s24, s19, $0xb8;
	[tilespmem:$0x1D400] =	vst v63  }
0xda: {  	s8 =	sadd.s32 $0xD80, s7  }
0xdb: {  	[spmem:s2] =	stream.indirect.scatter.add.f32 [tilespmem:s25], [sflag:$0x6], $0x80, s8, s19, $0xb8;
	[tilespmem:$0x1D400] =	vst v63  }
0xdc: {  	_ =	swait.ge [sflag:s26], $0x2000  }
0xdd: {  	[sflag:s26] =	ssyncset.done $0x0  }
0xde: {  	[sflag:s26] =	ssyncadd.s32 $0xFFFFE000  }
0xdf: {  	_ =	swait.ge [sflag:s28], $0x2000  }
0xe0: {  	[sflag:s28] =	ssyncset.done $0x0  }
0xe1: {  	s9 =	sor.u32 $0x300, s3;
	[sflag:s28] =	ssyncadd.s32 $0xFFFFE000  }
0xe2: {  	[tilespmem:s17], [sflag:$0x1] =	stream.indirect.gather [hbm4b:s1+s16], $0x80, s9, s16, $0xb8;
	[tilespmem:$0x1D400] =	vst v63  }
0xe3: {  	_ =	swait.ge [sflag:s30], $0x2000  }
0xe4: {  	[sflag:s30] =	ssyncset.done $0x0  }
0xe5: {  	[sflag:s30] =	ssyncadd.s32 $0xFFFFE000  }
0xe6: {  	_ =	swait.ge [sflag:s31], $0x2000  }
0xe7: {  	[sflag:s31] =	ssyncset.done $0x0  }
0xe8: {  	s3 =	sor.u32 $0x380, s3;
	[sflag:s31] =	ssyncadd.s32 $0xFFFFE000  }
0xe9: {  	[tilespmem:s18], [sflag:$0x2] =	stream.indirect.gather [hbm4b:s1+s16], $0x80, s3, s16, $0xb8;
	[tilespmem:$0x1D400] =	vst v63  }
0xea: {  	_ =	swait.ge [sflag:s29], $0x4000  }
0xeb: {  	[sflag:s29] =	ssyncset.done $0x0  }
0xec: {  	s15 =	sadd.s32 $0xE00, s7;
	[sflag:s29] =	ssyncadd.s32 $0xFFFFC000  }
0xed: {  	[spmem:s2] =	stream.indirect.scatter.add.f32 [tilespmem:s17], [sflag:$0x3], $0x80, s15, s19, $0xb8;
	[tilespmem:$0x1D400] =	vst v63  }
0xee: {  	s20 =	sadd.s32 $0xE80, s7  }
0xef: {  	[spmem:s2] =	stream.indirect.scatter.add.f32 [tilespmem:s21], [sflag:$0x4], $0x80, s20, s19, $0xb8;
	[tilespmem:$0x1D400] =	vst v63  }
0xf0: {  	s5 =	simm.s32 $0x3;
	_ =	swait.ge [sflag:s22], $0x4000  }
0xf1: {  	s23 =	simm.s32 $0x2;
	s24 =	sadd.s32 $0xF00, s7;
	[sflag:s22] =	ssyncset.done $0x0  }
0xf2: {  	s7 =	sadd.s32 $0xF80, s7;
	s20 =	sand.u32 $0x1, s23;
	[sflag:s22] =	ssyncadd.s32 $0xFFFFC000  }
0xf3: {  	[spmem:s2] =	stream.indirect.scatter.add.f32 [tilespmem:s18], [sflag:$0x5], $0x80, s24, s19, $0xb8;
	[tilespmem:$0x1D400] =	vst v63  }
0xf4: {  	s23 =	sadd.s32 $0x100, s11;
	s3 =	sshll.u32 s20, $0xB;
	s24 =	sadd.s32 $0x80, s12  }
.LBB2_2:
0xf5: {  	[spmem:s2] =	stream.indirect.scatter.add.f32 [tilespmem:s25], [sflag:$0x6], $0x80, s7, s19, $0xb8;
	[tilespmem:$0x1D400] =	vst v63  }
0xf6: {  	s9 =	smov.u32 s5;
	s7 =	smov.u32 s3  }
0xf7: {  	s15 =	sadd.s32 $0x1, s5;
	s8 =	sshll.u32 s20, $0xA;
	s20 =	sand.u32 $0x1, s9  }
0xf8: {  	[tilespmem:s8], [sflag:$0x7] =	stream.linear.gather [hbm4b:s24+s4], $0x400, $0x38;
	[tilespmem:$0x1D400] =	vst v63  }
0xf9: {  	p0 =	sne.s32 s5, $0x9;
	s3 =	sshll.u32 s20, $0xB;
	_ =	swait.ge [sflag:s14], $0x400  }
0xfa: {  	[sflag:s14] =	ssyncset.done $0x0  }
0xfb: {  	s5 =	sadd.s32 $0x800, s7;
	[sflag:s14] =	ssyncadd.s32 $0xFFFFFC00  }
0xfc: {  	[tilespmem:s5], [sflag:$0x7] =	stream.linear.gather [hbm4b:s23+s4], $0x800, $0x38;
	[tilespmem:$0x1D400] =	vst v63  }
0xfd: {  	_ =	swait.ge [sflag:s14], $0x800  }
0xfe: {  	[sflag:s14] =	ssyncset.done $0x0  }
0xff: {  	[sflag:s14] =	ssyncadd.s32 $0xFFFFF800  }
0x100: {  	_ =	swait.ge [sflag:s26], $0x2000  }
0x101: {  	[sflag:s26] =	ssyncset.done $0x0  }
0x102: {  	[sflag:s26] =	ssyncadd.s32 $0xFFFFE000  }
0x103: {  	_ =	swait.ge [sflag:s28], $0x2000  }
0x104: {  	[sflag:s28] =	ssyncset.done $0x0  }
0x105: {  	[sflag:s28] =	ssyncadd.s32 $0xFFFFE000  }
0x106: {  	[tilespmem:s17], [sflag:$0x1] =	stream.indirect.gather [hbm4b:s1+s16], $0x80, s8, s16, $0xb8;
	[tilespmem:$0x1D400] =	vst v63  }
0x107: {  	_ =	swait.ge [sflag:s30], $0x2000  }
0x108: {  	[sflag:s30] =	ssyncset.done $0x0  }
0x109: {  	[sflag:s30] =	ssyncadd.s32 $0xFFFFE000  }
0x10a: {  	_ =	swait.ge [sflag:s31], $0x2000  }
0x10b: {  	[sflag:s31] =	ssyncset.done $0x0  }
0x10c: {  	s9 =	sor.u32 $0x80, s8;
	[sflag:s31] =	ssyncadd.s32 $0xFFFFE000  }
0x10d: {  	[tilespmem:s18], [sflag:$0x2] =	stream.indirect.gather [hbm4b:s1+s16], $0x80, s9, s16, $0xb8;
	[tilespmem:$0x1D400] =	vst v63  }
0x10e: {  	_ =	swait.ge [sflag:s29], $0x4000  }
0x10f: {  	[sflag:s29] =	ssyncset.done $0x0  }
0x110: {  	[sflag:s29] =	ssyncadd.s32 $0xFFFFC000  }
0x111: {  	[spmem:s2] =	stream.indirect.scatter.add.f32 [tilespmem:s17], [sflag:$0x3], $0x80, s5, s19, $0xb8;
	[tilespmem:$0x1D400] =	vst v63  }
0x112: {  	s5 =	sadd.s32 $0x880, s7  }
0x113: {  	[spmem:s2] =	stream.indirect.scatter.add.f32 [tilespmem:s21], [sflag:$0x4], $0x80, s5, s19, $0xb8;
	[tilespmem:$0x1D400] =	vst v63  }
0x114: {  	_ =	swait.ge [sflag:s22], $0x4000  }
0x115: {  	[sflag:s22] =	ssyncset.done $0x0  }
0x116: {  	s5 =	sadd.s32 $0x900, s7;
	[sflag:s22] =	ssyncadd.s32 $0xFFFFC000  }
0x117: {  	[spmem:s2] =	stream.indirect.scatter.add.f32 [tilespmem:s18], [sflag:$0x5], $0x80, s5, s19, $0xb8;
	[tilespmem:$0x1D400] =	vst v63  }
0x118: {  	s5 =	sadd.s32 $0x980, s7  }
0x119: {  	[spmem:s2] =	stream.indirect.scatter.add.f32 [tilespmem:s25], [sflag:$0x6], $0x80, s5, s19, $0xb8;
	[tilespmem:$0x1D400] =	vst v63  }
0x11a: {  	_ =	swait.ge [sflag:s26], $0x2000  }
0x11b: {  	[sflag:s26] =	ssyncset.done $0x0  }
0x11c: {  	[sflag:s26] =	ssyncadd.s32 $0xFFFFE000  }
0x11d: {  	_ =	swait.ge [sflag:s28], $0x2000  }
0x11e: {  	[sflag:s28] =	ssyncset.done $0x0  }
0x11f: {  	s5 =	sor.u32 $0x100, s8;
	[sflag:s28] =	ssyncadd.s32 $0xFFFFE000  }
0x120: {  	[tilespmem:s17], [sflag:$0x1] =	stream.indirect.gather [hbm4b:s1+s16], $0x80, s5, s16, $0xb8;
	[tilespmem:$0x1D400] =	vst v63  }
0x121: {  	_ =	swait.ge [sflag:s30], $0x2000  }
0x122: {  	[sflag:s30] =	ssyncset.done $0x0  }
0x123: {  	[sflag:s30] =	ssyncadd.s32 $0xFFFFE000  }
0x124: {  	_ =	swait.ge [sflag:s31], $0x2000  }
0x125: {  	[sflag:s31] =	ssyncset.done $0x0  }
0x126: {  	s5 =	sor.u32 $0x180, s8;
	[sflag:s31] =	ssyncadd.s32 $0xFFFFE000  }
0x127: {  	[tilespmem:s18], [sflag:$0x2] =	stream.indirect.gather [hbm4b:s1+s16], $0x80, s5, s16, $0xb8;
	[tilespmem:$0x1D400] =	vst v63  }
0x128: {  	_ =	swait.ge [sflag:s29], $0x4000  }
0x129: {  	[sflag:s29] =	ssyncset.done $0x0  }
0x12a: {  	s5 =	sadd.s32 $0xA00, s7;
	[sflag:s29] =	ssyncadd.s32 $0xFFFFC000  }
0x12b: {  	[spmem:s2] =	stream.indirect.scatter.add.f32 [tilespmem:s17], [sflag:$0x3], $0x80, s5, s19, $0xb8;
	[tilespmem:$0x1D400] =	vst v63  }
0x12c: {  	s5 =	sadd.s32 $0xA80, s7  }
0x12d: {  	[spmem:s2] =	stream.indirect.scatter.add.f32 [tilespmem:s21], [sflag:$0x4], $0x80, s5, s19, $0xb8;
	[tilespmem:$0x1D400] =	vst v63  }
0x12e: {  	_ =	swait.ge [sflag:s22], $0x4000  }
0x12f: {  	[sflag:s22] =	ssyncset.done $0x0  }
0x130: {  	s5 =	sadd.s32 $0xB00, s7;
	[sflag:s22] =	ssyncadd.s32 $0xFFFFC000  }
0x131: {  	[spmem:s2] =	stream.indirect.scatter.add.f32 [tilespmem:s18], [sflag:$0x5], $0x80, s5, s19, $0xb8;
	[tilespmem:$0x1D400] =	vst v63  }
0x132: {  	s5 =	sadd.s32 $0xB80, s7  }
0x133: {  	[spmem:s2] =	stream.indirect.scatter.add.f32 [tilespmem:s25], [sflag:$0x6], $0x80, s5, s19, $0xb8;
	[tilespmem:$0x1D400] =	vst v63  }
0x134: {  	_ =	swait.ge [sflag:s26], $0x2000  }
0x135: {  	[sflag:s26] =	ssyncset.done $0x0  }
0x136: {  	[sflag:s26] =	ssyncadd.s32 $0xFFFFE000  }
0x137: {  	_ =	swait.ge [sflag:s28], $0x2000  }
0x138: {  	[sflag:s28] =	ssyncset.done $0x0  }
0x139: {  	s5 =	sor.u32 $0x200, s8;
	[sflag:s28] =	ssyncadd.s32 $0xFFFFE000  }
0x13a: {  	[tilespmem:s17], [sflag:$0x1] =	stream.indirect.gather [hbm4b:s1+s16], $0x80, s5, s16, $0xb8;
	[tilespmem:$0x1D400] =	vst v63  }
0x13b: {  	_ =	swait.ge [sflag:s30], $0x2000  }
0x13c: {  	[sflag:s30] =	ssyncset.done $0x0  }
0x13d: {  	[sflag:s30] =	ssyncadd.s32 $0xFFFFE000  }
0x13e: {  	_ =	swait.ge [sflag:s31], $0x2000  }
0x13f: {  	[sflag:s31] =	ssyncset.done $0x0  }
0x140: {  	s5 =	sor.u32 $0x280, s8;
	[sflag:s31] =	ssyncadd.s32 $0xFFFFE000  }
0x141: {  	[tilespmem:s18], [sflag:$0x2] =	stream.indirect.gather [hbm4b:s1+s16], $0x80, s5, s16, $0xb8;
	[tilespmem:$0x1D400] =	vst v63  }
0x142: {  	_ =	swait.ge [sflag:s29], $0x4000  }
0x143: {  	[sflag:s29] =	ssyncset.done $0x0  }
0x144: {  	s5 =	sadd.s32 $0xC00, s7;
	[sflag:s29] =	ssyncadd.s32 $0xFFFFC000  }
0x145: {  	[spmem:s2] =	stream.indirect.scatter.add.f32 [tilespmem:s17], [sflag:$0x3], $0x80, s5, s19, $0xb8;
	[tilespmem:$0x1D400] =	vst v63  }
0x146: {  	s5 =	sadd.s32 $0xC80, s7  }
0x147: {  	[spmem:s2] =	stream.indirect.scatter.add.f32 [tilespmem:s21], [sflag:$0x4], $0x80, s5, s19, $0xb8;
	[tilespmem:$0x1D400] =	vst v63  }
0x148: {  	_ =	swait.ge [sflag:s22], $0x4000  }
0x149: {  	[sflag:s22] =	ssyncset.done $0x0  }
0x14a: {  	s5 =	sadd.s32 $0xD00, s7;
	[sflag:s22] =	ssyncadd.s32 $0xFFFFC000  }
0x14b: {  	[spmem:s2] =	stream.indirect.scatter.add.f32 [tilespmem:s18], [sflag:$0x5], $0x80, s5, s19, $0xb8;
	[tilespmem:$0x1D400] =	vst v63  }
0x14c: {  	s5 =	sadd.s32 $0xD80, s7  }
0x14d: {  	[spmem:s2] =	stream.indirect.scatter.add.f32 [tilespmem:s25], [sflag:$0x6], $0x80, s5, s19, $0xb8;
	[tilespmem:$0x1D400] =	vst v63  }
0x14e: {  	_ =	swait.ge [sflag:s26], $0x2000  }
0x14f: {  	[sflag:s26] =	ssyncset.done $0x0  }
0x150: {  	[sflag:s26] =	ssyncadd.s32 $0xFFFFE000  }
0x151: {  	_ =	swait.ge [sflag:s28], $0x2000  }
0x152: {  	[sflag:s28] =	ssyncset.done $0x0  }
0x153: {  	s5 =	sor.u32 $0x300, s8;
	[sflag:s28] =	ssyncadd.s32 $0xFFFFE000  }
0x154: {  	[tilespmem:s17], [sflag:$0x1] =	stream.indirect.gather [hbm4b:s1+s16], $0x80, s5, s16, $0xb8;
	[tilespmem:$0x1D400] =	vst v63  }
0x155: {  	_ =	swait.ge [sflag:s30], $0x2000  }
0x156: {  	[sflag:s30] =	ssyncset.done $0x0  }
0x157: {  	[sflag:s30] =	ssyncadd.s32 $0xFFFFE000  }
0x158: {  	_ =	swait.ge [sflag:s31], $0x2000  }
0x159: {  	[sflag:s31] =	ssyncset.done $0x0  }
0x15a: {  	s5 =	sor.u32 $0x380, s8;
	[sflag:s31] =	ssyncadd.s32 $0xFFFFE000  }
0x15b: {  	[tilespmem:s18], [sflag:$0x2] =	stream.indirect.gather [hbm4b:s1+s16], $0x80, s5, s16, $0xb8;
	[tilespmem:$0x1D400] =	vst v63  }
0x15c: {  	_ =	swait.ge [sflag:s29], $0x4000  }
0x15d: {  	[sflag:s29] =	ssyncset.done $0x0  }
0x15e: {  	s5 =	sadd.s32 $0xE00, s7;
	[sflag:s29] =	ssyncadd.s32 $0xFFFFC000  }
0x15f: {  	[spmem:s2] =	stream.indirect.scatter.add.f32 [tilespmem:s17], [sflag:$0x3], $0x80, s5, s19, $0xb8;
	[tilespmem:$0x1D400] =	vst v63  }
0x160: {  	s5 =	sadd.s32 $0xE80, s7  }
0x161: {  	[spmem:s2] =	stream.indirect.scatter.add.f32 [tilespmem:s21], [sflag:$0x4], $0x80, s5, s19, $0xb8;
	[tilespmem:$0x1D400] =	vst v63  }
.Ltmp0:
0x162: {  	_ =	swait.ge [sflag:s22], $0x4000;
	(pc) =	sbr.rel @p0 .LBB2_2-.Ltmp0, $4  }
0x163: {  	[sflag:s22] =	ssyncset.done $0x0  }
0x164: {  	s24 =	sadd.s32 $0x80, s24;
	s5 =	sadd.s32 $0xF00, s7;
	[sflag:s22] =	ssyncadd.s32 $0xFFFFC000  }
0x165: {  	[spmem:s2] =	stream.indirect.scatter.add.f32 [tilespmem:s18], [sflag:$0x5], $0x80, s5, s19, $0xb8;
	[tilespmem:$0x1D400] =	vst v63  }
0x166: {  	s23 =	sadd.s32 $0x100, s23;
	s7 =	sadd.s32 $0xF80, s7;
	s5 =	smov.u32 s15  }
0x167: {  	[spmem:s2] =	stream.indirect.scatter.add.f32 [tilespmem:s25], [sflag:$0x6], $0x80, s7, s19, $0xb8;
	[tilespmem:$0x1D400] =	vst v63  }
0x168: {  	s5 =	sshll.u32 s20, $0xA  }
0x169: {  	[tilespmem:s5], [sflag:$0x7] =	stream.linear.gather [hbm4b:s24+s4], $0x400, $0x38;
	[tilespmem:$0x1D400] =	vst v63  }
0x16a: {  	_ =	swait.ge [sflag:s14], $0x400  }
0x16b: {  	[sflag:s14] =	ssyncset.done $0x0  }
0x16c: {  	s15 =	sadd.s32 $0x800, s3;
	[sflag:s14] =	ssyncadd.s32 $0xFFFFFC00  }
0x16d: {  	[tilespmem:s15], [sflag:$0x7] =	stream.linear.gather [hbm4b:s23+s4], $0x800, $0x38;
	[tilespmem:$0x1D400] =	vst v63  }
0x16e: {  	_ =	swait.ge [sflag:s14], $0x800  }
0x16f: {  	[sflag:s14] =	ssyncset.done $0x0  }
0x170: {  	[sflag:s14] =	ssyncadd.s32 $0xFFFFF800  }
0x171: {  	_ =	swait.ge [sflag:s26], $0x2000  }
0x172: {  	[sflag:s26] =	ssyncset.done $0x0  }
0x173: {  	[sflag:s26] =	ssyncadd.s32 $0xFFFFE000  }
0x174: {  	_ =	swait.ge [sflag:s28], $0x2000  }
0x175: {  	[sflag:s28] =	ssyncset.done $0x0  }
0x176: {  	[sflag:s28] =	ssyncadd.s32 $0xFFFFE000  }
0x177: {  	[tilespmem:s17], [sflag:$0x1] =	stream.indirect.gather [hbm4b:s1+s16], $0x80, s5, s16, $0xb8;
	[tilespmem:$0x1D400] =	vst v63  }
0x178: {  	_ =	swait.ge [sflag:s30], $0x2000  }
0x179: {  	[sflag:s30] =	ssyncset.done $0x0  }
0x17a: {  	[sflag:s30] =	ssyncadd.s32 $0xFFFFE000  }
0x17b: {  	_ =	swait.ge [sflag:s31], $0x2000  }
0x17c: {  	[sflag:s31] =	ssyncset.done $0x0  }
0x17d: {  	s8 =	sor.u32 $0x80, s5;
	[sflag:s31] =	ssyncadd.s32 $0xFFFFE000  }
0x17e: {  	[tilespmem:s18], [sflag:$0x2] =	stream.indirect.gather [hbm4b:s1+s16], $0x80, s8, s16, $0xb8;
	[tilespmem:$0x1D400] =	vst v63  }
0x17f: {  	_ =	swait.ge [sflag:s29], $0x4000  }
0x180: {  	[sflag:s29] =	ssyncset.done $0x0  }
0x181: {  	[sflag:s29] =	ssyncadd.s32 $0xFFFFC000  }
0x182: {  	[spmem:s2] =	stream.indirect.scatter.add.f32 [tilespmem:s17], [sflag:$0x3], $0x80, s15, s19, $0xb8;
	[tilespmem:$0x1D400] =	vst v63  }
0x183: {  	s20 =	sadd.s32 $0x880, s3  }
0x184: {  	[spmem:s2] =	stream.indirect.scatter.add.f32 [tilespmem:s21], [sflag:$0x4], $0x80, s20, s19, $0xb8;
	[tilespmem:$0x1D400] =	vst v63  }
0x185: {  	_ =	swait.ge [sflag:s22], $0x4000  }
0x186: {  	[sflag:s22] =	ssyncset.done $0x0  }
0x187: {  	s23 =	sadd.s32 $0x900, s3;
	[sflag:s22] =	ssyncadd.s32 $0xFFFFC000  }
0x188: {  	[spmem:s2] =	stream.indirect.scatter.add.f32 [tilespmem:s18], [sflag:$0x5], $0x80, s23, s19, $0xb8;
	[tilespmem:$0x1D400] =	vst v63  }
0x189: {  	s24 =	sadd.s32 $0x980, s3  }
0x18a: {  	[spmem:s2] =	stream.indirect.scatter.add.f32 [tilespmem:s25], [sflag:$0x6], $0x80, s24, s19, $0xb8;
	[tilespmem:$0x1D400] =	vst v63  }
0x18b: {  	_ =	swait.ge [sflag:s26], $0x2000  }
0x18c: {  	[sflag:s26] =	ssyncset.done $0x0  }
0x18d: {  	[sflag:s26] =	ssyncadd.s32 $0xFFFFE000  }
0x18e: {  	_ =	swait.ge [sflag:s28], $0x2000  }
0x18f: {  	[sflag:s28] =	ssyncset.done $0x0  }
0x190: {  	s8 =	sor.u32 $0x100, s5;
	[sflag:s28] =	ssyncadd.s32 $0xFFFFE000  }
0x191: {  	[tilespmem:s17], [sflag:$0x1] =	stream.indirect.gather [hbm4b:s1+s16], $0x80, s8, s16, $0xb8;
	[tilespmem:$0x1D400] =	vst v63  }
0x192: {  	_ =	swait.ge [sflag:s30], $0x2000  }
0x193: {  	[sflag:s30] =	ssyncset.done $0x0  }
0x194: {  	[sflag:s30] =	ssyncadd.s32 $0xFFFFE000  }
0x195: {  	_ =	swait.ge [sflag:s31], $0x2000  }
0x196: {  	[sflag:s31] =	ssyncset.done $0x0  }
0x197: {  	s9 =	sor.u32 $0x180, s5;
	[sflag:s31] =	ssyncadd.s32 $0xFFFFE000  }
0x198: {  	[tilespmem:s18], [sflag:$0x2] =	stream.indirect.gather [hbm4b:s1+s16], $0x80, s9, s16, $0xb8;
	[tilespmem:$0x1D400] =	vst v63  }
0x199: {  	_ =	swait.ge [sflag:s29], $0x4000  }
0x19a: {  	[sflag:s29] =	ssyncset.done $0x0  }
0x19b: {  	s15 =	sadd.s32 $0xA00, s3;
	[sflag:s29] =	ssyncadd.s32 $0xFFFFC000  }
0x19c: {  	[spmem:s2] =	stream.indirect.scatter.add.f32 [tilespmem:s17], [sflag:$0x3], $0x80, s15, s19, $0xb8;
	[tilespmem:$0x1D400] =	vst v63  }
0x19d: {  	s20 =	sadd.s32 $0xA80, s3  }
0x19e: {  	[spmem:s2] =	stream.indirect.scatter.add.f32 [tilespmem:s21], [sflag:$0x4], $0x80, s20, s19, $0xb8;
	[tilespmem:$0x1D400] =	vst v63  }
0x19f: {  	_ =	swait.ge [sflag:s22], $0x4000  }
0x1a0: {  	[sflag:s22] =	ssyncset.done $0x0  }
0x1a1: {  	s23 =	sadd.s32 $0xB00, s3;
	[sflag:s22] =	ssyncadd.s32 $0xFFFFC000  }
0x1a2: {  	[spmem:s2] =	stream.indirect.scatter.add.f32 [tilespmem:s18], [sflag:$0x5], $0x80, s23, s19, $0xb8;
	[tilespmem:$0x1D400] =	vst v63  }
0x1a3: {  	s24 =	sadd.s32 $0xB80, s3  }
0x1a4: {  	[spmem:s2] =	stream.indirect.scatter.add.f32 [tilespmem:s25], [sflag:$0x6], $0x80, s24, s19, $0xb8;
	[tilespmem:$0x1D400] =	vst v63  }
0x1a5: {  	_ =	swait.ge [sflag:s26], $0x2000  }
0x1a6: {  	[sflag:s26] =	ssyncset.done $0x0  }
0x1a7: {  	[sflag:s26] =	ssyncadd.s32 $0xFFFFE000  }
0x1a8: {  	_ =	swait.ge [sflag:s28], $0x2000  }
0x1a9: {  	[sflag:s28] =	ssyncset.done $0x0  }
0x1aa: {  	s8 =	sor.u32 $0x200, s5;
	[sflag:s28] =	ssyncadd.s32 $0xFFFFE000  }
0x1ab: {  	[tilespmem:s17], [sflag:$0x1] =	stream.indirect.gather [hbm4b:s1+s16], $0x80, s8, s16, $0xb8;
	[tilespmem:$0x1D400] =	vst v63  }
0x1ac: {  	_ =	swait.ge [sflag:s30], $0x2000  }
0x1ad: {  	[sflag:s30] =	ssyncset.done $0x0  }
0x1ae: {  	[sflag:s30] =	ssyncadd.s32 $0xFFFFE000  }
0x1af: {  	_ =	swait.ge [sflag:s31], $0x2000  }
0x1b0: {  	[sflag:s31] =	ssyncset.done $0x0  }
0x1b1: {  	s9 =	sor.u32 $0x280, s5;
	[sflag:s31] =	ssyncadd.s32 $0xFFFFE000  }
0x1b2: {  	[tilespmem:s18], [sflag:$0x2] =	stream.indirect.gather [hbm4b:s1+s16], $0x80, s9, s16, $0xb8;
	[tilespmem:$0x1D400] =	vst v63  }
0x1b3: {  	_ =	swait.ge [sflag:s29], $0x4000  }
0x1b4: {  	[sflag:s29] =	ssyncset.done $0x0  }
0x1b5: {  	s15 =	sadd.s32 $0xC00, s3;
	[sflag:s29] =	ssyncadd.s32 $0xFFFFC000  }
0x1b6: {  	[spmem:s2] =	stream.indirect.scatter.add.f32 [tilespmem:s17], [sflag:$0x3], $0x80, s15, s19, $0xb8;
	[tilespmem:$0x1D400] =	vst v63  }
0x1b7: {  	s20 =	sadd.s32 $0xC80, s3  }
0x1b8: {  	[spmem:s2] =	stream.indirect.scatter.add.f32 [tilespmem:s21], [sflag:$0x4], $0x80, s20, s19, $0xb8;
	[tilespmem:$0x1D400] =	vst v63  }
0x1b9: {  	_ =	swait.ge [sflag:s22], $0x4000  }
0x1ba: {  	[sflag:s22] =	ssyncset.done $0x0  }
0x1bb: {  	s23 =	sadd.s32 $0xD00, s3;
	[sflag:s22] =	ssyncadd.s32 $0xFFFFC000  }
0x1bc: {  	[spmem:s2] =	stream.indirect.scatter.add.f32 [tilespmem:s18], [sflag:$0x5], $0x80, s23, s19, $0xb8;
	[tilespmem:$0x1D400] =	vst v63  }
0x1bd: {  	s24 =	sadd.s32 $0xD80, s3  }
0x1be: {  	[spmem:s2] =	stream.indirect.scatter.add.f32 [tilespmem:s25], [sflag:$0x6], $0x80, s24, s19, $0xb8;
	[tilespmem:$0x1D400] =	vst v63  }
0x1bf: {  	_ =	swait.ge [sflag:s26], $0x2000  }
0x1c0: {  	[sflag:s26] =	ssyncset.done $0x0  }
0x1c1: {  	[sflag:s26] =	ssyncadd.s32 $0xFFFFE000  }
0x1c2: {  	_ =	swait.ge [sflag:s28], $0x2000  }
0x1c3: {  	[sflag:s28] =	ssyncset.done $0x0  }
0x1c4: {  	s8 =	sor.u32 $0x300, s5;
	[sflag:s28] =	ssyncadd.s32 $0xFFFFE000  }
0x1c5: {  	[tilespmem:s17], [sflag:$0x1] =	stream.indirect.gather [hbm4b:s1+s16], $0x80, s8, s16, $0xb8;
	[tilespmem:$0x1D400] =	vst v63  }
0x1c6: {  	_ =	swait.ge [sflag:s30], $0x2000  }
0x1c7: {  	[sflag:s30] =	ssyncset.done $0x0  }
0x1c8: {  	[sflag:s30] =	ssyncadd.s32 $0xFFFFE000  }
0x1c9: {  	_ =	swait.ge [sflag:s31], $0x2000  }
0x1ca: {  	[sflag:s31] =	ssyncset.done $0x0  }
0x1cb: {  	s5 =	sor.u32 $0x380, s5;
	[sflag:s31] =	ssyncadd.s32 $0xFFFFE000  }
0x1cc: {  	[tilespmem:s18], [sflag:$0x2] =	stream.indirect.gather [hbm4b:s1+s16], $0x80, s5, s16, $0xb8;
	[tilespmem:$0x1D400] =	vst v63  }
0x1cd: {  	_ =	swait.ge [sflag:s29], $0x4000  }
0x1ce: {  	[sflag:s29] =	ssyncset.done $0x0  }
0x1cf: {  	s9 =	sadd.s32 $0xE00, s3;
	[sflag:s29] =	ssyncadd.s32 $0xFFFFC000  }
0x1d0: {  	[spmem:s2] =	stream.indirect.scatter.add.f32 [tilespmem:s17], [sflag:$0x3], $0x80, s9, s19, $0xb8;
	[tilespmem:$0x1D400] =	vst v63  }
0x1d1: {  	s15 =	sadd.s32 $0xE80, s3  }
0x1d2: {  	[spmem:s2] =	stream.indirect.scatter.add.f32 [tilespmem:s21], [sflag:$0x4], $0x80, s15, s19, $0xb8;
	[tilespmem:$0x1D400] =	vst v63  }
0x1d3: {  	_ =	swait.ge [sflag:s22], $0x4000  }
0x1d4: {  	[sflag:s22] =	ssyncset.done $0x0  }
0x1d5: {  	s20 =	sadd.s32 $0xF00, s3;
	[sflag:s22] =	ssyncadd.s32 $0xFFFFC000  }
0x1d6: {  	[spmem:s2] =	stream.indirect.scatter.add.f32 [tilespmem:s18], [sflag:$0x5], $0x80, s20, s19, $0xb8;
	[tilespmem:$0x1D400] =	vst v63  }
0x1d7: {  	s23 =	sadd.s32 $0xF80, s3  }
0x1d8: {  	[spmem:s2] =	stream.indirect.scatter.add.f32 [tilespmem:s25], [sflag:$0x6], $0x80, s23, s19, $0xb8;
	[tilespmem:$0x1D400] =	vst v63  }
0x1d9: {  	_ =	swait.ge [sflag:s26], $0x2000  }
0x1da: {  	[sflag:s26] =	ssyncset.done $0x0  }
0x1db: {  	[sflag:s26] =	ssyncadd.s32 $0xFFFFE000  }
0x1dc: {  	_ =	swait.ge [sflag:s28], $0x2000  }
0x1dd: {  	[sflag:s28] =	ssyncset.done $0x0  }
0x1de: {  	[sflag:s28] =	ssyncadd.s32 $0xFFFFE000  }
0x1df: {  	_ =	swait.ge [sflag:s30], $0x2000  }
0x1e0: {  	[sflag:s30] =	ssyncset.done $0x0  }
0x1e1: {  	[sflag:s30] =	ssyncadd.s32 $0xFFFFE000  }
0x1e2: {  	_ =	swait.ge [sflag:s31], $0x2000  }
0x1e3: {  	[sflag:s31] =	ssyncset.done $0x0  }
0x1e4: {  	s0 =	sadd.s32 $0x1, s0;
	[sflag:s31] =	ssyncadd.s32 $0xFFFFE000  }
0x1e5: {  	p0 =	sne.s32 s0, s10;
	[bflag:$0x0] =	sbarrier.arrive $0xFFFF  }
.Ltmp1:
0x1e6: {  	s24 =	rddreg [dreg:$0x7];
	(pc) =	sbr.rel @p0 .LBB2_1-.Ltmp1, $4  }
0x1e7: {  	[hbm:s24], [sflag:s6] =	dma.local [spmem:s13], $0x2780  }
0x1e8: {  	_ =	swait.ge [sflag:s14], $0x2780  }
0x1e9: {  	[sflag:s14] =	ssyncset.done $0x0  }
0x1ea: {  	[sflag:s14] =	ssyncadd.s32 $0xFFFFD880  }
0x1eb: {  	_ =	sfence.sel $0x180000  }
0x1ec: {  	[bflag:$0x0] =	sbarrier.arrive $0xFFFF  }
0x1ed: {  	_ =	strace $0x9000004A  }
0x1ee: {  	s0 =	stileid.u32;
	[bflag:$0x2] =	sbarrier.arrive $0xFFFF  }
0x1ef: {  	p0 =	sne.s32 s0, $0x0;
	s0 =	rddreg [dreg:$0x3]  }
0x1f0: {  	s0 =	sadd.s32 @!p0 $0x100000, s0  }
0x1f1: {  	[sflag:s0] =	ssyncadd.tile.s32 @!p0 $0x1;
	_ =	shalt  }
.Lfunc_end2:
_tile_overlayer_lowered:
.L_overlay_start_2:
0x1f2: {  	(tag) =	ssettag $0x2  }
0x1f3: {  	s0 =	rddreg [dreg:$0x0];
	s2 =	stileid.u32  }
0x1f4: {  	s1 =	rddreg [dreg:$0x1];
	p0 =	sne.s32 s2, $0x0  }
0x1f5: {  	s3 =	rddreg [dreg:$0x2];
	[bflag:$0x3] =	sbarrier.arrive $0xFFFF;
	s2 =	simm.s32 @!p0 $0x1C07  }
0x1f6: {  	[timem:s3], [sflag:s2] =	dma.local @!p0 [hbm:s0], s1  }
0x1f7: {  	s0 =	simm.s32 @!p0 $0x7  }
0x1f8: {  	_ =	swait.ge @!p0 [sflag:s0], s1  }
0x1f9: {  	s1 =	ssub.s32 @!p0 $0x0, s1;
	[sflag:s0] =	ssyncset.done @!p0 $0x0  }
0x1fa: {  	[sflag:s0] =	ssyncadd.s32 @!p0 s1  }
0x1fb: {  	[bflag:$0x3] =	sbarrier.arrive $0xFFFF  }
0x1fc: {  	_ =	shalt  }

</sc_bundles>
